<compile_context>
chip_gen: v7x
topology: tpu7x:2x2x1
jax: 0.10.2.dev20260603
libtpu: 0.0.44.dev20260713+nightly
codegen_flags: <defaults>
</compile_context>

<pallas_src>
import functools

import jax
import jax.numpy as jnp
from jax import lax
from jax.experimental import pallas as pl
from jax.experimental.pallas import tpu as pltpu
from jax.experimental.pallas import tpu_sc as plsc

HUGE = 1e9
B, A = 4096, 200
AP = 208
ENT_DIM = 64
NREL = 1000
BB = 256
NW = 32
RPW = B // NW
NCHUNK = AP // 16



def _mlp_body(x_ref, w1_ref, b1_ref, w2_ref, b2_ref, relt_ref, p_ref, xe_ref):
    h = jax.nn.relu(jnp.dot(x_ref[...], w1_ref[...],
                            preferred_element_type=jnp.float32) + b1_ref[...])
    x2 = jnp.dot(h, w2_ref[...],
                 preferred_element_type=jnp.float32) + b2_ref[...]
    x2r = x2[:, :64].astype(jnp.bfloat16)
    p_ref[...] = jnp.dot(x2r, relt_ref[...].astype(jnp.bfloat16),
                         preferred_element_type=jnp.float32)
    xe_ref[...] = x2[:, 64:].astype(jnp.bfloat16).astype(jnp.float32)


def _mlp_stage(x, w1t, b1, w2t, b2, relt):
    return pl.pallas_call(
        _mlp_body,
        grid=(B // BB,),
        in_specs=[pl.BlockSpec((BB, 256), lambda i: (i, 0)),
                  pl.BlockSpec((256, 128), lambda i: (0, 0)),
                  pl.BlockSpec((128,), lambda i: (0,)),
                  pl.BlockSpec((128, 128), lambda i: (0, 0)),
                  pl.BlockSpec((128,), lambda i: (0,)),
                  pl.BlockSpec((64, NREL), lambda i: (0, 0))],
        out_specs=[pl.BlockSpec((BB, NREL), lambda i: (i, 0)),
                   pl.BlockSpec((BB, 64), lambda i: (i, 0))],
        out_shape=[jax.ShapeDtypeStruct((B, NREL), jnp.float32),
                   jax.ShapeDtypeStruct((B, 64), jnp.float32)],
    )(x, w1t, b1, w2t, b2, relt)



def _rtne_bf16(v):
    r = plsc.bitcast(v, jnp.int32)
    odd = lax.shift_right_logical(r, 16) & 1
    r = r + 0x7FFF + odd
    return plsc.bitcast(r & jnp.int32(-65536), jnp.float32)


def _sc_scores_kernel(rsp, esp, p_hbm, xe_hbm, ent_hbm, out_hbm,
                      ridx0, ridx1, ridx2, ridx3,
                      eidx0, eidx1, eidx2, eidx3,
                      gidx0, gidx1, gidx2, gidx3,
                      prow0, prow1, prow2, prow3,
                      xev0, xev1, xev2, xev3,
                      ebuf0, ebuf1, ebuf2, ebuf3,
                      srow0, srow1, xrotbuf,
                      si0, si1, si2, si3, sg0, sg1, sg2, sg3, so0, so1):
    ridx = (ridx0, ridx1, ridx2, ridx3)
    eidx = (eidx0, eidx1, eidx2, eidx3)
    gidx = (gidx0, gidx1, gidx2, gidx3)
    prow = (prow0, prow1, prow2, prow3)
    xev = (xev0, xev1, xev2, xev3)
    ebuf = (ebuf0, ebuf1, ebuf2, ebuf3)
    srow = (srow0, srow1)
    si = (si0, si1, si2, si3)
    sg = (sg0, sg1, sg2, sg3)
    so = (so0, so1)
    wid = lax.axis_index("s") * 2 + lax.axis_index("c")
    base = wid * RPW
    iota = lax.iota(jnp.int32, 16)
    zeros16 = jnp.zeros((16,), jnp.int32)

    def issue_idx(j, p):
        pltpu.async_copy(rsp.at[pl.ds(j * A, 200)], ridx[p].at[pl.ds(0, 200)], si[p])
        pltpu.async_copy(esp.at[pl.ds(j * A, 200)], eidx[p].at[pl.ds(0, 200)], si[p])

    def wait_idx(p):
        pltpu.make_async_copy(rsp.at[pl.ds(0, 200)], ridx[p].at[pl.ds(0, 200)], si[p]).wait()
        pltpu.make_async_copy(esp.at[pl.ds(0, 200)], eidx[p].at[pl.ds(0, 200)], si[p]).wait()

    def issue_gather(j, p):
        for c in range(NCHUNK):
            ev = eidx[p][pl.ds(16 * c, 16)]
            gidx[p][pl.ds(16 * c, 16)] = lax.shift_right_logical(ev, 1)
        pltpu.async_copy(ent_hbm.at[gidx[p].at[pl.ds(0, 104)]],
                         ebuf[p].at[pl.ds(0, 104)], sg[p])
        pltpu.async_copy(ent_hbm.at[gidx[p].at[pl.ds(104, 104)]],
                         ebuf[p].at[pl.ds(104, 104)], sg[p])
        pltpu.async_copy(p_hbm.at[pl.ds(j * NREL, NREL)], prow[p], sg[p])
        pltpu.async_copy(xe_hbm.at[pl.ds(j * 64, 64)], xev[p].at[pl.ds(0, 64)], sg[p])

    def wait_gather(p):
        pltpu.make_async_copy(ent_hbm.at[gidx[p].at[pl.ds(0, 104)]],
                              ebuf[p].at[pl.ds(0, 104)], sg[p]).wait()
        pltpu.make_async_copy(ent_hbm.at[gidx[p].at[pl.ds(104, 104)]],
                              ebuf[p].at[pl.ds(104, 104)], sg[p]).wait()
        pltpu.make_async_copy(p_hbm.at[pl.ds(0, NREL)], prow[p], sg[p]).wait()
        pltpu.make_async_copy(xe_hbm.at[pl.ds(0, 64)], xev[p].at[pl.ds(0, 64)], sg[p]).wait()

    def wait_out(q):
        pltpu.make_async_copy(srow[q], out_hbm.at[pl.ds(0, AP)], so[q]).wait()

    def compute(j, p, q):
        rows = [iota + 16 * c for c in range(NCHUNK)]
        offs = [lax.shift_left(eidx[p][pl.ds(16 * c, 16)] & 1, 6)
                for c in range(NCHUNK)]

        def rbody(d, carry):
            d16 = jnp.full((16,), d, jnp.int32)
            xrotbuf[d, pl.ds(0, 16)] = plsc.load_gather(xev[p],
                                                        [(d16 + iota) & 63])
            return carry

        lax.fori_loop(0, ENT_DIM, rbody, 0)

        def dbody(d, accs):
            d16 = jnp.full((16,), d, jnp.int32)
            colbase = (d16 + iota) & 63
            xd = xrotbuf[d, pl.ds(0, 16)]
            new = []
            for c in range(NCHUNK):
                ev = plsc.load_gather(ebuf[p], [rows[c], offs[c] + colbase])
                new.append(accs[c] + _rtne_bf16(ev) * xd)
            return tuple(new)

        accs = lax.fori_loop(0, ENT_DIM, dbody,
                             tuple(jnp.zeros((16,), jnp.float32)
                                   for _ in range(NCHUNK)))
        for c in range(NCHUNK):
            rv = ridx[p][pl.ds(16 * c, 16)]
            sr = plsc.load_gather(prow[p], [rv])
            srow[q][pl.ds(16 * c, 16)] = accs[c] + sr
        pltpu.async_copy(srow[q], out_hbm.at[pl.ds(j * AP, AP)], so[q])

    for p in range(4):
        ridx[p][pl.ds(192, 16)] = zeros16
        eidx[p][pl.ds(192, 16)] = zeros16

    for r in range(3):
        pltpu.sync_copy(rsp.at[pl.ds((base + r) * A, 200)],
                        ridx[r].at[pl.ds(0, 200)])
        pltpu.sync_copy(esp.at[pl.ds((base + r) * A, 200)],
                        eidx[r].at[pl.ds(0, 200)])
        issue_gather(base + r, r)
    issue_idx(base + 3, 3)

    def outer(i, carry):
        for b in range(4):
            j = 4 * i + b
            p3 = (b + 3) % 4

            @pl.when(j + 3 < RPW)
            def _():
                wait_idx(p3)
                issue_gather(base + j + 3, p3)

            wait_gather(b)

            @pl.when(j >= 2)
            def _():
                wait_out(b % 2)

            compute(base + j, b, b % 2)

            @pl.when(j + 4 < RPW)
            def _():
                issue_idx(base + j + 4, b)
        return carry

    lax.fori_loop(0, RPW // 4, outer, 0)
    wait_out(0)
    wait_out(1)


_sc_scores = functools.partial(
    pl.kernel,
    out_type=jax.ShapeDtypeStruct((B * AP,), jnp.float32),
    mesh=plsc.VectorSubcoreMesh(core_axis_name="c", subcore_axis_name="s"),
    compiler_params=pltpu.CompilerParams(needs_layout_passes=False),
    scratch_types=(
        [pltpu.VMEM((AP,), jnp.int32)] * 12
        + [pltpu.VMEM((NREL,), jnp.float32)] * 4
        + [pltpu.VMEM((128,), jnp.float32)] * 4
        + [pltpu.VMEM((AP, 128), jnp.float32)] * 4
        + [pltpu.VMEM((AP,), jnp.float32)] * 2
        + [pltpu.VMEM((ENT_DIM, 16), jnp.float32)]
        + [pltpu.SemaphoreType.DMA] * 10
    ),
)(_sc_scores_kernel)



def _sample_body(s_ref, mask_ref, g_ref, r_ref, e_ref,
                 ap_ref, nr_ref, ne_ref, ent_ref):
    m = s_ref[...][:, :A] - (1.0 - mask_ref[...].astype(jnp.float32)) * HUGE
    mx = jnp.max(m, axis=-1, keepdims=True)
    un = jnp.exp(m - mx)
    s = jnp.sum(un, axis=-1, keepdims=True)
    p = un / s
    ent_ref[...] = -jnp.sum(p * jnp.log(p + 1e-20), axis=-1)
    z = m + g_ref[...]
    zmax = jnp.max(z, axis=-1, keepdims=True)
    ids = lax.broadcasted_iota(jnp.int32, (BB, A), 1)
    idx = jnp.min(jnp.where(z == zmax, ids, A), axis=-1, keepdims=True)
    onehot = ids == idx
    nr_ref[...] = jnp.sum(jnp.where(onehot, r_ref[...], 0), axis=-1)
    ne_ref[...] = jnp.sum(jnp.where(onehot, e_ref[...], 0), axis=-1)
    ap_ref[...] = jnp.sum(jnp.where(onehot, p, 0.0), axis=-1)


def _sample_stage(scores, action_mask, g, r_space, e_space):
    in_spec = pl.BlockSpec((BB, A), lambda i: (i, 0))
    out_spec = pl.BlockSpec((BB,), lambda i: (i,))
    return pl.pallas_call(
        _sample_body,
        grid=(B // BB,),
        in_specs=[pl.BlockSpec((BB, AP), lambda i: (i, 0))] + [in_spec] * 4,
        out_specs=[out_spec] * 4,
        out_shape=[jax.ShapeDtypeStruct((B,), jnp.float32),
                   jax.ShapeDtypeStruct((B,), r_space.dtype),
                   jax.ShapeDtypeStruct((B,), e_space.dtype),
                   jax.ShapeDtypeStruct((B,), jnp.float32)],
    )(scores, action_mask, g, r_space, e_space)



def kernel(e_t, H, r_q, r_space, e_space, action_mask, W1_w, W1_b, W2_w, W2_b,
           rel_table, ent_table):
    x = jnp.concatenate([e_t, H, r_q], axis=-1)
    p_tab, xe = _mlp_stage(x, W1_w.T, W1_b, W2_w.T, W2_b, rel_table.T)
    scores_flat = _sc_scores(r_space.reshape(-1), e_space.reshape(-1),
                             p_tab.reshape(-1), xe.reshape(-1),
                             ent_table.reshape(-1, 128))
    scores_pad = scores_flat.reshape(B, AP)
    g = jax.random.gumbel(jax.random.key(42), (B, A), jnp.float32)
    ap, nr, ne, ent = _sample_stage(scores_pad, action_mask, g,
                                    r_space, e_space)
    return (ap, nr, ne, ent)

# --- scband reference (transcript-rebuilt; emitter-appended) ---
"""Pipeline reference for scband-actor-23862838297043 (READ-ONLY COPY).

The authoritative reference and input builder live on the scoring server;
editing this copy changes nothing except your own understanding.
"""

import jax, jax.numpy as jnp
import numpy as np

HUGE = 1e9
B, A = 4096, 200
ENT_DIM, REL_DIM, HIST_DIM = 64, 64, 128
N_ENT, N_REL = 1000000, 1000
ACTION_DIM = ENT_DIM + REL_DIM


def setup_inputs(seed: int = 0) -> dict:
    key = jax.random.key(seed)
    ks = jax.random.split(key, 12)
    e_t = jax.random.normal(ks[0], (B, ENT_DIM), dtype=jnp.float32)
    H = jax.random.normal(ks[1], (B, HIST_DIM), dtype=jnp.float32)
    r_q = jax.random.normal(ks[2], (B, REL_DIM), dtype=jnp.float32)
    r_space = jax.random.randint(ks[3], (B, A), 0, N_REL, dtype=jnp.int64) if jax.config.jax_enable_x64 else jax.random.randint(ks[3], (B, A), 0, N_REL, dtype=jnp.int32)
    e_space = jax.random.randint(ks[4], (B, A), 0, N_ENT, dtype=jnp.int64) if jax.config.jax_enable_x64 else jax.random.randint(ks[4], (B, A), 0, N_ENT, dtype=jnp.int32)
    action_mask = jnp.ones((B, A), dtype=jnp.bool_)
    W1_w = jax.random.normal(ks[5], (ACTION_DIM, ACTION_DIM + HIST_DIM), dtype=jnp.float32) * 0.05
    W1_b = jnp.zeros((ACTION_DIM,), dtype=jnp.float32)
    W2_w = jax.random.normal(ks[6], (ACTION_DIM, ACTION_DIM), dtype=jnp.float32) * 0.05
    W2_b = jnp.zeros((ACTION_DIM,), dtype=jnp.float32)
    rel_table = jax.random.normal(ks[7], (N_REL, REL_DIM), dtype=jnp.float32) * 0.05
    ent_table = jax.random.normal(ks[8], (N_ENT, ENT_DIM), dtype=jnp.float32) * 0.05
    return {"e_t": e_t, "H": H, "r_q": r_q, "r_space": r_space, "e_space": e_space,
            "action_mask": action_mask, "W1_w": W1_w, "W1_b": W1_b, "W2_w": W2_w,
            "W2_b": W2_b, "rel_table": rel_table, "ent_table": ent_table}


def reference(e_t, H, r_q, r_space, e_space, action_mask, W1_w, W1_b, W2_w, W2_b, rel_table, ent_table):
    # policy MLP (eval mode: dropout is identity)
    X = jnp.concatenate([e_t, H, r_q], axis=-1)
    X = X @ W1_w.T + W1_b
    X = jax.nn.relu(X)
    X2 = X @ W2_w.T + W2_b  # [B, ACTION_DIM]
    # RA_transit: embed action space (the memory-bound gathers)
    ri = jnp.take(rel_table, r_space, axis=0)  # [B, A, REL_DIM]
    ei = jnp.take(ent_table, e_space, axis=0)  # [B, A, ENT_DIM]
    Aemb = jnp.concatenate([ri, ei], axis=-1)  # [B, A, ACTION_DIM]
    scores = jnp.einsum('bad,bd->ba', Aemb, X2)  # A @ X2.unsqueeze(2)
    mask = action_mask.astype(jnp.float32)
    masked = scores - (1.0 - mask) * HUGE
    action_dist = jax.nn.softmax(masked, axis=-1)
    entropy = -jnp.sum(action_dist * jnp.log(action_dist + 1e-20), axis=-1)
    # sample_action (action_dropout_rate == 0 -> no dropout mask)
    skey = jax.random.key(42)
    idx = jax.random.categorical(skey, masked, axis=-1)  # multinomial(action_dist, 1)
    next_r = jnp.take_along_axis(r_space, idx[:, None], axis=1)[:, 0]
    next_e = jnp.take_along_axis(e_space, idx[:, None], axis=1)[:, 0]
    action_prob = jnp.take_along_axis(action_dist, idx[:, None], axis=1)[:, 0]
    return (action_prob, next_r, next_e, entropy)

if __name__ == "__main__":
    import jax
    _d = setup_inputs()
    print(jax.jit(kernel)(*tuple(_d.values())))

</pallas_src>

<mosaic_0001>
#map = affine_map<(d0, d1) -> (0)>
#map1 = affine_map<(d0, d1) -> (0, 0)>
module attributes {stable_mosaic.version = 14 : i64} {
  func.func @_sc_scores_kernel(%arg0: i32, %arg1: i32, %arg2: memref<819200xi32, #tpu.memory_space<hbm>>, %arg3: memref<819200xi32, #tpu.memory_space<hbm>>, %arg4: memref<4096000xf32, #tpu.memory_space<hbm>>, %arg5: memref<262144xf32, #tpu.memory_space<hbm>>, %arg6: memref<500000x128xf32, #tpu.memory_space<hbm>>, %arg7: memref<851968xf32, #tpu.memory_space<hbm>>, %arg8: memref<208xi32, #tpu.memory_space<vmem>>, %arg9: memref<208xi32, #tpu.memory_space<vmem>>, %arg10: memref<208xi32, #tpu.memory_space<vmem>>, %arg11: memref<208xi32, #tpu.memory_space<vmem>>, %arg12: memref<208xi32, #tpu.memory_space<vmem>>, %arg13: memref<208xi32, #tpu.memory_space<vmem>>, %arg14: memref<208xi32, #tpu.memory_space<vmem>>, %arg15: memref<208xi32, #tpu.memory_space<vmem>>, %arg16: memref<208xi32, #tpu.memory_space<vmem>>, %arg17: memref<208xi32, #tpu.memory_space<vmem>>, %arg18: memref<208xi32, #tpu.memory_space<vmem>>, %arg19: memref<208xi32, #tpu.memory_space<vmem>>, %arg20: memref<1000xf32, #tpu.memory_space<vmem>>, %arg21: memref<1000xf32, #tpu.memory_space<vmem>>, %arg22: memref<1000xf32, #tpu.memory_space<vmem>>, %arg23: memref<1000xf32, #tpu.memory_space<vmem>>, %arg24: memref<128xf32, #tpu.memory_space<vmem>>, %arg25: memref<128xf32, #tpu.memory_space<vmem>>, %arg26: memref<128xf32, #tpu.memory_space<vmem>>, %arg27: memref<128xf32, #tpu.memory_space<vmem>>, %arg28: memref<208x128xf32, #tpu.memory_space<vmem>>, %arg29: memref<208x128xf32, #tpu.memory_space<vmem>>, %arg30: memref<208x128xf32, #tpu.memory_space<vmem>>, %arg31: memref<208x128xf32, #tpu.memory_space<vmem>>, %arg32: memref<208xf32, #tpu.memory_space<vmem>>, %arg33: memref<208xf32, #tpu.memory_space<vmem>>, %arg34: memref<64x16xf32, #tpu.memory_space<vmem>>, %arg35: memref<!tpu.dma_semaphore, #tpu.memory_space<semaphore_mem>>, %arg36: memref<!tpu.dma_semaphore, #tpu.memory_space<semaphore_mem>>, %arg37: memref<!tpu.dma_semaphore, #tpu.memory_space<semaphore_mem>>, %arg38: memref<!tpu.dma_semaphore, #tpu.memory_space<semaphore_mem>>, %arg39: memref<!tpu.dma_semaphore, #tpu.memory_space<semaphore_mem>>, %arg40: memref<!tpu.dma_semaphore, #tpu.memory_space<semaphore_mem>>, %arg41: memref<!tpu.dma_semaphore, #tpu.memory_space<semaphore_mem>>, %arg42: memref<!tpu.dma_semaphore, #tpu.memory_space<semaphore_mem>>, %arg43: memref<!tpu.dma_semaphore, #tpu.memory_space<semaphore_mem>>, %arg44: memref<!tpu.dma_semaphore, #tpu.memory_space<semaphore_mem>>) attributes {dimension_semantics = [#tpu.dimension_semantics<core_parallel>, #tpu.dimension_semantics<subcore_parallel>], iteration_bounds = array<i64: 2, 16>, scalar_prefetch = 0 : i64, scratch_operands = 37 : i64, tpu.core_type = #tpu.core_type<sc_vector_subcore>, window_params = [{transform_indices = #map}, {transform_indices = #map}, {transform_indices = #map}, {transform_indices = #map}, {transform_indices = #map1}, {transform_indices = #map}]} {
    %mul3A = arith.constant 2 : i32
    %mul3A_0 = arith.muli %arg1, %mul3A : i32
    %add3A = arith.addi %mul3A_0, %arg0 : i32
    %mul3A_1 = arith.constant 128 : i32
    %mul3A_2 = arith.muli %add3A, %mul3A_1 : i32
    %iota3A = tpu.iota {dimensions = array<i32: 0>} : vector<16xi32>
    %broadcast_in_dim3A = arith.constant 0 : i32
    %broadcast_in_dim3A_3 = vector.broadcast %broadcast_in_dim3A : i32 to vector<16xi32>
    %swap3A = arith.constant 192 : index
    %swap3A_4 = tpu.vector_load %arg8[%swap3A] {strides = array<i32>} : memref<208xi32, #tpu.memory_space<vmem>>, vector<16xi32>,
    tpu.vector_store %arg8[%swap3A], %broadcast_in_dim3A_3 {strides = array<i32>} : memref<208xi32, #tpu.memory_space<vmem>>, vector<16xi32>,
    %swap3A_5 = arith.constant 192 : index
    %swap3A_6 = tpu.vector_load %arg12[%swap3A_5] {strides = array<i32>} : memref<208xi32, #tpu.memory_space<vmem>>, vector<16xi32>,
    tpu.vector_store %arg12[%swap3A_5], %broadcast_in_dim3A_3 {strides = array<i32>} : memref<208xi32, #tpu.memory_space<vmem>>, vector<16xi32>,
    %swap3A_7 = arith.constant 192 : index
    %swap3A_8 = tpu.vector_load %arg9[%swap3A_7] {strides = array<i32>} : memref<208xi32, #tpu.memory_space<vmem>>, vector<16xi32>,
    tpu.vector_store %arg9[%swap3A_7], %broadcast_in_dim3A_3 {strides = array<i32>} : memref<208xi32, #tpu.memory_space<vmem>>, vector<16xi32>,
    %swap3A_9 = arith.constant 192 : index
    %swap3A_10 = tpu.vector_load %arg13[%swap3A_9] {strides = array<i32>} : memref<208xi32, #tpu.memory_space<vmem>>, vector<16xi32>,
    tpu.vector_store %arg13[%swap3A_9], %broadcast_in_dim3A_3 {strides = array<i32>} : memref<208xi32, #tpu.memory_space<vmem>>, vector<16xi32>,
    %swap3A_11 = arith.constant 192 : index
    %swap3A_12 = tpu.vector_load %arg10[%swap3A_11] {strides = array<i32>} : memref<208xi32, #tpu.memory_space<vmem>>, vector<16xi32>,
    tpu.vector_store %arg10[%swap3A_11], %broadcast_in_dim3A_3 {strides = array<i32>} : memref<208xi32, #tpu.memory_space<vmem>>, vector<16xi32>,
    %swap3A_13 = arith.constant 192 : index
    %swap3A_14 = tpu.vector_load %arg14[%swap3A_13] {strides = array<i32>} : memref<208xi32, #tpu.memory_space<vmem>>, vector<16xi32>,
    tpu.vector_store %arg14[%swap3A_13], %broadcast_in_dim3A_3 {strides = array<i32>} : memref<208xi32, #tpu.memory_space<vmem>>, vector<16xi32>,
    %swap3A_15 = arith.constant 192 : index
    %swap3A_16 = tpu.vector_load %arg11[%swap3A_15] {strides = array<i32>} : memref<208xi32, #tpu.memory_space<vmem>>, vector<16xi32>,
    tpu.vector_store %arg11[%swap3A_15], %broadcast_in_dim3A_3 {strides = array<i32>} : memref<208xi32, #tpu.memory_space<vmem>>, vector<16xi32>,
    %swap3A_17 = arith.constant 192 : index
    %swap3A_18 = tpu.vector_load %arg15[%swap3A_17] {strides = array<i32>} : memref<208xi32, #tpu.memory_space<vmem>>, vector<16xi32>,
    tpu.vector_store %arg15[%swap3A_17], %broadcast_in_dim3A_3 {strides = array<i32>} : memref<208xi32, #tpu.memory_space<vmem>>, vector<16xi32>,
    %add3A_19 = arith.constant 0 : i32
    %add3A_20 = arith.addi %mul3A_2, %add3A_19 : i32
    %mul3A_21 = arith.constant 200 : i32
    %mul3A_22 = arith.muli %add3A_20, %mul3A_21 : i32
    "tpu.region"() ({
      %run_scoped3A = tpu.sem_alloc : memref<!tpu.dma_semaphore, #tpu.memory_space<semaphore_mem>>
      %dma_start3A_433 = arith.constant 0 : i32
      %dma_start3A_434 = tpu.memref_slice %arg8[%dma_start3A_433] : memref<208xi32, #tpu.memory_space<vmem>> -> memref<200xi32, #tpu.memory_space<vmem>>
      %dma_start3A_435 = tpu.memref_slice %arg2[%mul3A_22] : memref<819200xi32, #tpu.memory_space<hbm>> -> memref<200xi32, #tpu.memory_space<hbm>>
      %dma_start3A_436 = arith.constant 0 : i32
      %dma_start3A_437 = tpu.memref_slice %arg8[%dma_start3A_436] : memref<208xi32, #tpu.memory_space<vmem>> -> memref<200xi32, #tpu.memory_space<vmem>>
      %dma_start3A_438 = tpu.memref_slice %arg2[%mul3A_22] : memref<819200xi32, #tpu.memory_space<hbm>> -> memref<200xi32, #tpu.memory_space<hbm>>
      tpu.enqueue_dma source(%dma_start3A_438 : memref<200xi32, #tpu.memory_space<hbm>>) target(%dma_start3A_437 : memref<200xi32, #tpu.memory_space<vmem>>) target_semaphore(%run_scoped3A : memref<!tpu.dma_semaphore, #tpu.memory_space<semaphore_mem>>)
      %dma_wait3A_439 = arith.constant 0 : i32
      %dma_wait3A_440 = tpu.memref_slice %arg8[%dma_wait3A_439] : memref<208xi32, #tpu.memory_space<vmem>> -> memref<200xi32, #tpu.memory_space<vmem>>
      %dma_wait3A_441 = tpu.memref_slice %arg2[%mul3A_22] : memref<819200xi32, #tpu.memory_space<hbm>> -> memref<200xi32, #tpu.memory_space<hbm>>
      %dma_wait3A_442 = arith.constant 0 : i32
      %dma_wait3A_443 = tpu.memref_slice %arg8[%dma_wait3A_442] : memref<208xi32, #tpu.memory_space<vmem>> -> memref<200xi32, #tpu.memory_space<vmem>>
      %dma_wait3A_444 = tpu.memref_slice %arg2[%mul3A_22] : memref<819200xi32, #tpu.memory_space<hbm>> -> memref<200xi32, #tpu.memory_space<hbm>>
      tpu.wait_dma2 semaphore(%run_scoped3A : memref<!tpu.dma_semaphore, #tpu.memory_space<semaphore_mem>>) src(%dma_wait3A_444 : memref<200xi32, #tpu.memory_space<hbm>>) dst(%dma_wait3A_443 : memref<200xi32, #tpu.memory_space<vmem>>)
      tpu.yield
    }) : () -> ()
    %add3A_23 = arith.constant 0 : i32
    %add3A_24 = arith.addi %mul3A_2, %add3A_23 : i32
    %mul3A_25 = arith.constant 200 : i32
    %mul3A_26 = arith.muli %add3A_24, %mul3A_25 : i32
    "tpu.region"() ({
      %run_scoped3A = tpu.sem_alloc : memref<!tpu.dma_semaphore, #tpu.memory_space<semaphore_mem>>
      %dma_start3A_433 = arith.constant 0 : i32
      %dma_start3A_434 = tpu.memref_slice %arg12[%dma_start3A_433] : memref<208xi32, #tpu.memory_space<vmem>> -> memref<200xi32, #tpu.memory_space<vmem>>
      %dma_start3A_435 = tpu.memref_slice %arg3[%mul3A_26] : memref<819200xi32, #tpu.memory_space<hbm>> -> memref<200xi32, #tpu.memory_space<hbm>>
      %dma_start3A_436 = arith.constant 0 : i32
      %dma_start3A_437 = tpu.memref_slice %arg12[%dma_start3A_436] : memref<208xi32, #tpu.memory_space<vmem>> -> memref<200xi32, #tpu.memory_space<vmem>>
      %dma_start3A_438 = tpu.memref_slice %arg3[%mul3A_26] : memref<819200xi32, #tpu.memory_space<hbm>> -> memref<200xi32, #tpu.memory_space<hbm>>
      tpu.enqueue_dma source(%dma_start3A_438 : memref<200xi32, #tpu.memory_space<hbm>>) target(%dma_start3A_437 : memref<200xi32, #tpu.memory_space<vmem>>) target_semaphore(%run_scoped3A : memref<!tpu.dma_semaphore, #tpu.memory_space<semaphore_mem>>)
      %dma_wait3A_439 = arith.constant 0 : i32
      %dma_wait3A_440 = tpu.memref_slice %arg12[%dma_wait3A_439] : memref<208xi32, #tpu.memory_space<vmem>> -> memref<200xi32, #tpu.memory_space<vmem>>
      %dma_wait3A_441 = tpu.memref_slice %arg3[%mul3A_26] : memref<819200xi32, #tpu.memory_space<hbm>> -> memref<200xi32, #tpu.memory_space<hbm>>
      %dma_wait3A_442 = arith.constant 0 : i32
      %dma_wait3A_443 = tpu.memref_slice %arg12[%dma_wait3A_442] : memref<208xi32, #tpu.memory_space<vmem>> -> memref<200xi32, #tpu.memory_space<vmem>>
      %dma_wait3A_444 = tpu.memref_slice %arg3[%mul3A_26] : memref<819200xi32, #tpu.memory_space<hbm>> -> memref<200xi32, #tpu.memory_space<hbm>>
      tpu.wait_dma2 semaphore(%run_scoped3A : memref<!tpu.dma_semaphore, #tpu.memory_space<semaphore_mem>>) src(%dma_wait3A_444 : memref<200xi32, #tpu.memory_space<hbm>>) dst(%dma_wait3A_443 : memref<200xi32, #tpu.memory_space<vmem>>)
      tpu.yield
    }) : () -> ()
    %add3A_27 = arith.constant 0 : i32
    %add3A_28 = arith.addi %mul3A_2, %add3A_27 : i32
    %get3A = arith.constant 0 : index
    %get3A_29 = tpu.vector_load %arg12[%get3A] {strides = array<i32>} : memref<208xi32, #tpu.memory_space<vmem>>, vector<16xi32>,
    %shift_right_logical3A = arith.constant 1 : i32
    %shift_right_logical3A_30 = vector.broadcast %shift_right_logical3A : i32 to vector<16xi32>
    %shift_right_logical3A_31 = arith.shrui %get3A_29, %shift_right_logical3A_30 : vector<16xi32>
    %swap3A_32 = arith.constant 0 : index
    %swap3A_33 = tpu.vector_load %arg16[%swap3A_32] {strides = array<i32>} : memref<208xi32, #tpu.memory_space<vmem>>, vector<16xi32>,
    tpu.vector_store %arg16[%swap3A_32], %shift_right_logical3A_31 {strides = array<i32>} : memref<208xi32, #tpu.memory_space<vmem>>, vector<16xi32>,
    %get3A_34 = arith.constant 16 : index
    %get3A_35 = tpu.vector_load %arg12[%get3A_34] {strides = array<i32>} : memref<208xi32, #tpu.memory_space<vmem>>, vector<16xi32>,
    %shift_right_logical3A_36 = arith.constant 1 : i32
    %shift_right_logical3A_37 = vector.broadcast %shift_right_logical3A_36 : i32 to vector<16xi32>
    %shift_right_logical3A_38 = arith.shrui %get3A_35, %shift_right_logical3A_37 : vector<16xi32>
    %swap3A_39 = arith.constant 16 : index
    %swap3A_40 = tpu.vector_load %arg16[%swap3A_39] {strides = array<i32>} : memref<208xi32, #tpu.memory_space<vmem>>, vector<16xi32>,
    tpu.vector_store %arg16[%swap3A_39], %shift_right_logical3A_38 {strides = array<i32>} : memref<208xi32, #tpu.memory_space<vmem>>, vector<16xi32>,
    %get3A_41 = arith.constant 32 : index
    %get3A_42 = tpu.vector_load %arg12[%get3A_41] {strides = array<i32>} : memref<208xi32, #tpu.memory_space<vmem>>, vector<16xi32>,
    %shift_right_logical3A_43 = arith.constant 1 : i32
    %shift_right_logical3A_44 = vector.broadcast %shift_right_logical3A_43 : i32 to vector<16xi32>
    %shift_right_logical3A_45 = arith.shrui %get3A_42, %shift_right_logical3A_44 : vector<16xi32>
    %swap3A_46 = arith.constant 32 : index
    %swap3A_47 = tpu.vector_load %arg16[%swap3A_46] {strides = array<i32>} : memref<208xi32, #tpu.memory_space<vmem>>, vector<16xi32>,
    tpu.vector_store %arg16[%swap3A_46], %shift_right_logical3A_45 {strides = array<i32>} : memref<208xi32, #tpu.memory_space<vmem>>, vector<16xi32>,
    %get3A_48 = arith.constant 48 : index
    %get3A_49 = tpu.vector_load %arg12[%get3A_48] {strides = array<i32>} : memref<208xi32, #tpu.memory_space<vmem>>, vector<16xi32>,
    %shift_right_logical3A_50 = arith.constant 1 : i32
    %shift_right_logical3A_51 = vector.broadcast %shift_right_logical3A_50 : i32 to vector<16xi32>
    %shift_right_logical3A_52 = arith.shrui %get3A_49, %shift_right_logical3A_51 : vector<16xi32>
    %swap3A_53 = arith.constant 48 : index
    %swap3A_54 = tpu.vector_load %arg16[%swap3A_53] {strides = array<i32>} : memref<208xi32, #tpu.memory_space<vmem>>, vector<16xi32>,
    tpu.vector_store %arg16[%swap3A_53], %shift_right_logical3A_52 {strides = array<i32>} : memref<208xi32, #tpu.memory_space<vmem>>, vector<16xi32>,
    %get3A_55 = arith.constant 64 : index
    %get3A_56 = tpu.vector_load %arg12[%get3A_55] {strides = array<i32>} : memref<208xi32, #tpu.memory_space<vmem>>, vector<16xi32>,
    %shift_right_logical3A_57 = arith.constant 1 : i32
    %shift_right_logical3A_58 = vector.broadcast %shift_right_logical3A_57 : i32 to vector<16xi32>
    %shift_right_logical3A_59 = arith.shrui %get3A_56, %shift_right_logical3A_58 : vector<16xi32>
    %swap3A_60 = arith.constant 64 : index
    %swap3A_61 = tpu.vector_load %arg16[%swap3A_60] {strides = array<i32>} : memref<208xi32, #tpu.memory_space<vmem>>, vector<16xi32>,
    tpu.vector_store %arg16[%swap3A_60], %shift_right_logical3A_59 {strides = array<i32>} : memref<208xi32, #tpu.memory_space<vmem>>, vector<16xi32>,
    %get3A_62 = arith.constant 80 : index
    %get3A_63 = tpu.vector_load %arg12[%get3A_62] {strides = array<i32>} : memref<208xi32, #tpu.memory_space<vmem>>, vector<16xi32>,
    %shift_right_logical3A_64 = arith.constant 1 : i32
    %shift_right_logical3A_65 = vector.broadcast %shift_right_logical3A_64 : i32 to vector<16xi32>
    %shift_right_logical3A_66 = arith.shrui %get3A_63, %shift_right_logical3A_65 : vector<16xi32>
    %swap3A_67 = arith.constant 80 : index
    %swap3A_68 = tpu.vector_load %arg16[%swap3A_67] {strides = array<i32>} : memref<208xi32, #tpu.memory_space<vmem>>, vector<16xi32>,
    tpu.vector_store %arg16[%swap3A_67], %shift_right_logical3A_66 {strides = array<i32>} : memref<208xi32, #tpu.memory_space<vmem>>, vector<16xi32>,
    %get3A_69 = arith.constant 96 : index
    %get3A_70 = tpu.vector_load %arg12[%get3A_69] {strides = array<i32>} : memref<208xi32, #tpu.memory_space<vmem>>, vector<16xi32>,
    %shift_right_logical3A_71 = arith.constant 1 : i32
    %shift_right_logical3A_72 = vector.broadcast %shift_right_logical3A_71 : i32 to vector<16xi32>
    %shift_right_logical3A_73 = arith.shrui %get3A_70, %shift_right_logical3A_72 : vector<16xi32>
    %swap3A_74 = arith.constant 96 : index
    %swap3A_75 = tpu.vector_load %arg16[%swap3A_74] {strides = array<i32>} : memref<208xi32, #tpu.memory_space<vmem>>, vector<16xi32>,
    tpu.vector_store %arg16[%swap3A_74], %shift_right_logical3A_73 {strides = array<i32>} : memref<208xi32, #tpu.memory_space<vmem>>, vector<16xi32>,
    %get3A_76 = arith.constant 112 : index
    %get3A_77 = tpu.vector_load %arg12[%get3A_76] {strides = array<i32>} : memref<208xi32, #tpu.memory_space<vmem>>, vector<16xi32>,
    %shift_right_logical3A_78 = arith.constant 1 : i32
    %shift_right_logical3A_79 = vector.broadcast %shift_right_logical3A_78 : i32 to vector<16xi32>
    %shift_right_logical3A_80 = arith.shrui %get3A_77, %shift_right_logical3A_79 : vector<16xi32>
    %swap3A_81 = arith.constant 112 : index
    %swap3A_82 = tpu.vector_load %arg16[%swap3A_81] {strides = array<i32>} : memref<208xi32, #tpu.memory_space<vmem>>, vector<16xi32>,
    tpu.vector_store %arg16[%swap3A_81], %shift_right_logical3A_80 {strides = array<i32>} : memref<208xi32, #tpu.memory_space<vmem>>, vector<16xi32>,
    %get3A_83 = arith.constant 128 : index
    %get3A_84 = tpu.vector_load %arg12[%get3A_83] {strides = array<i32>} : memref<208xi32, #tpu.memory_space<vmem>>, vector<16xi32>,
    %shift_right_logical3A_85 = arith.constant 1 : i32
    %shift_right_logical3A_86 = vector.broadcast %shift_right_logical3A_85 : i32 to vector<16xi32>
    %shift_right_logical3A_87 = arith.shrui %get3A_84, %shift_right_logical3A_86 : vector<16xi32>
    %swap3A_88 = arith.constant 128 : index
    %swap3A_89 = tpu.vector_load %arg16[%swap3A_88] {strides = array<i32>} : memref<208xi32, #tpu.memory_space<vmem>>, vector<16xi32>,
    tpu.vector_store %arg16[%swap3A_88], %shift_right_logical3A_87 {strides = array<i32>} : memref<208xi32, #tpu.memory_space<vmem>>, vector<16xi32>,
    %get3A_90 = arith.constant 144 : index
    %get3A_91 = tpu.vector_load %arg12[%get3A_90] {strides = array<i32>} : memref<208xi32, #tpu.memory_space<vmem>>, vector<16xi32>,
    %shift_right_logical3A_92 = arith.constant 1 : i32
    %shift_right_logical3A_93 = vector.broadcast %shift_right_logical3A_92 : i32 to vector<16xi32>
    %shift_right_logical3A_94 = arith.shrui %get3A_91, %shift_right_logical3A_93 : vector<16xi32>
    %swap3A_95 = arith.constant 144 : index
    %swap3A_96 = tpu.vector_load %arg16[%swap3A_95] {strides = array<i32>} : memref<208xi32, #tpu.memory_space<vmem>>, vector<16xi32>,
    tpu.vector_store %arg16[%swap3A_95], %shift_right_logical3A_94 {strides = array<i32>} : memref<208xi32, #tpu.memory_space<vmem>>, vector<16xi32>,
    %get3A_97 = arith.constant 160 : index
    %get3A_98 = tpu.vector_load %arg12[%get3A_97] {strides = array<i32>} : memref<208xi32, #tpu.memory_space<vmem>>, vector<16xi32>,
    %shift_right_logical3A_99 = arith.constant 1 : i32
    %shift_right_logical3A_100 = vector.broadcast %shift_right_logical3A_99 : i32 to vector<16xi32>
    %shift_right_logical3A_101 = arith.shrui %get3A_98, %shift_right_logical3A_100 : vector<16xi32>
    %swap3A_102 = arith.constant 160 : index
    %swap3A_103 = tpu.vector_load %arg16[%swap3A_102] {strides = array<i32>} : memref<208xi32, #tpu.memory_space<vmem>>, vector<16xi32>,
    tpu.vector_store %arg16[%swap3A_102], %shift_right_logical3A_101 {strides = array<i32>} : memref<208xi32, #tpu.memory_space<vmem>>, vector<16xi32>,
    %get3A_104 = arith.constant 176 : index
    %get3A_105 = tpu.vector_load %arg12[%get3A_104] {strides = array<i32>} : memref<208xi32, #tpu.memory_space<vmem>>, vector<16xi32>,
    %shift_right_logical3A_106 = arith.constant 1 : i32
    %shift_right_logical3A_107 = vector.broadcast %shift_right_logical3A_106 : i32 to vector<16xi32>
    %shift_right_logical3A_108 = arith.shrui %get3A_105, %shift_right_logical3A_107 : vector<16xi32>
    %swap3A_109 = arith.constant 176 : index
    %swap3A_110 = tpu.vector_load %arg16[%swap3A_109] {strides = array<i32>} : memref<208xi32, #tpu.memory_space<vmem>>, vector<16xi32>,
    tpu.vector_store %arg16[%swap3A_109], %shift_right_logical3A_108 {strides = array<i32>} : memref<208xi32, #tpu.memory_space<vmem>>, vector<16xi32>,
    %get3A_111 = arith.constant 192 : index
    %get3A_112 = tpu.vector_load %arg12[%get3A_111] {strides = array<i32>} : memref<208xi32, #tpu.memory_space<vmem>>, vector<16xi32>,
    %shift_right_logical3A_113 = arith.constant 1 : i32
    %shift_right_logical3A_114 = vector.broadcast %shift_right_logical3A_113 : i32 to vector<16xi32>
    %shift_right_logical3A_115 = arith.shrui %get3A_112, %shift_right_logical3A_114 : vector<16xi32>
    %swap3A_116 = arith.constant 192 : index
    %swap3A_117 = tpu.vector_load %arg16[%swap3A_116] {strides = array<i32>} : memref<208xi32, #tpu.memory_space<vmem>>, vector<16xi32>,
    tpu.vector_store %arg16[%swap3A_116], %shift_right_logical3A_115 {strides = array<i32>} : memref<208xi32, #tpu.memory_space<vmem>>, vector<16xi32>,
    %dma_start3A = arith.constant 0 : i32
    %dma_start3A_118 = arith.constant 0 : i32
    %dma_start3A_119 = tpu.memref_slice %arg28[%dma_start3A, %dma_start3A_118] : memref<208x128xf32, #tpu.memory_space<vmem>> -> memref<104x128xf32, #tpu.memory_space<vmem>>
    %dma_start3A_120 = arith.constant 0 : i32
    %dma_start3A_121 = tpu.memref_slice %arg16[%dma_start3A_120] : memref<208xi32, #tpu.memory_space<vmem>> -> memref<104xi32, #tpu.memory_space<vmem>>
    %dma_start3A_122 = arith.constant 0 : i32
    %dma_start3A_123 = arith.constant 0 : i32
    %dma_start3A_124 = tpu.memref_slice %arg6[%dma_start3A_122, %dma_start3A_123] : memref<500000x128xf32, #tpu.memory_space<hbm>> -> memref<500000x128xf32, #tpu.memory_space<hbm>>
    tpu.enqueue_indirect_dma source(%dma_start3A_124 : memref<500000x128xf32, #tpu.memory_space<hbm>>) target(%dma_start3A_119 : memref<104x128xf32, #tpu.memory_space<vmem>>) offsets(%dma_start3A_121 : memref<104xi32, #tpu.memory_space<vmem>>) semaphore(%arg39 : memref<!tpu.dma_semaphore, #tpu.memory_space<semaphore_mem>>)
    %dma_start3A_125 = arith.constant 104 : i32
    %dma_start3A_126 = arith.constant 0 : i32
    %dma_start3A_127 = tpu.memref_slice %arg28[%dma_start3A_125, %dma_start3A_126] : memref<208x128xf32, #tpu.memory_space<vmem>> -> memref<104x128xf32, #tpu.memory_space<vmem>>
    %dma_start3A_128 = arith.constant 104 : i32
    %dma_start3A_129 = tpu.memref_slice %arg16[%dma_start3A_128] : memref<208xi32, #tpu.memory_space<vmem>> -> memref<104xi32, #tpu.memory_space<vmem>>
    %dma_start3A_130 = arith.constant 0 : i32
    %dma_start3A_131 = arith.constant 0 : i32
    %dma_start3A_132 = tpu.memref_slice %arg6[%dma_start3A_130, %dma_start3A_131] : memref<500000x128xf32, #tpu.memory_space<hbm>> -> memref<500000x128xf32, #tpu.memory_space<hbm>>
    tpu.enqueue_indirect_dma source(%dma_start3A_132 : memref<500000x128xf32, #tpu.memory_space<hbm>>) target(%dma_start3A_127 : memref<104x128xf32, #tpu.memory_space<vmem>>) offsets(%dma_start3A_129 : memref<104xi32, #tpu.memory_space<vmem>>) semaphore(%arg39 : memref<!tpu.dma_semaphore, #tpu.memory_space<semaphore_mem>>)
    %mul3A_133 = arith.constant 1000 : i32
    %mul3A_134 = arith.muli %add3A_28, %mul3A_133 : i32
    %dma_start3A_135 = tpu.memref_slice %arg4[%mul3A_134] : memref<4096000xf32, #tpu.memory_space<hbm>> -> memref<1000xf32, #tpu.memory_space<hbm>>
    %dma_start3A_136 = tpu.memref_slice %arg4[%mul3A_134] : memref<4096000xf32, #tpu.memory_space<hbm>> -> memref<1000xf32, #tpu.memory_space<hbm>>
    tpu.enqueue_dma source(%dma_start3A_136 : memref<1000xf32, #tpu.memory_space<hbm>>) target(%arg20 : memref<1000xf32, #tpu.memory_space<vmem>>) target_semaphore(%arg39 : memref<!tpu.dma_semaphore, #tpu.memory_space<semaphore_mem>>)
    %mul3A_137 = arith.constant 64 : i32
    %mul3A_138 = arith.muli %add3A_28, %mul3A_137 : i32
    %dma_start3A_139 = arith.constant 0 : i32
    %dma_start3A_140 = tpu.memref_slice %arg24[%dma_start3A_139] : memref<128xf32, #tpu.memory_space<vmem>> -> memref<64xf32, #tpu.memory_space<vmem>>
    %dma_start3A_141 = tpu.memref_slice %arg5[%mul3A_138] : memref<262144xf32, #tpu.memory_space<hbm>> -> memref<64xf32, #tpu.memory_space<hbm>>
    %dma_start3A_142 = arith.constant 0 : i32
    %dma_start3A_143 = tpu.memref_slice %arg24[%dma_start3A_142] : memref<128xf32, #tpu.memory_space<vmem>> -> memref<64xf32, #tpu.memory_space<vmem>>
    %dma_start3A_144 = tpu.memref_slice %arg5[%mul3A_138] : memref<262144xf32, #tpu.memory_space<hbm>> -> memref<64xf32, #tpu.memory_space<hbm>>
    tpu.enqueue_dma source(%dma_start3A_144 : memref<64xf32, #tpu.memory_space<hbm>>) target(%dma_start3A_143 : memref<64xf32, #tpu.memory_space<vmem>>) target_semaphore(%arg39 : memref<!tpu.dma_semaphore, #tpu.memory_space<semaphore_mem>>)
    %add3A_145 = arith.constant 1 : i32
    %add3A_146 = arith.addi %mul3A_2, %add3A_145 : i32
    %mul3A_147 = arith.constant 200 : i32
    %mul3A_148 = arith.muli %add3A_146, %mul3A_147 : i32
    "tpu.region"() ({
      %run_scoped3A = tpu.sem_alloc : memref<!tpu.dma_semaphore, #tpu.memory_space<semaphore_mem>>
      %dma_start3A_433 = arith.constant 0 : i32
      %dma_start3A_434 = tpu.memref_slice %arg9[%dma_start3A_433] : memref<208xi32, #tpu.memory_space<vmem>> -> memref<200xi32, #tpu.memory_space<vmem>>
      %dma_start3A_435 = tpu.memref_slice %arg2[%mul3A_148] : memref<819200xi32, #tpu.memory_space<hbm>> -> memref<200xi32, #tpu.memory_space<hbm>>
      %dma_start3A_436 = arith.constant 0 : i32
      %dma_start3A_437 = tpu.memref_slice %arg9[%dma_start3A_436] : memref<208xi32, #tpu.memory_space<vmem>> -> memref<200xi32, #tpu.memory_space<vmem>>
      %dma_start3A_438 = tpu.memref_slice %arg2[%mul3A_148] : memref<819200xi32, #tpu.memory_space<hbm>> -> memref<200xi32, #tpu.memory_space<hbm>>
      tpu.enqueue_dma source(%dma_start3A_438 : memref<200xi32, #tpu.memory_space<hbm>>) target(%dma_start3A_437 : memref<200xi32, #tpu.memory_space<vmem>>) target_semaphore(%run_scoped3A : memref<!tpu.dma_semaphore, #tpu.memory_space<semaphore_mem>>)
      %dma_wait3A_439 = arith.constant 0 : i32
      %dma_wait3A_440 = tpu.memref_slice %arg9[%dma_wait3A_439] : memref<208xi32, #tpu.memory_space<vmem>> -> memref<200xi32, #tpu.memory_space<vmem>>
      %dma_wait3A_441 = tpu.memref_slice %arg2[%mul3A_148] : memref<819200xi32, #tpu.memory_space<hbm>> -> memref<200xi32, #tpu.memory_space<hbm>>
      %dma_wait3A_442 = arith.constant 0 : i32
      %dma_wait3A_443 = tpu.memref_slice %arg9[%dma_wait3A_442] : memref<208xi32, #tpu.memory_space<vmem>> -> memref<200xi32, #tpu.memory_space<vmem>>
      %dma_wait3A_444 = tpu.memref_slice %arg2[%mul3A_148] : memref<819200xi32, #tpu.memory_space<hbm>> -> memref<200xi32, #tpu.memory_space<hbm>>
      tpu.wait_dma2 semaphore(%run_scoped3A : memref<!tpu.dma_semaphore, #tpu.memory_space<semaphore_mem>>) src(%dma_wait3A_444 : memref<200xi32, #tpu.memory_space<hbm>>) dst(%dma_wait3A_443 : memref<200xi32, #tpu.memory_space<vmem>>)
      tpu.yield
    }) : () -> ()
    %add3A_149 = arith.constant 1 : i32
    %add3A_150 = arith.addi %mul3A_2, %add3A_149 : i32
    %mul3A_151 = arith.constant 200 : i32
    %mul3A_152 = arith.muli %add3A_150, %mul3A_151 : i32
    "tpu.region"() ({
      %run_scoped3A = tpu.sem_alloc : memref<!tpu.dma_semaphore, #tpu.memory_space<semaphore_mem>>
      %dma_start3A_433 = arith.constant 0 : i32
      %dma_start3A_434 = tpu.memref_slice %arg13[%dma_start3A_433] : memref<208xi32, #tpu.memory_space<vmem>> -> memref<200xi32, #tpu.memory_space<vmem>>
      %dma_start3A_435 = tpu.memref_slice %arg3[%mul3A_152] : memref<819200xi32, #tpu.memory_space<hbm>> -> memref<200xi32, #tpu.memory_space<hbm>>
      %dma_start3A_436 = arith.constant 0 : i32
      %dma_start3A_437 = tpu.memref_slice %arg13[%dma_start3A_436] : memref<208xi32, #tpu.memory_space<vmem>> -> memref<200xi32, #tpu.memory_space<vmem>>
      %dma_start3A_438 = tpu.memref_slice %arg3[%mul3A_152] : memref<819200xi32, #tpu.memory_space<hbm>> -> memref<200xi32, #tpu.memory_space<hbm>>
      tpu.enqueue_dma source(%dma_start3A_438 : memref<200xi32, #tpu.memory_space<hbm>>) target(%dma_start3A_437 : memref<200xi32, #tpu.memory_space<vmem>>) target_semaphore(%run_scoped3A : memref<!tpu.dma_semaphore, #tpu.memory_space<semaphore_mem>>)
      %dma_wait3A_439 = arith.constant 0 : i32
      %dma_wait3A_440 = tpu.memref_slice %arg13[%dma_wait3A_439] : memref<208xi32, #tpu.memory_space<vmem>> -> memref<200xi32, #tpu.memory_space<vmem>>
      %dma_wait3A_441 = tpu.memref_slice %arg3[%mul3A_152] : memref<819200xi32, #tpu.memory_space<hbm>> -> memref<200xi32, #tpu.memory_space<hbm>>
      %dma_wait3A_442 = arith.constant 0 : i32
      %dma_wait3A_443 = tpu.memref_slice %arg13[%dma_wait3A_442] : memref<208xi32, #tpu.memory_space<vmem>> -> memref<200xi32, #tpu.memory_space<vmem>>
      %dma_wait3A_444 = tpu.memref_slice %arg3[%mul3A_152] : memref<819200xi32, #tpu.memory_space<hbm>> -> memref<200xi32, #tpu.memory_space<hbm>>
      tpu.wait_dma2 semaphore(%run_scoped3A : memref<!tpu.dma_semaphore, #tpu.memory_space<semaphore_mem>>) src(%dma_wait3A_444 : memref<200xi32, #tpu.memory_space<hbm>>) dst(%dma_wait3A_443 : memref<200xi32, #tpu.memory_space<vmem>>)
      tpu.yield
    }) : () -> ()
    %add3A_153 = arith.constant 1 : i32
    %add3A_154 = arith.addi %mul3A_2, %add3A_153 : i32
    %get3A_155 = arith.constant 0 : index
    %get3A_156 = tpu.vector_load %arg13[%get3A_155] {strides = array<i32>} : memref<208xi32, #tpu.memory_space<vmem>>, vector<16xi32>,
    %shift_right_logical3A_157 = arith.constant 1 : i32
    %shift_right_logical3A_158 = vector.broadcast %shift_right_logical3A_157 : i32 to vector<16xi32>
    %shift_right_logical3A_159 = arith.shrui %get3A_156, %shift_right_logical3A_158 : vector<16xi32>
    %swap3A_160 = arith.constant 0 : index
    %swap3A_161 = tpu.vector_load %arg17[%swap3A_160] {strides = array<i32>} : memref<208xi32, #tpu.memory_space<vmem>>, vector<16xi32>,
    tpu.vector_store %arg17[%swap3A_160], %shift_right_logical3A_159 {strides = array<i32>} : memref<208xi32, #tpu.memory_space<vmem>>, vector<16xi32>,
    %get3A_162 = arith.constant 16 : index
    %get3A_163 = tpu.vector_load %arg13[%get3A_162] {strides = array<i32>} : memref<208xi32, #tpu.memory_space<vmem>>, vector<16xi32>,
    %shift_right_logical3A_164 = arith.constant 1 : i32
    %shift_right_logical3A_165 = vector.broadcast %shift_right_logical3A_164 : i32 to vector<16xi32>
    %shift_right_logical3A_166 = arith.shrui %get3A_163, %shift_right_logical3A_165 : vector<16xi32>
    %swap3A_167 = arith.constant 16 : index
    %swap3A_168 = tpu.vector_load %arg17[%swap3A_167] {strides = array<i32>} : memref<208xi32, #tpu.memory_space<vmem>>, vector<16xi32>,
    tpu.vector_store %arg17[%swap3A_167], %shift_right_logical3A_166 {strides = array<i32>} : memref<208xi32, #tpu.memory_space<vmem>>, vector<16xi32>,
    %get3A_169 = arith.constant 32 : index
    %get3A_170 = tpu.vector_load %arg13[%get3A_169] {strides = array<i32>} : memref<208xi32, #tpu.memory_space<vmem>>, vector<16xi32>,
    %shift_right_logical3A_171 = arith.constant 1 : i32
    %shift_right_logical3A_172 = vector.broadcast %shift_right_logical3A_171 : i32 to vector<16xi32>
    %shift_right_logical3A_173 = arith.shrui %get3A_170, %shift_right_logical3A_172 : vector<16xi32>
    %swap3A_174 = arith.constant 32 : index
    %swap3A_175 = tpu.vector_load %arg17[%swap3A_174] {strides = array<i32>} : memref<208xi32, #tpu.memory_space<vmem>>, vector<16xi32>,
    tpu.vector_store %arg17[%swap3A_174], %shift_right_logical3A_173 {strides = array<i32>} : memref<208xi32, #tpu.memory_space<vmem>>, vector<16xi32>,
    %get3A_176 = arith.constant 48 : index
    %get3A_177 = tpu.vector_load %arg13[%get3A_176] {strides = array<i32>} : memref<208xi32, #tpu.memory_space<vmem>>, vector<16xi32>,
    %shift_right_logical3A_178 = arith.constant 1 : i32
    %shift_right_logical3A_179 = vector.broadcast %shift_right_logical3A_178 : i32 to vector<16xi32>
    %shift_right_logical3A_180 = arith.shrui %get3A_177, %shift_right_logical3A_179 : vector<16xi32>
    %swap3A_181 = arith.constant 48 : index
    %swap3A_182 = tpu.vector_load %arg17[%swap3A_181] {strides = array<i32>} : memref<208xi32, #tpu.memory_space<vmem>>, vector<16xi32>,
    tpu.vector_store %arg17[%swap3A_181], %shift_right_logical3A_180 {strides = array<i32>} : memref<208xi32, #tpu.memory_space<vmem>>, vector<16xi32>,
    %get3A_183 = arith.constant 64 : index
    %get3A_184 = tpu.vector_load %arg13[%get3A_183] {strides = array<i32>} : memref<208xi32, #tpu.memory_space<vmem>>, vector<16xi32>,
    %shift_right_logical3A_185 = arith.constant 1 : i32
    %shift_right_logical3A_186 = vector.broadcast %shift_right_logical3A_185 : i32 to vector<16xi32>
    %shift_right_logical3A_187 = arith.shrui %get3A_184, %shift_right_logical3A_186 : vector<16xi32>
    %swap3A_188 = arith.constant 64 : index
    %swap3A_189 = tpu.vector_load %arg17[%swap3A_188] {strides = array<i32>} : memref<208xi32, #tpu.memory_space<vmem>>, vector<16xi32>,
    tpu.vector_store %arg17[%swap3A_188], %shift_right_logical3A_187 {strides = array<i32>} : memref<208xi32, #tpu.memory_space<vmem>>, vector<16xi32>,
    %get3A_190 = arith.constant 80 : index
    %get3A_191 = tpu.vector_load %arg13[%get3A_190] {strides = array<i32>} : memref<208xi32, #tpu.memory_space<vmem>>, vector<16xi32>,
    %shift_right_logical3A_192 = arith.constant 1 : i32
    %shift_right_logical3A_193 = vector.broadcast %shift_right_logical3A_192 : i32 to vector<16xi32>
    %shift_right_logical3A_194 = arith.shrui %get3A_191, %shift_right_logical3A_193 : vector<16xi32>
    %swap3A_195 = arith.constant 80 : index
    %swap3A_196 = tpu.vector_load %arg17[%swap3A_195] {strides = array<i32>} : memref<208xi32, #tpu.memory_space<vmem>>, vector<16xi32>,
    tpu.vector_store %arg17[%swap3A_195], %shift_right_logical3A_194 {strides = array<i32>} : memref<208xi32, #tpu.memory_space<vmem>>, vector<16xi32>,
    %get3A_197 = arith.constant 96 : index
    %get3A_198 = tpu.vector_load %arg13[%get3A_197] {strides = array<i32>} : memref<208xi32, #tpu.memory_space<vmem>>, vector<16xi32>,
    %shift_right_logical3A_199 = arith.constant 1 : i32
    %shift_right_logical3A_200 = vector.broadcast %shift_right_logical3A_199 : i32 to vector<16xi32>
    %shift_right_logical3A_201 = arith.shrui %get3A_198, %shift_right_logical3A_200 : vector<16xi32>
    %swap3A_202 = arith.constant 96 : index
    %swap3A_203 = tpu.vector_load %arg17[%swap3A_202] {strides = array<i32>} : memref<208xi32, #tpu.memory_space<vmem>>, vector<16xi32>,
    tpu.vector_store %arg17[%swap3A_202], %shift_right_logical3A_201 {strides = array<i32>} : memref<208xi32, #tpu.memory_space<vmem>>, vector<16xi32>,
    %get3A_204 = arith.constant 112 : index
    %get3A_205 = tpu.vector_load %arg13[%get3A_204] {strides = array<i32>} : memref<208xi32, #tpu.memory_space<vmem>>, vector<16xi32>,
    %shift_right_logical3A_206 = arith.constant 1 : i32
    %shift_right_logical3A_207 = vector.broadcast %shift_right_logical3A_206 : i32 to vector<16xi32>
    %shift_right_logical3A_208 = arith.shrui %get3A_205, %shift_right_logical3A_207 : vector<16xi32>
    %swap3A_209 = arith.constant 112 : index
    %swap3A_210 = tpu.vector_load %arg17[%swap3A_209] {strides = array<i32>} : memref<208xi32, #tpu.memory_space<vmem>>, vector<16xi32>,
    tpu.vector_store %arg17[%swap3A_209], %shift_right_logical3A_208 {strides = array<i32>} : memref<208xi32, #tpu.memory_space<vmem>>, vector<16xi32>,
    %get3A_211 = arith.constant 128 : index
    %get3A_212 = tpu.vector_load %arg13[%get3A_211] {strides = array<i32>} : memref<208xi32, #tpu.memory_space<vmem>>, vector<16xi32>,
    %shift_right_logical3A_213 = arith.constant 1 : i32
    %shift_right_logical3A_214 = vector.broadcast %shift_right_logical3A_213 : i32 to vector<16xi32>
    %shift_right_logical3A_215 = arith.shrui %get3A_212, %shift_right_logical3A_214 : vector<16xi32>
    %swap3A_216 = arith.constant 128 : index
    %swap3A_217 = tpu.vector_load %arg17[%swap3A_216] {strides = array<i32>} : memref<208xi32, #tpu.memory_space<vmem>>, vector<16xi32>,
    tpu.vector_store %arg17[%swap3A_216], %shift_right_logical3A_215 {strides = array<i32>} : memref<208xi32, #tpu.memory_space<vmem>>, vector<16xi32>,
    %get3A_218 = arith.constant 144 : index
    %get3A_219 = tpu.vector_load %arg13[%get3A_218] {strides = array<i32>} : memref<208xi32, #tpu.memory_space<vmem>>, vector<16xi32>,
    %shift_right_logical3A_220 = arith.constant 1 : i32
    %shift_right_logical3A_221 = vector.broadcast %shift_right_logical3A_220 : i32 to vector<16xi32>
    %shift_right_logical3A_222 = arith.shrui %get3A_219, %shift_right_logical3A_221 : vector<16xi32>
    %swap3A_223 = arith.constant 144 : index
    %swap3A_224 = tpu.vector_load %arg17[%swap3A_223] {strides = array<i32>} : memref<208xi32, #tpu.memory_space<vmem>>, vector<16xi32>,
    tpu.vector_store %arg17[%swap3A_223], %shift_right_logical3A_222 {strides = array<i32>} : memref<208xi32, #tpu.memory_space<vmem>>, vector<16xi32>,
    %get3A_225 = arith.constant 160 : index
    %get3A_226 = tpu.vector_load %arg13[%get3A_225] {strides = array<i32>} : memref<208xi32, #tpu.memory_space<vmem>>, vector<16xi32>,
    %shift_right_logical3A_227 = arith.constant 1 : i32
    %shift_right_logical3A_228 = vector.broadcast %shift_right_logical3A_227 : i32 to vector<16xi32>
    %shift_right_logical3A_229 = arith.shrui %get3A_226, %shift_right_logical3A_228 : vector<16xi32>
    %swap3A_230 = arith.constant 160 : index
    %swap3A_231 = tpu.vector_load %arg17[%swap3A_230] {strides = array<i32>} : memref<208xi32, #tpu.memory_space<vmem>>, vector<16xi32>,
    tpu.vector_store %arg17[%swap3A_230], %shift_right_logical3A_229 {strides = array<i32>} : memref<208xi32, #tpu.memory_space<vmem>>, vector<16xi32>,
    %get3A_232 = arith.constant 176 : index
    %get3A_233 = tpu.vector_load %arg13[%get3A_232] {strides = array<i32>} : memref<208xi32, #tpu.memory_space<vmem>>, vector<16xi32>,
    %shift_right_logical3A_234 = arith.constant 1 : i32
    %shift_right_logical3A_235 = vector.broadcast %shift_right_logical3A_234 : i32 to vector<16xi32>
    %shift_right_logical3A_236 = arith.shrui %get3A_233, %shift_right_logical3A_235 : vector<16xi32>
    %swap3A_237 = arith.constant 176 : index
    %swap3A_238 = tpu.vector_load %arg17[%swap3A_237] {strides = array<i32>} : memref<208xi32, #tpu.memory_space<vmem>>, vector<16xi32>,
    tpu.vector_store %arg17[%swap3A_237], %shift_right_logical3A_236 {strides = array<i32>} : memref<208xi32, #tpu.memory_space<vmem>>, vector<16xi32>,
    %get3A_239 = arith.constant 192 : index
    %get3A_240 = tpu.vector_load %arg13[%get3A_239] {strides = array<i32>} : memref<208xi32, #tpu.memory_space<vmem>>, vector<16xi32>,
    %shift_right_logical3A_241 = arith.constant 1 : i32
    %shift_right_logical3A_242 = vector.broadcast %shift_right_logical3A_241 : i32 to vector<16xi32>
    %shift_right_logical3A_243 = arith.shrui %get3A_240, %shift_right_logical3A_242 : vector<16xi32>
    %swap3A_244 = arith.constant 192 : index
    %swap3A_245 = tpu.vector_load %arg17[%swap3A_244] {strides = array<i32>} : memref<208xi32, #tpu.memory_space<vmem>>, vector<16xi32>,
    tpu.vector_store %arg17[%swap3A_244], %shift_right_logical3A_243 {strides = array<i32>} : memref<208xi32, #tpu.memory_space<vmem>>, vector<16xi32>,
    %dma_start3A_246 = arith.constant 0 : i32
    %dma_start3A_247 = arith.constant 0 : i32
    %dma_start3A_248 = tpu.memref_slice %arg29[%dma_start3A_246, %dma_start3A_247] : memref<208x128xf32, #tpu.memory_space<vmem>> -> memref<104x128xf32, #tpu.memory_space<vmem>>
    %dma_start3A_249 = arith.constant 0 : i32
    %dma_start3A_250 = tpu.memref_slice %arg17[%dma_start3A_249] : memref<208xi32, #tpu.memory_space<vmem>> -> memref<104xi32, #tpu.memory_space<vmem>>
    %dma_start3A_251 = arith.constant 0 : i32
    %dma_start3A_252 = arith.constant 0 : i32
    %dma_start3A_253 = tpu.memref_slice %arg6[%dma_start3A_251, %dma_start3A_252] : memref<500000x128xf32, #tpu.memory_space<hbm>> -> memref<500000x128xf32, #tpu.memory_space<hbm>>
    tpu.enqueue_indirect_dma source(%dma_start3A_253 : memref<500000x128xf32, #tpu.memory_space<hbm>>) target(%dma_start3A_248 : memref<104x128xf32, #tpu.memory_space<vmem>>) offsets(%dma_start3A_250 : memref<104xi32, #tpu.memory_space<vmem>>) semaphore(%arg40 : memref<!tpu.dma_semaphore, #tpu.memory_space<semaphore_mem>>)
    %dma_start3A_254 = arith.constant 104 : i32
    %dma_start3A_255 = arith.constant 0 : i32
    %dma_start3A_256 = tpu.memref_slice %arg29[%dma_start3A_254, %dma_start3A_255] : memref<208x128xf32, #tpu.memory_space<vmem>> -> memref<104x128xf32, #tpu.memory_space<vmem>>
    %dma_start3A_257 = arith.constant 104 : i32
    %dma_start3A_258 = tpu.memref_slice %arg17[%dma_start3A_257] : memref<208xi32, #tpu.memory_space<vmem>> -> memref<104xi32, #tpu.memory_space<vmem>>
    %dma_start3A_259 = arith.constant 0 : i32
    %dma_start3A_260 = arith.constant 0 : i32
    %dma_start3A_261 = tpu.memref_slice %arg6[%dma_start3A_259, %dma_start3A_260] : memref<500000x128xf32, #tpu.memory_space<hbm>> -> memref<500000x128xf32, #tpu.memory_space<hbm>>
    tpu.enqueue_indirect_dma source(%dma_start3A_261 : memref<500000x128xf32, #tpu.memory_space<hbm>>) target(%dma_start3A_256 : memref<104x128xf32, #tpu.memory_space<vmem>>) offsets(%dma_start3A_258 : memref<104xi32, #tpu.memory_space<vmem>>) semaphore(%arg40 : memref<!tpu.dma_semaphore, #tpu.memory_space<semaphore_mem>>)
    %mul3A_262 = arith.constant 1000 : i32
    %mul3A_263 = arith.muli %add3A_154, %mul3A_262 : i32
    %dma_start3A_264 = tpu.memref_slice %arg4[%mul3A_263] : memref<4096000xf32, #tpu.memory_space<hbm>> -> memref<1000xf32, #tpu.memory_space<hbm>>
    %dma_start3A_265 = tpu.memref_slice %arg4[%mul3A_263] : memref<4096000xf32, #tpu.memory_space<hbm>> -> memref<1000xf32, #tpu.memory_space<hbm>>
    tpu.enqueue_dma source(%dma_start3A_265 : memref<1000xf32, #tpu.memory_space<hbm>>) target(%arg21 : memref<1000xf32, #tpu.memory_space<vmem>>) target_semaphore(%arg40 : memref<!tpu.dma_semaphore, #tpu.memory_space<semaphore_mem>>)
    %mul3A_266 = arith.constant 64 : i32
    %mul3A_267 = arith.muli %add3A_154, %mul3A_266 : i32
    %dma_start3A_268 = arith.constant 0 : i32
    %dma_start3A_269 = tpu.memref_slice %arg25[%dma_start3A_268] : memref<128xf32, #tpu.memory_space<vmem>> -> memref<64xf32, #tpu.memory_space<vmem>>
    %dma_start3A_270 = tpu.memref_slice %arg5[%mul3A_267] : memref<262144xf32, #tpu.memory_space<hbm>> -> memref<64xf32, #tpu.memory_space<hbm>>
    %dma_start3A_271 = arith.constant 0 : i32
    %dma_start3A_272 = tpu.memref_slice %arg25[%dma_start3A_271] : memref<128xf32, #tpu.memory_space<vmem>> -> memref<64xf32, #tpu.memory_space<vmem>>
    %dma_start3A_273 = tpu.memref_slice %arg5[%mul3A_267] : memref<262144xf32, #tpu.memory_space<hbm>> -> memref<64xf32, #tpu.memory_space<hbm>>
    tpu.enqueue_dma source(%dma_start3A_273 : memref<64xf32, #tpu.memory_space<hbm>>) target(%dma_start3A_272 : memref<64xf32, #tpu.memory_space<vmem>>) target_semaphore(%arg40 : memref<!tpu.dma_semaphore, #tpu.memory_space<semaphore_mem>>)
    %add3A_274 = arith.constant 2 : i32
    %add3A_275 = arith.addi %mul3A_2, %add3A_274 : i32
    %mul3A_276 = arith.constant 200 : i32
    %mul3A_277 = arith.muli %add3A_275, %mul3A_276 : i32
    "tpu.region"() ({
      %run_scoped3A = tpu.sem_alloc : memref<!tpu.dma_semaphore, #tpu.memory_space<semaphore_mem>>
      %dma_start3A_433 = arith.constant 0 : i32
      %dma_start3A_434 = tpu.memref_slice %arg10[%dma_start3A_433] : memref<208xi32, #tpu.memory_space<vmem>> -> memref<200xi32, #tpu.memory_space<vmem>>
      %dma_start3A_435 = tpu.memref_slice %arg2[%mul3A_277] : memref<819200xi32, #tpu.memory_space<hbm>> -> memref<200xi32, #tpu.memory_space<hbm>>
      %dma_start3A_436 = arith.constant 0 : i32
      %dma_start3A_437 = tpu.memref_slice %arg10[%dma_start3A_436] : memref<208xi32, #tpu.memory_space<vmem>> -> memref<200xi32, #tpu.memory_space<vmem>>
      %dma_start3A_438 = tpu.memref_slice %arg2[%mul3A_277] : memref<819200xi32, #tpu.memory_space<hbm>> -> memref<200xi32, #tpu.memory_space<hbm>>
      tpu.enqueue_dma source(%dma_start3A_438 : memref<200xi32, #tpu.memory_space<hbm>>) target(%dma_start3A_437 : memref<200xi32, #tpu.memory_space<vmem>>) target_semaphore(%run_scoped3A : memref<!tpu.dma_semaphore, #tpu.memory_space<semaphore_mem>>)
      %dma_wait3A_439 = arith.constant 0 : i32
      %dma_wait3A_440 = tpu.memref_slice %arg10[%dma_wait3A_439] : memref<208xi32, #tpu.memory_space<vmem>> -> memref<200xi32, #tpu.memory_space<vmem>>
      %dma_wait3A_441 = tpu.memref_slice %arg2[%mul3A_277] : memref<819200xi32, #tpu.memory_space<hbm>> -> memref<200xi32, #tpu.memory_space<hbm>>
      %dma_wait3A_442 = arith.constant 0 : i32
      %dma_wait3A_443 = tpu.memref_slice %arg10[%dma_wait3A_442] : memref<208xi32, #tpu.memory_space<vmem>> -> memref<200xi32, #tpu.memory_space<vmem>>
      %dma_wait3A_444 = tpu.memref_slice %arg2[%mul3A_277] : memref<819200xi32, #tpu.memory_space<hbm>> -> memref<200xi32, #tpu.memory_space<hbm>>
      tpu.wait_dma2 semaphore(%run_scoped3A : memref<!tpu.dma_semaphore, #tpu.memory_space<semaphore_mem>>) src(%dma_wait3A_444 : memref<200xi32, #tpu.memory_space<hbm>>) dst(%dma_wait3A_443 : memref<200xi32, #tpu.memory_space<vmem>>)
      tpu.yield
    }) : () -> ()
    %add3A_278 = arith.constant 2 : i32
    %add3A_279 = arith.addi %mul3A_2, %add3A_278 : i32
    %mul3A_280 = arith.constant 200 : i32
    %mul3A_281 = arith.muli %add3A_279, %mul3A_280 : i32
    "tpu.region"() ({
      %run_scoped3A = tpu.sem_alloc : memref<!tpu.dma_semaphore, #tpu.memory_space<semaphore_mem>>
      %dma_start3A_433 = arith.constant 0 : i32
      %dma_start3A_434 = tpu.memref_slice %arg14[%dma_start3A_433] : memref<208xi32, #tpu.memory_space<vmem>> -> memref<200xi32, #tpu.memory_space<vmem>>
      %dma_start3A_435 = tpu.memref_slice %arg3[%mul3A_281] : memref<819200xi32, #tpu.memory_space<hbm>> -> memref<200xi32, #tpu.memory_space<hbm>>
      %dma_start3A_436 = arith.constant 0 : i32
      %dma_start3A_437 = tpu.memref_slice %arg14[%dma_start3A_436] : memref<208xi32, #tpu.memory_space<vmem>> -> memref<200xi32, #tpu.memory_space<vmem>>
      %dma_start3A_438 = tpu.memref_slice %arg3[%mul3A_281] : memref<819200xi32, #tpu.memory_space<hbm>> -> memref<200xi32, #tpu.memory_space<hbm>>
      tpu.enqueue_dma source(%dma_start3A_438 : memref<200xi32, #tpu.memory_space<hbm>>) target(%dma_start3A_437 : memref<200xi32, #tpu.memory_space<vmem>>) target_semaphore(%run_scoped3A : memref<!tpu.dma_semaphore, #tpu.memory_space<semaphore_mem>>)
      %dma_wait3A_439 = arith.constant 0 : i32
      %dma_wait3A_440 = tpu.memref_slice %arg14[%dma_wait3A_439] : memref<208xi32, #tpu.memory_space<vmem>> -> memref<200xi32, #tpu.memory_space<vmem>>
      %dma_wait3A_441 = tpu.memref_slice %arg3[%mul3A_281] : memref<819200xi32, #tpu.memory_space<hbm>> -> memref<200xi32, #tpu.memory_space<hbm>>
      %dma_wait3A_442 = arith.constant 0 : i32
      %dma_wait3A_443 = tpu.memref_slice %arg14[%dma_wait3A_442] : memref<208xi32, #tpu.memory_space<vmem>> -> memref<200xi32, #tpu.memory_space<vmem>>
      %dma_wait3A_444 = tpu.memref_slice %arg3[%mul3A_281] : memref<819200xi32, #tpu.memory_space<hbm>> -> memref<200xi32, #tpu.memory_space<hbm>>
      tpu.wait_dma2 semaphore(%run_scoped3A : memref<!tpu.dma_semaphore, #tpu.memory_space<semaphore_mem>>) src(%dma_wait3A_444 : memref<200xi32, #tpu.memory_space<hbm>>) dst(%dma_wait3A_443 : memref<200xi32, #tpu.memory_space<vmem>>)
      tpu.yield
    }) : () -> ()
    %add3A_282 = arith.constant 2 : i32
    %add3A_283 = arith.addi %mul3A_2, %add3A_282 : i32
    %get3A_284 = arith.constant 0 : index
    %get3A_285 = tpu.vector_load %arg14[%get3A_284] {strides = array<i32>} : memref<208xi32, #tpu.memory_space<vmem>>, vector<16xi32>,
    %shift_right_logical3A_286 = arith.constant 1 : i32
    %shift_right_logical3A_287 = vector.broadcast %shift_right_logical3A_286 : i32 to vector<16xi32>
    %shift_right_logical3A_288 = arith.shrui %get3A_285, %shift_right_logical3A_287 : vector<16xi32>
    %swap3A_289 = arith.constant 0 : index
    %swap3A_290 = tpu.vector_load %arg18[%swap3A_289] {strides = array<i32>} : memref<208xi32, #tpu.memory_space<vmem>>, vector<16xi32>,
    tpu.vector_store %arg18[%swap3A_289], %shift_right_logical3A_288 {strides = array<i32>} : memref<208xi32, #tpu.memory_space<vmem>>, vector<16xi32>,
    %get3A_291 = arith.constant 16 : index
    %get3A_292 = tpu.vector_load %arg14[%get3A_291] {strides = array<i32>} : memref<208xi32, #tpu.memory_space<vmem>>, vector<16xi32>,
    %shift_right_logical3A_293 = arith.constant 1 : i32
    %shift_right_logical3A_294 = vector.broadcast %shift_right_logical3A_293 : i32 to vector<16xi32>
    %shift_right_logical3A_295 = arith.shrui %get3A_292, %shift_right_logical3A_294 : vector<16xi32>
    %swap3A_296 = arith.constant 16 : index
    %swap3A_297 = tpu.vector_load %arg18[%swap3A_296] {strides = array<i32>} : memref<208xi32, #tpu.memory_space<vmem>>, vector<16xi32>,
    tpu.vector_store %arg18[%swap3A_296], %shift_right_logical3A_295 {strides = array<i32>} : memref<208xi32, #tpu.memory_space<vmem>>, vector<16xi32>,
    %get3A_298 = arith.constant 32 : index
    %get3A_299 = tpu.vector_load %arg14[%get3A_298] {strides = array<i32>} : memref<208xi32, #tpu.memory_space<vmem>>, vector<16xi32>,
    %shift_right_logical3A_300 = arith.constant 1 : i32
    %shift_right_logical3A_301 = vector.broadcast %shift_right_logical3A_300 : i32 to vector<16xi32>
    %shift_right_logical3A_302 = arith.shrui %get3A_299, %shift_right_logical3A_301 : vector<16xi32>
    %swap3A_303 = arith.constant 32 : index
    %swap3A_304 = tpu.vector_load %arg18[%swap3A_303] {strides = array<i32>} : memref<208xi32, #tpu.memory_space<vmem>>, vector<16xi32>,
    tpu.vector_store %arg18[%swap3A_303], %shift_right_logical3A_302 {strides = array<i32>} : memref<208xi32, #tpu.memory_space<vmem>>, vector<16xi32>,
    %get3A_305 = arith.constant 48 : index
    %get3A_306 = tpu.vector_load %arg14[%get3A_305] {strides = array<i32>} : memref<208xi32, #tpu.memory_space<vmem>>, vector<16xi32>,
    %shift_right_logical3A_307 = arith.constant 1 : i32
    %shift_right_logical3A_308 = vector.broadcast %shift_right_logical3A_307 : i32 to vector<16xi32>
    %shift_right_logical3A_309 = arith.shrui %get3A_306, %shift_right_logical3A_308 : vector<16xi32>
    %swap3A_310 = arith.constant 48 : index
    %swap3A_311 = tpu.vector_load %arg18[%swap3A_310] {strides = array<i32>} : memref<208xi32, #tpu.memory_space<vmem>>, vector<16xi32>,
    tpu.vector_store %arg18[%swap3A_310], %shift_right_logical3A_309 {strides = array<i32>} : memref<208xi32, #tpu.memory_space<vmem>>, vector<16xi32>,
    %get3A_312 = arith.constant 64 : index
    %get3A_313 = tpu.vector_load %arg14[%get3A_312] {strides = array<i32>} : memref<208xi32, #tpu.memory_space<vmem>>, vector<16xi32>,
    %shift_right_logical3A_314 = arith.constant 1 : i32
    %shift_right_logical3A_315 = vector.broadcast %shift_right_logical3A_314 : i32 to vector<16xi32>
    %shift_right_logical3A_316 = arith.shrui %get3A_313, %shift_right_logical3A_315 : vector<16xi32>
    %swap3A_317 = arith.constant 64 : index
    %swap3A_318 = tpu.vector_load %arg18[%swap3A_317] {strides = array<i32>} : memref<208xi32, #tpu.memory_space<vmem>>, vector<16xi32>,
    tpu.vector_store %arg18[%swap3A_317], %shift_right_logical3A_316 {strides = array<i32>} : memref<208xi32, #tpu.memory_space<vmem>>, vector<16xi32>,
    %get3A_319 = arith.constant 80 : index
    %get3A_320 = tpu.vector_load %arg14[%get3A_319] {strides = array<i32>} : memref<208xi32, #tpu.memory_space<vmem>>, vector<16xi32>,
    %shift_right_logical3A_321 = arith.constant 1 : i32
    %shift_right_logical3A_322 = vector.broadcast %shift_right_logical3A_321 : i32 to vector<16xi32>
    %shift_right_logical3A_323 = arith.shrui %get3A_320, %shift_right_logical3A_322 : vector<16xi32>
    %swap3A_324 = arith.constant 80 : index
    %swap3A_325 = tpu.vector_load %arg18[%swap3A_324] {strides = array<i32>} : memref<208xi32, #tpu.memory_space<vmem>>, vector<16xi32>,
    tpu.vector_store %arg18[%swap3A_324], %shift_right_logical3A_323 {strides = array<i32>} : memref<208xi32, #tpu.memory_space<vmem>>, vector<16xi32>,
    %get3A_326 = arith.constant 96 : index
    %get3A_327 = tpu.vector_load %arg14[%get3A_326] {strides = array<i32>} : memref<208xi32, #tpu.memory_space<vmem>>, vector<16xi32>,
    %shift_right_logical3A_328 = arith.constant 1 : i32
    %shift_right_logical3A_329 = vector.broadcast %shift_right_logical3A_328 : i32 to vector<16xi32>
    %shift_right_logical3A_330 = arith.shrui %get3A_327, %shift_right_logical3A_329 : vector<16xi32>
    %swap3A_331 = arith.constant 96 : index
    %swap3A_332 = tpu.vector_load %arg18[%swap3A_331] {strides = array<i32>} : memref<208xi32, #tpu.memory_space<vmem>>, vector<16xi32>,
    tpu.vector_store %arg18[%swap3A_331], %shift_right_logical3A_330 {strides = array<i32>} : memref<208xi32, #tpu.memory_space<vmem>>, vector<16xi32>,
    %get3A_333 = arith.constant 112 : index
    %get3A_334 = tpu.vector_load %arg14[%get3A_333] {strides = array<i32>} : memref<208xi32, #tpu.memory_space<vmem>>, vector<16xi32>,
    %shift_right_logical3A_335 = arith.constant 1 : i32
    %shift_right_logical3A_336 = vector.broadcast %shift_right_logical3A_335 : i32 to vector<16xi32>
    %shift_right_logical3A_337 = arith.shrui %get3A_334, %shift_right_logical3A_336 : vector<16xi32>
    %swap3A_338 = arith.constant 112 : index
    %swap3A_339 = tpu.vector_load %arg18[%swap3A_338] {strides = array<i32>} : memref<208xi32, #tpu.memory_space<vmem>>, vector<16xi32>,
    tpu.vector_store %arg18[%swap3A_338], %shift_right_logical3A_337 {strides = array<i32>} : memref<208xi32, #tpu.memory_space<vmem>>, vector<16xi32>,
    %get3A_340 = arith.constant 128 : index
    %get3A_341 = tpu.vector_load %arg14[%get3A_340] {strides = array<i32>} : memref<208xi32, #tpu.memory_space<vmem>>, vector<16xi32>,
    %shift_right_logical3A_342 = arith.constant 1 : i32
    %shift_right_logical3A_343 = vector.broadcast %shift_right_logical3A_342 : i32 to vector<16xi32>
    %shift_right_logical3A_344 = arith.shrui %get3A_341, %shift_right_logical3A_343 : vector<16xi32>
    %swap3A_345 = arith.constant 128 : index
    %swap3A_346 = tpu.vector_load %arg18[%swap3A_345] {strides = array<i32>} : memref<208xi32, #tpu.memory_space<vmem>>, vector<16xi32>,
    tpu.vector_store %arg18[%swap3A_345], %shift_right_logical3A_344 {strides = array<i32>} : memref<208xi32, #tpu.memory_space<vmem>>, vector<16xi32>,
    %get3A_347 = arith.constant 144 : index
    %get3A_348 = tpu.vector_load %arg14[%get3A_347] {strides = array<i32>} : memref<208xi32, #tpu.memory_space<vmem>>, vector<16xi32>,
    %shift_right_logical3A_349 = arith.constant 1 : i32
    %shift_right_logical3A_350 = vector.broadcast %shift_right_logical3A_349 : i32 to vector<16xi32>
    %shift_right_logical3A_351 = arith.shrui %get3A_348, %shift_right_logical3A_350 : vector<16xi32>
    %swap3A_352 = arith.constant 144 : index
    %swap3A_353 = tpu.vector_load %arg18[%swap3A_352] {strides = array<i32>} : memref<208xi32, #tpu.memory_space<vmem>>, vector<16xi32>,
    tpu.vector_store %arg18[%swap3A_352], %shift_right_logical3A_351 {strides = array<i32>} : memref<208xi32, #tpu.memory_space<vmem>>, vector<16xi32>,
    %get3A_354 = arith.constant 160 : index
    %get3A_355 = tpu.vector_load %arg14[%get3A_354] {strides = array<i32>} : memref<208xi32, #tpu.memory_space<vmem>>, vector<16xi32>,
    %shift_right_logical3A_356 = arith.constant 1 : i32
    %shift_right_logical3A_357 = vector.broadcast %shift_right_logical3A_356 : i32 to vector<16xi32>
    %shift_right_logical3A_358 = arith.shrui %get3A_355, %shift_right_logical3A_357 : vector<16xi32>
    %swap3A_359 = arith.constant 160 : index
    %swap3A_360 = tpu.vector_load %arg18[%swap3A_359] {strides = array<i32>} : memref<208xi32, #tpu.memory_space<vmem>>, vector<16xi32>,
    tpu.vector_store %arg18[%swap3A_359], %shift_right_logical3A_358 {strides = array<i32>} : memref<208xi32, #tpu.memory_space<vmem>>, vector<16xi32>,
    %get3A_361 = arith.constant 176 : index
    %get3A_362 = tpu.vector_load %arg14[%get3A_361] {strides = array<i32>} : memref<208xi32, #tpu.memory_space<vmem>>, vector<16xi32>,
    %shift_right_logical3A_363 = arith.constant 1 : i32
    %shift_right_logical3A_364 = vector.broadcast %shift_right_logical3A_363 : i32 to vector<16xi32>
    %shift_right_logical3A_365 = arith.shrui %get3A_362, %shift_right_logical3A_364 : vector<16xi32>
    %swap3A_366 = arith.constant 176 : index
    %swap3A_367 = tpu.vector_load %arg18[%swap3A_366] {strides = array<i32>} : memref<208xi32, #tpu.memory_space<vmem>>, vector<16xi32>,
    tpu.vector_store %arg18[%swap3A_366], %shift_right_logical3A_365 {strides = array<i32>} : memref<208xi32, #tpu.memory_space<vmem>>, vector<16xi32>,
    %get3A_368 = arith.constant 192 : index
    %get3A_369 = tpu.vector_load %arg14[%get3A_368] {strides = array<i32>} : memref<208xi32, #tpu.memory_space<vmem>>, vector<16xi32>,
    %shift_right_logical3A_370 = arith.constant 1 : i32
    %shift_right_logical3A_371 = vector.broadcast %shift_right_logical3A_370 : i32 to vector<16xi32>
    %shift_right_logical3A_372 = arith.shrui %get3A_369, %shift_right_logical3A_371 : vector<16xi32>
    %swap3A_373 = arith.constant 192 : index
    %swap3A_374 = tpu.vector_load %arg18[%swap3A_373] {strides = array<i32>} : memref<208xi32, #tpu.memory_space<vmem>>, vector<16xi32>,
    tpu.vector_store %arg18[%swap3A_373], %shift_right_logical3A_372 {strides = array<i32>} : memref<208xi32, #tpu.memory_space<vmem>>, vector<16xi32>,
    %dma_start3A_375 = arith.constant 0 : i32
    %dma_start3A_376 = arith.constant 0 : i32
    %dma_start3A_377 = tpu.memref_slice %arg30[%dma_start3A_375, %dma_start3A_376] : memref<208x128xf32, #tpu.memory_space<vmem>> -> memref<104x128xf32, #tpu.memory_space<vmem>>
    %dma_start3A_378 = arith.constant 0 : i32
    %dma_start3A_379 = tpu.memref_slice %arg18[%dma_start3A_378] : memref<208xi32, #tpu.memory_space<vmem>> -> memref<104xi32, #tpu.memory_space<vmem>>
    %dma_start3A_380 = arith.constant 0 : i32
    %dma_start3A_381 = arith.constant 0 : i32
    %dma_start3A_382 = tpu.memref_slice %arg6[%dma_start3A_380, %dma_start3A_381] : memref<500000x128xf32, #tpu.memory_space<hbm>> -> memref<500000x128xf32, #tpu.memory_space<hbm>>
    tpu.enqueue_indirect_dma source(%dma_start3A_382 : memref<500000x128xf32, #tpu.memory_space<hbm>>) target(%dma_start3A_377 : memref<104x128xf32, #tpu.memory_space<vmem>>) offsets(%dma_start3A_379 : memref<104xi32, #tpu.memory_space<vmem>>) semaphore(%arg41 : memref<!tpu.dma_semaphore, #tpu.memory_space<semaphore_mem>>)
    %dma_start3A_383 = arith.constant 104 : i32
    %dma_start3A_384 = arith.constant 0 : i32
    %dma_start3A_385 = tpu.memref_slice %arg30[%dma_start3A_383, %dma_start3A_384] : memref<208x128xf32, #tpu.memory_space<vmem>> -> memref<104x128xf32, #tpu.memory_space<vmem>>
    %dma_start3A_386 = arith.constant 104 : i32
    %dma_start3A_387 = tpu.memref_slice %arg18[%dma_start3A_386] : memref<208xi32, #tpu.memory_space<vmem>> -> memref<104xi32, #tpu.memory_space<vmem>>
    %dma_start3A_388 = arith.constant 0 : i32
    %dma_start3A_389 = arith.constant 0 : i32
    %dma_start3A_390 = tpu.memref_slice %arg6[%dma_start3A_388, %dma_start3A_389] : memref<500000x128xf32, #tpu.memory_space<hbm>> -> memref<500000x128xf32, #tpu.memory_space<hbm>>
    tpu.enqueue_indirect_dma source(%dma_start3A_390 : memref<500000x128xf32, #tpu.memory_space<hbm>>) target(%dma_start3A_385 : memref<104x128xf32, #tpu.memory_space<vmem>>) offsets(%dma_start3A_387 : memref<104xi32, #tpu.memory_space<vmem>>) semaphore(%arg41 : memref<!tpu.dma_semaphore, #tpu.memory_space<semaphore_mem>>)
    %mul3A_391 = arith.constant 1000 : i32
    %mul3A_392 = arith.muli %add3A_283, %mul3A_391 : i32
    %dma_start3A_393 = tpu.memref_slice %arg4[%mul3A_392] : memref<4096000xf32, #tpu.memory_space<hbm>> -> memref<1000xf32, #tpu.memory_space<hbm>>
    %dma_start3A_394 = tpu.memref_slice %arg4[%mul3A_392] : memref<4096000xf32, #tpu.memory_space<hbm>> -> memref<1000xf32, #tpu.memory_space<hbm>>
    tpu.enqueue_dma source(%dma_start3A_394 : memref<1000xf32, #tpu.memory_space<hbm>>) target(%arg22 : memref<1000xf32, #tpu.memory_space<vmem>>) target_semaphore(%arg41 : memref<!tpu.dma_semaphore, #tpu.memory_space<semaphore_mem>>)
    %mul3A_395 = arith.constant 64 : i32
    %mul3A_396 = arith.muli %add3A_283, %mul3A_395 : i32
    %dma_start3A_397 = arith.constant 0 : i32
    %dma_start3A_398 = tpu.memref_slice %arg26[%dma_start3A_397] : memref<128xf32, #tpu.memory_space<vmem>> -> memref<64xf32, #tpu.memory_space<vmem>>
    %dma_start3A_399 = tpu.memref_slice %arg5[%mul3A_396] : memref<262144xf32, #tpu.memory_space<hbm>> -> memref<64xf32, #tpu.memory_space<hbm>>
    %dma_start3A_400 = arith.constant 0 : i32
    %dma_start3A_401 = tpu.memref_slice %arg26[%dma_start3A_400] : memref<128xf32, #tpu.memory_space<vmem>> -> memref<64xf32, #tpu.memory_space<vmem>>
    %dma_start3A_402 = tpu.memref_slice %arg5[%mul3A_396] : memref<262144xf32, #tpu.memory_space<hbm>> -> memref<64xf32, #tpu.memory_space<hbm>>
    tpu.enqueue_dma source(%dma_start3A_402 : memref<64xf32, #tpu.memory_space<hbm>>) target(%dma_start3A_401 : memref<64xf32, #tpu.memory_space<vmem>>) target_semaphore(%arg41 : memref<!tpu.dma_semaphore, #tpu.memory_space<semaphore_mem>>)
    %add3A_403 = arith.constant 3 : i32
    %add3A_404 = arith.addi %mul3A_2, %add3A_403 : i32
    %mul3A_405 = arith.constant 200 : i32
    %mul3A_406 = arith.muli %add3A_404, %mul3A_405 : i32
    %dma_start3A_407 = arith.constant 0 : i32
    %dma_start3A_408 = tpu.memref_slice %arg11[%dma_start3A_407] : memref<208xi32, #tpu.memory_space<vmem>> -> memref<200xi32, #tpu.memory_space<vmem>>
    %dma_start3A_409 = tpu.memref_slice %arg2[%mul3A_406] : memref<819200xi32, #tpu.memory_space<hbm>> -> memref<200xi32, #tpu.memory_space<hbm>>
    %dma_start3A_410 = arith.constant 0 : i32
    %dma_start3A_411 = tpu.memref_slice %arg11[%dma_start3A_410] : memref<208xi32, #tpu.memory_space<vmem>> -> memref<200xi32, #tpu.memory_space<vmem>>
    %dma_start3A_412 = tpu.memref_slice %arg2[%mul3A_406] : memref<819200xi32, #tpu.memory_space<hbm>> -> memref<200xi32, #tpu.memory_space<hbm>>
    tpu.enqueue_dma source(%dma_start3A_412 : memref<200xi32, #tpu.memory_space<hbm>>) target(%dma_start3A_411 : memref<200xi32, #tpu.memory_space<vmem>>) target_semaphore(%arg38 : memref<!tpu.dma_semaphore, #tpu.memory_space<semaphore_mem>>)
    %mul3A_413 = arith.constant 200 : i32
    %mul3A_414 = arith.muli %add3A_404, %mul3A_413 : i32
    %dma_start3A_415 = arith.constant 0 : i32
    %dma_start3A_416 = tpu.memref_slice %arg15[%dma_start3A_415] : memref<208xi32, #tpu.memory_space<vmem>> -> memref<200xi32, #tpu.memory_space<vmem>>
    %dma_start3A_417 = tpu.memref_slice %arg3[%mul3A_414] : memref<819200xi32, #tpu.memory_space<hbm>> -> memref<200xi32, #tpu.memory_space<hbm>>
    %dma_start3A_418 = arith.constant 0 : i32
    %dma_start3A_419 = tpu.memref_slice %arg15[%dma_start3A_418] : memref<208xi32, #tpu.memory_space<vmem>> -> memref<200xi32, #tpu.memory_space<vmem>>
    %dma_start3A_420 = tpu.memref_slice %arg3[%mul3A_414] : memref<819200xi32, #tpu.memory_space<hbm>> -> memref<200xi32, #tpu.memory_space<hbm>>
    tpu.enqueue_dma source(%dma_start3A_420 : memref<200xi32, #tpu.memory_space<hbm>>) target(%dma_start3A_419 : memref<200xi32, #tpu.memory_space<vmem>>) target_semaphore(%arg38 : memref<!tpu.dma_semaphore, #tpu.memory_space<semaphore_mem>>)
    %scan3A = arith.constant 0 : i32
    %scan3A_421 = arith.constant 0 : i32
    %scan3A_422 = arith.constant 32 : i32
    %scan3A_423 = arith.addi %scan3A_421, %scan3A_422 : i32
    %scan3A_424 = arith.constant 1 : i32
    scf.for %scan3A_433 = %scan3A_421 to %scan3A_423 step %scan3A_424  : i32 {
      %mul3A_434 = arith.constant 4 : i32
      %mul3A_435 = arith.muli %mul3A_434, %scan3A_433 : i32
      %add3A_436 = arith.constant 0 : i32
      %add3A_437 = arith.addi %mul3A_435, %add3A_436 : i32
      %add3A_438 = arith.constant 3 : i32
      %add3A_439 = arith.addi %add3A_437, %add3A_438 : i32
      %lt3A = arith.constant 128 : i32
      %lt3A_440 = arith.cmpi slt, %add3A_439, %lt3A : i32
      %convert_element_type3A = arith.extui %lt3A_440 : i1 to i32
      %cond3A = arith.constant 0 : i32
      %cond3A_441 = arith.cmpi ne, %convert_element_type3A, %cond3A : i32
      scf.if %cond3A_441 {
        %dma_wait3A_1687 = arith.constant 0 : i32
        %dma_wait3A_1688 = tpu.memref_slice %arg11[%dma_wait3A_1687] : memref<208xi32, #tpu.memory_space<vmem>> -> memref<200xi32, #tpu.memory_space<vmem>>
        %dma_wait3A_1689 = arith.constant 0 : i32
        %dma_wait3A_1690 = tpu.memref_slice %arg2[%dma_wait3A_1689] : memref<819200xi32, #tpu.memory_space<hbm>> -> memref<200xi32, #tpu.memory_space<hbm>>
        %dma_wait3A_1691 = arith.constant 0 : i32
        %dma_wait3A_1692 = tpu.memref_slice %arg11[%dma_wait3A_1691] : memref<208xi32, #tpu.memory_space<vmem>> -> memref<200xi32, #tpu.memory_space<vmem>>
        %dma_wait3A_1693 = arith.constant 0 : i32
        %dma_wait3A_1694 = tpu.memref_slice %arg2[%dma_wait3A_1693] : memref<819200xi32, #tpu.memory_space<hbm>> -> memref<200xi32, #tpu.memory_space<hbm>>
        tpu.wait_dma2 semaphore(%arg38 : memref<!tpu.dma_semaphore, #tpu.memory_space<semaphore_mem>>) src(%dma_wait3A_1694 : memref<200xi32, #tpu.memory_space<hbm>>) dst(%dma_wait3A_1692 : memref<200xi32, #tpu.memory_space<vmem>>)
        %dma_wait3A_1695 = arith.constant 0 : i32
        %dma_wait3A_1696 = tpu.memref_slice %arg15[%dma_wait3A_1695] : memref<208xi32, #tpu.memory_space<vmem>> -> memref<200xi32, #tpu.memory_space<vmem>>
        %dma_wait3A_1697 = arith.constant 0 : i32
        %dma_wait3A_1698 = tpu.memref_slice %arg3[%dma_wait3A_1697] : memref<819200xi32, #tpu.memory_space<hbm>> -> memref<200xi32, #tpu.memory_space<hbm>>
        %dma_wait3A_1699 = arith.constant 0 : i32
        %dma_wait3A_1700 = tpu.memref_slice %arg15[%dma_wait3A_1699] : memref<208xi32, #tpu.memory_space<vmem>> -> memref<200xi32, #tpu.memory_space<vmem>>
        %dma_wait3A_1701 = arith.constant 0 : i32
        %dma_wait3A_1702 = tpu.memref_slice %arg3[%dma_wait3A_1701] : memref<819200xi32, #tpu.memory_space<hbm>> -> memref<200xi32, #tpu.memory_space<hbm>>
        tpu.wait_dma2 semaphore(%arg38 : memref<!tpu.dma_semaphore, #tpu.memory_space<semaphore_mem>>) src(%dma_wait3A_1702 : memref<200xi32, #tpu.memory_space<hbm>>) dst(%dma_wait3A_1700 : memref<200xi32, #tpu.memory_space<vmem>>)
        %add3A_1703 = arith.addi %mul3A_2, %add3A_437 : i32
        %add3A_1704 = arith.constant 3 : i32
        %add3A_1705 = arith.addi %add3A_1703, %add3A_1704 : i32
        %get3A_1706 = arith.constant 0 : index
        %get3A_1707 = tpu.vector_load %arg15[%get3A_1706] {strides = array<i32>} : memref<208xi32, #tpu.memory_space<vmem>>, vector<16xi32>,
        %shift_right_logical3A_1708 = arith.constant 1 : i32
        %shift_right_logical3A_1709 = vector.broadcast %shift_right_logical3A_1708 : i32 to vector<16xi32>
        %shift_right_logical3A_1710 = arith.shrui %get3A_1707, %shift_right_logical3A_1709 : vector<16xi32>
        %swap3A_1711 = arith.constant 0 : index
        %swap3A_1712 = tpu.vector_load %arg19[%swap3A_1711] {strides = array<i32>} : memref<208xi32, #tpu.memory_space<vmem>>, vector<16xi32>,
        tpu.vector_store %arg19[%swap3A_1711], %shift_right_logical3A_1710 {strides = array<i32>} : memref<208xi32, #tpu.memory_space<vmem>>, vector<16xi32>,
        %get3A_1713 = arith.constant 16 : index
        %get3A_1714 = tpu.vector_load %arg15[%get3A_1713] {strides = array<i32>} : memref<208xi32, #tpu.memory_space<vmem>>, vector<16xi32>,
        %shift_right_logical3A_1715 = arith.constant 1 : i32
        %shift_right_logical3A_1716 = vector.broadcast %shift_right_logical3A_1715 : i32 to vector<16xi32>
        %shift_right_logical3A_1717 = arith.shrui %get3A_1714, %shift_right_logical3A_1716 : vector<16xi32>
        %swap3A_1718 = arith.constant 16 : index
        %swap3A_1719 = tpu.vector_load %arg19[%swap3A_1718] {strides = array<i32>} : memref<208xi32, #tpu.memory_space<vmem>>, vector<16xi32>,
        tpu.vector_store %arg19[%swap3A_1718], %shift_right_logical3A_1717 {strides = array<i32>} : memref<208xi32, #tpu.memory_space<vmem>>, vector<16xi32>,
        %get3A_1720 = arith.constant 32 : index
        %get3A_1721 = tpu.vector_load %arg15[%get3A_1720] {strides = array<i32>} : memref<208xi32, #tpu.memory_space<vmem>>, vector<16xi32>,
        %shift_right_logical3A_1722 = arith.constant 1 : i32
        %shift_right_logical3A_1723 = vector.broadcast %shift_right_logical3A_1722 : i32 to vector<16xi32>
        %shift_right_logical3A_1724 = arith.shrui %get3A_1721, %shift_right_logical3A_1723 : vector<16xi32>
        %swap3A_1725 = arith.constant 32 : index
        %swap3A_1726 = tpu.vector_load %arg19[%swap3A_1725] {strides = array<i32>} : memref<208xi32, #tpu.memory_space<vmem>>, vector<16xi32>,
        tpu.vector_store %arg19[%swap3A_1725], %shift_right_logical3A_1724 {strides = array<i32>} : memref<208xi32, #tpu.memory_space<vmem>>, vector<16xi32>,
        %get3A_1727 = arith.constant 48 : index
        %get3A_1728 = tpu.vector_load %arg15[%get3A_1727] {strides = array<i32>} : memref<208xi32, #tpu.memory_space<vmem>>, vector<16xi32>,
        %shift_right_logical3A_1729 = arith.constant 1 : i32
        %shift_right_logical3A_1730 = vector.broadcast %shift_right_logical3A_1729 : i32 to vector<16xi32>
        %shift_right_logical3A_1731 = arith.shrui %get3A_1728, %shift_right_logical3A_1730 : vector<16xi32>
        %swap3A_1732 = arith.constant 48 : index
        %swap3A_1733 = tpu.vector_load %arg19[%swap3A_1732] {strides = array<i32>} : memref<208xi32, #tpu.memory_space<vmem>>, vector<16xi32>,
        tpu.vector_store %arg19[%swap3A_1732], %shift_right_logical3A_1731 {strides = array<i32>} : memref<208xi32, #tpu.memory_space<vmem>>, vector<16xi32>,
        %get3A_1734 = arith.constant 64 : index
        %get3A_1735 = tpu.vector_load %arg15[%get3A_1734] {strides = array<i32>} : memref<208xi32, #tpu.memory_space<vmem>>, vector<16xi32>,
        %shift_right_logical3A_1736 = arith.constant 1 : i32
        %shift_right_logical3A_1737 = vector.broadcast %shift_right_logical3A_1736 : i32 to vector<16xi32>
        %shift_right_logical3A_1738 = arith.shrui %get3A_1735, %shift_right_logical3A_1737 : vector<16xi32>
        %swap3A_1739 = arith.constant 64 : index
        %swap3A_1740 = tpu.vector_load %arg19[%swap3A_1739] {strides = array<i32>} : memref<208xi32, #tpu.memory_space<vmem>>, vector<16xi32>,
        tpu.vector_store %arg19[%swap3A_1739], %shift_right_logical3A_1738 {strides = array<i32>} : memref<208xi32, #tpu.memory_space<vmem>>, vector<16xi32>,
        %get3A_1741 = arith.constant 80 : index
        %get3A_1742 = tpu.vector_load %arg15[%get3A_1741] {strides = array<i32>} : memref<208xi32, #tpu.memory_space<vmem>>, vector<16xi32>,
        %shift_right_logical3A_1743 = arith.constant 1 : i32
        %shift_right_logical3A_1744 = vector.broadcast %shift_right_logical3A_1743 : i32 to vector<16xi32>
        %shift_right_logical3A_1745 = arith.shrui %get3A_1742, %shift_right_logical3A_1744 : vector<16xi32>
        %swap3A_1746 = arith.constant 80 : index
        %swap3A_1747 = tpu.vector_load %arg19[%swap3A_1746] {strides = array<i32>} : memref<208xi32, #tpu.memory_space<vmem>>, vector<16xi32>,
        tpu.vector_store %arg19[%swap3A_1746], %shift_right_logical3A_1745 {strides = array<i32>} : memref<208xi32, #tpu.memory_space<vmem>>, vector<16xi32>,
        %get3A_1748 = arith.constant 96 : index
        %get3A_1749 = tpu.vector_load %arg15[%get3A_1748] {strides = array<i32>} : memref<208xi32, #tpu.memory_space<vmem>>, vector<16xi32>,
        %shift_right_logical3A_1750 = arith.constant 1 : i32
        %shift_right_logical3A_1751 = vector.broadcast %shift_right_logical3A_1750 : i32 to vector<16xi32>
        %shift_right_logical3A_1752 = arith.shrui %get3A_1749, %shift_right_logical3A_1751 : vector<16xi32>
        %swap3A_1753 = arith.constant 96 : index
        %swap3A_1754 = tpu.vector_load %arg19[%swap3A_1753] {strides = array<i32>} : memref<208xi32, #tpu.memory_space<vmem>>, vector<16xi32>,
        tpu.vector_store %arg19[%swap3A_1753], %shift_right_logical3A_1752 {strides = array<i32>} : memref<208xi32, #tpu.memory_space<vmem>>, vector<16xi32>,
        %get3A_1755 = arith.constant 112 : index
        %get3A_1756 = tpu.vector_load %arg15[%get3A_1755] {strides = array<i32>} : memref<208xi32, #tpu.memory_space<vmem>>, vector<16xi32>,
        %shift_right_logical3A_1757 = arith.constant 1 : i32
        %shift_right_logical3A_1758 = vector.broadcast %shift_right_logical3A_1757 : i32 to vector<16xi32>
        %shift_right_logical3A_1759 = arith.shrui %get3A_1756, %shift_right_logical3A_1758 : vector<16xi32>
        %swap3A_1760 = arith.constant 112 : index
        %swap3A_1761 = tpu.vector_load %arg19[%swap3A_1760] {strides = array<i32>} : memref<208xi32, #tpu.memory_space<vmem>>, vector<16xi32>,
        tpu.vector_store %arg19[%swap3A_1760], %shift_right_logical3A_1759 {strides = array<i32>} : memref<208xi32, #tpu.memory_space<vmem>>, vector<16xi32>,
        %get3A_1762 = arith.constant 128 : index
        %get3A_1763 = tpu.vector_load %arg15[%get3A_1762] {strides = array<i32>} : memref<208xi32, #tpu.memory_space<vmem>>, vector<16xi32>,
        %shift_right_logical3A_1764 = arith.constant 1 : i32
        %shift_right_logical3A_1765 = vector.broadcast %shift_right_logical3A_1764 : i32 to vector<16xi32>
        %shift_right_logical3A_1766 = arith.shrui %get3A_1763, %shift_right_logical3A_1765 : vector<16xi32>
        %swap3A_1767 = arith.constant 128 : index
        %swap3A_1768 = tpu.vector_load %arg19[%swap3A_1767] {strides = array<i32>} : memref<208xi32, #tpu.memory_space<vmem>>, vector<16xi32>,
        tpu.vector_store %arg19[%swap3A_1767], %shift_right_logical3A_1766 {strides = array<i32>} : memref<208xi32, #tpu.memory_space<vmem>>, vector<16xi32>,
        %get3A_1769 = arith.constant 144 : index
        %get3A_1770 = tpu.vector_load %arg15[%get3A_1769] {strides = array<i32>} : memref<208xi32, #tpu.memory_space<vmem>>, vector<16xi32>,
        %shift_right_logical3A_1771 = arith.constant 1 : i32
        %shift_right_logical3A_1772 = vector.broadcast %shift_right_logical3A_1771 : i32 to vector<16xi32>
        %shift_right_logical3A_1773 = arith.shrui %get3A_1770, %shift_right_logical3A_1772 : vector<16xi32>
        %swap3A_1774 = arith.constant 144 : index
        %swap3A_1775 = tpu.vector_load %arg19[%swap3A_1774] {strides = array<i32>} : memref<208xi32, #tpu.memory_space<vmem>>, vector<16xi32>,
        tpu.vector_store %arg19[%swap3A_1774], %shift_right_logical3A_1773 {strides = array<i32>} : memref<208xi32, #tpu.memory_space<vmem>>, vector<16xi32>,
        %get3A_1776 = arith.constant 160 : index
        %get3A_1777 = tpu.vector_load %arg15[%get3A_1776] {strides = array<i32>} : memref<208xi32, #tpu.memory_space<vmem>>, vector<16xi32>,
        %shift_right_logical3A_1778 = arith.constant 1 : i32
        %shift_right_logical3A_1779 = vector.broadcast %shift_right_logical3A_1778 : i32 to vector<16xi32>
        %shift_right_logical3A_1780 = arith.shrui %get3A_1777, %shift_right_logical3A_1779 : vector<16xi32>
        %swap3A_1781 = arith.constant 160 : index
        %swap3A_1782 = tpu.vector_load %arg19[%swap3A_1781] {strides = array<i32>} : memref<208xi32, #tpu.memory_space<vmem>>, vector<16xi32>,
        tpu.vector_store %arg19[%swap3A_1781], %shift_right_logical3A_1780 {strides = array<i32>} : memref<208xi32, #tpu.memory_space<vmem>>, vector<16xi32>,
        %get3A_1783 = arith.constant 176 : index
        %get3A_1784 = tpu.vector_load %arg15[%get3A_1783] {strides = array<i32>} : memref<208xi32, #tpu.memory_space<vmem>>, vector<16xi32>,
        %shift_right_logical3A_1785 = arith.constant 1 : i32
        %shift_right_logical3A_1786 = vector.broadcast %shift_right_logical3A_1785 : i32 to vector<16xi32>
        %shift_right_logical3A_1787 = arith.shrui %get3A_1784, %shift_right_logical3A_1786 : vector<16xi32>
        %swap3A_1788 = arith.constant 176 : index
        %swap3A_1789 = tpu.vector_load %arg19[%swap3A_1788] {strides = array<i32>} : memref<208xi32, #tpu.memory_space<vmem>>, vector<16xi32>,
        tpu.vector_store %arg19[%swap3A_1788], %shift_right_logical3A_1787 {strides = array<i32>} : memref<208xi32, #tpu.memory_space<vmem>>, vector<16xi32>,
        %get3A_1790 = arith.constant 192 : index
        %get3A_1791 = tpu.vector_load %arg15[%get3A_1790] {strides = array<i32>} : memref<208xi32, #tpu.memory_space<vmem>>, vector<16xi32>,
        %shift_right_logical3A_1792 = arith.constant 1 : i32
        %shift_right_logical3A_1793 = vector.broadcast %shift_right_logical3A_1792 : i32 to vector<16xi32>
        %shift_right_logical3A_1794 = arith.shrui %get3A_1791, %shift_right_logical3A_1793 : vector<16xi32>
        %swap3A_1795 = arith.constant 192 : index
        %swap3A_1796 = tpu.vector_load %arg19[%swap3A_1795] {strides = array<i32>} : memref<208xi32, #tpu.memory_space<vmem>>, vector<16xi32>,
        tpu.vector_store %arg19[%swap3A_1795], %shift_right_logical3A_1794 {strides = array<i32>} : memref<208xi32, #tpu.memory_space<vmem>>, vector<16xi32>,
        %dma_start3A_1797 = arith.constant 0 : i32
        %dma_start3A_1798 = arith.constant 0 : i32
        %dma_start3A_1799 = tpu.memref_slice %arg31[%dma_start3A_1797, %dma_start3A_1798] : memref<208x128xf32, #tpu.memory_space<vmem>> -> memref<104x128xf32, #tpu.memory_space<vmem>>
        %dma_start3A_1800 = arith.constant 0 : i32
        %dma_start3A_1801 = tpu.memref_slice %arg19[%dma_start3A_1800] : memref<208xi32, #tpu.memory_space<vmem>> -> memref<104xi32, #tpu.memory_space<vmem>>
        %dma_start3A_1802 = arith.constant 0 : i32
        %dma_start3A_1803 = arith.constant 0 : i32
        %dma_start3A_1804 = tpu.memref_slice %arg6[%dma_start3A_1802, %dma_start3A_1803] : memref<500000x128xf32, #tpu.memory_space<hbm>> -> memref<500000x128xf32, #tpu.memory_space<hbm>>
        tpu.enqueue_indirect_dma source(%dma_start3A_1804 : memref<500000x128xf32, #tpu.memory_space<hbm>>) target(%dma_start3A_1799 : memref<104x128xf32, #tpu.memory_space<vmem>>) offsets(%dma_start3A_1801 : memref<104xi32, #tpu.memory_space<vmem>>) semaphore(%arg42 : memref<!tpu.dma_semaphore, #tpu.memory_space<semaphore_mem>>)
        %dma_start3A_1805 = arith.constant 104 : i32
        %dma_start3A_1806 = arith.constant 0 : i32
        %dma_start3A_1807 = tpu.memref_slice %arg31[%dma_start3A_1805, %dma_start3A_1806] : memref<208x128xf32, #tpu.memory_space<vmem>> -> memref<104x128xf32, #tpu.memory_space<vmem>>
        %dma_start3A_1808 = arith.constant 104 : i32
        %dma_start3A_1809 = tpu.memref_slice %arg19[%dma_start3A_1808] : memref<208xi32, #tpu.memory_space<vmem>> -> memref<104xi32, #tpu.memory_space<vmem>>
        %dma_start3A_1810 = arith.constant 0 : i32
        %dma_start3A_1811 = arith.constant 0 : i32
        %dma_start3A_1812 = tpu.memref_slice %arg6[%dma_start3A_1810, %dma_start3A_1811] : memref<500000x128xf32, #tpu.memory_space<hbm>> -> memref<500000x128xf32, #tpu.memory_space<hbm>>
        tpu.enqueue_indirect_dma source(%dma_start3A_1812 : memref<500000x128xf32, #tpu.memory_space<hbm>>) target(%dma_start3A_1807 : memref<104x128xf32, #tpu.memory_space<vmem>>) offsets(%dma_start3A_1809 : memref<104xi32, #tpu.memory_space<vmem>>) semaphore(%arg42 : memref<!tpu.dma_semaphore, #tpu.memory_space<semaphore_mem>>)
        %mul3A_1813 = arith.constant 1000 : i32
        %mul3A_1814 = arith.muli %add3A_1705, %mul3A_1813 : i32
        %dma_start3A_1815 = tpu.memref_slice %arg4[%mul3A_1814] : memref<4096000xf32, #tpu.memory_space<hbm>> -> memref<1000xf32, #tpu.memory_space<hbm>>
        %dma_start3A_1816 = tpu.memref_slice %arg4[%mul3A_1814] : memref<4096000xf32, #tpu.memory_space<hbm>> -> memref<1000xf32, #tpu.memory_space<hbm>>
        tpu.enqueue_dma source(%dma_start3A_1816 : memref<1000xf32, #tpu.memory_space<hbm>>) target(%arg23 : memref<1000xf32, #tpu.memory_space<vmem>>) target_semaphore(%arg42 : memref<!tpu.dma_semaphore, #tpu.memory_space<semaphore_mem>>)
        %mul3A_1817 = arith.constant 64 : i32
        %mul3A_1818 = arith.muli %add3A_1705, %mul3A_1817 : i32
        %dma_start3A_1819 = arith.constant 0 : i32
        %dma_start3A_1820 = tpu.memref_slice %arg27[%dma_start3A_1819] : memref<128xf32, #tpu.memory_space<vmem>> -> memref<64xf32, #tpu.memory_space<vmem>>
        %dma_start3A_1821 = tpu.memref_slice %arg5[%mul3A_1818] : memref<262144xf32, #tpu.memory_space<hbm>> -> memref<64xf32, #tpu.memory_space<hbm>>
        %dma_start3A_1822 = arith.constant 0 : i32
        %dma_start3A_1823 = tpu.memref_slice %arg27[%dma_start3A_1822] : memref<128xf32, #tpu.memory_space<vmem>> -> memref<64xf32, #tpu.memory_space<vmem>>
        %dma_start3A_1824 = tpu.memref_slice %arg5[%mul3A_1818] : memref<262144xf32, #tpu.memory_space<hbm>> -> memref<64xf32, #tpu.memory_space<hbm>>
        tpu.enqueue_dma source(%dma_start3A_1824 : memref<64xf32, #tpu.memory_space<hbm>>) target(%dma_start3A_1823 : memref<64xf32, #tpu.memory_space<vmem>>) target_semaphore(%arg42 : memref<!tpu.dma_semaphore, #tpu.memory_space<semaphore_mem>>)
      } else {
      }
      %dma_wait3A_442 = arith.constant 0 : i32
      %dma_wait3A_443 = arith.constant 0 : i32
      %dma_wait3A_444 = tpu.memref_slice %arg28[%dma_wait3A_442, %dma_wait3A_443] : memref<208x128xf32, #tpu.memory_space<vmem>> -> memref<104x128xf32, #tpu.memory_space<vmem>>
      %dma_wait3A_445 = arith.constant 0 : i32
      %dma_wait3A_446 = tpu.memref_slice %arg16[%dma_wait3A_445] : memref<208xi32, #tpu.memory_space<vmem>> -> memref<104xi32, #tpu.memory_space<vmem>>
      %dma_wait3A_447 = arith.constant 0 : i32
      %dma_wait3A_448 = arith.constant 0 : i32
      %dma_wait3A_449 = tpu.memref_slice %arg6[%dma_wait3A_447, %dma_wait3A_448] : memref<500000x128xf32, #tpu.memory_space<hbm>> -> memref<500000x128xf32, #tpu.memory_space<hbm>>
      tpu.wait_indirect_dma semaphore(%arg39 : memref<!tpu.dma_semaphore, #tpu.memory_space<semaphore_mem>>) src(%dma_wait3A_449 : memref<500000x128xf32, #tpu.memory_space<hbm>>) dst(%dma_wait3A_444 : memref<104x128xf32, #tpu.memory_space<vmem>>)
      %dma_wait3A_450 = arith.constant 104 : i32
      %dma_wait3A_451 = arith.constant 0 : i32
      %dma_wait3A_452 = tpu.memref_slice %arg28[%dma_wait3A_450, %dma_wait3A_451] : memref<208x128xf32, #tpu.memory_space<vmem>> -> memref<104x128xf32, #tpu.memory_space<vmem>>
      %dma_wait3A_453 = arith.constant 104 : i32
      %dma_wait3A_454 = tpu.memref_slice %arg16[%dma_wait3A_453] : memref<208xi32, #tpu.memory_space<vmem>> -> memref<104xi32, #tpu.memory_space<vmem>>
      %dma_wait3A_455 = arith.constant 0 : i32
      %dma_wait3A_456 = arith.constant 0 : i32
      %dma_wait3A_457 = tpu.memref_slice %arg6[%dma_wait3A_455, %dma_wait3A_456] : memref<500000x128xf32, #tpu.memory_space<hbm>> -> memref<500000x128xf32, #tpu.memory_space<hbm>>
      tpu.wait_indirect_dma semaphore(%arg39 : memref<!tpu.dma_semaphore, #tpu.memory_space<semaphore_mem>>) src(%dma_wait3A_457 : memref<500000x128xf32, #tpu.memory_space<hbm>>) dst(%dma_wait3A_452 : memref<104x128xf32, #tpu.memory_space<vmem>>)
      %dma_wait3A_458 = arith.constant 0 : i32
      %dma_wait3A_459 = tpu.memref_slice %arg4[%dma_wait3A_458] : memref<4096000xf32, #tpu.memory_space<hbm>> -> memref<1000xf32, #tpu.memory_space<hbm>>
      %dma_wait3A_460 = arith.constant 0 : i32
      %dma_wait3A_461 = tpu.memref_slice %arg4[%dma_wait3A_460] : memref<4096000xf32, #tpu.memory_space<hbm>> -> memref<1000xf32, #tpu.memory_space<hbm>>
      tpu.wait_dma2 semaphore(%arg39 : memref<!tpu.dma_semaphore, #tpu.memory_space<semaphore_mem>>) src(%dma_wait3A_461 : memref<1000xf32, #tpu.memory_space<hbm>>) dst(%arg20 : memref<1000xf32, #tpu.memory_space<vmem>>)
      %dma_wait3A_462 = arith.constant 0 : i32
      %dma_wait3A_463 = tpu.memref_slice %arg24[%dma_wait3A_462] : memref<128xf32, #tpu.memory_space<vmem>> -> memref<64xf32, #tpu.memory_space<vmem>>
      %dma_wait3A_464 = arith.constant 0 : i32
      %dma_wait3A_465 = tpu.memref_slice %arg5[%dma_wait3A_464] : memref<262144xf32, #tpu.memory_space<hbm>> -> memref<64xf32, #tpu.memory_space<hbm>>
      %dma_wait3A_466 = arith.constant 0 : i32
      %dma_wait3A_467 = tpu.memref_slice %arg24[%dma_wait3A_466] : memref<128xf32, #tpu.memory_space<vmem>> -> memref<64xf32, #tpu.memory_space<vmem>>
      %dma_wait3A_468 = arith.constant 0 : i32
      %dma_wait3A_469 = tpu.memref_slice %arg5[%dma_wait3A_468] : memref<262144xf32, #tpu.memory_space<hbm>> -> memref<64xf32, #tpu.memory_space<hbm>>
      tpu.wait_dma2 semaphore(%arg39 : memref<!tpu.dma_semaphore, #tpu.memory_space<semaphore_mem>>) src(%dma_wait3A_469 : memref<64xf32, #tpu.memory_space<hbm>>) dst(%dma_wait3A_467 : memref<64xf32, #tpu.memory_space<vmem>>)
      %ge3A = arith.constant 2 : i32
      %ge3A_470 = arith.cmpi sge, %add3A_437, %ge3A : i32
      %convert_element_type3A_471 = arith.extui %ge3A_470 : i1 to i32
      %cond3A_472 = arith.constant 0 : i32
      %cond3A_473 = arith.cmpi ne, %convert_element_type3A_471, %cond3A_472 : i32
      scf.if %cond3A_473 {
        %dma_wait3A_1687 = arith.constant 0 : i32
        %dma_wait3A_1688 = tpu.memref_slice %arg7[%dma_wait3A_1687] : memref<851968xf32, #tpu.memory_space<hbm>> -> memref<208xf32, #tpu.memory_space<hbm>>
        %dma_wait3A_1689 = arith.constant 0 : i32
        %dma_wait3A_1690 = tpu.memref_slice %arg7[%dma_wait3A_1689] : memref<851968xf32, #tpu.memory_space<hbm>> -> memref<208xf32, #tpu.memory_space<hbm>>
        tpu.wait_dma2 semaphore(%arg43 : memref<!tpu.dma_semaphore, #tpu.memory_space<semaphore_mem>>) src(%arg32 : memref<208xf32, #tpu.memory_space<vmem>>) dst(%dma_wait3A_1690 : memref<208xf32, #tpu.memory_space<hbm>>)
      } else {
      }
      %add3A_474 = arith.addi %mul3A_2, %add3A_437 : i32
      %add3A_475 = arith.constant 0 : i32
      %add3A_476 = vector.broadcast %add3A_475 : i32 to vector<16xi32>
      %add3A_477 = arith.addi %iota3A, %add3A_476 : vector<16xi32>
      %add3A_478 = arith.constant 16 : i32
      %add3A_479 = vector.broadcast %add3A_478 : i32 to vector<16xi32>
      %add3A_480 = arith.addi %iota3A, %add3A_479 : vector<16xi32>
      %add3A_481 = arith.constant 32 : i32
      %add3A_482 = vector.broadcast %add3A_481 : i32 to vector<16xi32>
      %add3A_483 = arith.addi %iota3A, %add3A_482 : vector<16xi32>
      %add3A_484 = arith.constant 48 : i32
      %add3A_485 = vector.broadcast %add3A_484 : i32 to vector<16xi32>
      %add3A_486 = arith.addi %iota3A, %add3A_485 : vector<16xi32>
      %add3A_487 = arith.constant 64 : i32
      %add3A_488 = vector.broadcast %add3A_487 : i32 to vector<16xi32>
      %add3A_489 = arith.addi %iota3A, %add3A_488 : vector<16xi32>
      %add3A_490 = arith.constant 80 : i32
      %add3A_491 = vector.broadcast %add3A_490 : i32 to vector<16xi32>
      %add3A_492 = arith.addi %iota3A, %add3A_491 : vector<16xi32>
      %add3A_493 = arith.constant 96 : i32
      %add3A_494 = vector.broadcast %add3A_493 : i32 to vector<16xi32>
      %add3A_495 = arith.addi %iota3A, %add3A_494 : vector<16xi32>
      %add3A_496 = arith.constant 112 : i32
      %add3A_497 = vector.broadcast %add3A_496 : i32 to vector<16xi32>
      %add3A_498 = arith.addi %iota3A, %add3A_497 : vector<16xi32>
      %add3A_499 = arith.constant 128 : i32
      %add3A_500 = vector.broadcast %add3A_499 : i32 to vector<16xi32>
      %add3A_501 = arith.addi %iota3A, %add3A_500 : vector<16xi32>
      %add3A_502 = arith.constant 144 : i32
      %add3A_503 = vector.broadcast %add3A_502 : i32 to vector<16xi32>
      %add3A_504 = arith.addi %iota3A, %add3A_503 : vector<16xi32>
      %add3A_505 = arith.constant 160 : i32
      %add3A_506 = vector.broadcast %add3A_505 : i32 to vector<16xi32>
      %add3A_507 = arith.addi %iota3A, %add3A_506 : vector<16xi32>
      %add3A_508 = arith.constant 176 : i32
      %add3A_509 = vector.broadcast %add3A_508 : i32 to vector<16xi32>
      %add3A_510 = arith.addi %iota3A, %add3A_509 : vector<16xi32>
      %add3A_511 = arith.constant 192 : i32
      %add3A_512 = vector.broadcast %add3A_511 : i32 to vector<16xi32>
      %add3A_513 = arith.addi %iota3A, %add3A_512 : vector<16xi32>
      %get3A_514 = arith.constant 0 : index
      %get3A_515 = tpu.vector_load %arg12[%get3A_514] {strides = array<i32>} : memref<208xi32, #tpu.memory_space<vmem>>, vector<16xi32>,
      %and3A = arith.constant 1 : i32
      %and3A_516 = vector.broadcast %and3A : i32 to vector<16xi32>
      %and3A_517 = arith.andi %get3A_515, %and3A_516 : vector<16xi32>
      %shift_left3A = arith.constant 6 : i32
      %shift_left3A_518 = vector.broadcast %shift_left3A : i32 to vector<16xi32>
      %shift_left3A_519 = arith.shli %and3A_517, %shift_left3A_518 : vector<16xi32>
      %get3A_520 = arith.constant 16 : index
      %get3A_521 = tpu.vector_load %arg12[%get3A_520] {strides = array<i32>} : memref<208xi32, #tpu.memory_space<vmem>>, vector<16xi32>,
      %and3A_522 = arith.constant 1 : i32
      %and3A_523 = vector.broadcast %and3A_522 : i32 to vector<16xi32>
      %and3A_524 = arith.andi %get3A_521, %and3A_523 : vector<16xi32>
      %shift_left3A_525 = arith.constant 6 : i32
      %shift_left3A_526 = vector.broadcast %shift_left3A_525 : i32 to vector<16xi32>
      %shift_left3A_527 = arith.shli %and3A_524, %shift_left3A_526 : vector<16xi32>
      %get3A_528 = arith.constant 32 : index
      %get3A_529 = tpu.vector_load %arg12[%get3A_528] {strides = array<i32>} : memref<208xi32, #tpu.memory_space<vmem>>, vector<16xi32>,
      %and3A_530 = arith.constant 1 : i32
      %and3A_531 = vector.broadcast %and3A_530 : i32 to vector<16xi32>
      %and3A_532 = arith.andi %get3A_529, %and3A_531 : vector<16xi32>
      %shift_left3A_533 = arith.constant 6 : i32
      %shift_left3A_534 = vector.broadcast %shift_left3A_533 : i32 to vector<16xi32>
      %shift_left3A_535 = arith.shli %and3A_532, %shift_left3A_534 : vector<16xi32>
      %get3A_536 = arith.constant 48 : index
      %get3A_537 = tpu.vector_load %arg12[%get3A_536] {strides = array<i32>} : memref<208xi32, #tpu.memory_space<vmem>>, vector<16xi32>,
      %and3A_538 = arith.constant 1 : i32
      %and3A_539 = vector.broadcast %and3A_538 : i32 to vector<16xi32>
      %and3A_540 = arith.andi %get3A_537, %and3A_539 : vector<16xi32>
      %shift_left3A_541 = arith.constant 6 : i32
      %shift_left3A_542 = vector.broadcast %shift_left3A_541 : i32 to vector<16xi32>
      %shift_left3A_543 = arith.shli %and3A_540, %shift_left3A_542 : vector<16xi32>
      %get3A_544 = arith.constant 64 : index
      %get3A_545 = tpu.vector_load %arg12[%get3A_544] {strides = array<i32>} : memref<208xi32, #tpu.memory_space<vmem>>, vector<16xi32>,
      %and3A_546 = arith.constant 1 : i32
      %and3A_547 = vector.broadcast %and3A_546 : i32 to vector<16xi32>
      %and3A_548 = arith.andi %get3A_545, %and3A_547 : vector<16xi32>
      %shift_left3A_549 = arith.constant 6 : i32
      %shift_left3A_550 = vector.broadcast %shift_left3A_549 : i32 to vector<16xi32>
      %shift_left3A_551 = arith.shli %and3A_548, %shift_left3A_550 : vector<16xi32>
      %get3A_552 = arith.constant 80 : index
      %get3A_553 = tpu.vector_load %arg12[%get3A_552] {strides = array<i32>} : memref<208xi32, #tpu.memory_space<vmem>>, vector<16xi32>,
      %and3A_554 = arith.constant 1 : i32
      %and3A_555 = vector.broadcast %and3A_554 : i32 to vector<16xi32>
      %and3A_556 = arith.andi %get3A_553, %and3A_555 : vector<16xi32>
      %shift_left3A_557 = arith.constant 6 : i32
      %shift_left3A_558 = vector.broadcast %shift_left3A_557 : i32 to vector<16xi32>
      %shift_left3A_559 = arith.shli %and3A_556, %shift_left3A_558 : vector<16xi32>
      %get3A_560 = arith.constant 96 : index
      %get3A_561 = tpu.vector_load %arg12[%get3A_560] {strides = array<i32>} : memref<208xi32, #tpu.memory_space<vmem>>, vector<16xi32>,
      %and3A_562 = arith.constant 1 : i32
      %and3A_563 = vector.broadcast %and3A_562 : i32 to vector<16xi32>
      %and3A_564 = arith.andi %get3A_561, %and3A_563 : vector<16xi32>
      %shift_left3A_565 = arith.constant 6 : i32
      %shift_left3A_566 = vector.broadcast %shift_left3A_565 : i32 to vector<16xi32>
      %shift_left3A_567 = arith.shli %and3A_564, %shift_left3A_566 : vector<16xi32>
      %get3A_568 = arith.constant 112 : index
      %get3A_569 = tpu.vector_load %arg12[%get3A_568] {strides = array<i32>} : memref<208xi32, #tpu.memory_space<vmem>>, vector<16xi32>,
      %and3A_570 = arith.constant 1 : i32
      %and3A_571 = vector.broadcast %and3A_570 : i32 to vector<16xi32>
      %and3A_572 = arith.andi %get3A_569, %and3A_571 : vector<16xi32>
      %shift_left3A_573 = arith.constant 6 : i32
      %shift_left3A_574 = vector.broadcast %shift_left3A_573 : i32 to vector<16xi32>
      %shift_left3A_575 = arith.shli %and3A_572, %shift_left3A_574 : vector<16xi32>
      %get3A_576 = arith.constant 128 : index
      %get3A_577 = tpu.vector_load %arg12[%get3A_576] {strides = array<i32>} : memref<208xi32, #tpu.memory_space<vmem>>, vector<16xi32>,
      %and3A_578 = arith.constant 1 : i32
      %and3A_579 = vector.broadcast %and3A_578 : i32 to vector<16xi32>
      %and3A_580 = arith.andi %get3A_577, %and3A_579 : vector<16xi32>
      %shift_left3A_581 = arith.constant 6 : i32
      %shift_left3A_582 = vector.broadcast %shift_left3A_581 : i32 to vector<16xi32>
      %shift_left3A_583 = arith.shli %and3A_580, %shift_left3A_582 : vector<16xi32>
      %get3A_584 = arith.constant 144 : index
      %get3A_585 = tpu.vector_load %arg12[%get3A_584] {strides = array<i32>} : memref<208xi32, #tpu.memory_space<vmem>>, vector<16xi32>,
      %and3A_586 = arith.constant 1 : i32
      %and3A_587 = vector.broadcast %and3A_586 : i32 to vector<16xi32>
      %and3A_588 = arith.andi %get3A_585, %and3A_587 : vector<16xi32>
      %shift_left3A_589 = arith.constant 6 : i32
      %shift_left3A_590 = vector.broadcast %shift_left3A_589 : i32 to vector<16xi32>
      %shift_left3A_591 = arith.shli %and3A_588, %shift_left3A_590 : vector<16xi32>
      %get3A_592 = arith.constant 160 : index
      %get3A_593 = tpu.vector_load %arg12[%get3A_592] {strides = array<i32>} : memref<208xi32, #tpu.memory_space<vmem>>, vector<16xi32>,
      %and3A_594 = arith.constant 1 : i32
      %and3A_595 = vector.broadcast %and3A_594 : i32 to vector<16xi32>
      %and3A_596 = arith.andi %get3A_593, %and3A_595 : vector<16xi32>
      %shift_left3A_597 = arith.constant 6 : i32
      %shift_left3A_598 = vector.broadcast %shift_left3A_597 : i32 to vector<16xi32>
      %shift_left3A_599 = arith.shli %and3A_596, %shift_left3A_598 : vector<16xi32>
      %get3A_600 = arith.constant 176 : index
      %get3A_601 = tpu.vector_load %arg12[%get3A_600] {strides = array<i32>} : memref<208xi32, #tpu.memory_space<vmem>>, vector<16xi32>,
      %and3A_602 = arith.constant 1 : i32
      %and3A_603 = vector.broadcast %and3A_602 : i32 to vector<16xi32>
      %and3A_604 = arith.andi %get3A_601, %and3A_603 : vector<16xi32>
      %shift_left3A_605 = arith.constant 6 : i32
      %shift_left3A_606 = vector.broadcast %shift_left3A_605 : i32 to vector<16xi32>
      %shift_left3A_607 = arith.shli %and3A_604, %shift_left3A_606 : vector<16xi32>
      %get3A_608 = arith.constant 192 : index
      %get3A_609 = tpu.vector_load %arg12[%get3A_608] {strides = array<i32>} : memref<208xi32, #tpu.memory_space<vmem>>, vector<16xi32>,
      %and3A_610 = arith.constant 1 : i32
      %and3A_611 = vector.broadcast %and3A_610 : i32 to vector<16xi32>
      %and3A_612 = arith.andi %get3A_609, %and3A_611 : vector<16xi32>
      %shift_left3A_613 = arith.constant 6 : i32
      %shift_left3A_614 = vector.broadcast %shift_left3A_613 : i32 to vector<16xi32>
      %shift_left3A_615 = arith.shli %and3A_612, %shift_left3A_614 : vector<16xi32>
      %scan3A_616 = arith.constant 0 : i32
      %scan3A_617 = arith.constant 0 : i32
      %scan3A_618 = arith.constant 64 : i32
      %scan3A_619 = arith.addi %scan3A_617, %scan3A_618 : i32
      %scan3A_620 = arith.constant 1 : i32
      scf.for %scan3A_1687 = %scan3A_617 to %scan3A_619 step %scan3A_620  : i32 {
        %broadcast_in_dim3A_1688 = vector.broadcast %scan3A_1687 : i32 to vector<16xi32>
        %add3A_1689 = arith.addi %broadcast_in_dim3A_1688, %iota3A : vector<16xi32>
        %and3A_1690 = arith.constant 63 : i32
        %and3A_1691 = vector.broadcast %and3A_1690 : i32 to vector<16xi32>
        %and3A_1692 = arith.andi %add3A_1689, %and3A_1691 : vector<16xi32>
        %gather3A_1693 = tpu.vector_load_idx %arg24[%and3A_1692] : memref<128xf32, #tpu.memory_space<vmem>>[vector<16xi32>], vector<16xf32>,
        %swap3A_1694 = arith.index_cast %scan3A_1687 : i32 to index
        %swap3A_1695 = arith.constant 0 : index
        %swap3A_1696 = tpu.vector_load %arg34[%swap3A_1694, %swap3A_1695] {strides = array<i32>} : memref<64x16xf32, #tpu.memory_space<vmem>>, vector<16xf32>,
        tpu.vector_store %arg34[%swap3A_1694, %swap3A_1695], %gather3A_1693 {strides = array<i32>} : memref<64x16xf32, #tpu.memory_space<vmem>>, vector<16xf32>,
      }
      %scan3A_621 = arith.constant 64 : i32
      %broadcast_in_dim3A_622 = arith.constant 0.000000e+00 : f32
      %broadcast_in_dim3A_623 = vector.broadcast %broadcast_in_dim3A_622 : f32 to vector<16xf32>
      %broadcast_in_dim3A_624 = arith.constant 0.000000e+00 : f32
      %broadcast_in_dim3A_625 = vector.broadcast %broadcast_in_dim3A_624 : f32 to vector<16xf32>
      %broadcast_in_dim3A_626 = arith.constant 0.000000e+00 : f32
      %broadcast_in_dim3A_627 = vector.broadcast %broadcast_in_dim3A_626 : f32 to vector<16xf32>
      %broadcast_in_dim3A_628 = arith.constant 0.000000e+00 : f32
      %broadcast_in_dim3A_629 = vector.broadcast %broadcast_in_dim3A_628 : f32 to vector<16xf32>
      %broadcast_in_dim3A_630 = arith.constant 0.000000e+00 : f32
      %broadcast_in_dim3A_631 = vector.broadcast %broadcast_in_dim3A_630 : f32 to vector<16xf32>
      %broadcast_in_dim3A_632 = arith.constant 0.000000e+00 : f32
      %broadcast_in_dim3A_633 = vector.broadcast %broadcast_in_dim3A_632 : f32 to vector<16xf32>
      %broadcast_in_dim3A_634 = arith.constant 0.000000e+00 : f32
      %broadcast_in_dim3A_635 = vector.broadcast %broadcast_in_dim3A_634 : f32 to vector<16xf32>
      %broadcast_in_dim3A_636 = arith.constant 0.000000e+00 : f32
      %broadcast_in_dim3A_637 = vector.broadcast %broadcast_in_dim3A_636 : f32 to vector<16xf32>
      %broadcast_in_dim3A_638 = arith.constant 0.000000e+00 : f32
      %broadcast_in_dim3A_639 = vector.broadcast %broadcast_in_dim3A_638 : f32 to vector<16xf32>
      %broadcast_in_dim3A_640 = arith.constant 0.000000e+00 : f32
      %broadcast_in_dim3A_641 = vector.broadcast %broadcast_in_dim3A_640 : f32 to vector<16xf32>
      %broadcast_in_dim3A_642 = arith.constant 0.000000e+00 : f32
      %broadcast_in_dim3A_643 = vector.broadcast %broadcast_in_dim3A_642 : f32 to vector<16xf32>
      %broadcast_in_dim3A_644 = arith.constant 0.000000e+00 : f32
      %broadcast_in_dim3A_645 = vector.broadcast %broadcast_in_dim3A_644 : f32 to vector<16xf32>
      %broadcast_in_dim3A_646 = arith.constant 0.000000e+00 : f32
      %broadcast_in_dim3A_647 = vector.broadcast %broadcast_in_dim3A_646 : f32 to vector<16xf32>
      %scan3A_648 = arith.constant 0 : i32
      %scan3A_649 = arith.constant 64 : i32
      %scan3A_650 = arith.addi %scan3A_648, %scan3A_649 : i32
      %scan3A_651 = arith.constant 1 : i32
      %scan3A_652:13 = scf.for %scan3A_1687 = %scan3A_648 to %scan3A_650 step %scan3A_651 iter_args(%scan3A_1688 = %broadcast_in_dim3A_623, %scan3A_1689 = %broadcast_in_dim3A_625, %scan3A_1690 = %broadcast_in_dim3A_627, %scan3A_1691 = %broadcast_in_dim3A_629, %scan3A_1692 = %broadcast_in_dim3A_631, %scan3A_1693 = %broadcast_in_dim3A_633, %scan3A_1694 = %broadcast_in_dim3A_635, %scan3A_1695 = %broadcast_in_dim3A_637, %scan3A_1696 = %broadcast_in_dim3A_639, %scan3A_1697 = %broadcast_in_dim3A_641, %scan3A_1698 = %broadcast_in_dim3A_643, %scan3A_1699 = %broadcast_in_dim3A_645, %scan3A_1700 = %broadcast_in_dim3A_647) -> (vector<16xf32>, vector<16xf32>, vector<16xf32>, vector<16xf32>, vector<16xf32>, vector<16xf32>, vector<16xf32>, vector<16xf32>, vector<16xf32>, vector<16xf32>, vector<16xf32>, vector<16xf32>, vector<16xf32>)  : i32 {
        %broadcast_in_dim3A_1701 = vector.broadcast %scan3A_1687 : i32 to vector<16xi32>
        %add3A_1702 = arith.addi %broadcast_in_dim3A_1701, %iota3A : vector<16xi32>
        %and3A_1703 = arith.constant 63 : i32
        %and3A_1704 = vector.broadcast %and3A_1703 : i32 to vector<16xi32>
        %and3A_1705 = arith.andi %add3A_1702, %and3A_1704 : vector<16xi32>
        %get3A_1706 = arith.index_cast %scan3A_1687 : i32 to index
        %get3A_1707 = arith.constant 0 : index
        %get3A_1708 = tpu.vector_load %arg34[%get3A_1706, %get3A_1707] {strides = array<i32>} : memref<64x16xf32, #tpu.memory_space<vmem>>, vector<16xf32>,
        %add3A_1709 = arith.addi %shift_left3A_519, %and3A_1705 : vector<16xi32>
        %gather3A_1710 = tpu.vector_load_idx %arg28[%add3A_477, %add3A_1709] : memref<208x128xf32, #tpu.memory_space<vmem>>[vector<16xi32>, vector<16xi32>], vector<16xf32>,
        %bitcast3A = vector.bitcast %gather3A_1710 : vector<16xf32> to vector<16xi32>
        %shift_right_logical3A_1711 = arith.constant 16 : i32
        %shift_right_logical3A_1712 = vector.broadcast %shift_right_logical3A_1711 : i32 to vector<16xi32>
        %shift_right_logical3A_1713 = arith.shrui %bitcast3A, %shift_right_logical3A_1712 : vector<16xi32>
        %and3A_1714 = arith.constant 1 : i32
        %and3A_1715 = vector.broadcast %and3A_1714 : i32 to vector<16xi32>
        %and3A_1716 = arith.andi %shift_right_logical3A_1713, %and3A_1715 : vector<16xi32>
        %add3A_1717 = arith.constant 32767 : i32
        %add3A_1718 = vector.broadcast %add3A_1717 : i32 to vector<16xi32>
        %add3A_1719 = arith.addi %bitcast3A, %add3A_1718 : vector<16xi32>
        %add3A_1720 = arith.addi %add3A_1719, %and3A_1716 : vector<16xi32>
        %and3A_1721 = arith.constant -65536 : i32
        %and3A_1722 = vector.broadcast %and3A_1721 : i32 to vector<16xi32>
        %and3A_1723 = arith.andi %add3A_1720, %and3A_1722 : vector<16xi32>
        %bitcast3A_1724 = vector.bitcast %and3A_1723 : vector<16xi32> to vector<16xf32>
        %mul3A_1725 = arith.mulf %bitcast3A_1724, %get3A_1708 : vector<16xf32>
        %add3A_1726 = arith.addf %scan3A_1688, %mul3A_1725 : vector<16xf32>
        %add3A_1727 = arith.addi %shift_left3A_527, %and3A_1705 : vector<16xi32>
        %gather3A_1728 = tpu.vector_load_idx %arg28[%add3A_480, %add3A_1727] : memref<208x128xf32, #tpu.memory_space<vmem>>[vector<16xi32>, vector<16xi32>], vector<16xf32>,
        %bitcast3A_1729 = vector.bitcast %gather3A_1728 : vector<16xf32> to vector<16xi32>
        %shift_right_logical3A_1730 = arith.constant 16 : i32
        %shift_right_logical3A_1731 = vector.broadcast %shift_right_logical3A_1730 : i32 to vector<16xi32>
        %shift_right_logical3A_1732 = arith.shrui %bitcast3A_1729, %shift_right_logical3A_1731 : vector<16xi32>
        %and3A_1733 = arith.constant 1 : i32
        %and3A_1734 = vector.broadcast %and3A_1733 : i32 to vector<16xi32>
        %and3A_1735 = arith.andi %shift_right_logical3A_1732, %and3A_1734 : vector<16xi32>
        %add3A_1736 = arith.constant 32767 : i32
        %add3A_1737 = vector.broadcast %add3A_1736 : i32 to vector<16xi32>
        %add3A_1738 = arith.addi %bitcast3A_1729, %add3A_1737 : vector<16xi32>
        %add3A_1739 = arith.addi %add3A_1738, %and3A_1735 : vector<16xi32>
        %and3A_1740 = arith.constant -65536 : i32
        %and3A_1741 = vector.broadcast %and3A_1740 : i32 to vector<16xi32>
        %and3A_1742 = arith.andi %add3A_1739, %and3A_1741 : vector<16xi32>
        %bitcast3A_1743 = vector.bitcast %and3A_1742 : vector<16xi32> to vector<16xf32>
        %mul3A_1744 = arith.mulf %bitcast3A_1743, %get3A_1708 : vector<16xf32>
        %add3A_1745 = arith.addf %scan3A_1689, %mul3A_1744 : vector<16xf32>
        %add3A_1746 = arith.addi %shift_left3A_535, %and3A_1705 : vector<16xi32>
        %gather3A_1747 = tpu.vector_load_idx %arg28[%add3A_483, %add3A_1746] : memref<208x128xf32, #tpu.memory_space<vmem>>[vector<16xi32>, vector<16xi32>], vector<16xf32>,
        %bitcast3A_1748 = vector.bitcast %gather3A_1747 : vector<16xf32> to vector<16xi32>
        %shift_right_logical3A_1749 = arith.constant 16 : i32
        %shift_right_logical3A_1750 = vector.broadcast %shift_right_logical3A_1749 : i32 to vector<16xi32>
        %shift_right_logical3A_1751 = arith.shrui %bitcast3A_1748, %shift_right_logical3A_1750 : vector<16xi32>
        %and3A_1752 = arith.constant 1 : i32
        %and3A_1753 = vector.broadcast %and3A_1752 : i32 to vector<16xi32>
        %and3A_1754 = arith.andi %shift_right_logical3A_1751, %and3A_1753 : vector<16xi32>
        %add3A_1755 = arith.constant 32767 : i32
        %add3A_1756 = vector.broadcast %add3A_1755 : i32 to vector<16xi32>
        %add3A_1757 = arith.addi %bitcast3A_1748, %add3A_1756 : vector<16xi32>
        %add3A_1758 = arith.addi %add3A_1757, %and3A_1754 : vector<16xi32>
        %and3A_1759 = arith.constant -65536 : i32
        %and3A_1760 = vector.broadcast %and3A_1759 : i32 to vector<16xi32>
        %and3A_1761 = arith.andi %add3A_1758, %and3A_1760 : vector<16xi32>
        %bitcast3A_1762 = vector.bitcast %and3A_1761 : vector<16xi32> to vector<16xf32>
        %mul3A_1763 = arith.mulf %bitcast3A_1762, %get3A_1708 : vector<16xf32>
        %add3A_1764 = arith.addf %scan3A_1690, %mul3A_1763 : vector<16xf32>
        %add3A_1765 = arith.addi %shift_left3A_543, %and3A_1705 : vector<16xi32>
        %gather3A_1766 = tpu.vector_load_idx %arg28[%add3A_486, %add3A_1765] : memref<208x128xf32, #tpu.memory_space<vmem>>[vector<16xi32>, vector<16xi32>], vector<16xf32>,
        %bitcast3A_1767 = vector.bitcast %gather3A_1766 : vector<16xf32> to vector<16xi32>
        %shift_right_logical3A_1768 = arith.constant 16 : i32
        %shift_right_logical3A_1769 = vector.broadcast %shift_right_logical3A_1768 : i32 to vector<16xi32>
        %shift_right_logical3A_1770 = arith.shrui %bitcast3A_1767, %shift_right_logical3A_1769 : vector<16xi32>
        %and3A_1771 = arith.constant 1 : i32
        %and3A_1772 = vector.broadcast %and3A_1771 : i32 to vector<16xi32>
        %and3A_1773 = arith.andi %shift_right_logical3A_1770, %and3A_1772 : vector<16xi32>
        %add3A_1774 = arith.constant 32767 : i32
        %add3A_1775 = vector.broadcast %add3A_1774 : i32 to vector<16xi32>
        %add3A_1776 = arith.addi %bitcast3A_1767, %add3A_1775 : vector<16xi32>
        %add3A_1777 = arith.addi %add3A_1776, %and3A_1773 : vector<16xi32>
        %and3A_1778 = arith.constant -65536 : i32
        %and3A_1779 = vector.broadcast %and3A_1778 : i32 to vector<16xi32>
        %and3A_1780 = arith.andi %add3A_1777, %and3A_1779 : vector<16xi32>
        %bitcast3A_1781 = vector.bitcast %and3A_1780 : vector<16xi32> to vector<16xf32>
        %mul3A_1782 = arith.mulf %bitcast3A_1781, %get3A_1708 : vector<16xf32>
        %add3A_1783 = arith.addf %scan3A_1691, %mul3A_1782 : vector<16xf32>
        %add3A_1784 = arith.addi %shift_left3A_551, %and3A_1705 : vector<16xi32>
        %gather3A_1785 = tpu.vector_load_idx %arg28[%add3A_489, %add3A_1784] : memref<208x128xf32, #tpu.memory_space<vmem>>[vector<16xi32>, vector<16xi32>], vector<16xf32>,
        %bitcast3A_1786 = vector.bitcast %gather3A_1785 : vector<16xf32> to vector<16xi32>
        %shift_right_logical3A_1787 = arith.constant 16 : i32
        %shift_right_logical3A_1788 = vector.broadcast %shift_right_logical3A_1787 : i32 to vector<16xi32>
        %shift_right_logical3A_1789 = arith.shrui %bitcast3A_1786, %shift_right_logical3A_1788 : vector<16xi32>
        %and3A_1790 = arith.constant 1 : i32
        %and3A_1791 = vector.broadcast %and3A_1790 : i32 to vector<16xi32>
        %and3A_1792 = arith.andi %shift_right_logical3A_1789, %and3A_1791 : vector<16xi32>
        %add3A_1793 = arith.constant 32767 : i32
        %add3A_1794 = vector.broadcast %add3A_1793 : i32 to vector<16xi32>
        %add3A_1795 = arith.addi %bitcast3A_1786, %add3A_1794 : vector<16xi32>
        %add3A_1796 = arith.addi %add3A_1795, %and3A_1792 : vector<16xi32>
        %and3A_1797 = arith.constant -65536 : i32
        %and3A_1798 = vector.broadcast %and3A_1797 : i32 to vector<16xi32>
        %and3A_1799 = arith.andi %add3A_1796, %and3A_1798 : vector<16xi32>
        %bitcast3A_1800 = vector.bitcast %and3A_1799 : vector<16xi32> to vector<16xf32>
        %mul3A_1801 = arith.mulf %bitcast3A_1800, %get3A_1708 : vector<16xf32>
        %add3A_1802 = arith.addf %scan3A_1692, %mul3A_1801 : vector<16xf32>
        %add3A_1803 = arith.addi %shift_left3A_559, %and3A_1705 : vector<16xi32>
        %gather3A_1804 = tpu.vector_load_idx %arg28[%add3A_492, %add3A_1803] : memref<208x128xf32, #tpu.memory_space<vmem>>[vector<16xi32>, vector<16xi32>], vector<16xf32>,
        %bitcast3A_1805 = vector.bitcast %gather3A_1804 : vector<16xf32> to vector<16xi32>
        %shift_right_logical3A_1806 = arith.constant 16 : i32
        %shift_right_logical3A_1807 = vector.broadcast %shift_right_logical3A_1806 : i32 to vector<16xi32>
        %shift_right_logical3A_1808 = arith.shrui %bitcast3A_1805, %shift_right_logical3A_1807 : vector<16xi32>
        %and3A_1809 = arith.constant 1 : i32
        %and3A_1810 = vector.broadcast %and3A_1809 : i32 to vector<16xi32>
        %and3A_1811 = arith.andi %shift_right_logical3A_1808, %and3A_1810 : vector<16xi32>
        %add3A_1812 = arith.constant 32767 : i32
        %add3A_1813 = vector.broadcast %add3A_1812 : i32 to vector<16xi32>
        %add3A_1814 = arith.addi %bitcast3A_1805, %add3A_1813 : vector<16xi32>
        %add3A_1815 = arith.addi %add3A_1814, %and3A_1811 : vector<16xi32>
        %and3A_1816 = arith.constant -65536 : i32
        %and3A_1817 = vector.broadcast %and3A_1816 : i32 to vector<16xi32>
        %and3A_1818 = arith.andi %add3A_1815, %and3A_1817 : vector<16xi32>
        %bitcast3A_1819 = vector.bitcast %and3A_1818 : vector<16xi32> to vector<16xf32>
        %mul3A_1820 = arith.mulf %bitcast3A_1819, %get3A_1708 : vector<16xf32>
        %add3A_1821 = arith.addf %scan3A_1693, %mul3A_1820 : vector<16xf32>
        %add3A_1822 = arith.addi %shift_left3A_567, %and3A_1705 : vector<16xi32>
        %gather3A_1823 = tpu.vector_load_idx %arg28[%add3A_495, %add3A_1822] : memref<208x128xf32, #tpu.memory_space<vmem>>[vector<16xi32>, vector<16xi32>], vector<16xf32>,
        %bitcast3A_1824 = vector.bitcast %gather3A_1823 : vector<16xf32> to vector<16xi32>
        %shift_right_logical3A_1825 = arith.constant 16 : i32
        %shift_right_logical3A_1826 = vector.broadcast %shift_right_logical3A_1825 : i32 to vector<16xi32>
        %shift_right_logical3A_1827 = arith.shrui %bitcast3A_1824, %shift_right_logical3A_1826 : vector<16xi32>
        %and3A_1828 = arith.constant 1 : i32
        %and3A_1829 = vector.broadcast %and3A_1828 : i32 to vector<16xi32>
        %and3A_1830 = arith.andi %shift_right_logical3A_1827, %and3A_1829 : vector<16xi32>
        %add3A_1831 = arith.constant 32767 : i32
        %add3A_1832 = vector.broadcast %add3A_1831 : i32 to vector<16xi32>
        %add3A_1833 = arith.addi %bitcast3A_1824, %add3A_1832 : vector<16xi32>
        %add3A_1834 = arith.addi %add3A_1833, %and3A_1830 : vector<16xi32>
        %and3A_1835 = arith.constant -65536 : i32
        %and3A_1836 = vector.broadcast %and3A_1835 : i32 to vector<16xi32>
        %and3A_1837 = arith.andi %add3A_1834, %and3A_1836 : vector<16xi32>
        %bitcast3A_1838 = vector.bitcast %and3A_1837 : vector<16xi32> to vector<16xf32>
        %mul3A_1839 = arith.mulf %bitcast3A_1838, %get3A_1708 : vector<16xf32>
        %add3A_1840 = arith.addf %scan3A_1694, %mul3A_1839 : vector<16xf32>
        %add3A_1841 = arith.addi %shift_left3A_575, %and3A_1705 : vector<16xi32>
        %gather3A_1842 = tpu.vector_load_idx %arg28[%add3A_498, %add3A_1841] : memref<208x128xf32, #tpu.memory_space<vmem>>[vector<16xi32>, vector<16xi32>], vector<16xf32>,
        %bitcast3A_1843 = vector.bitcast %gather3A_1842 : vector<16xf32> to vector<16xi32>
        %shift_right_logical3A_1844 = arith.constant 16 : i32
        %shift_right_logical3A_1845 = vector.broadcast %shift_right_logical3A_1844 : i32 to vector<16xi32>
        %shift_right_logical3A_1846 = arith.shrui %bitcast3A_1843, %shift_right_logical3A_1845 : vector<16xi32>
        %and3A_1847 = arith.constant 1 : i32
        %and3A_1848 = vector.broadcast %and3A_1847 : i32 to vector<16xi32>
        %and3A_1849 = arith.andi %shift_right_logical3A_1846, %and3A_1848 : vector<16xi32>
        %add3A_1850 = arith.constant 32767 : i32
        %add3A_1851 = vector.broadcast %add3A_1850 : i32 to vector<16xi32>
        %add3A_1852 = arith.addi %bitcast3A_1843, %add3A_1851 : vector<16xi32>
        %add3A_1853 = arith.addi %add3A_1852, %and3A_1849 : vector<16xi32>
        %and3A_1854 = arith.constant -65536 : i32
        %and3A_1855 = vector.broadcast %and3A_1854 : i32 to vector<16xi32>
        %and3A_1856 = arith.andi %add3A_1853, %and3A_1855 : vector<16xi32>
        %bitcast3A_1857 = vector.bitcast %and3A_1856 : vector<16xi32> to vector<16xf32>
        %mul3A_1858 = arith.mulf %bitcast3A_1857, %get3A_1708 : vector<16xf32>
        %add3A_1859 = arith.addf %scan3A_1695, %mul3A_1858 : vector<16xf32>
        %add3A_1860 = arith.addi %shift_left3A_583, %and3A_1705 : vector<16xi32>
        %gather3A_1861 = tpu.vector_load_idx %arg28[%add3A_501, %add3A_1860] : memref<208x128xf32, #tpu.memory_space<vmem>>[vector<16xi32>, vector<16xi32>], vector<16xf32>,
        %bitcast3A_1862 = vector.bitcast %gather3A_1861 : vector<16xf32> to vector<16xi32>
        %shift_right_logical3A_1863 = arith.constant 16 : i32
        %shift_right_logical3A_1864 = vector.broadcast %shift_right_logical3A_1863 : i32 to vector<16xi32>
        %shift_right_logical3A_1865 = arith.shrui %bitcast3A_1862, %shift_right_logical3A_1864 : vector<16xi32>
        %and3A_1866 = arith.constant 1 : i32
        %and3A_1867 = vector.broadcast %and3A_1866 : i32 to vector<16xi32>
        %and3A_1868 = arith.andi %shift_right_logical3A_1865, %and3A_1867 : vector<16xi32>
        %add3A_1869 = arith.constant 32767 : i32
        %add3A_1870 = vector.broadcast %add3A_1869 : i32 to vector<16xi32>
        %add3A_1871 = arith.addi %bitcast3A_1862, %add3A_1870 : vector<16xi32>
        %add3A_1872 = arith.addi %add3A_1871, %and3A_1868 : vector<16xi32>
        %and3A_1873 = arith.constant -65536 : i32
        %and3A_1874 = vector.broadcast %and3A_1873 : i32 to vector<16xi32>
        %and3A_1875 = arith.andi %add3A_1872, %and3A_1874 : vector<16xi32>
        %bitcast3A_1876 = vector.bitcast %and3A_1875 : vector<16xi32> to vector<16xf32>
        %mul3A_1877 = arith.mulf %bitcast3A_1876, %get3A_1708 : vector<16xf32>
        %add3A_1878 = arith.addf %scan3A_1696, %mul3A_1877 : vector<16xf32>
        %add3A_1879 = arith.addi %shift_left3A_591, %and3A_1705 : vector<16xi32>
        %gather3A_1880 = tpu.vector_load_idx %arg28[%add3A_504, %add3A_1879] : memref<208x128xf32, #tpu.memory_space<vmem>>[vector<16xi32>, vector<16xi32>], vector<16xf32>,
        %bitcast3A_1881 = vector.bitcast %gather3A_1880 : vector<16xf32> to vector<16xi32>
        %shift_right_logical3A_1882 = arith.constant 16 : i32
        %shift_right_logical3A_1883 = vector.broadcast %shift_right_logical3A_1882 : i32 to vector<16xi32>
        %shift_right_logical3A_1884 = arith.shrui %bitcast3A_1881, %shift_right_logical3A_1883 : vector<16xi32>
        %and3A_1885 = arith.constant 1 : i32
        %and3A_1886 = vector.broadcast %and3A_1885 : i32 to vector<16xi32>
        %and3A_1887 = arith.andi %shift_right_logical3A_1884, %and3A_1886 : vector<16xi32>
        %add3A_1888 = arith.constant 32767 : i32
        %add3A_1889 = vector.broadcast %add3A_1888 : i32 to vector<16xi32>
        %add3A_1890 = arith.addi %bitcast3A_1881, %add3A_1889 : vector<16xi32>
        %add3A_1891 = arith.addi %add3A_1890, %and3A_1887 : vector<16xi32>
        %and3A_1892 = arith.constant -65536 : i32
        %and3A_1893 = vector.broadcast %and3A_1892 : i32 to vector<16xi32>
        %and3A_1894 = arith.andi %add3A_1891, %and3A_1893 : vector<16xi32>
        %bitcast3A_1895 = vector.bitcast %and3A_1894 : vector<16xi32> to vector<16xf32>
        %mul3A_1896 = arith.mulf %bitcast3A_1895, %get3A_1708 : vector<16xf32>
        %add3A_1897 = arith.addf %scan3A_1697, %mul3A_1896 : vector<16xf32>
        %add3A_1898 = arith.addi %shift_left3A_599, %and3A_1705 : vector<16xi32>
        %gather3A_1899 = tpu.vector_load_idx %arg28[%add3A_507, %add3A_1898] : memref<208x128xf32, #tpu.memory_space<vmem>>[vector<16xi32>, vector<16xi32>], vector<16xf32>,
        %bitcast3A_1900 = vector.bitcast %gather3A_1899 : vector<16xf32> to vector<16xi32>
        %shift_right_logical3A_1901 = arith.constant 16 : i32
        %shift_right_logical3A_1902 = vector.broadcast %shift_right_logical3A_1901 : i32 to vector<16xi32>
        %shift_right_logical3A_1903 = arith.shrui %bitcast3A_1900, %shift_right_logical3A_1902 : vector<16xi32>
        %and3A_1904 = arith.constant 1 : i32
        %and3A_1905 = vector.broadcast %and3A_1904 : i32 to vector<16xi32>
        %and3A_1906 = arith.andi %shift_right_logical3A_1903, %and3A_1905 : vector<16xi32>
        %add3A_1907 = arith.constant 32767 : i32
        %add3A_1908 = vector.broadcast %add3A_1907 : i32 to vector<16xi32>
        %add3A_1909 = arith.addi %bitcast3A_1900, %add3A_1908 : vector<16xi32>
        %add3A_1910 = arith.addi %add3A_1909, %and3A_1906 : vector<16xi32>
        %and3A_1911 = arith.constant -65536 : i32
        %and3A_1912 = vector.broadcast %and3A_1911 : i32 to vector<16xi32>
        %and3A_1913 = arith.andi %add3A_1910, %and3A_1912 : vector<16xi32>
        %bitcast3A_1914 = vector.bitcast %and3A_1913 : vector<16xi32> to vector<16xf32>
        %mul3A_1915 = arith.mulf %bitcast3A_1914, %get3A_1708 : vector<16xf32>
        %add3A_1916 = arith.addf %scan3A_1698, %mul3A_1915 : vector<16xf32>
        %add3A_1917 = arith.addi %shift_left3A_607, %and3A_1705 : vector<16xi32>
        %gather3A_1918 = tpu.vector_load_idx %arg28[%add3A_510, %add3A_1917] : memref<208x128xf32, #tpu.memory_space<vmem>>[vector<16xi32>, vector<16xi32>], vector<16xf32>,
        %bitcast3A_1919 = vector.bitcast %gather3A_1918 : vector<16xf32> to vector<16xi32>
        %shift_right_logical3A_1920 = arith.constant 16 : i32
        %shift_right_logical3A_1921 = vector.broadcast %shift_right_logical3A_1920 : i32 to vector<16xi32>
        %shift_right_logical3A_1922 = arith.shrui %bitcast3A_1919, %shift_right_logical3A_1921 : vector<16xi32>
        %and3A_1923 = arith.constant 1 : i32
        %and3A_1924 = vector.broadcast %and3A_1923 : i32 to vector<16xi32>
        %and3A_1925 = arith.andi %shift_right_logical3A_1922, %and3A_1924 : vector<16xi32>
        %add3A_1926 = arith.constant 32767 : i32
        %add3A_1927 = vector.broadcast %add3A_1926 : i32 to vector<16xi32>
        %add3A_1928 = arith.addi %bitcast3A_1919, %add3A_1927 : vector<16xi32>
        %add3A_1929 = arith.addi %add3A_1928, %and3A_1925 : vector<16xi32>
        %and3A_1930 = arith.constant -65536 : i32
        %and3A_1931 = vector.broadcast %and3A_1930 : i32 to vector<16xi32>
        %and3A_1932 = arith.andi %add3A_1929, %and3A_1931 : vector<16xi32>
        %bitcast3A_1933 = vector.bitcast %and3A_1932 : vector<16xi32> to vector<16xf32>
        %mul3A_1934 = arith.mulf %bitcast3A_1933, %get3A_1708 : vector<16xf32>
        %add3A_1935 = arith.addf %scan3A_1699, %mul3A_1934 : vector<16xf32>
        %add3A_1936 = arith.addi %shift_left3A_615, %and3A_1705 : vector<16xi32>
        %gather3A_1937 = tpu.vector_load_idx %arg28[%add3A_513, %add3A_1936] : memref<208x128xf32, #tpu.memory_space<vmem>>[vector<16xi32>, vector<16xi32>], vector<16xf32>,
        %bitcast3A_1938 = vector.bitcast %gather3A_1937 : vector<16xf32> to vector<16xi32>
        %shift_right_logical3A_1939 = arith.constant 16 : i32
        %shift_right_logical3A_1940 = vector.broadcast %shift_right_logical3A_1939 : i32 to vector<16xi32>
        %shift_right_logical3A_1941 = arith.shrui %bitcast3A_1938, %shift_right_logical3A_1940 : vector<16xi32>
        %and3A_1942 = arith.constant 1 : i32
        %and3A_1943 = vector.broadcast %and3A_1942 : i32 to vector<16xi32>
        %and3A_1944 = arith.andi %shift_right_logical3A_1941, %and3A_1943 : vector<16xi32>
        %add3A_1945 = arith.constant 32767 : i32
        %add3A_1946 = vector.broadcast %add3A_1945 : i32 to vector<16xi32>
        %add3A_1947 = arith.addi %bitcast3A_1938, %add3A_1946 : vector<16xi32>
        %add3A_1948 = arith.addi %add3A_1947, %and3A_1944 : vector<16xi32>
        %and3A_1949 = arith.constant -65536 : i32
        %and3A_1950 = vector.broadcast %and3A_1949 : i32 to vector<16xi32>
        %and3A_1951 = arith.andi %add3A_1948, %and3A_1950 : vector<16xi32>
        %bitcast3A_1952 = vector.bitcast %and3A_1951 : vector<16xi32> to vector<16xf32>
        %mul3A_1953 = arith.mulf %bitcast3A_1952, %get3A_1708 : vector<16xf32>
        %add3A_1954 = arith.addf %scan3A_1700, %mul3A_1953 : vector<16xf32>
        scf.yield %add3A_1726, %add3A_1745, %add3A_1764, %add3A_1783, %add3A_1802, %add3A_1821, %add3A_1840, %add3A_1859, %add3A_1878, %add3A_1897, %add3A_1916, %add3A_1935, %add3A_1954 : vector<16xf32>, vector<16xf32>, vector<16xf32>, vector<16xf32>, vector<16xf32>, vector<16xf32>, vector<16xf32>, vector<16xf32>, vector<16xf32>, vector<16xf32>, vector<16xf32>, vector<16xf32>, vector<16xf32>
      }
      %scan3A_653 = arith.constant 64 : i32
      %get3A_654 = arith.constant 0 : index
      %get3A_655 = tpu.vector_load %arg8[%get3A_654] {strides = array<i32>} : memref<208xi32, #tpu.memory_space<vmem>>, vector<16xi32>,
      %gather3A = tpu.vector_load_idx %arg20[%get3A_655] : memref<1000xf32, #tpu.memory_space<vmem>>[vector<16xi32>], vector<16xf32>,
      %add3A_656 = arith.addf %scan3A_652#0, %gather3A : vector<16xf32>
      %swap3A_657 = arith.constant 0 : index
      %swap3A_658 = tpu.vector_load %arg32[%swap3A_657] {strides = array<i32>} : memref<208xf32, #tpu.memory_space<vmem>>, vector<16xf32>,
      tpu.vector_store %arg32[%swap3A_657], %add3A_656 {strides = array<i32>} : memref<208xf32, #tpu.memory_space<vmem>>, vector<16xf32>,
      %get3A_659 = arith.constant 16 : index
      %get3A_660 = tpu.vector_load %arg8[%get3A_659] {strides = array<i32>} : memref<208xi32, #tpu.memory_space<vmem>>, vector<16xi32>,
      %gather3A_661 = tpu.vector_load_idx %arg20[%get3A_660] : memref<1000xf32, #tpu.memory_space<vmem>>[vector<16xi32>], vector<16xf32>,
      %add3A_662 = arith.addf %scan3A_652#1, %gather3A_661 : vector<16xf32>
      %swap3A_663 = arith.constant 16 : index
      %swap3A_664 = tpu.vector_load %arg32[%swap3A_663] {strides = array<i32>} : memref<208xf32, #tpu.memory_space<vmem>>, vector<16xf32>,
      tpu.vector_store %arg32[%swap3A_663], %add3A_662 {strides = array<i32>} : memref<208xf32, #tpu.memory_space<vmem>>, vector<16xf32>,
      %get3A_665 = arith.constant 32 : index
      %get3A_666 = tpu.vector_load %arg8[%get3A_665] {strides = array<i32>} : memref<208xi32, #tpu.memory_space<vmem>>, vector<16xi32>,
      %gather3A_667 = tpu.vector_load_idx %arg20[%get3A_666] : memref<1000xf32, #tpu.memory_space<vmem>>[vector<16xi32>], vector<16xf32>,
      %add3A_668 = arith.addf %scan3A_652#2, %gather3A_667 : vector<16xf32>
      %swap3A_669 = arith.constant 32 : index
      %swap3A_670 = tpu.vector_load %arg32[%swap3A_669] {strides = array<i32>} : memref<208xf32, #tpu.memory_space<vmem>>, vector<16xf32>,
      tpu.vector_store %arg32[%swap3A_669], %add3A_668 {strides = array<i32>} : memref<208xf32, #tpu.memory_space<vmem>>, vector<16xf32>,
      %get3A_671 = arith.constant 48 : index
      %get3A_672 = tpu.vector_load %arg8[%get3A_671] {strides = array<i32>} : memref<208xi32, #tpu.memory_space<vmem>>, vector<16xi32>,
      %gather3A_673 = tpu.vector_load_idx %arg20[%get3A_672] : memref<1000xf32, #tpu.memory_space<vmem>>[vector<16xi32>], vector<16xf32>,
      %add3A_674 = arith.addf %scan3A_652#3, %gather3A_673 : vector<16xf32>
      %swap3A_675 = arith.constant 48 : index
      %swap3A_676 = tpu.vector_load %arg32[%swap3A_675] {strides = array<i32>} : memref<208xf32, #tpu.memory_space<vmem>>, vector<16xf32>,
      tpu.vector_store %arg32[%swap3A_675], %add3A_674 {strides = array<i32>} : memref<208xf32, #tpu.memory_space<vmem>>, vector<16xf32>,
      %get3A_677 = arith.constant 64 : index
      %get3A_678 = tpu.vector_load %arg8[%get3A_677] {strides = array<i32>} : memref<208xi32, #tpu.memory_space<vmem>>, vector<16xi32>,
      %gather3A_679 = tpu.vector_load_idx %arg20[%get3A_678] : memref<1000xf32, #tpu.memory_space<vmem>>[vector<16xi32>], vector<16xf32>,
      %add3A_680 = arith.addf %scan3A_652#4, %gather3A_679 : vector<16xf32>
      %swap3A_681 = arith.constant 64 : index
      %swap3A_682 = tpu.vector_load %arg32[%swap3A_681] {strides = array<i32>} : memref<208xf32, #tpu.memory_space<vmem>>, vector<16xf32>,
      tpu.vector_store %arg32[%swap3A_681], %add3A_680 {strides = array<i32>} : memref<208xf32, #tpu.memory_space<vmem>>, vector<16xf32>,
      %get3A_683 = arith.constant 80 : index
      %get3A_684 = tpu.vector_load %arg8[%get3A_683] {strides = array<i32>} : memref<208xi32, #tpu.memory_space<vmem>>, vector<16xi32>,
      %gather3A_685 = tpu.vector_load_idx %arg20[%get3A_684] : memref<1000xf32, #tpu.memory_space<vmem>>[vector<16xi32>], vector<16xf32>,
      %add3A_686 = arith.addf %scan3A_652#5, %gather3A_685 : vector<16xf32>
      %swap3A_687 = arith.constant 80 : index
      %swap3A_688 = tpu.vector_load %arg32[%swap3A_687] {strides = array<i32>} : memref<208xf32, #tpu.memory_space<vmem>>, vector<16xf32>,
      tpu.vector_store %arg32[%swap3A_687], %add3A_686 {strides = array<i32>} : memref<208xf32, #tpu.memory_space<vmem>>, vector<16xf32>,
      %get3A_689 = arith.constant 96 : index
      %get3A_690 = tpu.vector_load %arg8[%get3A_689] {strides = array<i32>} : memref<208xi32, #tpu.memory_space<vmem>>, vector<16xi32>,
      %gather3A_691 = tpu.vector_load_idx %arg20[%get3A_690] : memref<1000xf32, #tpu.memory_space<vmem>>[vector<16xi32>], vector<16xf32>,
      %add3A_692 = arith.addf %scan3A_652#6, %gather3A_691 : vector<16xf32>
      %swap3A_693 = arith.constant 96 : index
      %swap3A_694 = tpu.vector_load %arg32[%swap3A_693] {strides = array<i32>} : memref<208xf32, #tpu.memory_space<vmem>>, vector<16xf32>,
      tpu.vector_store %arg32[%swap3A_693], %add3A_692 {strides = array<i32>} : memref<208xf32, #tpu.memory_space<vmem>>, vector<16xf32>,
      %get3A_695 = arith.constant 112 : index
      %get3A_696 = tpu.vector_load %arg8[%get3A_695] {strides = array<i32>} : memref<208xi32, #tpu.memory_space<vmem>>, vector<16xi32>,
      %gather3A_697 = tpu.vector_load_idx %arg20[%get3A_696] : memref<1000xf32, #tpu.memory_space<vmem>>[vector<16xi32>], vector<16xf32>,
      %add3A_698 = arith.addf %scan3A_652#7, %gather3A_697 : vector<16xf32>
      %swap3A_699 = arith.constant 112 : index
      %swap3A_700 = tpu.vector_load %arg32[%swap3A_699] {strides = array<i32>} : memref<208xf32, #tpu.memory_space<vmem>>, vector<16xf32>,
      tpu.vector_store %arg32[%swap3A_699], %add3A_698 {strides = array<i32>} : memref<208xf32, #tpu.memory_space<vmem>>, vector<16xf32>,
      %get3A_701 = arith.constant 128 : index
      %get3A_702 = tpu.vector_load %arg8[%get3A_701] {strides = array<i32>} : memref<208xi32, #tpu.memory_space<vmem>>, vector<16xi32>,
      %gather3A_703 = tpu.vector_load_idx %arg20[%get3A_702] : memref<1000xf32, #tpu.memory_space<vmem>>[vector<16xi32>], vector<16xf32>,
      %add3A_704 = arith.addf %scan3A_652#8, %gather3A_703 : vector<16xf32>
      %swap3A_705 = arith.constant 128 : index
      %swap3A_706 = tpu.vector_load %arg32[%swap3A_705] {strides = array<i32>} : memref<208xf32, #tpu.memory_space<vmem>>, vector<16xf32>,
      tpu.vector_store %arg32[%swap3A_705], %add3A_704 {strides = array<i32>} : memref<208xf32, #tpu.memory_space<vmem>>, vector<16xf32>,
      %get3A_707 = arith.constant 144 : index
      %get3A_708 = tpu.vector_load %arg8[%get3A_707] {strides = array<i32>} : memref<208xi32, #tpu.memory_space<vmem>>, vector<16xi32>,
      %gather3A_709 = tpu.vector_load_idx %arg20[%get3A_708] : memref<1000xf32, #tpu.memory_space<vmem>>[vector<16xi32>], vector<16xf32>,
      %add3A_710 = arith.addf %scan3A_652#9, %gather3A_709 : vector<16xf32>
      %swap3A_711 = arith.constant 144 : index
      %swap3A_712 = tpu.vector_load %arg32[%swap3A_711] {strides = array<i32>} : memref<208xf32, #tpu.memory_space<vmem>>, vector<16xf32>,
      tpu.vector_store %arg32[%swap3A_711], %add3A_710 {strides = array<i32>} : memref<208xf32, #tpu.memory_space<vmem>>, vector<16xf32>,
      %get3A_713 = arith.constant 160 : index
      %get3A_714 = tpu.vector_load %arg8[%get3A_713] {strides = array<i32>} : memref<208xi32, #tpu.memory_space<vmem>>, vector<16xi32>,
      %gather3A_715 = tpu.vector_load_idx %arg20[%get3A_714] : memref<1000xf32, #tpu.memory_space<vmem>>[vector<16xi32>], vector<16xf32>,
      %add3A_716 = arith.addf %scan3A_652#10, %gather3A_715 : vector<16xf32>
      %swap3A_717 = arith.constant 160 : index
      %swap3A_718 = tpu.vector_load %arg32[%swap3A_717] {strides = array<i32>} : memref<208xf32, #tpu.memory_space<vmem>>, vector<16xf32>,
      tpu.vector_store %arg32[%swap3A_717], %add3A_716 {strides = array<i32>} : memref<208xf32, #tpu.memory_space<vmem>>, vector<16xf32>,
      %get3A_719 = arith.constant 176 : index
      %get3A_720 = tpu.vector_load %arg8[%get3A_719] {strides = array<i32>} : memref<208xi32, #tpu.memory_space<vmem>>, vector<16xi32>,
      %gather3A_721 = tpu.vector_load_idx %arg20[%get3A_720] : memref<1000xf32, #tpu.memory_space<vmem>>[vector<16xi32>], vector<16xf32>,
      %add3A_722 = arith.addf %scan3A_652#11, %gather3A_721 : vector<16xf32>
      %swap3A_723 = arith.constant 176 : index
      %swap3A_724 = tpu.vector_load %arg32[%swap3A_723] {strides = array<i32>} : memref<208xf32, #tpu.memory_space<vmem>>, vector<16xf32>,
      tpu.vector_store %arg32[%swap3A_723], %add3A_722 {strides = array<i32>} : memref<208xf32, #tpu.memory_space<vmem>>, vector<16xf32>,
      %get3A_725 = arith.constant 192 : index
      %get3A_726 = tpu.vector_load %arg8[%get3A_725] {strides = array<i32>} : memref<208xi32, #tpu.memory_space<vmem>>, vector<16xi32>,
      %gather3A_727 = tpu.vector_load_idx %arg20[%get3A_726] : memref<1000xf32, #tpu.memory_space<vmem>>[vector<16xi32>], vector<16xf32>,
      %add3A_728 = arith.addf %scan3A_652#12, %gather3A_727 : vector<16xf32>
      %swap3A_729 = arith.constant 192 : index
      %swap3A_730 = tpu.vector_load %arg32[%swap3A_729] {strides = array<i32>} : memref<208xf32, #tpu.memory_space<vmem>>, vector<16xf32>,
      tpu.vector_store %arg32[%swap3A_729], %add3A_728 {strides = array<i32>} : memref<208xf32, #tpu.memory_space<vmem>>, vector<16xf32>,
      %mul3A_731 = arith.constant 208 : i32
      %mul3A_732 = arith.muli %add3A_474, %mul3A_731 : i32
      %dma_start3A_733 = tpu.memref_slice %arg7[%mul3A_732] : memref<851968xf32, #tpu.memory_space<hbm>> -> memref<208xf32, #tpu.memory_space<hbm>>
      %dma_start3A_734 = tpu.memref_slice %arg7[%mul3A_732] : memref<851968xf32, #tpu.memory_space<hbm>> -> memref<208xf32, #tpu.memory_space<hbm>>
      tpu.enqueue_dma source(%arg32 : memref<208xf32, #tpu.memory_space<vmem>>) target(%dma_start3A_734 : memref<208xf32, #tpu.memory_space<hbm>>) target_semaphore(%arg43 : memref<!tpu.dma_semaphore, #tpu.memory_space<semaphore_mem>>)
      %add3A_735 = arith.constant 4 : i32
      %add3A_736 = arith.addi %add3A_437, %add3A_735 : i32
      %lt3A_737 = arith.constant 128 : i32
      %lt3A_738 = arith.cmpi slt, %add3A_736, %lt3A_737 : i32
      %convert_element_type3A_739 = arith.extui %lt3A_738 : i1 to i32
      %cond3A_740 = arith.constant 0 : i32
      %cond3A_741 = arith.cmpi ne, %convert_element_type3A_739, %cond3A_740 : i32
      scf.if %cond3A_741 {
        %add3A_1687 = arith.addi %mul3A_2, %add3A_437 : i32
        %add3A_1688 = arith.constant 4 : i32
        %add3A_1689 = arith.addi %add3A_1687, %add3A_1688 : i32
        %mul3A_1690 = arith.constant 200 : i32
        %mul3A_1691 = arith.muli %add3A_1689, %mul3A_1690 : i32
        %dma_start3A_1692 = arith.constant 0 : i32
        %dma_start3A_1693 = tpu.memref_slice %arg8[%dma_start3A_1692] : memref<208xi32, #tpu.memory_space<vmem>> -> memref<200xi32, #tpu.memory_space<vmem>>
        %dma_start3A_1694 = tpu.memref_slice %arg2[%mul3A_1691] : memref<819200xi32, #tpu.memory_space<hbm>> -> memref<200xi32, #tpu.memory_space<hbm>>
        %dma_start3A_1695 = arith.constant 0 : i32
        %dma_start3A_1696 = tpu.memref_slice %arg8[%dma_start3A_1695] : memref<208xi32, #tpu.memory_space<vmem>> -> memref<200xi32, #tpu.memory_space<vmem>>
        %dma_start3A_1697 = tpu.memref_slice %arg2[%mul3A_1691] : memref<819200xi32, #tpu.memory_space<hbm>> -> memref<200xi32, #tpu.memory_space<hbm>>
        tpu.enqueue_dma source(%dma_start3A_1697 : memref<200xi32, #tpu.memory_space<hbm>>) target(%dma_start3A_1696 : memref<200xi32, #tpu.memory_space<vmem>>) target_semaphore(%arg35 : memref<!tpu.dma_semaphore, #tpu.memory_space<semaphore_mem>>)
        %mul3A_1698 = arith.constant 200 : i32
        %mul3A_1699 = arith.muli %add3A_1689, %mul3A_1698 : i32
        %dma_start3A_1700 = arith.constant 0 : i32
        %dma_start3A_1701 = tpu.memref_slice %arg12[%dma_start3A_1700] : memref<208xi32, #tpu.memory_space<vmem>> -> memref<200xi32, #tpu.memory_space<vmem>>
        %dma_start3A_1702 = tpu.memref_slice %arg3[%mul3A_1699] : memref<819200xi32, #tpu.memory_space<hbm>> -> memref<200xi32, #tpu.memory_space<hbm>>
        %dma_start3A_1703 = arith.constant 0 : i32
        %dma_start3A_1704 = tpu.memref_slice %arg12[%dma_start3A_1703] : memref<208xi32, #tpu.memory_space<vmem>> -> memref<200xi32, #tpu.memory_space<vmem>>
        %dma_start3A_1705 = tpu.memref_slice %arg3[%mul3A_1699] : memref<819200xi32, #tpu.memory_space<hbm>> -> memref<200xi32, #tpu.memory_space<hbm>>
        tpu.enqueue_dma source(%dma_start3A_1705 : memref<200xi32, #tpu.memory_space<hbm>>) target(%dma_start3A_1704 : memref<200xi32, #tpu.memory_space<vmem>>) target_semaphore(%arg35 : memref<!tpu.dma_semaphore, #tpu.memory_space<semaphore_mem>>)
      } else {
      }
      %mul3A_742 = arith.constant 4 : i32
      %mul3A_743 = arith.muli %mul3A_742, %scan3A_433 : i32
      %add3A_744 = arith.constant 1 : i32
      %add3A_745 = arith.addi %mul3A_743, %add3A_744 : i32
      %add3A_746 = arith.constant 3 : i32
      %add3A_747 = arith.addi %add3A_745, %add3A_746 : i32
      %lt3A_748 = arith.constant 128 : i32
      %lt3A_749 = arith.cmpi slt, %add3A_747, %lt3A_748 : i32
      %convert_element_type3A_750 = arith.extui %lt3A_749 : i1 to i32
      %cond3A_751 = arith.constant 0 : i32
      %cond3A_752 = arith.cmpi ne, %convert_element_type3A_750, %cond3A_751 : i32
      scf.if %cond3A_752 {
        %dma_wait3A_1687 = arith.constant 0 : i32
        %dma_wait3A_1688 = tpu.memref_slice %arg8[%dma_wait3A_1687] : memref<208xi32, #tpu.memory_space<vmem>> -> memref<200xi32, #tpu.memory_space<vmem>>
        %dma_wait3A_1689 = arith.constant 0 : i32
        %dma_wait3A_1690 = tpu.memref_slice %arg2[%dma_wait3A_1689] : memref<819200xi32, #tpu.memory_space<hbm>> -> memref<200xi32, #tpu.memory_space<hbm>>
        %dma_wait3A_1691 = arith.constant 0 : i32
        %dma_wait3A_1692 = tpu.memref_slice %arg8[%dma_wait3A_1691] : memref<208xi32, #tpu.memory_space<vmem>> -> memref<200xi32, #tpu.memory_space<vmem>>
        %dma_wait3A_1693 = arith.constant 0 : i32
        %dma_wait3A_1694 = tpu.memref_slice %arg2[%dma_wait3A_1693] : memref<819200xi32, #tpu.memory_space<hbm>> -> memref<200xi32, #tpu.memory_space<hbm>>
        tpu.wait_dma2 semaphore(%arg35 : memref<!tpu.dma_semaphore, #tpu.memory_space<semaphore_mem>>) src(%dma_wait3A_1694 : memref<200xi32, #tpu.memory_space<hbm>>) dst(%dma_wait3A_1692 : memref<200xi32, #tpu.memory_space<vmem>>)
        %dma_wait3A_1695 = arith.constant 0 : i32
        %dma_wait3A_1696 = tpu.memref_slice %arg12[%dma_wait3A_1695] : memref<208xi32, #tpu.memory_space<vmem>> -> memref<200xi32, #tpu.memory_space<vmem>>
        %dma_wait3A_1697 = arith.constant 0 : i32
        %dma_wait3A_1698 = tpu.memref_slice %arg3[%dma_wait3A_1697] : memref<819200xi32, #tpu.memory_space<hbm>> -> memref<200xi32, #tpu.memory_space<hbm>>
        %dma_wait3A_1699 = arith.constant 0 : i32
        %dma_wait3A_1700 = tpu.memref_slice %arg12[%dma_wait3A_1699] : memref<208xi32, #tpu.memory_space<vmem>> -> memref<200xi32, #tpu.memory_space<vmem>>
        %dma_wait3A_1701 = arith.constant 0 : i32
        %dma_wait3A_1702 = tpu.memref_slice %arg3[%dma_wait3A_1701] : memref<819200xi32, #tpu.memory_space<hbm>> -> memref<200xi32, #tpu.memory_space<hbm>>
        tpu.wait_dma2 semaphore(%arg35 : memref<!tpu.dma_semaphore, #tpu.memory_space<semaphore_mem>>) src(%dma_wait3A_1702 : memref<200xi32, #tpu.memory_space<hbm>>) dst(%dma_wait3A_1700 : memref<200xi32, #tpu.memory_space<vmem>>)
        %add3A_1703 = arith.addi %mul3A_2, %add3A_745 : i32
        %add3A_1704 = arith.constant 3 : i32
        %add3A_1705 = arith.addi %add3A_1703, %add3A_1704 : i32
        %get3A_1706 = arith.constant 0 : index
        %get3A_1707 = tpu.vector_load %arg12[%get3A_1706] {strides = array<i32>} : memref<208xi32, #tpu.memory_space<vmem>>, vector<16xi32>,
        %shift_right_logical3A_1708 = arith.constant 1 : i32
        %shift_right_logical3A_1709 = vector.broadcast %shift_right_logical3A_1708 : i32 to vector<16xi32>
        %shift_right_logical3A_1710 = arith.shrui %get3A_1707, %shift_right_logical3A_1709 : vector<16xi32>
        %swap3A_1711 = arith.constant 0 : index
        %swap3A_1712 = tpu.vector_load %arg16[%swap3A_1711] {strides = array<i32>} : memref<208xi32, #tpu.memory_space<vmem>>, vector<16xi32>,
        tpu.vector_store %arg16[%swap3A_1711], %shift_right_logical3A_1710 {strides = array<i32>} : memref<208xi32, #tpu.memory_space<vmem>>, vector<16xi32>,
        %get3A_1713 = arith.constant 16 : index
        %get3A_1714 = tpu.vector_load %arg12[%get3A_1713] {strides = array<i32>} : memref<208xi32, #tpu.memory_space<vmem>>, vector<16xi32>,
        %shift_right_logical3A_1715 = arith.constant 1 : i32
        %shift_right_logical3A_1716 = vector.broadcast %shift_right_logical3A_1715 : i32 to vector<16xi32>
        %shift_right_logical3A_1717 = arith.shrui %get3A_1714, %shift_right_logical3A_1716 : vector<16xi32>
        %swap3A_1718 = arith.constant 16 : index
        %swap3A_1719 = tpu.vector_load %arg16[%swap3A_1718] {strides = array<i32>} : memref<208xi32, #tpu.memory_space<vmem>>, vector<16xi32>,
        tpu.vector_store %arg16[%swap3A_1718], %shift_right_logical3A_1717 {strides = array<i32>} : memref<208xi32, #tpu.memory_space<vmem>>, vector<16xi32>,
        %get3A_1720 = arith.constant 32 : index
        %get3A_1721 = tpu.vector_load %arg12[%get3A_1720] {strides = array<i32>} : memref<208xi32, #tpu.memory_space<vmem>>, vector<16xi32>,
        %shift_right_logical3A_1722 = arith.constant 1 : i32
        %shift_right_logical3A_1723 = vector.broadcast %shift_right_logical3A_1722 : i32 to vector<16xi32>
        %shift_right_logical3A_1724 = arith.shrui %get3A_1721, %shift_right_logical3A_1723 : vector<16xi32>
        %swap3A_1725 = arith.constant 32 : index
        %swap3A_1726 = tpu.vector_load %arg16[%swap3A_1725] {strides = array<i32>} : memref<208xi32, #tpu.memory_space<vmem>>, vector<16xi32>,
        tpu.vector_store %arg16[%swap3A_1725], %shift_right_logical3A_1724 {strides = array<i32>} : memref<208xi32, #tpu.memory_space<vmem>>, vector<16xi32>,
        %get3A_1727 = arith.constant 48 : index
        %get3A_1728 = tpu.vector_load %arg12[%get3A_1727] {strides = array<i32>} : memref<208xi32, #tpu.memory_space<vmem>>, vector<16xi32>,
        %shift_right_logical3A_1729 = arith.constant 1 : i32
        %shift_right_logical3A_1730 = vector.broadcast %shift_right_logical3A_1729 : i32 to vector<16xi32>
        %shift_right_logical3A_1731 = arith.shrui %get3A_1728, %shift_right_logical3A_1730 : vector<16xi32>
        %swap3A_1732 = arith.constant 48 : index
        %swap3A_1733 = tpu.vector_load %arg16[%swap3A_1732] {strides = array<i32>} : memref<208xi32, #tpu.memory_space<vmem>>, vector<16xi32>,
        tpu.vector_store %arg16[%swap3A_1732], %shift_right_logical3A_1731 {strides = array<i32>} : memref<208xi32, #tpu.memory_space<vmem>>, vector<16xi32>,
        %get3A_1734 = arith.constant 64 : index
        %get3A_1735 = tpu.vector_load %arg12[%get3A_1734] {strides = array<i32>} : memref<208xi32, #tpu.memory_space<vmem>>, vector<16xi32>,
        %shift_right_logical3A_1736 = arith.constant 1 : i32
        %shift_right_logical3A_1737 = vector.broadcast %shift_right_logical3A_1736 : i32 to vector<16xi32>
        %shift_right_logical3A_1738 = arith.shrui %get3A_1735, %shift_right_logical3A_1737 : vector<16xi32>
        %swap3A_1739 = arith.constant 64 : index
        %swap3A_1740 = tpu.vector_load %arg16[%swap3A_1739] {strides = array<i32>} : memref<208xi32, #tpu.memory_space<vmem>>, vector<16xi32>,
        tpu.vector_store %arg16[%swap3A_1739], %shift_right_logical3A_1738 {strides = array<i32>} : memref<208xi32, #tpu.memory_space<vmem>>, vector<16xi32>,
        %get3A_1741 = arith.constant 80 : index
        %get3A_1742 = tpu.vector_load %arg12[%get3A_1741] {strides = array<i32>} : memref<208xi32, #tpu.memory_space<vmem>>, vector<16xi32>,
        %shift_right_logical3A_1743 = arith.constant 1 : i32
        %shift_right_logical3A_1744 = vector.broadcast %shift_right_logical3A_1743 : i32 to vector<16xi32>
        %shift_right_logical3A_1745 = arith.shrui %get3A_1742, %shift_right_logical3A_1744 : vector<16xi32>
        %swap3A_1746 = arith.constant 80 : index
        %swap3A_1747 = tpu.vector_load %arg16[%swap3A_1746] {strides = array<i32>} : memref<208xi32, #tpu.memory_space<vmem>>, vector<16xi32>,
        tpu.vector_store %arg16[%swap3A_1746], %shift_right_logical3A_1745 {strides = array<i32>} : memref<208xi32, #tpu.memory_space<vmem>>, vector<16xi32>,
        %get3A_1748 = arith.constant 96 : index
        %get3A_1749 = tpu.vector_load %arg12[%get3A_1748] {strides = array<i32>} : memref<208xi32, #tpu.memory_space<vmem>>, vector<16xi32>,
        %shift_right_logical3A_1750 = arith.constant 1 : i32
        %shift_right_logical3A_1751 = vector.broadcast %shift_right_logical3A_1750 : i32 to vector<16xi32>
        %shift_right_logical3A_1752 = arith.shrui %get3A_1749, %shift_right_logical3A_1751 : vector<16xi32>
        %swap3A_1753 = arith.constant 96 : index
        %swap3A_1754 = tpu.vector_load %arg16[%swap3A_1753] {strides = array<i32>} : memref<208xi32, #tpu.memory_space<vmem>>, vector<16xi32>,
        tpu.vector_store %arg16[%swap3A_1753], %shift_right_logical3A_1752 {strides = array<i32>} : memref<208xi32, #tpu.memory_space<vmem>>, vector<16xi32>,
        %get3A_1755 = arith.constant 112 : index
        %get3A_1756 = tpu.vector_load %arg12[%get3A_1755] {strides = array<i32>} : memref<208xi32, #tpu.memory_space<vmem>>, vector<16xi32>,
        %shift_right_logical3A_1757 = arith.constant 1 : i32
        %shift_right_logical3A_1758 = vector.broadcast %shift_right_logical3A_1757 : i32 to vector<16xi32>
        %shift_right_logical3A_1759 = arith.shrui %get3A_1756, %shift_right_logical3A_1758 : vector<16xi32>
        %swap3A_1760 = arith.constant 112 : index
        %swap3A_1761 = tpu.vector_load %arg16[%swap3A_1760] {strides = array<i32>} : memref<208xi32, #tpu.memory_space<vmem>>, vector<16xi32>,
        tpu.vector_store %arg16[%swap3A_1760], %shift_right_logical3A_1759 {strides = array<i32>} : memref<208xi32, #tpu.memory_space<vmem>>, vector<16xi32>,
        %get3A_1762 = arith.constant 128 : index
        %get3A_1763 = tpu.vector_load %arg12[%get3A_1762] {strides = array<i32>} : memref<208xi32, #tpu.memory_space<vmem>>, vector<16xi32>,
        %shift_right_logical3A_1764 = arith.constant 1 : i32
        %shift_right_logical3A_1765 = vector.broadcast %shift_right_logical3A_1764 : i32 to vector<16xi32>
        %shift_right_logical3A_1766 = arith.shrui %get3A_1763, %shift_right_logical3A_1765 : vector<16xi32>
        %swap3A_1767 = arith.constant 128 : index
        %swap3A_1768 = tpu.vector_load %arg16[%swap3A_1767] {strides = array<i32>} : memref<208xi32, #tpu.memory_space<vmem>>, vector<16xi32>,
        tpu.vector_store %arg16[%swap3A_1767], %shift_right_logical3A_1766 {strides = array<i32>} : memref<208xi32, #tpu.memory_space<vmem>>, vector<16xi32>,
        %get3A_1769 = arith.constant 144 : index
        %get3A_1770 = tpu.vector_load %arg12[%get3A_1769] {strides = array<i32>} : memref<208xi32, #tpu.memory_space<vmem>>, vector<16xi32>,
        %shift_right_logical3A_1771 = arith.constant 1 : i32
        %shift_right_logical3A_1772 = vector.broadcast %shift_right_logical3A_1771 : i32 to vector<16xi32>
        %shift_right_logical3A_1773 = arith.shrui %get3A_1770, %shift_right_logical3A_1772 : vector<16xi32>
        %swap3A_1774 = arith.constant 144 : index
        %swap3A_1775 = tpu.vector_load %arg16[%swap3A_1774] {strides = array<i32>} : memref<208xi32, #tpu.memory_space<vmem>>, vector<16xi32>,
        tpu.vector_store %arg16[%swap3A_1774], %shift_right_logical3A_1773 {strides = array<i32>} : memref<208xi32, #tpu.memory_space<vmem>>, vector<16xi32>,
        %get3A_1776 = arith.constant 160 : index
        %get3A_1777 = tpu.vector_load %arg12[%get3A_1776] {strides = array<i32>} : memref<208xi32, #tpu.memory_space<vmem>>, vector<16xi32>,
        %shift_right_logical3A_1778 = arith.constant 1 : i32
        %shift_right_logical3A_1779 = vector.broadcast %shift_right_logical3A_1778 : i32 to vector<16xi32>
        %shift_right_logical3A_1780 = arith.shrui %get3A_1777, %shift_right_logical3A_1779 : vector<16xi32>
        %swap3A_1781 = arith.constant 160 : index
        %swap3A_1782 = tpu.vector_load %arg16[%swap3A_1781] {strides = array<i32>} : memref<208xi32, #tpu.memory_space<vmem>>, vector<16xi32>,
        tpu.vector_store %arg16[%swap3A_1781], %shift_right_logical3A_1780 {strides = array<i32>} : memref<208xi32, #tpu.memory_space<vmem>>, vector<16xi32>,
        %get3A_1783 = arith.constant 176 : index
        %get3A_1784 = tpu.vector_load %arg12[%get3A_1783] {strides = array<i32>} : memref<208xi32, #tpu.memory_space<vmem>>, vector<16xi32>,
        %shift_right_logical3A_1785 = arith.constant 1 : i32
        %shift_right_logical3A_1786 = vector.broadcast %shift_right_logical3A_1785 : i32 to vector<16xi32>
        %shift_right_logical3A_1787 = arith.shrui %get3A_1784, %shift_right_logical3A_1786 : vector<16xi32>
        %swap3A_1788 = arith.constant 176 : index
        %swap3A_1789 = tpu.vector_load %arg16[%swap3A_1788] {strides = array<i32>} : memref<208xi32, #tpu.memory_space<vmem>>, vector<16xi32>,
        tpu.vector_store %arg16[%swap3A_1788], %shift_right_logical3A_1787 {strides = array<i32>} : memref<208xi32, #tpu.memory_space<vmem>>, vector<16xi32>,
        %get3A_1790 = arith.constant 192 : index
        %get3A_1791 = tpu.vector_load %arg12[%get3A_1790] {strides = array<i32>} : memref<208xi32, #tpu.memory_space<vmem>>, vector<16xi32>,
        %shift_right_logical3A_1792 = arith.constant 1 : i32
        %shift_right_logical3A_1793 = vector.broadcast %shift_right_logical3A_1792 : i32 to vector<16xi32>
        %shift_right_logical3A_1794 = arith.shrui %get3A_1791, %shift_right_logical3A_1793 : vector<16xi32>
        %swap3A_1795 = arith.constant 192 : index
        %swap3A_1796 = tpu.vector_load %arg16[%swap3A_1795] {strides = array<i32>} : memref<208xi32, #tpu.memory_space<vmem>>, vector<16xi32>,
        tpu.vector_store %arg16[%swap3A_1795], %shift_right_logical3A_1794 {strides = array<i32>} : memref<208xi32, #tpu.memory_space<vmem>>, vector<16xi32>,
        %dma_start3A_1797 = arith.constant 0 : i32
        %dma_start3A_1798 = arith.constant 0 : i32
        %dma_start3A_1799 = tpu.memref_slice %arg28[%dma_start3A_1797, %dma_start3A_1798] : memref<208x128xf32, #tpu.memory_space<vmem>> -> memref<104x128xf32, #tpu.memory_space<vmem>>
        %dma_start3A_1800 = arith.constant 0 : i32
        %dma_start3A_1801 = tpu.memref_slice %arg16[%dma_start3A_1800] : memref<208xi32, #tpu.memory_space<vmem>> -> memref<104xi32, #tpu.memory_space<vmem>>
        %dma_start3A_1802 = arith.constant 0 : i32
        %dma_start3A_1803 = arith.constant 0 : i32
        %dma_start3A_1804 = tpu.memref_slice %arg6[%dma_start3A_1802, %dma_start3A_1803] : memref<500000x128xf32, #tpu.memory_space<hbm>> -> memref<500000x128xf32, #tpu.memory_space<hbm>>
        tpu.enqueue_indirect_dma source(%dma_start3A_1804 : memref<500000x128xf32, #tpu.memory_space<hbm>>) target(%dma_start3A_1799 : memref<104x128xf32, #tpu.memory_space<vmem>>) offsets(%dma_start3A_1801 : memref<104xi32, #tpu.memory_space<vmem>>) semaphore(%arg39 : memref<!tpu.dma_semaphore, #tpu.memory_space<semaphore_mem>>)
        %dma_start3A_1805 = arith.constant 104 : i32
        %dma_start3A_1806 = arith.constant 0 : i32
        %dma_start3A_1807 = tpu.memref_slice %arg28[%dma_start3A_1805, %dma_start3A_1806] : memref<208x128xf32, #tpu.memory_space<vmem>> -> memref<104x128xf32, #tpu.memory_space<vmem>>
        %dma_start3A_1808 = arith.constant 104 : i32
        %dma_start3A_1809 = tpu.memref_slice %arg16[%dma_start3A_1808] : memref<208xi32, #tpu.memory_space<vmem>> -> memref<104xi32, #tpu.memory_space<vmem>>
        %dma_start3A_1810 = arith.constant 0 : i32
        %dma_start3A_1811 = arith.constant 0 : i32
        %dma_start3A_1812 = tpu.memref_slice %arg6[%dma_start3A_1810, %dma_start3A_1811] : memref<500000x128xf32, #tpu.memory_space<hbm>> -> memref<500000x128xf32, #tpu.memory_space<hbm>>
        tpu.enqueue_indirect_dma source(%dma_start3A_1812 : memref<500000x128xf32, #tpu.memory_space<hbm>>) target(%dma_start3A_1807 : memref<104x128xf32, #tpu.memory_space<vmem>>) offsets(%dma_start3A_1809 : memref<104xi32, #tpu.memory_space<vmem>>) semaphore(%arg39 : memref<!tpu.dma_semaphore, #tpu.memory_space<semaphore_mem>>)
        %mul3A_1813 = arith.constant 1000 : i32
        %mul3A_1814 = arith.muli %add3A_1705, %mul3A_1813 : i32
        %dma_start3A_1815 = tpu.memref_slice %arg4[%mul3A_1814] : memref<4096000xf32, #tpu.memory_space<hbm>> -> memref<1000xf32, #tpu.memory_space<hbm>>
        %dma_start3A_1816 = tpu.memref_slice %arg4[%mul3A_1814] : memref<4096000xf32, #tpu.memory_space<hbm>> -> memref<1000xf32, #tpu.memory_space<hbm>>
        tpu.enqueue_dma source(%dma_start3A_1816 : memref<1000xf32, #tpu.memory_space<hbm>>) target(%arg20 : memref<1000xf32, #tpu.memory_space<vmem>>) target_semaphore(%arg39 : memref<!tpu.dma_semaphore, #tpu.memory_space<semaphore_mem>>)
        %mul3A_1817 = arith.constant 64 : i32
        %mul3A_1818 = arith.muli %add3A_1705, %mul3A_1817 : i32
        %dma_start3A_1819 = arith.constant 0 : i32
        %dma_start3A_1820 = tpu.memref_slice %arg24[%dma_start3A_1819] : memref<128xf32, #tpu.memory_space<vmem>> -> memref<64xf32, #tpu.memory_space<vmem>>
        %dma_start3A_1821 = tpu.memref_slice %arg5[%mul3A_1818] : memref<262144xf32, #tpu.memory_space<hbm>> -> memref<64xf32, #tpu.memory_space<hbm>>
        %dma_start3A_1822 = arith.constant 0 : i32
        %dma_start3A_1823 = tpu.memref_slice %arg24[%dma_start3A_1822] : memref<128xf32, #tpu.memory_space<vmem>> -> memref<64xf32, #tpu.memory_space<vmem>>
        %dma_start3A_1824 = tpu.memref_slice %arg5[%mul3A_1818] : memref<262144xf32, #tpu.memory_space<hbm>> -> memref<64xf32, #tpu.memory_space<hbm>>
        tpu.enqueue_dma source(%dma_start3A_1824 : memref<64xf32, #tpu.memory_space<hbm>>) target(%dma_start3A_1823 : memref<64xf32, #tpu.memory_space<vmem>>) target_semaphore(%arg39 : memref<!tpu.dma_semaphore, #tpu.memory_space<semaphore_mem>>)
      } else {
      }
      %dma_wait3A_753 = arith.constant 0 : i32
      %dma_wait3A_754 = arith.constant 0 : i32
      %dma_wait3A_755 = tpu.memref_slice %arg29[%dma_wait3A_753, %dma_wait3A_754] : memref<208x128xf32, #tpu.memory_space<vmem>> -> memref<104x128xf32, #tpu.memory_space<vmem>>
      %dma_wait3A_756 = arith.constant 0 : i32
      %dma_wait3A_757 = tpu.memref_slice %arg17[%dma_wait3A_756] : memref<208xi32, #tpu.memory_space<vmem>> -> memref<104xi32, #tpu.memory_space<vmem>>
      %dma_wait3A_758 = arith.constant 0 : i32
      %dma_wait3A_759 = arith.constant 0 : i32
      %dma_wait3A_760 = tpu.memref_slice %arg6[%dma_wait3A_758, %dma_wait3A_759] : memref<500000x128xf32, #tpu.memory_space<hbm>> -> memref<500000x128xf32, #tpu.memory_space<hbm>>
      tpu.wait_indirect_dma semaphore(%arg40 : memref<!tpu.dma_semaphore, #tpu.memory_space<semaphore_mem>>) src(%dma_wait3A_760 : memref<500000x128xf32, #tpu.memory_space<hbm>>) dst(%dma_wait3A_755 : memref<104x128xf32, #tpu.memory_space<vmem>>)
      %dma_wait3A_761 = arith.constant 104 : i32
      %dma_wait3A_762 = arith.constant 0 : i32
      %dma_wait3A_763 = tpu.memref_slice %arg29[%dma_wait3A_761, %dma_wait3A_762] : memref<208x128xf32, #tpu.memory_space<vmem>> -> memref<104x128xf32, #tpu.memory_space<vmem>>
      %dma_wait3A_764 = arith.constant 104 : i32
      %dma_wait3A_765 = tpu.memref_slice %arg17[%dma_wait3A_764] : memref<208xi32, #tpu.memory_space<vmem>> -> memref<104xi32, #tpu.memory_space<vmem>>
      %dma_wait3A_766 = arith.constant 0 : i32
      %dma_wait3A_767 = arith.constant 0 : i32
      %dma_wait3A_768 = tpu.memref_slice %arg6[%dma_wait3A_766, %dma_wait3A_767] : memref<500000x128xf32, #tpu.memory_space<hbm>> -> memref<500000x128xf32, #tpu.memory_space<hbm>>
      tpu.wait_indirect_dma semaphore(%arg40 : memref<!tpu.dma_semaphore, #tpu.memory_space<semaphore_mem>>) src(%dma_wait3A_768 : memref<500000x128xf32, #tpu.memory_space<hbm>>) dst(%dma_wait3A_763 : memref<104x128xf32, #tpu.memory_space<vmem>>)
      %dma_wait3A_769 = arith.constant 0 : i32
      %dma_wait3A_770 = tpu.memref_slice %arg4[%dma_wait3A_769] : memref<4096000xf32, #tpu.memory_space<hbm>> -> memref<1000xf32, #tpu.memory_space<hbm>>
      %dma_wait3A_771 = arith.constant 0 : i32
      %dma_wait3A_772 = tpu.memref_slice %arg4[%dma_wait3A_771] : memref<4096000xf32, #tpu.memory_space<hbm>> -> memref<1000xf32, #tpu.memory_space<hbm>>
      tpu.wait_dma2 semaphore(%arg40 : memref<!tpu.dma_semaphore, #tpu.memory_space<semaphore_mem>>) src(%dma_wait3A_772 : memref<1000xf32, #tpu.memory_space<hbm>>) dst(%arg21 : memref<1000xf32, #tpu.memory_space<vmem>>)
      %dma_wait3A_773 = arith.constant 0 : i32
      %dma_wait3A_774 = tpu.memref_slice %arg25[%dma_wait3A_773] : memref<128xf32, #tpu.memory_space<vmem>> -> memref<64xf32, #tpu.memory_space<vmem>>
      %dma_wait3A_775 = arith.constant 0 : i32
      %dma_wait3A_776 = tpu.memref_slice %arg5[%dma_wait3A_775] : memref<262144xf32, #tpu.memory_space<hbm>> -> memref<64xf32, #tpu.memory_space<hbm>>
      %dma_wait3A_777 = arith.constant 0 : i32
      %dma_wait3A_778 = tpu.memref_slice %arg25[%dma_wait3A_777] : memref<128xf32, #tpu.memory_space<vmem>> -> memref<64xf32, #tpu.memory_space<vmem>>
      %dma_wait3A_779 = arith.constant 0 : i32
      %dma_wait3A_780 = tpu.memref_slice %arg5[%dma_wait3A_779] : memref<262144xf32, #tpu.memory_space<hbm>> -> memref<64xf32, #tpu.memory_space<hbm>>
      tpu.wait_dma2 semaphore(%arg40 : memref<!tpu.dma_semaphore, #tpu.memory_space<semaphore_mem>>) src(%dma_wait3A_780 : memref<64xf32, #tpu.memory_space<hbm>>) dst(%dma_wait3A_778 : memref<64xf32, #tpu.memory_space<vmem>>)
      %ge3A_781 = arith.constant 2 : i32
      %ge3A_782 = arith.cmpi sge, %add3A_745, %ge3A_781 : i32
      %convert_element_type3A_783 = arith.extui %ge3A_782 : i1 to i32
      %cond3A_784 = arith.constant 0 : i32
      %cond3A_785 = arith.cmpi ne, %convert_element_type3A_783, %cond3A_784 : i32
      scf.if %cond3A_785 {
        %dma_wait3A_1687 = arith.constant 0 : i32
        %dma_wait3A_1688 = tpu.memref_slice %arg7[%dma_wait3A_1687] : memref<851968xf32, #tpu.memory_space<hbm>> -> memref<208xf32, #tpu.memory_space<hbm>>
        %dma_wait3A_1689 = arith.constant 0 : i32
        %dma_wait3A_1690 = tpu.memref_slice %arg7[%dma_wait3A_1689] : memref<851968xf32, #tpu.memory_space<hbm>> -> memref<208xf32, #tpu.memory_space<hbm>>
        tpu.wait_dma2 semaphore(%arg44 : memref<!tpu.dma_semaphore, #tpu.memory_space<semaphore_mem>>) src(%arg33 : memref<208xf32, #tpu.memory_space<vmem>>) dst(%dma_wait3A_1690 : memref<208xf32, #tpu.memory_space<hbm>>)
      } else {
      }
      %add3A_786 = arith.addi %mul3A_2, %add3A_745 : i32
      %add3A_787 = arith.constant 0 : i32
      %add3A_788 = vector.broadcast %add3A_787 : i32 to vector<16xi32>
      %add3A_789 = arith.addi %iota3A, %add3A_788 : vector<16xi32>
      %add3A_790 = arith.constant 16 : i32
      %add3A_791 = vector.broadcast %add3A_790 : i32 to vector<16xi32>
      %add3A_792 = arith.addi %iota3A, %add3A_791 : vector<16xi32>
      %add3A_793 = arith.constant 32 : i32
      %add3A_794 = vector.broadcast %add3A_793 : i32 to vector<16xi32>
      %add3A_795 = arith.addi %iota3A, %add3A_794 : vector<16xi32>
      %add3A_796 = arith.constant 48 : i32
      %add3A_797 = vector.broadcast %add3A_796 : i32 to vector<16xi32>
      %add3A_798 = arith.addi %iota3A, %add3A_797 : vector<16xi32>
      %add3A_799 = arith.constant 64 : i32
      %add3A_800 = vector.broadcast %add3A_799 : i32 to vector<16xi32>
      %add3A_801 = arith.addi %iota3A, %add3A_800 : vector<16xi32>
      %add3A_802 = arith.constant 80 : i32
      %add3A_803 = vector.broadcast %add3A_802 : i32 to vector<16xi32>
      %add3A_804 = arith.addi %iota3A, %add3A_803 : vector<16xi32>
      %add3A_805 = arith.constant 96 : i32
      %add3A_806 = vector.broadcast %add3A_805 : i32 to vector<16xi32>
      %add3A_807 = arith.addi %iota3A, %add3A_806 : vector<16xi32>
      %add3A_808 = arith.constant 112 : i32
      %add3A_809 = vector.broadcast %add3A_808 : i32 to vector<16xi32>
      %add3A_810 = arith.addi %iota3A, %add3A_809 : vector<16xi32>
      %add3A_811 = arith.constant 128 : i32
      %add3A_812 = vector.broadcast %add3A_811 : i32 to vector<16xi32>
      %add3A_813 = arith.addi %iota3A, %add3A_812 : vector<16xi32>
      %add3A_814 = arith.constant 144 : i32
      %add3A_815 = vector.broadcast %add3A_814 : i32 to vector<16xi32>
      %add3A_816 = arith.addi %iota3A, %add3A_815 : vector<16xi32>
      %add3A_817 = arith.constant 160 : i32
      %add3A_818 = vector.broadcast %add3A_817 : i32 to vector<16xi32>
      %add3A_819 = arith.addi %iota3A, %add3A_818 : vector<16xi32>
      %add3A_820 = arith.constant 176 : i32
      %add3A_821 = vector.broadcast %add3A_820 : i32 to vector<16xi32>
      %add3A_822 = arith.addi %iota3A, %add3A_821 : vector<16xi32>
      %add3A_823 = arith.constant 192 : i32
      %add3A_824 = vector.broadcast %add3A_823 : i32 to vector<16xi32>
      %add3A_825 = arith.addi %iota3A, %add3A_824 : vector<16xi32>
      %get3A_826 = arith.constant 0 : index
      %get3A_827 = tpu.vector_load %arg13[%get3A_826] {strides = array<i32>} : memref<208xi32, #tpu.memory_space<vmem>>, vector<16xi32>,
      %and3A_828 = arith.constant 1 : i32
      %and3A_829 = vector.broadcast %and3A_828 : i32 to vector<16xi32>
      %and3A_830 = arith.andi %get3A_827, %and3A_829 : vector<16xi32>
      %shift_left3A_831 = arith.constant 6 : i32
      %shift_left3A_832 = vector.broadcast %shift_left3A_831 : i32 to vector<16xi32>
      %shift_left3A_833 = arith.shli %and3A_830, %shift_left3A_832 : vector<16xi32>
      %get3A_834 = arith.constant 16 : index
      %get3A_835 = tpu.vector_load %arg13[%get3A_834] {strides = array<i32>} : memref<208xi32, #tpu.memory_space<vmem>>, vector<16xi32>,
      %and3A_836 = arith.constant 1 : i32
      %and3A_837 = vector.broadcast %and3A_836 : i32 to vector<16xi32>
      %and3A_838 = arith.andi %get3A_835, %and3A_837 : vector<16xi32>
      %shift_left3A_839 = arith.constant 6 : i32
      %shift_left3A_840 = vector.broadcast %shift_left3A_839 : i32 to vector<16xi32>
      %shift_left3A_841 = arith.shli %and3A_838, %shift_left3A_840 : vector<16xi32>
      %get3A_842 = arith.constant 32 : index
      %get3A_843 = tpu.vector_load %arg13[%get3A_842] {strides = array<i32>} : memref<208xi32, #tpu.memory_space<vmem>>, vector<16xi32>,
      %and3A_844 = arith.constant 1 : i32
      %and3A_845 = vector.broadcast %and3A_844 : i32 to vector<16xi32>
      %and3A_846 = arith.andi %get3A_843, %and3A_845 : vector<16xi32>
      %shift_left3A_847 = arith.constant 6 : i32
      %shift_left3A_848 = vector.broadcast %shift_left3A_847 : i32 to vector<16xi32>
      %shift_left3A_849 = arith.shli %and3A_846, %shift_left3A_848 : vector<16xi32>
      %get3A_850 = arith.constant 48 : index
      %get3A_851 = tpu.vector_load %arg13[%get3A_850] {strides = array<i32>} : memref<208xi32, #tpu.memory_space<vmem>>, vector<16xi32>,
      %and3A_852 = arith.constant 1 : i32
      %and3A_853 = vector.broadcast %and3A_852 : i32 to vector<16xi32>
      %and3A_854 = arith.andi %get3A_851, %and3A_853 : vector<16xi32>
      %shift_left3A_855 = arith.constant 6 : i32
      %shift_left3A_856 = vector.broadcast %shift_left3A_855 : i32 to vector<16xi32>
      %shift_left3A_857 = arith.shli %and3A_854, %shift_left3A_856 : vector<16xi32>
      %get3A_858 = arith.constant 64 : index
      %get3A_859 = tpu.vector_load %arg13[%get3A_858] {strides = array<i32>} : memref<208xi32, #tpu.memory_space<vmem>>, vector<16xi32>,
      %and3A_860 = arith.constant 1 : i32
      %and3A_861 = vector.broadcast %and3A_860 : i32 to vector<16xi32>
      %and3A_862 = arith.andi %get3A_859, %and3A_861 : vector<16xi32>
      %shift_left3A_863 = arith.constant 6 : i32
      %shift_left3A_864 = vector.broadcast %shift_left3A_863 : i32 to vector<16xi32>
      %shift_left3A_865 = arith.shli %and3A_862, %shift_left3A_864 : vector<16xi32>
      %get3A_866 = arith.constant 80 : index
      %get3A_867 = tpu.vector_load %arg13[%get3A_866] {strides = array<i32>} : memref<208xi32, #tpu.memory_space<vmem>>, vector<16xi32>,
      %and3A_868 = arith.constant 1 : i32
      %and3A_869 = vector.broadcast %and3A_868 : i32 to vector<16xi32>
      %and3A_870 = arith.andi %get3A_867, %and3A_869 : vector<16xi32>
      %shift_left3A_871 = arith.constant 6 : i32
      %shift_left3A_872 = vector.broadcast %shift_left3A_871 : i32 to vector<16xi32>
      %shift_left3A_873 = arith.shli %and3A_870, %shift_left3A_872 : vector<16xi32>
      %get3A_874 = arith.constant 96 : index
      %get3A_875 = tpu.vector_load %arg13[%get3A_874] {strides = array<i32>} : memref<208xi32, #tpu.memory_space<vmem>>, vector<16xi32>,
      %and3A_876 = arith.constant 1 : i32
      %and3A_877 = vector.broadcast %and3A_876 : i32 to vector<16xi32>
      %and3A_878 = arith.andi %get3A_875, %and3A_877 : vector<16xi32>
      %shift_left3A_879 = arith.constant 6 : i32
      %shift_left3A_880 = vector.broadcast %shift_left3A_879 : i32 to vector<16xi32>
      %shift_left3A_881 = arith.shli %and3A_878, %shift_left3A_880 : vector<16xi32>
      %get3A_882 = arith.constant 112 : index
      %get3A_883 = tpu.vector_load %arg13[%get3A_882] {strides = array<i32>} : memref<208xi32, #tpu.memory_space<vmem>>, vector<16xi32>,
      %and3A_884 = arith.constant 1 : i32
      %and3A_885 = vector.broadcast %and3A_884 : i32 to vector<16xi32>
      %and3A_886 = arith.andi %get3A_883, %and3A_885 : vector<16xi32>
      %shift_left3A_887 = arith.constant 6 : i32
      %shift_left3A_888 = vector.broadcast %shift_left3A_887 : i32 to vector<16xi32>
      %shift_left3A_889 = arith.shli %and3A_886, %shift_left3A_888 : vector<16xi32>
      %get3A_890 = arith.constant 128 : index
      %get3A_891 = tpu.vector_load %arg13[%get3A_890] {strides = array<i32>} : memref<208xi32, #tpu.memory_space<vmem>>, vector<16xi32>,
      %and3A_892 = arith.constant 1 : i32
      %and3A_893 = vector.broadcast %and3A_892 : i32 to vector<16xi32>
      %and3A_894 = arith.andi %get3A_891, %and3A_893 : vector<16xi32>
      %shift_left3A_895 = arith.constant 6 : i32
      %shift_left3A_896 = vector.broadcast %shift_left3A_895 : i32 to vector<16xi32>
      %shift_left3A_897 = arith.shli %and3A_894, %shift_left3A_896 : vector<16xi32>
      %get3A_898 = arith.constant 144 : index
      %get3A_899 = tpu.vector_load %arg13[%get3A_898] {strides = array<i32>} : memref<208xi32, #tpu.memory_space<vmem>>, vector<16xi32>,
      %and3A_900 = arith.constant 1 : i32
      %and3A_901 = vector.broadcast %and3A_900 : i32 to vector<16xi32>
      %and3A_902 = arith.andi %get3A_899, %and3A_901 : vector<16xi32>
      %shift_left3A_903 = arith.constant 6 : i32
      %shift_left3A_904 = vector.broadcast %shift_left3A_903 : i32 to vector<16xi32>
      %shift_left3A_905 = arith.shli %and3A_902, %shift_left3A_904 : vector<16xi32>
      %get3A_906 = arith.constant 160 : index
      %get3A_907 = tpu.vector_load %arg13[%get3A_906] {strides = array<i32>} : memref<208xi32, #tpu.memory_space<vmem>>, vector<16xi32>,
      %and3A_908 = arith.constant 1 : i32
      %and3A_909 = vector.broadcast %and3A_908 : i32 to vector<16xi32>
      %and3A_910 = arith.andi %get3A_907, %and3A_909 : vector<16xi32>
      %shift_left3A_911 = arith.constant 6 : i32
      %shift_left3A_912 = vector.broadcast %shift_left3A_911 : i32 to vector<16xi32>
      %shift_left3A_913 = arith.shli %and3A_910, %shift_left3A_912 : vector<16xi32>
      %get3A_914 = arith.constant 176 : index
      %get3A_915 = tpu.vector_load %arg13[%get3A_914] {strides = array<i32>} : memref<208xi32, #tpu.memory_space<vmem>>, vector<16xi32>,
      %and3A_916 = arith.constant 1 : i32
      %and3A_917 = vector.broadcast %and3A_916 : i32 to vector<16xi32>
      %and3A_918 = arith.andi %get3A_915, %and3A_917 : vector<16xi32>
      %shift_left3A_919 = arith.constant 6 : i32
      %shift_left3A_920 = vector.broadcast %shift_left3A_919 : i32 to vector<16xi32>
      %shift_left3A_921 = arith.shli %and3A_918, %shift_left3A_920 : vector<16xi32>
      %get3A_922 = arith.constant 192 : index
      %get3A_923 = tpu.vector_load %arg13[%get3A_922] {strides = array<i32>} : memref<208xi32, #tpu.memory_space<vmem>>, vector<16xi32>,
      %and3A_924 = arith.constant 1 : i32
      %and3A_925 = vector.broadcast %and3A_924 : i32 to vector<16xi32>
      %and3A_926 = arith.andi %get3A_923, %and3A_925 : vector<16xi32>
      %shift_left3A_927 = arith.constant 6 : i32
      %shift_left3A_928 = vector.broadcast %shift_left3A_927 : i32 to vector<16xi32>
      %shift_left3A_929 = arith.shli %and3A_926, %shift_left3A_928 : vector<16xi32>
      %scan3A_930 = arith.constant 0 : i32
      %scan3A_931 = arith.constant 0 : i32
      %scan3A_932 = arith.constant 64 : i32
      %scan3A_933 = arith.addi %scan3A_931, %scan3A_932 : i32
      %scan3A_934 = arith.constant 1 : i32
      scf.for %scan3A_1687 = %scan3A_931 to %scan3A_933 step %scan3A_934  : i32 {
        %broadcast_in_dim3A_1688 = vector.broadcast %scan3A_1687 : i32 to vector<16xi32>
        %add3A_1689 = arith.addi %broadcast_in_dim3A_1688, %iota3A : vector<16xi32>
        %and3A_1690 = arith.constant 63 : i32
        %and3A_1691 = vector.broadcast %and3A_1690 : i32 to vector<16xi32>
        %and3A_1692 = arith.andi %add3A_1689, %and3A_1691 : vector<16xi32>
        %gather3A_1693 = tpu.vector_load_idx %arg25[%and3A_1692] : memref<128xf32, #tpu.memory_space<vmem>>[vector<16xi32>], vector<16xf32>,
        %swap3A_1694 = arith.index_cast %scan3A_1687 : i32 to index
        %swap3A_1695 = arith.constant 0 : index
        %swap3A_1696 = tpu.vector_load %arg34[%swap3A_1694, %swap3A_1695] {strides = array<i32>} : memref<64x16xf32, #tpu.memory_space<vmem>>, vector<16xf32>,
        tpu.vector_store %arg34[%swap3A_1694, %swap3A_1695], %gather3A_1693 {strides = array<i32>} : memref<64x16xf32, #tpu.memory_space<vmem>>, vector<16xf32>,
      }
      %scan3A_935 = arith.constant 64 : i32
      %broadcast_in_dim3A_936 = arith.constant 0.000000e+00 : f32
      %broadcast_in_dim3A_937 = vector.broadcast %broadcast_in_dim3A_936 : f32 to vector<16xf32>
      %broadcast_in_dim3A_938 = arith.constant 0.000000e+00 : f32
      %broadcast_in_dim3A_939 = vector.broadcast %broadcast_in_dim3A_938 : f32 to vector<16xf32>
      %broadcast_in_dim3A_940 = arith.constant 0.000000e+00 : f32
      %broadcast_in_dim3A_941 = vector.broadcast %broadcast_in_dim3A_940 : f32 to vector<16xf32>
      %broadcast_in_dim3A_942 = arith.constant 0.000000e+00 : f32
      %broadcast_in_dim3A_943 = vector.broadcast %broadcast_in_dim3A_942 : f32 to vector<16xf32>
      %broadcast_in_dim3A_944 = arith.constant 0.000000e+00 : f32
      %broadcast_in_dim3A_945 = vector.broadcast %broadcast_in_dim3A_944 : f32 to vector<16xf32>
      %broadcast_in_dim3A_946 = arith.constant 0.000000e+00 : f32
      %broadcast_in_dim3A_947 = vector.broadcast %broadcast_in_dim3A_946 : f32 to vector<16xf32>
      %broadcast_in_dim3A_948 = arith.constant 0.000000e+00 : f32
      %broadcast_in_dim3A_949 = vector.broadcast %broadcast_in_dim3A_948 : f32 to vector<16xf32>
      %broadcast_in_dim3A_950 = arith.constant 0.000000e+00 : f32
      %broadcast_in_dim3A_951 = vector.broadcast %broadcast_in_dim3A_950 : f32 to vector<16xf32>
      %broadcast_in_dim3A_952 = arith.constant 0.000000e+00 : f32
      %broadcast_in_dim3A_953 = vector.broadcast %broadcast_in_dim3A_952 : f32 to vector<16xf32>
      %broadcast_in_dim3A_954 = arith.constant 0.000000e+00 : f32
      %broadcast_in_dim3A_955 = vector.broadcast %broadcast_in_dim3A_954 : f32 to vector<16xf32>
      %broadcast_in_dim3A_956 = arith.constant 0.000000e+00 : f32
      %broadcast_in_dim3A_957 = vector.broadcast %broadcast_in_dim3A_956 : f32 to vector<16xf32>
      %broadcast_in_dim3A_958 = arith.constant 0.000000e+00 : f32
      %broadcast_in_dim3A_959 = vector.broadcast %broadcast_in_dim3A_958 : f32 to vector<16xf32>
      %broadcast_in_dim3A_960 = arith.constant 0.000000e+00 : f32
      %broadcast_in_dim3A_961 = vector.broadcast %broadcast_in_dim3A_960 : f32 to vector<16xf32>
      %scan3A_962 = arith.constant 0 : i32
      %scan3A_963 = arith.constant 64 : i32
      %scan3A_964 = arith.addi %scan3A_962, %scan3A_963 : i32
      %scan3A_965 = arith.constant 1 : i32
      %scan3A_966:13 = scf.for %scan3A_1687 = %scan3A_962 to %scan3A_964 step %scan3A_965 iter_args(%scan3A_1688 = %broadcast_in_dim3A_937, %scan3A_1689 = %broadcast_in_dim3A_939, %scan3A_1690 = %broadcast_in_dim3A_941, %scan3A_1691 = %broadcast_in_dim3A_943, %scan3A_1692 = %broadcast_in_dim3A_945, %scan3A_1693 = %broadcast_in_dim3A_947, %scan3A_1694 = %broadcast_in_dim3A_949, %scan3A_1695 = %broadcast_in_dim3A_951, %scan3A_1696 = %broadcast_in_dim3A_953, %scan3A_1697 = %broadcast_in_dim3A_955, %scan3A_1698 = %broadcast_in_dim3A_957, %scan3A_1699 = %broadcast_in_dim3A_959, %scan3A_1700 = %broadcast_in_dim3A_961) -> (vector<16xf32>, vector<16xf32>, vector<16xf32>, vector<16xf32>, vector<16xf32>, vector<16xf32>, vector<16xf32>, vector<16xf32>, vector<16xf32>, vector<16xf32>, vector<16xf32>, vector<16xf32>, vector<16xf32>)  : i32 {
        %broadcast_in_dim3A_1701 = vector.broadcast %scan3A_1687 : i32 to vector<16xi32>
        %add3A_1702 = arith.addi %broadcast_in_dim3A_1701, %iota3A : vector<16xi32>
        %and3A_1703 = arith.constant 63 : i32
        %and3A_1704 = vector.broadcast %and3A_1703 : i32 to vector<16xi32>
        %and3A_1705 = arith.andi %add3A_1702, %and3A_1704 : vector<16xi32>
        %get3A_1706 = arith.index_cast %scan3A_1687 : i32 to index
        %get3A_1707 = arith.constant 0 : index
        %get3A_1708 = tpu.vector_load %arg34[%get3A_1706, %get3A_1707] {strides = array<i32>} : memref<64x16xf32, #tpu.memory_space<vmem>>, vector<16xf32>,
        %add3A_1709 = arith.addi %shift_left3A_833, %and3A_1705 : vector<16xi32>
        %gather3A_1710 = tpu.vector_load_idx %arg29[%add3A_789, %add3A_1709] : memref<208x128xf32, #tpu.memory_space<vmem>>[vector<16xi32>, vector<16xi32>], vector<16xf32>,
        %bitcast3A = vector.bitcast %gather3A_1710 : vector<16xf32> to vector<16xi32>
        %shift_right_logical3A_1711 = arith.constant 16 : i32
        %shift_right_logical3A_1712 = vector.broadcast %shift_right_logical3A_1711 : i32 to vector<16xi32>
        %shift_right_logical3A_1713 = arith.shrui %bitcast3A, %shift_right_logical3A_1712 : vector<16xi32>
        %and3A_1714 = arith.constant 1 : i32
        %and3A_1715 = vector.broadcast %and3A_1714 : i32 to vector<16xi32>
        %and3A_1716 = arith.andi %shift_right_logical3A_1713, %and3A_1715 : vector<16xi32>
        %add3A_1717 = arith.constant 32767 : i32
        %add3A_1718 = vector.broadcast %add3A_1717 : i32 to vector<16xi32>
        %add3A_1719 = arith.addi %bitcast3A, %add3A_1718 : vector<16xi32>
        %add3A_1720 = arith.addi %add3A_1719, %and3A_1716 : vector<16xi32>
        %and3A_1721 = arith.constant -65536 : i32
        %and3A_1722 = vector.broadcast %and3A_1721 : i32 to vector<16xi32>
        %and3A_1723 = arith.andi %add3A_1720, %and3A_1722 : vector<16xi32>
        %bitcast3A_1724 = vector.bitcast %and3A_1723 : vector<16xi32> to vector<16xf32>
        %mul3A_1725 = arith.mulf %bitcast3A_1724, %get3A_1708 : vector<16xf32>
        %add3A_1726 = arith.addf %scan3A_1688, %mul3A_1725 : vector<16xf32>
        %add3A_1727 = arith.addi %shift_left3A_841, %and3A_1705 : vector<16xi32>
        %gather3A_1728 = tpu.vector_load_idx %arg29[%add3A_792, %add3A_1727] : memref<208x128xf32, #tpu.memory_space<vmem>>[vector<16xi32>, vector<16xi32>], vector<16xf32>,
        %bitcast3A_1729 = vector.bitcast %gather3A_1728 : vector<16xf32> to vector<16xi32>
        %shift_right_logical3A_1730 = arith.constant 16 : i32
        %shift_right_logical3A_1731 = vector.broadcast %shift_right_logical3A_1730 : i32 to vector<16xi32>
        %shift_right_logical3A_1732 = arith.shrui %bitcast3A_1729, %shift_right_logical3A_1731 : vector<16xi32>
        %and3A_1733 = arith.constant 1 : i32
        %and3A_1734 = vector.broadcast %and3A_1733 : i32 to vector<16xi32>
        %and3A_1735 = arith.andi %shift_right_logical3A_1732, %and3A_1734 : vector<16xi32>
        %add3A_1736 = arith.constant 32767 : i32
        %add3A_1737 = vector.broadcast %add3A_1736 : i32 to vector<16xi32>
        %add3A_1738 = arith.addi %bitcast3A_1729, %add3A_1737 : vector<16xi32>
        %add3A_1739 = arith.addi %add3A_1738, %and3A_1735 : vector<16xi32>
        %and3A_1740 = arith.constant -65536 : i32
        %and3A_1741 = vector.broadcast %and3A_1740 : i32 to vector<16xi32>
        %and3A_1742 = arith.andi %add3A_1739, %and3A_1741 : vector<16xi32>
        %bitcast3A_1743 = vector.bitcast %and3A_1742 : vector<16xi32> to vector<16xf32>
        %mul3A_1744 = arith.mulf %bitcast3A_1743, %get3A_1708 : vector<16xf32>
        %add3A_1745 = arith.addf %scan3A_1689, %mul3A_1744 : vector<16xf32>
        %add3A_1746 = arith.addi %shift_left3A_849, %and3A_1705 : vector<16xi32>
        %gather3A_1747 = tpu.vector_load_idx %arg29[%add3A_795, %add3A_1746] : memref<208x128xf32, #tpu.memory_space<vmem>>[vector<16xi32>, vector<16xi32>], vector<16xf32>,
        %bitcast3A_1748 = vector.bitcast %gather3A_1747 : vector<16xf32> to vector<16xi32>
        %shift_right_logical3A_1749 = arith.constant 16 : i32
        %shift_right_logical3A_1750 = vector.broadcast %shift_right_logical3A_1749 : i32 to vector<16xi32>
        %shift_right_logical3A_1751 = arith.shrui %bitcast3A_1748, %shift_right_logical3A_1750 : vector<16xi32>
        %and3A_1752 = arith.constant 1 : i32
        %and3A_1753 = vector.broadcast %and3A_1752 : i32 to vector<16xi32>
        %and3A_1754 = arith.andi %shift_right_logical3A_1751, %and3A_1753 : vector<16xi32>
        %add3A_1755 = arith.constant 32767 : i32
        %add3A_1756 = vector.broadcast %add3A_1755 : i32 to vector<16xi32>
        %add3A_1757 = arith.addi %bitcast3A_1748, %add3A_1756 : vector<16xi32>
        %add3A_1758 = arith.addi %add3A_1757, %and3A_1754 : vector<16xi32>
        %and3A_1759 = arith.constant -65536 : i32
        %and3A_1760 = vector.broadcast %and3A_1759 : i32 to vector<16xi32>
        %and3A_1761 = arith.andi %add3A_1758, %and3A_1760 : vector<16xi32>
        %bitcast3A_1762 = vector.bitcast %and3A_1761 : vector<16xi32> to vector<16xf32>
        %mul3A_1763 = arith.mulf %bitcast3A_1762, %get3A_1708 : vector<16xf32>
        %add3A_1764 = arith.addf %scan3A_1690, %mul3A_1763 : vector<16xf32>
        %add3A_1765 = arith.addi %shift_left3A_857, %and3A_1705 : vector<16xi32>
        %gather3A_1766 = tpu.vector_load_idx %arg29[%add3A_798, %add3A_1765] : memref<208x128xf32, #tpu.memory_space<vmem>>[vector<16xi32>, vector<16xi32>], vector<16xf32>,
        %bitcast3A_1767 = vector.bitcast %gather3A_1766 : vector<16xf32> to vector<16xi32>
        %shift_right_logical3A_1768 = arith.constant 16 : i32
        %shift_right_logical3A_1769 = vector.broadcast %shift_right_logical3A_1768 : i32 to vector<16xi32>
        %shift_right_logical3A_1770 = arith.shrui %bitcast3A_1767, %shift_right_logical3A_1769 : vector<16xi32>
        %and3A_1771 = arith.constant 1 : i32
        %and3A_1772 = vector.broadcast %and3A_1771 : i32 to vector<16xi32>
        %and3A_1773 = arith.andi %shift_right_logical3A_1770, %and3A_1772 : vector<16xi32>
        %add3A_1774 = arith.constant 32767 : i32
        %add3A_1775 = vector.broadcast %add3A_1774 : i32 to vector<16xi32>
        %add3A_1776 = arith.addi %bitcast3A_1767, %add3A_1775 : vector<16xi32>
        %add3A_1777 = arith.addi %add3A_1776, %and3A_1773 : vector<16xi32>
        %and3A_1778 = arith.constant -65536 : i32
        %and3A_1779 = vector.broadcast %and3A_1778 : i32 to vector<16xi32>
        %and3A_1780 = arith.andi %add3A_1777, %and3A_1779 : vector<16xi32>
        %bitcast3A_1781 = vector.bitcast %and3A_1780 : vector<16xi32> to vector<16xf32>
        %mul3A_1782 = arith.mulf %bitcast3A_1781, %get3A_1708 : vector<16xf32>
        %add3A_1783 = arith.addf %scan3A_1691, %mul3A_1782 : vector<16xf32>
        %add3A_1784 = arith.addi %shift_left3A_865, %and3A_1705 : vector<16xi32>
        %gather3A_1785 = tpu.vector_load_idx %arg29[%add3A_801, %add3A_1784] : memref<208x128xf32, #tpu.memory_space<vmem>>[vector<16xi32>, vector<16xi32>], vector<16xf32>,
        %bitcast3A_1786 = vector.bitcast %gather3A_1785 : vector<16xf32> to vector<16xi32>
        %shift_right_logical3A_1787 = arith.constant 16 : i32
        %shift_right_logical3A_1788 = vector.broadcast %shift_right_logical3A_1787 : i32 to vector<16xi32>
        %shift_right_logical3A_1789 = arith.shrui %bitcast3A_1786, %shift_right_logical3A_1788 : vector<16xi32>
        %and3A_1790 = arith.constant 1 : i32
        %and3A_1791 = vector.broadcast %and3A_1790 : i32 to vector<16xi32>
        %and3A_1792 = arith.andi %shift_right_logical3A_1789, %and3A_1791 : vector<16xi32>
        %add3A_1793 = arith.constant 32767 : i32
        %add3A_1794 = vector.broadcast %add3A_1793 : i32 to vector<16xi32>
        %add3A_1795 = arith.addi %bitcast3A_1786, %add3A_1794 : vector<16xi32>
        %add3A_1796 = arith.addi %add3A_1795, %and3A_1792 : vector<16xi32>
        %and3A_1797 = arith.constant -65536 : i32
        %and3A_1798 = vector.broadcast %and3A_1797 : i32 to vector<16xi32>
        %and3A_1799 = arith.andi %add3A_1796, %and3A_1798 : vector<16xi32>
        %bitcast3A_1800 = vector.bitcast %and3A_1799 : vector<16xi32> to vector<16xf32>
        %mul3A_1801 = arith.mulf %bitcast3A_1800, %get3A_1708 : vector<16xf32>
        %add3A_1802 = arith.addf %scan3A_1692, %mul3A_1801 : vector<16xf32>
        %add3A_1803 = arith.addi %shift_left3A_873, %and3A_1705 : vector<16xi32>
        %gather3A_1804 = tpu.vector_load_idx %arg29[%add3A_804, %add3A_1803] : memref<208x128xf32, #tpu.memory_space<vmem>>[vector<16xi32>, vector<16xi32>], vector<16xf32>,
        %bitcast3A_1805 = vector.bitcast %gather3A_1804 : vector<16xf32> to vector<16xi32>
        %shift_right_logical3A_1806 = arith.constant 16 : i32
        %shift_right_logical3A_1807 = vector.broadcast %shift_right_logical3A_1806 : i32 to vector<16xi32>
        %shift_right_logical3A_1808 = arith.shrui %bitcast3A_1805, %shift_right_logical3A_1807 : vector<16xi32>
        %and3A_1809 = arith.constant 1 : i32
        %and3A_1810 = vector.broadcast %and3A_1809 : i32 to vector<16xi32>
        %and3A_1811 = arith.andi %shift_right_logical3A_1808, %and3A_1810 : vector<16xi32>
        %add3A_1812 = arith.constant 32767 : i32
        %add3A_1813 = vector.broadcast %add3A_1812 : i32 to vector<16xi32>
        %add3A_1814 = arith.addi %bitcast3A_1805, %add3A_1813 : vector<16xi32>
        %add3A_1815 = arith.addi %add3A_1814, %and3A_1811 : vector<16xi32>
        %and3A_1816 = arith.constant -65536 : i32
        %and3A_1817 = vector.broadcast %and3A_1816 : i32 to vector<16xi32>
        %and3A_1818 = arith.andi %add3A_1815, %and3A_1817 : vector<16xi32>
        %bitcast3A_1819 = vector.bitcast %and3A_1818 : vector<16xi32> to vector<16xf32>
        %mul3A_1820 = arith.mulf %bitcast3A_1819, %get3A_1708 : vector<16xf32>
        %add3A_1821 = arith.addf %scan3A_1693, %mul3A_1820 : vector<16xf32>
        %add3A_1822 = arith.addi %shift_left3A_881, %and3A_1705 : vector<16xi32>
        %gather3A_1823 = tpu.vector_load_idx %arg29[%add3A_807, %add3A_1822] : memref<208x128xf32, #tpu.memory_space<vmem>>[vector<16xi32>, vector<16xi32>], vector<16xf32>,
        %bitcast3A_1824 = vector.bitcast %gather3A_1823 : vector<16xf32> to vector<16xi32>
        %shift_right_logical3A_1825 = arith.constant 16 : i32
        %shift_right_logical3A_1826 = vector.broadcast %shift_right_logical3A_1825 : i32 to vector<16xi32>
        %shift_right_logical3A_1827 = arith.shrui %bitcast3A_1824, %shift_right_logical3A_1826 : vector<16xi32>
        %and3A_1828 = arith.constant 1 : i32
        %and3A_1829 = vector.broadcast %and3A_1828 : i32 to vector<16xi32>
        %and3A_1830 = arith.andi %shift_right_logical3A_1827, %and3A_1829 : vector<16xi32>
        %add3A_1831 = arith.constant 32767 : i32
        %add3A_1832 = vector.broadcast %add3A_1831 : i32 to vector<16xi32>
        %add3A_1833 = arith.addi %bitcast3A_1824, %add3A_1832 : vector<16xi32>
        %add3A_1834 = arith.addi %add3A_1833, %and3A_1830 : vector<16xi32>
        %and3A_1835 = arith.constant -65536 : i32
        %and3A_1836 = vector.broadcast %and3A_1835 : i32 to vector<16xi32>
        %and3A_1837 = arith.andi %add3A_1834, %and3A_1836 : vector<16xi32>
        %bitcast3A_1838 = vector.bitcast %and3A_1837 : vector<16xi32> to vector<16xf32>
        %mul3A_1839 = arith.mulf %bitcast3A_1838, %get3A_1708 : vector<16xf32>
        %add3A_1840 = arith.addf %scan3A_1694, %mul3A_1839 : vector<16xf32>
        %add3A_1841 = arith.addi %shift_left3A_889, %and3A_1705 : vector<16xi32>
        %gather3A_1842 = tpu.vector_load_idx %arg29[%add3A_810, %add3A_1841] : memref<208x128xf32, #tpu.memory_space<vmem>>[vector<16xi32>, vector<16xi32>], vector<16xf32>,
        %bitcast3A_1843 = vector.bitcast %gather3A_1842 : vector<16xf32> to vector<16xi32>
        %shift_right_logical3A_1844 = arith.constant 16 : i32
        %shift_right_logical3A_1845 = vector.broadcast %shift_right_logical3A_1844 : i32 to vector<16xi32>
        %shift_right_logical3A_1846 = arith.shrui %bitcast3A_1843, %shift_right_logical3A_1845 : vector<16xi32>
        %and3A_1847 = arith.constant 1 : i32
        %and3A_1848 = vector.broadcast %and3A_1847 : i32 to vector<16xi32>
        %and3A_1849 = arith.andi %shift_right_logical3A_1846, %and3A_1848 : vector<16xi32>
        %add3A_1850 = arith.constant 32767 : i32
        %add3A_1851 = vector.broadcast %add3A_1850 : i32 to vector<16xi32>
        %add3A_1852 = arith.addi %bitcast3A_1843, %add3A_1851 : vector<16xi32>
        %add3A_1853 = arith.addi %add3A_1852, %and3A_1849 : vector<16xi32>
        %and3A_1854 = arith.constant -65536 : i32
        %and3A_1855 = vector.broadcast %and3A_1854 : i32 to vector<16xi32>
        %and3A_1856 = arith.andi %add3A_1853, %and3A_1855 : vector<16xi32>
        %bitcast3A_1857 = vector.bitcast %and3A_1856 : vector<16xi32> to vector<16xf32>
        %mul3A_1858 = arith.mulf %bitcast3A_1857, %get3A_1708 : vector<16xf32>
        %add3A_1859 = arith.addf %scan3A_1695, %mul3A_1858 : vector<16xf32>
        %add3A_1860 = arith.addi %shift_left3A_897, %and3A_1705 : vector<16xi32>
        %gather3A_1861 = tpu.vector_load_idx %arg29[%add3A_813, %add3A_1860] : memref<208x128xf32, #tpu.memory_space<vmem>>[vector<16xi32>, vector<16xi32>], vector<16xf32>,
        %bitcast3A_1862 = vector.bitcast %gather3A_1861 : vector<16xf32> to vector<16xi32>
        %shift_right_logical3A_1863 = arith.constant 16 : i32
        %shift_right_logical3A_1864 = vector.broadcast %shift_right_logical3A_1863 : i32 to vector<16xi32>
        %shift_right_logical3A_1865 = arith.shrui %bitcast3A_1862, %shift_right_logical3A_1864 : vector<16xi32>
        %and3A_1866 = arith.constant 1 : i32
        %and3A_1867 = vector.broadcast %and3A_1866 : i32 to vector<16xi32>
        %and3A_1868 = arith.andi %shift_right_logical3A_1865, %and3A_1867 : vector<16xi32>
        %add3A_1869 = arith.constant 32767 : i32
        %add3A_1870 = vector.broadcast %add3A_1869 : i32 to vector<16xi32>
        %add3A_1871 = arith.addi %bitcast3A_1862, %add3A_1870 : vector<16xi32>
        %add3A_1872 = arith.addi %add3A_1871, %and3A_1868 : vector<16xi32>
        %and3A_1873 = arith.constant -65536 : i32
        %and3A_1874 = vector.broadcast %and3A_1873 : i32 to vector<16xi32>
        %and3A_1875 = arith.andi %add3A_1872, %and3A_1874 : vector<16xi32>
        %bitcast3A_1876 = vector.bitcast %and3A_1875 : vector<16xi32> to vector<16xf32>
        %mul3A_1877 = arith.mulf %bitcast3A_1876, %get3A_1708 : vector<16xf32>
        %add3A_1878 = arith.addf %scan3A_1696, %mul3A_1877 : vector<16xf32>
        %add3A_1879 = arith.addi %shift_left3A_905, %and3A_1705 : vector<16xi32>
        %gather3A_1880 = tpu.vector_load_idx %arg29[%add3A_816, %add3A_1879] : memref<208x128xf32, #tpu.memory_space<vmem>>[vector<16xi32>, vector<16xi32>], vector<16xf32>,
        %bitcast3A_1881 = vector.bitcast %gather3A_1880 : vector<16xf32> to vector<16xi32>
        %shift_right_logical3A_1882 = arith.constant 16 : i32
        %shift_right_logical3A_1883 = vector.broadcast %shift_right_logical3A_1882 : i32 to vector<16xi32>
        %shift_right_logical3A_1884 = arith.shrui %bitcast3A_1881, %shift_right_logical3A_1883 : vector<16xi32>
        %and3A_1885 = arith.constant 1 : i32
        %and3A_1886 = vector.broadcast %and3A_1885 : i32 to vector<16xi32>
        %and3A_1887 = arith.andi %shift_right_logical3A_1884, %and3A_1886 : vector<16xi32>
        %add3A_1888 = arith.constant 32767 : i32
        %add3A_1889 = vector.broadcast %add3A_1888 : i32 to vector<16xi32>
        %add3A_1890 = arith.addi %bitcast3A_1881, %add3A_1889 : vector<16xi32>
        %add3A_1891 = arith.addi %add3A_1890, %and3A_1887 : vector<16xi32>
        %and3A_1892 = arith.constant -65536 : i32
        %and3A_1893 = vector.broadcast %and3A_1892 : i32 to vector<16xi32>
        %and3A_1894 = arith.andi %add3A_1891, %and3A_1893 : vector<16xi32>
        %bitcast3A_1895 = vector.bitcast %and3A_1894 : vector<16xi32> to vector<16xf32>
        %mul3A_1896 = arith.mulf %bitcast3A_1895, %get3A_1708 : vector<16xf32>
        %add3A_1897 = arith.addf %scan3A_1697, %mul3A_1896 : vector<16xf32>
        %add3A_1898 = arith.addi %shift_left3A_913, %and3A_1705 : vector<16xi32>
        %gather3A_1899 = tpu.vector_load_idx %arg29[%add3A_819, %add3A_1898] : memref<208x128xf32, #tpu.memory_space<vmem>>[vector<16xi32>, vector<16xi32>], vector<16xf32>,
        %bitcast3A_1900 = vector.bitcast %gather3A_1899 : vector<16xf32> to vector<16xi32>
        %shift_right_logical3A_1901 = arith.constant 16 : i32
        %shift_right_logical3A_1902 = vector.broadcast %shift_right_logical3A_1901 : i32 to vector<16xi32>
        %shift_right_logical3A_1903 = arith.shrui %bitcast3A_1900, %shift_right_logical3A_1902 : vector<16xi32>
        %and3A_1904 = arith.constant 1 : i32
        %and3A_1905 = vector.broadcast %and3A_1904 : i32 to vector<16xi32>
        %and3A_1906 = arith.andi %shift_right_logical3A_1903, %and3A_1905 : vector<16xi32>
        %add3A_1907 = arith.constant 32767 : i32
        %add3A_1908 = vector.broadcast %add3A_1907 : i32 to vector<16xi32>
        %add3A_1909 = arith.addi %bitcast3A_1900, %add3A_1908 : vector<16xi32>
        %add3A_1910 = arith.addi %add3A_1909, %and3A_1906 : vector<16xi32>
        %and3A_1911 = arith.constant -65536 : i32
        %and3A_1912 = vector.broadcast %and3A_1911 : i32 to vector<16xi32>
        %and3A_1913 = arith.andi %add3A_1910, %and3A_1912 : vector<16xi32>
        %bitcast3A_1914 = vector.bitcast %and3A_1913 : vector<16xi32> to vector<16xf32>
        %mul3A_1915 = arith.mulf %bitcast3A_1914, %get3A_1708 : vector<16xf32>
        %add3A_1916 = arith.addf %scan3A_1698, %mul3A_1915 : vector<16xf32>
        %add3A_1917 = arith.addi %shift_left3A_921, %and3A_1705 : vector<16xi32>
        %gather3A_1918 = tpu.vector_load_idx %arg29[%add3A_822, %add3A_1917] : memref<208x128xf32, #tpu.memory_space<vmem>>[vector<16xi32>, vector<16xi32>], vector<16xf32>,
        %bitcast3A_1919 = vector.bitcast %gather3A_1918 : vector<16xf32> to vector<16xi32>
        %shift_right_logical3A_1920 = arith.constant 16 : i32
        %shift_right_logical3A_1921 = vector.broadcast %shift_right_logical3A_1920 : i32 to vector<16xi32>
        %shift_right_logical3A_1922 = arith.shrui %bitcast3A_1919, %shift_right_logical3A_1921 : vector<16xi32>
        %and3A_1923 = arith.constant 1 : i32
        %and3A_1924 = vector.broadcast %and3A_1923 : i32 to vector<16xi32>
        %and3A_1925 = arith.andi %shift_right_logical3A_1922, %and3A_1924 : vector<16xi32>
        %add3A_1926 = arith.constant 32767 : i32
        %add3A_1927 = vector.broadcast %add3A_1926 : i32 to vector<16xi32>
        %add3A_1928 = arith.addi %bitcast3A_1919, %add3A_1927 : vector<16xi32>
        %add3A_1929 = arith.addi %add3A_1928, %and3A_1925 : vector<16xi32>
        %and3A_1930 = arith.constant -65536 : i32
        %and3A_1931 = vector.broadcast %and3A_1930 : i32 to vector<16xi32>
        %and3A_1932 = arith.andi %add3A_1929, %and3A_1931 : vector<16xi32>
        %bitcast3A_1933 = vector.bitcast %and3A_1932 : vector<16xi32> to vector<16xf32>
        %mul3A_1934 = arith.mulf %bitcast3A_1933, %get3A_1708 : vector<16xf32>
        %add3A_1935 = arith.addf %scan3A_1699, %mul3A_1934 : vector<16xf32>
        %add3A_1936 = arith.addi %shift_left3A_929, %and3A_1705 : vector<16xi32>
        %gather3A_1937 = tpu.vector_load_idx %arg29[%add3A_825, %add3A_1936] : memref<208x128xf32, #tpu.memory_space<vmem>>[vector<16xi32>, vector<16xi32>], vector<16xf32>,
        %bitcast3A_1938 = vector.bitcast %gather3A_1937 : vector<16xf32> to vector<16xi32>
        %shift_right_logical3A_1939 = arith.constant 16 : i32
        %shift_right_logical3A_1940 = vector.broadcast %shift_right_logical3A_1939 : i32 to vector<16xi32>
        %shift_right_logical3A_1941 = arith.shrui %bitcast3A_1938, %shift_right_logical3A_1940 : vector<16xi32>
        %and3A_1942 = arith.constant 1 : i32
        %and3A_1943 = vector.broadcast %and3A_1942 : i32 to vector<16xi32>
        %and3A_1944 = arith.andi %shift_right_logical3A_1941, %and3A_1943 : vector<16xi32>
        %add3A_1945 = arith.constant 32767 : i32
        %add3A_1946 = vector.broadcast %add3A_1945 : i32 to vector<16xi32>
        %add3A_1947 = arith.addi %bitcast3A_1938, %add3A_1946 : vector<16xi32>
        %add3A_1948 = arith.addi %add3A_1947, %and3A_1944 : vector<16xi32>
        %and3A_1949 = arith.constant -65536 : i32
        %and3A_1950 = vector.broadcast %and3A_1949 : i32 to vector<16xi32>
        %and3A_1951 = arith.andi %add3A_1948, %and3A_1950 : vector<16xi32>
        %bitcast3A_1952 = vector.bitcast %and3A_1951 : vector<16xi32> to vector<16xf32>
        %mul3A_1953 = arith.mulf %bitcast3A_1952, %get3A_1708 : vector<16xf32>
        %add3A_1954 = arith.addf %scan3A_1700, %mul3A_1953 : vector<16xf32>
        scf.yield %add3A_1726, %add3A_1745, %add3A_1764, %add3A_1783, %add3A_1802, %add3A_1821, %add3A_1840, %add3A_1859, %add3A_1878, %add3A_1897, %add3A_1916, %add3A_1935, %add3A_1954 : vector<16xf32>, vector<16xf32>, vector<16xf32>, vector<16xf32>, vector<16xf32>, vector<16xf32>, vector<16xf32>, vector<16xf32>, vector<16xf32>, vector<16xf32>, vector<16xf32>, vector<16xf32>, vector<16xf32>
      }
      %scan3A_967 = arith.constant 64 : i32
      %get3A_968 = arith.constant 0 : index
      %get3A_969 = tpu.vector_load %arg9[%get3A_968] {strides = array<i32>} : memref<208xi32, #tpu.memory_space<vmem>>, vector<16xi32>,
      %gather3A_970 = tpu.vector_load_idx %arg21[%get3A_969] : memref<1000xf32, #tpu.memory_space<vmem>>[vector<16xi32>], vector<16xf32>,
      %add3A_971 = arith.addf %scan3A_966#0, %gather3A_970 : vector<16xf32>
      %swap3A_972 = arith.constant 0 : index
      %swap3A_973 = tpu.vector_load %arg33[%swap3A_972] {strides = array<i32>} : memref<208xf32, #tpu.memory_space<vmem>>, vector<16xf32>,
      tpu.vector_store %arg33[%swap3A_972], %add3A_971 {strides = array<i32>} : memref<208xf32, #tpu.memory_space<vmem>>, vector<16xf32>,
      %get3A_974 = arith.constant 16 : index
      %get3A_975 = tpu.vector_load %arg9[%get3A_974] {strides = array<i32>} : memref<208xi32, #tpu.memory_space<vmem>>, vector<16xi32>,
      %gather3A_976 = tpu.vector_load_idx %arg21[%get3A_975] : memref<1000xf32, #tpu.memory_space<vmem>>[vector<16xi32>], vector<16xf32>,
      %add3A_977 = arith.addf %scan3A_966#1, %gather3A_976 : vector<16xf32>
      %swap3A_978 = arith.constant 16 : index
      %swap3A_979 = tpu.vector_load %arg33[%swap3A_978] {strides = array<i32>} : memref<208xf32, #tpu.memory_space<vmem>>, vector<16xf32>,
      tpu.vector_store %arg33[%swap3A_978], %add3A_977 {strides = array<i32>} : memref<208xf32, #tpu.memory_space<vmem>>, vector<16xf32>,
      %get3A_980 = arith.constant 32 : index
      %get3A_981 = tpu.vector_load %arg9[%get3A_980] {strides = array<i32>} : memref<208xi32, #tpu.memory_space<vmem>>, vector<16xi32>,
      %gather3A_982 = tpu.vector_load_idx %arg21[%get3A_981] : memref<1000xf32, #tpu.memory_space<vmem>>[vector<16xi32>], vector<16xf32>,
      %add3A_983 = arith.addf %scan3A_966#2, %gather3A_982 : vector<16xf32>
      %swap3A_984 = arith.constant 32 : index
      %swap3A_985 = tpu.vector_load %arg33[%swap3A_984] {strides = array<i32>} : memref<208xf32, #tpu.memory_space<vmem>>, vector<16xf32>,
      tpu.vector_store %arg33[%swap3A_984], %add3A_983 {strides = array<i32>} : memref<208xf32, #tpu.memory_space<vmem>>, vector<16xf32>,
      %get3A_986 = arith.constant 48 : index
      %get3A_987 = tpu.vector_load %arg9[%get3A_986] {strides = array<i32>} : memref<208xi32, #tpu.memory_space<vmem>>, vector<16xi32>,
      %gather3A_988 = tpu.vector_load_idx %arg21[%get3A_987] : memref<1000xf32, #tpu.memory_space<vmem>>[vector<16xi32>], vector<16xf32>,
      %add3A_989 = arith.addf %scan3A_966#3, %gather3A_988 : vector<16xf32>
      %swap3A_990 = arith.constant 48 : index
      %swap3A_991 = tpu.vector_load %arg33[%swap3A_990] {strides = array<i32>} : memref<208xf32, #tpu.memory_space<vmem>>, vector<16xf32>,
      tpu.vector_store %arg33[%swap3A_990], %add3A_989 {strides = array<i32>} : memref<208xf32, #tpu.memory_space<vmem>>, vector<16xf32>,
      %get3A_992 = arith.constant 64 : index
      %get3A_993 = tpu.vector_load %arg9[%get3A_992] {strides = array<i32>} : memref<208xi32, #tpu.memory_space<vmem>>, vector<16xi32>,
      %gather3A_994 = tpu.vector_load_idx %arg21[%get3A_993] : memref<1000xf32, #tpu.memory_space<vmem>>[vector<16xi32>], vector<16xf32>,
      %add3A_995 = arith.addf %scan3A_966#4, %gather3A_994 : vector<16xf32>
      %swap3A_996 = arith.constant 64 : index
      %swap3A_997 = tpu.vector_load %arg33[%swap3A_996] {strides = array<i32>} : memref<208xf32, #tpu.memory_space<vmem>>, vector<16xf32>,
      tpu.vector_store %arg33[%swap3A_996], %add3A_995 {strides = array<i32>} : memref<208xf32, #tpu.memory_space<vmem>>, vector<16xf32>,
      %get3A_998 = arith.constant 80 : index
      %get3A_999 = tpu.vector_load %arg9[%get3A_998] {strides = array<i32>} : memref<208xi32, #tpu.memory_space<vmem>>, vector<16xi32>,
      %gather3A_1000 = tpu.vector_load_idx %arg21[%get3A_999] : memref<1000xf32, #tpu.memory_space<vmem>>[vector<16xi32>], vector<16xf32>,
      %add3A_1001 = arith.addf %scan3A_966#5, %gather3A_1000 : vector<16xf32>
      %swap3A_1002 = arith.constant 80 : index
      %swap3A_1003 = tpu.vector_load %arg33[%swap3A_1002] {strides = array<i32>} : memref<208xf32, #tpu.memory_space<vmem>>, vector<16xf32>,
      tpu.vector_store %arg33[%swap3A_1002], %add3A_1001 {strides = array<i32>} : memref<208xf32, #tpu.memory_space<vmem>>, vector<16xf32>,
      %get3A_1004 = arith.constant 96 : index
      %get3A_1005 = tpu.vector_load %arg9[%get3A_1004] {strides = array<i32>} : memref<208xi32, #tpu.memory_space<vmem>>, vector<16xi32>,
      %gather3A_1006 = tpu.vector_load_idx %arg21[%get3A_1005] : memref<1000xf32, #tpu.memory_space<vmem>>[vector<16xi32>], vector<16xf32>,
      %add3A_1007 = arith.addf %scan3A_966#6, %gather3A_1006 : vector<16xf32>
      %swap3A_1008 = arith.constant 96 : index
      %swap3A_1009 = tpu.vector_load %arg33[%swap3A_1008] {strides = array<i32>} : memref<208xf32, #tpu.memory_space<vmem>>, vector<16xf32>,
      tpu.vector_store %arg33[%swap3A_1008], %add3A_1007 {strides = array<i32>} : memref<208xf32, #tpu.memory_space<vmem>>, vector<16xf32>,
      %get3A_1010 = arith.constant 112 : index
      %get3A_1011 = tpu.vector_load %arg9[%get3A_1010] {strides = array<i32>} : memref<208xi32, #tpu.memory_space<vmem>>, vector<16xi32>,
      %gather3A_1012 = tpu.vector_load_idx %arg21[%get3A_1011] : memref<1000xf32, #tpu.memory_space<vmem>>[vector<16xi32>], vector<16xf32>,
      %add3A_1013 = arith.addf %scan3A_966#7, %gather3A_1012 : vector<16xf32>
      %swap3A_1014 = arith.constant 112 : index
      %swap3A_1015 = tpu.vector_load %arg33[%swap3A_1014] {strides = array<i32>} : memref<208xf32, #tpu.memory_space<vmem>>, vector<16xf32>,
      tpu.vector_store %arg33[%swap3A_1014], %add3A_1013 {strides = array<i32>} : memref<208xf32, #tpu.memory_space<vmem>>, vector<16xf32>,
      %get3A_1016 = arith.constant 128 : index
      %get3A_1017 = tpu.vector_load %arg9[%get3A_1016] {strides = array<i32>} : memref<208xi32, #tpu.memory_space<vmem>>, vector<16xi32>,
      %gather3A_1018 = tpu.vector_load_idx %arg21[%get3A_1017] : memref<1000xf32, #tpu.memory_space<vmem>>[vector<16xi32>], vector<16xf32>,
      %add3A_1019 = arith.addf %scan3A_966#8, %gather3A_1018 : vector<16xf32>
      %swap3A_1020 = arith.constant 128 : index
      %swap3A_1021 = tpu.vector_load %arg33[%swap3A_1020] {strides = array<i32>} : memref<208xf32, #tpu.memory_space<vmem>>, vector<16xf32>,
      tpu.vector_store %arg33[%swap3A_1020], %add3A_1019 {strides = array<i32>} : memref<208xf32, #tpu.memory_space<vmem>>, vector<16xf32>,
      %get3A_1022 = arith.constant 144 : index
      %get3A_1023 = tpu.vector_load %arg9[%get3A_1022] {strides = array<i32>} : memref<208xi32, #tpu.memory_space<vmem>>, vector<16xi32>,
      %gather3A_1024 = tpu.vector_load_idx %arg21[%get3A_1023] : memref<1000xf32, #tpu.memory_space<vmem>>[vector<16xi32>], vector<16xf32>,
      %add3A_1025 = arith.addf %scan3A_966#9, %gather3A_1024 : vector<16xf32>
      %swap3A_1026 = arith.constant 144 : index
      %swap3A_1027 = tpu.vector_load %arg33[%swap3A_1026] {strides = array<i32>} : memref<208xf32, #tpu.memory_space<vmem>>, vector<16xf32>,
      tpu.vector_store %arg33[%swap3A_1026], %add3A_1025 {strides = array<i32>} : memref<208xf32, #tpu.memory_space<vmem>>, vector<16xf32>,
      %get3A_1028 = arith.constant 160 : index
      %get3A_1029 = tpu.vector_load %arg9[%get3A_1028] {strides = array<i32>} : memref<208xi32, #tpu.memory_space<vmem>>, vector<16xi32>,
      %gather3A_1030 = tpu.vector_load_idx %arg21[%get3A_1029] : memref<1000xf32, #tpu.memory_space<vmem>>[vector<16xi32>], vector<16xf32>,
      %add3A_1031 = arith.addf %scan3A_966#10, %gather3A_1030 : vector<16xf32>
      %swap3A_1032 = arith.constant 160 : index
      %swap3A_1033 = tpu.vector_load %arg33[%swap3A_1032] {strides = array<i32>} : memref<208xf32, #tpu.memory_space<vmem>>, vector<16xf32>,
      tpu.vector_store %arg33[%swap3A_1032], %add3A_1031 {strides = array<i32>} : memref<208xf32, #tpu.memory_space<vmem>>, vector<16xf32>,
      %get3A_1034 = arith.constant 176 : index
      %get3A_1035 = tpu.vector_load %arg9[%get3A_1034] {strides = array<i32>} : memref<208xi32, #tpu.memory_space<vmem>>, vector<16xi32>,
      %gather3A_1036 = tpu.vector_load_idx %arg21[%get3A_1035] : memref<1000xf32, #tpu.memory_space<vmem>>[vector<16xi32>], vector<16xf32>,
      %add3A_1037 = arith.addf %scan3A_966#11, %gather3A_1036 : vector<16xf32>
      %swap3A_1038 = arith.constant 176 : index
      %swap3A_1039 = tpu.vector_load %arg33[%swap3A_1038] {strides = array<i32>} : memref<208xf32, #tpu.memory_space<vmem>>, vector<16xf32>,
      tpu.vector_store %arg33[%swap3A_1038], %add3A_1037 {strides = array<i32>} : memref<208xf32, #tpu.memory_space<vmem>>, vector<16xf32>,
      %get3A_1040 = arith.constant 192 : index
      %get3A_1041 = tpu.vector_load %arg9[%get3A_1040] {strides = array<i32>} : memref<208xi32, #tpu.memory_space<vmem>>, vector<16xi32>,
      %gather3A_1042 = tpu.vector_load_idx %arg21[%get3A_1041] : memref<1000xf32, #tpu.memory_space<vmem>>[vector<16xi32>], vector<16xf32>,
      %add3A_1043 = arith.addf %scan3A_966#12, %gather3A_1042 : vector<16xf32>
      %swap3A_1044 = arith.constant 192 : index
      %swap3A_1045 = tpu.vector_load %arg33[%swap3A_1044] {strides = array<i32>} : memref<208xf32, #tpu.memory_space<vmem>>, vector<16xf32>,
      tpu.vector_store %arg33[%swap3A_1044], %add3A_1043 {strides = array<i32>} : memref<208xf32, #tpu.memory_space<vmem>>, vector<16xf32>,
      %mul3A_1046 = arith.constant 208 : i32
      %mul3A_1047 = arith.muli %add3A_786, %mul3A_1046 : i32
      %dma_start3A_1048 = tpu.memref_slice %arg7[%mul3A_1047] : memref<851968xf32, #tpu.memory_space<hbm>> -> memref<208xf32, #tpu.memory_space<hbm>>
      %dma_start3A_1049 = tpu.memref_slice %arg7[%mul3A_1047] : memref<851968xf32, #tpu.memory_space<hbm>> -> memref<208xf32, #tpu.memory_space<hbm>>
      tpu.enqueue_dma source(%arg33 : memref<208xf32, #tpu.memory_space<vmem>>) target(%dma_start3A_1049 : memref<208xf32, #tpu.memory_space<hbm>>) target_semaphore(%arg44 : memref<!tpu.dma_semaphore, #tpu.memory_space<semaphore_mem>>)
      %add3A_1050 = arith.constant 4 : i32
      %add3A_1051 = arith.addi %add3A_745, %add3A_1050 : i32
      %lt3A_1052 = arith.constant 128 : i32
      %lt3A_1053 = arith.cmpi slt, %add3A_1051, %lt3A_1052 : i32
      %convert_element_type3A_1054 = arith.extui %lt3A_1053 : i1 to i32
      %cond3A_1055 = arith.constant 0 : i32
      %cond3A_1056 = arith.cmpi ne, %convert_element_type3A_1054, %cond3A_1055 : i32
      scf.if %cond3A_1056 {
        %add3A_1687 = arith.addi %mul3A_2, %add3A_745 : i32
        %add3A_1688 = arith.constant 4 : i32
        %add3A_1689 = arith.addi %add3A_1687, %add3A_1688 : i32
        %mul3A_1690 = arith.constant 200 : i32
        %mul3A_1691 = arith.muli %add3A_1689, %mul3A_1690 : i32
        %dma_start3A_1692 = arith.constant 0 : i32
        %dma_start3A_1693 = tpu.memref_slice %arg9[%dma_start3A_1692] : memref<208xi32, #tpu.memory_space<vmem>> -> memref<200xi32, #tpu.memory_space<vmem>>
        %dma_start3A_1694 = tpu.memref_slice %arg2[%mul3A_1691] : memref<819200xi32, #tpu.memory_space<hbm>> -> memref<200xi32, #tpu.memory_space<hbm>>
        %dma_start3A_1695 = arith.constant 0 : i32
        %dma_start3A_1696 = tpu.memref_slice %arg9[%dma_start3A_1695] : memref<208xi32, #tpu.memory_space<vmem>> -> memref<200xi32, #tpu.memory_space<vmem>>
        %dma_start3A_1697 = tpu.memref_slice %arg2[%mul3A_1691] : memref<819200xi32, #tpu.memory_space<hbm>> -> memref<200xi32, #tpu.memory_space<hbm>>
        tpu.enqueue_dma source(%dma_start3A_1697 : memref<200xi32, #tpu.memory_space<hbm>>) target(%dma_start3A_1696 : memref<200xi32, #tpu.memory_space<vmem>>) target_semaphore(%arg36 : memref<!tpu.dma_semaphore, #tpu.memory_space<semaphore_mem>>)
        %mul3A_1698 = arith.constant 200 : i32
        %mul3A_1699 = arith.muli %add3A_1689, %mul3A_1698 : i32
        %dma_start3A_1700 = arith.constant 0 : i32
        %dma_start3A_1701 = tpu.memref_slice %arg13[%dma_start3A_1700] : memref<208xi32, #tpu.memory_space<vmem>> -> memref<200xi32, #tpu.memory_space<vmem>>
        %dma_start3A_1702 = tpu.memref_slice %arg3[%mul3A_1699] : memref<819200xi32, #tpu.memory_space<hbm>> -> memref<200xi32, #tpu.memory_space<hbm>>
        %dma_start3A_1703 = arith.constant 0 : i32
        %dma_start3A_1704 = tpu.memref_slice %arg13[%dma_start3A_1703] : memref<208xi32, #tpu.memory_space<vmem>> -> memref<200xi32, #tpu.memory_space<vmem>>
        %dma_start3A_1705 = tpu.memref_slice %arg3[%mul3A_1699] : memref<819200xi32, #tpu.memory_space<hbm>> -> memref<200xi32, #tpu.memory_space<hbm>>
        tpu.enqueue_dma source(%dma_start3A_1705 : memref<200xi32, #tpu.memory_space<hbm>>) target(%dma_start3A_1704 : memref<200xi32, #tpu.memory_space<vmem>>) target_semaphore(%arg36 : memref<!tpu.dma_semaphore, #tpu.memory_space<semaphore_mem>>)
      } else {
      }
      %mul3A_1057 = arith.constant 4 : i32
      %mul3A_1058 = arith.muli %mul3A_1057, %scan3A_433 : i32
      %add3A_1059 = arith.constant 2 : i32
      %add3A_1060 = arith.addi %mul3A_1058, %add3A_1059 : i32
      %add3A_1061 = arith.constant 3 : i32
      %add3A_1062 = arith.addi %add3A_1060, %add3A_1061 : i32
      %lt3A_1063 = arith.constant 128 : i32
      %lt3A_1064 = arith.cmpi slt, %add3A_1062, %lt3A_1063 : i32
      %convert_element_type3A_1065 = arith.extui %lt3A_1064 : i1 to i32
      %cond3A_1066 = arith.constant 0 : i32
      %cond3A_1067 = arith.cmpi ne, %convert_element_type3A_1065, %cond3A_1066 : i32
      scf.if %cond3A_1067 {
        %dma_wait3A_1687 = arith.constant 0 : i32
        %dma_wait3A_1688 = tpu.memref_slice %arg9[%dma_wait3A_1687] : memref<208xi32, #tpu.memory_space<vmem>> -> memref<200xi32, #tpu.memory_space<vmem>>
        %dma_wait3A_1689 = arith.constant 0 : i32
        %dma_wait3A_1690 = tpu.memref_slice %arg2[%dma_wait3A_1689] : memref<819200xi32, #tpu.memory_space<hbm>> -> memref<200xi32, #tpu.memory_space<hbm>>
        %dma_wait3A_1691 = arith.constant 0 : i32
        %dma_wait3A_1692 = tpu.memref_slice %arg9[%dma_wait3A_1691] : memref<208xi32, #tpu.memory_space<vmem>> -> memref<200xi32, #tpu.memory_space<vmem>>
        %dma_wait3A_1693 = arith.constant 0 : i32
        %dma_wait3A_1694 = tpu.memref_slice %arg2[%dma_wait3A_1693] : memref<819200xi32, #tpu.memory_space<hbm>> -> memref<200xi32, #tpu.memory_space<hbm>>
        tpu.wait_dma2 semaphore(%arg36 : memref<!tpu.dma_semaphore, #tpu.memory_space<semaphore_mem>>) src(%dma_wait3A_1694 : memref<200xi32, #tpu.memory_space<hbm>>) dst(%dma_wait3A_1692 : memref<200xi32, #tpu.memory_space<vmem>>)
        %dma_wait3A_1695 = arith.constant 0 : i32
        %dma_wait3A_1696 = tpu.memref_slice %arg13[%dma_wait3A_1695] : memref<208xi32, #tpu.memory_space<vmem>> -> memref<200xi32, #tpu.memory_space<vmem>>
        %dma_wait3A_1697 = arith.constant 0 : i32
        %dma_wait3A_1698 = tpu.memref_slice %arg3[%dma_wait3A_1697] : memref<819200xi32, #tpu.memory_space<hbm>> -> memref<200xi32, #tpu.memory_space<hbm>>
        %dma_wait3A_1699 = arith.constant 0 : i32
        %dma_wait3A_1700 = tpu.memref_slice %arg13[%dma_wait3A_1699] : memref<208xi32, #tpu.memory_space<vmem>> -> memref<200xi32, #tpu.memory_space<vmem>>
        %dma_wait3A_1701 = arith.constant 0 : i32
        %dma_wait3A_1702 = tpu.memref_slice %arg3[%dma_wait3A_1701] : memref<819200xi32, #tpu.memory_space<hbm>> -> memref<200xi32, #tpu.memory_space<hbm>>
        tpu.wait_dma2 semaphore(%arg36 : memref<!tpu.dma_semaphore, #tpu.memory_space<semaphore_mem>>) src(%dma_wait3A_1702 : memref<200xi32, #tpu.memory_space<hbm>>) dst(%dma_wait3A_1700 : memref<200xi32, #tpu.memory_space<vmem>>)
        %add3A_1703 = arith.addi %mul3A_2, %add3A_1060 : i32
        %add3A_1704 = arith.constant 3 : i32
        %add3A_1705 = arith.addi %add3A_1703, %add3A_1704 : i32
        %get3A_1706 = arith.constant 0 : index
        %get3A_1707 = tpu.vector_load %arg13[%get3A_1706] {strides = array<i32>} : memref<208xi32, #tpu.memory_space<vmem>>, vector<16xi32>,
        %shift_right_logical3A_1708 = arith.constant 1 : i32
        %shift_right_logical3A_1709 = vector.broadcast %shift_right_logical3A_1708 : i32 to vector<16xi32>
        %shift_right_logical3A_1710 = arith.shrui %get3A_1707, %shift_right_logical3A_1709 : vector<16xi32>
        %swap3A_1711 = arith.constant 0 : index
        %swap3A_1712 = tpu.vector_load %arg17[%swap3A_1711] {strides = array<i32>} : memref<208xi32, #tpu.memory_space<vmem>>, vector<16xi32>,
        tpu.vector_store %arg17[%swap3A_1711], %shift_right_logical3A_1710 {strides = array<i32>} : memref<208xi32, #tpu.memory_space<vmem>>, vector<16xi32>,
        %get3A_1713 = arith.constant 16 : index
        %get3A_1714 = tpu.vector_load %arg13[%get3A_1713] {strides = array<i32>} : memref<208xi32, #tpu.memory_space<vmem>>, vector<16xi32>,
        %shift_right_logical3A_1715 = arith.constant 1 : i32
        %shift_right_logical3A_1716 = vector.broadcast %shift_right_logical3A_1715 : i32 to vector<16xi32>
        %shift_right_logical3A_1717 = arith.shrui %get3A_1714, %shift_right_logical3A_1716 : vector<16xi32>
        %swap3A_1718 = arith.constant 16 : index
        %swap3A_1719 = tpu.vector_load %arg17[%swap3A_1718] {strides = array<i32>} : memref<208xi32, #tpu.memory_space<vmem>>, vector<16xi32>,
        tpu.vector_store %arg17[%swap3A_1718], %shift_right_logical3A_1717 {strides = array<i32>} : memref<208xi32, #tpu.memory_space<vmem>>, vector<16xi32>,
        %get3A_1720 = arith.constant 32 : index
        %get3A_1721 = tpu.vector_load %arg13[%get3A_1720] {strides = array<i32>} : memref<208xi32, #tpu.memory_space<vmem>>, vector<16xi32>,
        %shift_right_logical3A_1722 = arith.constant 1 : i32
        %shift_right_logical3A_1723 = vector.broadcast %shift_right_logical3A_1722 : i32 to vector<16xi32>
        %shift_right_logical3A_1724 = arith.shrui %get3A_1721, %shift_right_logical3A_1723 : vector<16xi32>
        %swap3A_1725 = arith.constant 32 : index
        %swap3A_1726 = tpu.vector_load %arg17[%swap3A_1725] {strides = array<i32>} : memref<208xi32, #tpu.memory_space<vmem>>, vector<16xi32>,
        tpu.vector_store %arg17[%swap3A_1725], %shift_right_logical3A_1724 {strides = array<i32>} : memref<208xi32, #tpu.memory_space<vmem>>, vector<16xi32>,
        %get3A_1727 = arith.constant 48 : index
        %get3A_1728 = tpu.vector_load %arg13[%get3A_1727] {strides = array<i32>} : memref<208xi32, #tpu.memory_space<vmem>>, vector<16xi32>,
        %shift_right_logical3A_1729 = arith.constant 1 : i32
        %shift_right_logical3A_1730 = vector.broadcast %shift_right_logical3A_1729 : i32 to vector<16xi32>
        %shift_right_logical3A_1731 = arith.shrui %get3A_1728, %shift_right_logical3A_1730 : vector<16xi32>
        %swap3A_1732 = arith.constant 48 : index
        %swap3A_1733 = tpu.vector_load %arg17[%swap3A_1732] {strides = array<i32>} : memref<208xi32, #tpu.memory_space<vmem>>, vector<16xi32>,
        tpu.vector_store %arg17[%swap3A_1732], %shift_right_logical3A_1731 {strides = array<i32>} : memref<208xi32, #tpu.memory_space<vmem>>, vector<16xi32>,
        %get3A_1734 = arith.constant 64 : index
        %get3A_1735 = tpu.vector_load %arg13[%get3A_1734] {strides = array<i32>} : memref<208xi32, #tpu.memory_space<vmem>>, vector<16xi32>,
        %shift_right_logical3A_1736 = arith.constant 1 : i32
        %shift_right_logical3A_1737 = vector.broadcast %shift_right_logical3A_1736 : i32 to vector<16xi32>
        %shift_right_logical3A_1738 = arith.shrui %get3A_1735, %shift_right_logical3A_1737 : vector<16xi32>
        %swap3A_1739 = arith.constant 64 : index
        %swap3A_1740 = tpu.vector_load %arg17[%swap3A_1739] {strides = array<i32>} : memref<208xi32, #tpu.memory_space<vmem>>, vector<16xi32>,
        tpu.vector_store %arg17[%swap3A_1739], %shift_right_logical3A_1738 {strides = array<i32>} : memref<208xi32, #tpu.memory_space<vmem>>, vector<16xi32>,
        %get3A_1741 = arith.constant 80 : index
        %get3A_1742 = tpu.vector_load %arg13[%get3A_1741] {strides = array<i32>} : memref<208xi32, #tpu.memory_space<vmem>>, vector<16xi32>,
        %shift_right_logical3A_1743 = arith.constant 1 : i32
        %shift_right_logical3A_1744 = vector.broadcast %shift_right_logical3A_1743 : i32 to vector<16xi32>
        %shift_right_logical3A_1745 = arith.shrui %get3A_1742, %shift_right_logical3A_1744 : vector<16xi32>
        %swap3A_1746 = arith.constant 80 : index
        %swap3A_1747 = tpu.vector_load %arg17[%swap3A_1746] {strides = array<i32>} : memref<208xi32, #tpu.memory_space<vmem>>, vector<16xi32>,
        tpu.vector_store %arg17[%swap3A_1746], %shift_right_logical3A_1745 {strides = array<i32>} : memref<208xi32, #tpu.memory_space<vmem>>, vector<16xi32>,
        %get3A_1748 = arith.constant 96 : index
        %get3A_1749 = tpu.vector_load %arg13[%get3A_1748] {strides = array<i32>} : memref<208xi32, #tpu.memory_space<vmem>>, vector<16xi32>,
        %shift_right_logical3A_1750 = arith.constant 1 : i32
        %shift_right_logical3A_1751 = vector.broadcast %shift_right_logical3A_1750 : i32 to vector<16xi32>
        %shift_right_logical3A_1752 = arith.shrui %get3A_1749, %shift_right_logical3A_1751 : vector<16xi32>
        %swap3A_1753 = arith.constant 96 : index
        %swap3A_1754 = tpu.vector_load %arg17[%swap3A_1753] {strides = array<i32>} : memref<208xi32, #tpu.memory_space<vmem>>, vector<16xi32>,
        tpu.vector_store %arg17[%swap3A_1753], %shift_right_logical3A_1752 {strides = array<i32>} : memref<208xi32, #tpu.memory_space<vmem>>, vector<16xi32>,
        %get3A_1755 = arith.constant 112 : index
        %get3A_1756 = tpu.vector_load %arg13[%get3A_1755] {strides = array<i32>} : memref<208xi32, #tpu.memory_space<vmem>>, vector<16xi32>,
        %shift_right_logical3A_1757 = arith.constant 1 : i32
        %shift_right_logical3A_1758 = vector.broadcast %shift_right_logical3A_1757 : i32 to vector<16xi32>
        %shift_right_logical3A_1759 = arith.shrui %get3A_1756, %shift_right_logical3A_1758 : vector<16xi32>
        %swap3A_1760 = arith.constant 112 : index
        %swap3A_1761 = tpu.vector_load %arg17[%swap3A_1760] {strides = array<i32>} : memref<208xi32, #tpu.memory_space<vmem>>, vector<16xi32>,
        tpu.vector_store %arg17[%swap3A_1760], %shift_right_logical3A_1759 {strides = array<i32>} : memref<208xi32, #tpu.memory_space<vmem>>, vector<16xi32>,
        %get3A_1762 = arith.constant 128 : index
        %get3A_1763 = tpu.vector_load %arg13[%get3A_1762] {strides = array<i32>} : memref<208xi32, #tpu.memory_space<vmem>>, vector<16xi32>,
        %shift_right_logical3A_1764 = arith.constant 1 : i32
        %shift_right_logical3A_1765 = vector.broadcast %shift_right_logical3A_1764 : i32 to vector<16xi32>
        %shift_right_logical3A_1766 = arith.shrui %get3A_1763, %shift_right_logical3A_1765 : vector<16xi32>
        %swap3A_1767 = arith.constant 128 : index
        %swap3A_1768 = tpu.vector_load %arg17[%swap3A_1767] {strides = array<i32>} : memref<208xi32, #tpu.memory_space<vmem>>, vector<16xi32>,
        tpu.vector_store %arg17[%swap3A_1767], %shift_right_logical3A_1766 {strides = array<i32>} : memref<208xi32, #tpu.memory_space<vmem>>, vector<16xi32>,
        %get3A_1769 = arith.constant 144 : index
        %get3A_1770 = tpu.vector_load %arg13[%get3A_1769] {strides = array<i32>} : memref<208xi32, #tpu.memory_space<vmem>>, vector<16xi32>,
        %shift_right_logical3A_1771 = arith.constant 1 : i32
        %shift_right_logical3A_1772 = vector.broadcast %shift_right_logical3A_1771 : i32 to vector<16xi32>
        %shift_right_logical3A_1773 = arith.shrui %get3A_1770, %shift_right_logical3A_1772 : vector<16xi32>
        %swap3A_1774 = arith.constant 144 : index
        %swap3A_1775 = tpu.vector_load %arg17[%swap3A_1774] {strides = array<i32>} : memref<208xi32, #tpu.memory_space<vmem>>, vector<16xi32>,
        tpu.vector_store %arg17[%swap3A_1774], %shift_right_logical3A_1773 {strides = array<i32>} : memref<208xi32, #tpu.memory_space<vmem>>, vector<16xi32>,
        %get3A_1776 = arith.constant 160 : index
        %get3A_1777 = tpu.vector_load %arg13[%get3A_1776] {strides = array<i32>} : memref<208xi32, #tpu.memory_space<vmem>>, vector<16xi32>,
        %shift_right_logical3A_1778 = arith.constant 1 : i32
        %shift_right_logical3A_1779 = vector.broadcast %shift_right_logical3A_1778 : i32 to vector<16xi32>
        %shift_right_logical3A_1780 = arith.shrui %get3A_1777, %shift_right_logical3A_1779 : vector<16xi32>
        %swap3A_1781 = arith.constant 160 : index
        %swap3A_1782 = tpu.vector_load %arg17[%swap3A_1781] {strides = array<i32>} : memref<208xi32, #tpu.memory_space<vmem>>, vector<16xi32>,
        tpu.vector_store %arg17[%swap3A_1781], %shift_right_logical3A_1780 {strides = array<i32>} : memref<208xi32, #tpu.memory_space<vmem>>, vector<16xi32>,
        %get3A_1783 = arith.constant 176 : index
        %get3A_1784 = tpu.vector_load %arg13[%get3A_1783] {strides = array<i32>} : memref<208xi32, #tpu.memory_space<vmem>>, vector<16xi32>,
        %shift_right_logical3A_1785 = arith.constant 1 : i32
        %shift_right_logical3A_1786 = vector.broadcast %shift_right_logical3A_1785 : i32 to vector<16xi32>
        %shift_right_logical3A_1787 = arith.shrui %get3A_1784, %shift_right_logical3A_1786 : vector<16xi32>
        %swap3A_1788 = arith.constant 176 : index
        %swap3A_1789 = tpu.vector_load %arg17[%swap3A_1788] {strides = array<i32>} : memref<208xi32, #tpu.memory_space<vmem>>, vector<16xi32>,
        tpu.vector_store %arg17[%swap3A_1788], %shift_right_logical3A_1787 {strides = array<i32>} : memref<208xi32, #tpu.memory_space<vmem>>, vector<16xi32>,
        %get3A_1790 = arith.constant 192 : index
        %get3A_1791 = tpu.vector_load %arg13[%get3A_1790] {strides = array<i32>} : memref<208xi32, #tpu.memory_space<vmem>>, vector<16xi32>,
        %shift_right_logical3A_1792 = arith.constant 1 : i32
        %shift_right_logical3A_1793 = vector.broadcast %shift_right_logical3A_1792 : i32 to vector<16xi32>
        %shift_right_logical3A_1794 = arith.shrui %get3A_1791, %shift_right_logical3A_1793 : vector<16xi32>
        %swap3A_1795 = arith.constant 192 : index
        %swap3A_1796 = tpu.vector_load %arg17[%swap3A_1795] {strides = array<i32>} : memref<208xi32, #tpu.memory_space<vmem>>, vector<16xi32>,
        tpu.vector_store %arg17[%swap3A_1795], %shift_right_logical3A_1794 {strides = array<i32>} : memref<208xi32, #tpu.memory_space<vmem>>, vector<16xi32>,
        %dma_start3A_1797 = arith.constant 0 : i32
        %dma_start3A_1798 = arith.constant 0 : i32
        %dma_start3A_1799 = tpu.memref_slice %arg29[%dma_start3A_1797, %dma_start3A_1798] : memref<208x128xf32, #tpu.memory_space<vmem>> -> memref<104x128xf32, #tpu.memory_space<vmem>>
        %dma_start3A_1800 = arith.constant 0 : i32
        %dma_start3A_1801 = tpu.memref_slice %arg17[%dma_start3A_1800] : memref<208xi32, #tpu.memory_space<vmem>> -> memref<104xi32, #tpu.memory_space<vmem>>
        %dma_start3A_1802 = arith.constant 0 : i32
        %dma_start3A_1803 = arith.constant 0 : i32
        %dma_start3A_1804 = tpu.memref_slice %arg6[%dma_start3A_1802, %dma_start3A_1803] : memref<500000x128xf32, #tpu.memory_space<hbm>> -> memref<500000x128xf32, #tpu.memory_space<hbm>>
        tpu.enqueue_indirect_dma source(%dma_start3A_1804 : memref<500000x128xf32, #tpu.memory_space<hbm>>) target(%dma_start3A_1799 : memref<104x128xf32, #tpu.memory_space<vmem>>) offsets(%dma_start3A_1801 : memref<104xi32, #tpu.memory_space<vmem>>) semaphore(%arg40 : memref<!tpu.dma_semaphore, #tpu.memory_space<semaphore_mem>>)
        %dma_start3A_1805 = arith.constant 104 : i32
        %dma_start3A_1806 = arith.constant 0 : i32
        %dma_start3A_1807 = tpu.memref_slice %arg29[%dma_start3A_1805, %dma_start3A_1806] : memref<208x128xf32, #tpu.memory_space<vmem>> -> memref<104x128xf32, #tpu.memory_space<vmem>>
        %dma_start3A_1808 = arith.constant 104 : i32
        %dma_start3A_1809 = tpu.memref_slice %arg17[%dma_start3A_1808] : memref<208xi32, #tpu.memory_space<vmem>> -> memref<104xi32, #tpu.memory_space<vmem>>
        %dma_start3A_1810 = arith.constant 0 : i32
        %dma_start3A_1811 = arith.constant 0 : i32
        %dma_start3A_1812 = tpu.memref_slice %arg6[%dma_start3A_1810, %dma_start3A_1811] : memref<500000x128xf32, #tpu.memory_space<hbm>> -> memref<500000x128xf32, #tpu.memory_space<hbm>>
        tpu.enqueue_indirect_dma source(%dma_start3A_1812 : memref<500000x128xf32, #tpu.memory_space<hbm>>) target(%dma_start3A_1807 : memref<104x128xf32, #tpu.memory_space<vmem>>) offsets(%dma_start3A_1809 : memref<104xi32, #tpu.memory_space<vmem>>) semaphore(%arg40 : memref<!tpu.dma_semaphore, #tpu.memory_space<semaphore_mem>>)
        %mul3A_1813 = arith.constant 1000 : i32
        %mul3A_1814 = arith.muli %add3A_1705, %mul3A_1813 : i32
        %dma_start3A_1815 = tpu.memref_slice %arg4[%mul3A_1814] : memref<4096000xf32, #tpu.memory_space<hbm>> -> memref<1000xf32, #tpu.memory_space<hbm>>
        %dma_start3A_1816 = tpu.memref_slice %arg4[%mul3A_1814] : memref<4096000xf32, #tpu.memory_space<hbm>> -> memref<1000xf32, #tpu.memory_space<hbm>>
        tpu.enqueue_dma source(%dma_start3A_1816 : memref<1000xf32, #tpu.memory_space<hbm>>) target(%arg21 : memref<1000xf32, #tpu.memory_space<vmem>>) target_semaphore(%arg40 : memref<!tpu.dma_semaphore, #tpu.memory_space<semaphore_mem>>)
        %mul3A_1817 = arith.constant 64 : i32
        %mul3A_1818 = arith.muli %add3A_1705, %mul3A_1817 : i32
        %dma_start3A_1819 = arith.constant 0 : i32
        %dma_start3A_1820 = tpu.memref_slice %arg25[%dma_start3A_1819] : memref<128xf32, #tpu.memory_space<vmem>> -> memref<64xf32, #tpu.memory_space<vmem>>
        %dma_start3A_1821 = tpu.memref_slice %arg5[%mul3A_1818] : memref<262144xf32, #tpu.memory_space<hbm>> -> memref<64xf32, #tpu.memory_space<hbm>>
        %dma_start3A_1822 = arith.constant 0 : i32
        %dma_start3A_1823 = tpu.memref_slice %arg25[%dma_start3A_1822] : memref<128xf32, #tpu.memory_space<vmem>> -> memref<64xf32, #tpu.memory_space<vmem>>
        %dma_start3A_1824 = tpu.memref_slice %arg5[%mul3A_1818] : memref<262144xf32, #tpu.memory_space<hbm>> -> memref<64xf32, #tpu.memory_space<hbm>>
        tpu.enqueue_dma source(%dma_start3A_1824 : memref<64xf32, #tpu.memory_space<hbm>>) target(%dma_start3A_1823 : memref<64xf32, #tpu.memory_space<vmem>>) target_semaphore(%arg40 : memref<!tpu.dma_semaphore, #tpu.memory_space<semaphore_mem>>)
      } else {
      }
      %dma_wait3A_1068 = arith.constant 0 : i32
      %dma_wait3A_1069 = arith.constant 0 : i32
      %dma_wait3A_1070 = tpu.memref_slice %arg30[%dma_wait3A_1068, %dma_wait3A_1069] : memref<208x128xf32, #tpu.memory_space<vmem>> -> memref<104x128xf32, #tpu.memory_space<vmem>>
      %dma_wait3A_1071 = arith.constant 0 : i32
      %dma_wait3A_1072 = tpu.memref_slice %arg18[%dma_wait3A_1071] : memref<208xi32, #tpu.memory_space<vmem>> -> memref<104xi32, #tpu.memory_space<vmem>>
      %dma_wait3A_1073 = arith.constant 0 : i32
      %dma_wait3A_1074 = arith.constant 0 : i32
      %dma_wait3A_1075 = tpu.memref_slice %arg6[%dma_wait3A_1073, %dma_wait3A_1074] : memref<500000x128xf32, #tpu.memory_space<hbm>> -> memref<500000x128xf32, #tpu.memory_space<hbm>>
      tpu.wait_indirect_dma semaphore(%arg41 : memref<!tpu.dma_semaphore, #tpu.memory_space<semaphore_mem>>) src(%dma_wait3A_1075 : memref<500000x128xf32, #tpu.memory_space<hbm>>) dst(%dma_wait3A_1070 : memref<104x128xf32, #tpu.memory_space<vmem>>)
      %dma_wait3A_1076 = arith.constant 104 : i32
      %dma_wait3A_1077 = arith.constant 0 : i32
      %dma_wait3A_1078 = tpu.memref_slice %arg30[%dma_wait3A_1076, %dma_wait3A_1077] : memref<208x128xf32, #tpu.memory_space<vmem>> -> memref<104x128xf32, #tpu.memory_space<vmem>>
      %dma_wait3A_1079 = arith.constant 104 : i32
      %dma_wait3A_1080 = tpu.memref_slice %arg18[%dma_wait3A_1079] : memref<208xi32, #tpu.memory_space<vmem>> -> memref<104xi32, #tpu.memory_space<vmem>>
      %dma_wait3A_1081 = arith.constant 0 : i32
      %dma_wait3A_1082 = arith.constant 0 : i32
      %dma_wait3A_1083 = tpu.memref_slice %arg6[%dma_wait3A_1081, %dma_wait3A_1082] : memref<500000x128xf32, #tpu.memory_space<hbm>> -> memref<500000x128xf32, #tpu.memory_space<hbm>>
      tpu.wait_indirect_dma semaphore(%arg41 : memref<!tpu.dma_semaphore, #tpu.memory_space<semaphore_mem>>) src(%dma_wait3A_1083 : memref<500000x128xf32, #tpu.memory_space<hbm>>) dst(%dma_wait3A_1078 : memref<104x128xf32, #tpu.memory_space<vmem>>)
      %dma_wait3A_1084 = arith.constant 0 : i32
      %dma_wait3A_1085 = tpu.memref_slice %arg4[%dma_wait3A_1084] : memref<4096000xf32, #tpu.memory_space<hbm>> -> memref<1000xf32, #tpu.memory_space<hbm>>
      %dma_wait3A_1086 = arith.constant 0 : i32
      %dma_wait3A_1087 = tpu.memref_slice %arg4[%dma_wait3A_1086] : memref<4096000xf32, #tpu.memory_space<hbm>> -> memref<1000xf32, #tpu.memory_space<hbm>>
      tpu.wait_dma2 semaphore(%arg41 : memref<!tpu.dma_semaphore, #tpu.memory_space<semaphore_mem>>) src(%dma_wait3A_1087 : memref<1000xf32, #tpu.memory_space<hbm>>) dst(%arg22 : memref<1000xf32, #tpu.memory_space<vmem>>)
      %dma_wait3A_1088 = arith.constant 0 : i32
      %dma_wait3A_1089 = tpu.memref_slice %arg26[%dma_wait3A_1088] : memref<128xf32, #tpu.memory_space<vmem>> -> memref<64xf32, #tpu.memory_space<vmem>>
      %dma_wait3A_1090 = arith.constant 0 : i32
      %dma_wait3A_1091 = tpu.memref_slice %arg5[%dma_wait3A_1090] : memref<262144xf32, #tpu.memory_space<hbm>> -> memref<64xf32, #tpu.memory_space<hbm>>
      %dma_wait3A_1092 = arith.constant 0 : i32
      %dma_wait3A_1093 = tpu.memref_slice %arg26[%dma_wait3A_1092] : memref<128xf32, #tpu.memory_space<vmem>> -> memref<64xf32, #tpu.memory_space<vmem>>
      %dma_wait3A_1094 = arith.constant 0 : i32
      %dma_wait3A_1095 = tpu.memref_slice %arg5[%dma_wait3A_1094] : memref<262144xf32, #tpu.memory_space<hbm>> -> memref<64xf32, #tpu.memory_space<hbm>>
      tpu.wait_dma2 semaphore(%arg41 : memref<!tpu.dma_semaphore, #tpu.memory_space<semaphore_mem>>) src(%dma_wait3A_1095 : memref<64xf32, #tpu.memory_space<hbm>>) dst(%dma_wait3A_1093 : memref<64xf32, #tpu.memory_space<vmem>>)
      %ge3A_1096 = arith.constant 2 : i32
      %ge3A_1097 = arith.cmpi sge, %add3A_1060, %ge3A_1096 : i32
      %convert_element_type3A_1098 = arith.extui %ge3A_1097 : i1 to i32
      %cond3A_1099 = arith.constant 0 : i32
      %cond3A_1100 = arith.cmpi ne, %convert_element_type3A_1098, %cond3A_1099 : i32
      scf.if %cond3A_1100 {
        %dma_wait3A_1687 = arith.constant 0 : i32
        %dma_wait3A_1688 = tpu.memref_slice %arg7[%dma_wait3A_1687] : memref<851968xf32, #tpu.memory_space<hbm>> -> memref<208xf32, #tpu.memory_space<hbm>>
        %dma_wait3A_1689 = arith.constant 0 : i32
        %dma_wait3A_1690 = tpu.memref_slice %arg7[%dma_wait3A_1689] : memref<851968xf32, #tpu.memory_space<hbm>> -> memref<208xf32, #tpu.memory_space<hbm>>
        tpu.wait_dma2 semaphore(%arg43 : memref<!tpu.dma_semaphore, #tpu.memory_space<semaphore_mem>>) src(%arg32 : memref<208xf32, #tpu.memory_space<vmem>>) dst(%dma_wait3A_1690 : memref<208xf32, #tpu.memory_space<hbm>>)
      } else {
      }
      %add3A_1101 = arith.addi %mul3A_2, %add3A_1060 : i32
      %add3A_1102 = arith.constant 0 : i32
      %add3A_1103 = vector.broadcast %add3A_1102 : i32 to vector<16xi32>
      %add3A_1104 = arith.addi %iota3A, %add3A_1103 : vector<16xi32>
      %add3A_1105 = arith.constant 16 : i32
      %add3A_1106 = vector.broadcast %add3A_1105 : i32 to vector<16xi32>
      %add3A_1107 = arith.addi %iota3A, %add3A_1106 : vector<16xi32>
      %add3A_1108 = arith.constant 32 : i32
      %add3A_1109 = vector.broadcast %add3A_1108 : i32 to vector<16xi32>
      %add3A_1110 = arith.addi %iota3A, %add3A_1109 : vector<16xi32>
      %add3A_1111 = arith.constant 48 : i32
      %add3A_1112 = vector.broadcast %add3A_1111 : i32 to vector<16xi32>
      %add3A_1113 = arith.addi %iota3A, %add3A_1112 : vector<16xi32>
      %add3A_1114 = arith.constant 64 : i32
      %add3A_1115 = vector.broadcast %add3A_1114 : i32 to vector<16xi32>
      %add3A_1116 = arith.addi %iota3A, %add3A_1115 : vector<16xi32>
      %add3A_1117 = arith.constant 80 : i32
      %add3A_1118 = vector.broadcast %add3A_1117 : i32 to vector<16xi32>
      %add3A_1119 = arith.addi %iota3A, %add3A_1118 : vector<16xi32>
      %add3A_1120 = arith.constant 96 : i32
      %add3A_1121 = vector.broadcast %add3A_1120 : i32 to vector<16xi32>
      %add3A_1122 = arith.addi %iota3A, %add3A_1121 : vector<16xi32>
      %add3A_1123 = arith.constant 112 : i32
      %add3A_1124 = vector.broadcast %add3A_1123 : i32 to vector<16xi32>
      %add3A_1125 = arith.addi %iota3A, %add3A_1124 : vector<16xi32>
      %add3A_1126 = arith.constant 128 : i32
      %add3A_1127 = vector.broadcast %add3A_1126 : i32 to vector<16xi32>
      %add3A_1128 = arith.addi %iota3A, %add3A_1127 : vector<16xi32>
      %add3A_1129 = arith.constant 144 : i32
      %add3A_1130 = vector.broadcast %add3A_1129 : i32 to vector<16xi32>
      %add3A_1131 = arith.addi %iota3A, %add3A_1130 : vector<16xi32>
      %add3A_1132 = arith.constant 160 : i32
      %add3A_1133 = vector.broadcast %add3A_1132 : i32 to vector<16xi32>
      %add3A_1134 = arith.addi %iota3A, %add3A_1133 : vector<16xi32>
      %add3A_1135 = arith.constant 176 : i32
      %add3A_1136 = vector.broadcast %add3A_1135 : i32 to vector<16xi32>
      %add3A_1137 = arith.addi %iota3A, %add3A_1136 : vector<16xi32>
      %add3A_1138 = arith.constant 192 : i32
      %add3A_1139 = vector.broadcast %add3A_1138 : i32 to vector<16xi32>
      %add3A_1140 = arith.addi %iota3A, %add3A_1139 : vector<16xi32>
      %get3A_1141 = arith.constant 0 : index
      %get3A_1142 = tpu.vector_load %arg14[%get3A_1141] {strides = array<i32>} : memref<208xi32, #tpu.memory_space<vmem>>, vector<16xi32>,
      %and3A_1143 = arith.constant 1 : i32
      %and3A_1144 = vector.broadcast %and3A_1143 : i32 to vector<16xi32>
      %and3A_1145 = arith.andi %get3A_1142, %and3A_1144 : vector<16xi32>
      %shift_left3A_1146 = arith.constant 6 : i32
      %shift_left3A_1147 = vector.broadcast %shift_left3A_1146 : i32 to vector<16xi32>
      %shift_left3A_1148 = arith.shli %and3A_1145, %shift_left3A_1147 : vector<16xi32>
      %get3A_1149 = arith.constant 16 : index
      %get3A_1150 = tpu.vector_load %arg14[%get3A_1149] {strides = array<i32>} : memref<208xi32, #tpu.memory_space<vmem>>, vector<16xi32>,
      %and3A_1151 = arith.constant 1 : i32
      %and3A_1152 = vector.broadcast %and3A_1151 : i32 to vector<16xi32>
      %and3A_1153 = arith.andi %get3A_1150, %and3A_1152 : vector<16xi32>
      %shift_left3A_1154 = arith.constant 6 : i32
      %shift_left3A_1155 = vector.broadcast %shift_left3A_1154 : i32 to vector<16xi32>
      %shift_left3A_1156 = arith.shli %and3A_1153, %shift_left3A_1155 : vector<16xi32>
      %get3A_1157 = arith.constant 32 : index
      %get3A_1158 = tpu.vector_load %arg14[%get3A_1157] {strides = array<i32>} : memref<208xi32, #tpu.memory_space<vmem>>, vector<16xi32>,
      %and3A_1159 = arith.constant 1 : i32
      %and3A_1160 = vector.broadcast %and3A_1159 : i32 to vector<16xi32>
      %and3A_1161 = arith.andi %get3A_1158, %and3A_1160 : vector<16xi32>
      %shift_left3A_1162 = arith.constant 6 : i32
      %shift_left3A_1163 = vector.broadcast %shift_left3A_1162 : i32 to vector<16xi32>
      %shift_left3A_1164 = arith.shli %and3A_1161, %shift_left3A_1163 : vector<16xi32>
      %get3A_1165 = arith.constant 48 : index
      %get3A_1166 = tpu.vector_load %arg14[%get3A_1165] {strides = array<i32>} : memref<208xi32, #tpu.memory_space<vmem>>, vector<16xi32>,
      %and3A_1167 = arith.constant 1 : i32
      %and3A_1168 = vector.broadcast %and3A_1167 : i32 to vector<16xi32>
      %and3A_1169 = arith.andi %get3A_1166, %and3A_1168 : vector<16xi32>
      %shift_left3A_1170 = arith.constant 6 : i32
      %shift_left3A_1171 = vector.broadcast %shift_left3A_1170 : i32 to vector<16xi32>
      %shift_left3A_1172 = arith.shli %and3A_1169, %shift_left3A_1171 : vector<16xi32>
      %get3A_1173 = arith.constant 64 : index
      %get3A_1174 = tpu.vector_load %arg14[%get3A_1173] {strides = array<i32>} : memref<208xi32, #tpu.memory_space<vmem>>, vector<16xi32>,
      %and3A_1175 = arith.constant 1 : i32
      %and3A_1176 = vector.broadcast %and3A_1175 : i32 to vector<16xi32>
      %and3A_1177 = arith.andi %get3A_1174, %and3A_1176 : vector<16xi32>
      %shift_left3A_1178 = arith.constant 6 : i32
      %shift_left3A_1179 = vector.broadcast %shift_left3A_1178 : i32 to vector<16xi32>
      %shift_left3A_1180 = arith.shli %and3A_1177, %shift_left3A_1179 : vector<16xi32>
      %get3A_1181 = arith.constant 80 : index
      %get3A_1182 = tpu.vector_load %arg14[%get3A_1181] {strides = array<i32>} : memref<208xi32, #tpu.memory_space<vmem>>, vector<16xi32>,
      %and3A_1183 = arith.constant 1 : i32
      %and3A_1184 = vector.broadcast %and3A_1183 : i32 to vector<16xi32>
      %and3A_1185 = arith.andi %get3A_1182, %and3A_1184 : vector<16xi32>
      %shift_left3A_1186 = arith.constant 6 : i32
      %shift_left3A_1187 = vector.broadcast %shift_left3A_1186 : i32 to vector<16xi32>
      %shift_left3A_1188 = arith.shli %and3A_1185, %shift_left3A_1187 : vector<16xi32>
      %get3A_1189 = arith.constant 96 : index
      %get3A_1190 = tpu.vector_load %arg14[%get3A_1189] {strides = array<i32>} : memref<208xi32, #tpu.memory_space<vmem>>, vector<16xi32>,
      %and3A_1191 = arith.constant 1 : i32
      %and3A_1192 = vector.broadcast %and3A_1191 : i32 to vector<16xi32>
      %and3A_1193 = arith.andi %get3A_1190, %and3A_1192 : vector<16xi32>
      %shift_left3A_1194 = arith.constant 6 : i32
      %shift_left3A_1195 = vector.broadcast %shift_left3A_1194 : i32 to vector<16xi32>
      %shift_left3A_1196 = arith.shli %and3A_1193, %shift_left3A_1195 : vector<16xi32>
      %get3A_1197 = arith.constant 112 : index
      %get3A_1198 = tpu.vector_load %arg14[%get3A_1197] {strides = array<i32>} : memref<208xi32, #tpu.memory_space<vmem>>, vector<16xi32>,
      %and3A_1199 = arith.constant 1 : i32
      %and3A_1200 = vector.broadcast %and3A_1199 : i32 to vector<16xi32>
      %and3A_1201 = arith.andi %get3A_1198, %and3A_1200 : vector<16xi32>
      %shift_left3A_1202 = arith.constant 6 : i32
      %shift_left3A_1203 = vector.broadcast %shift_left3A_1202 : i32 to vector<16xi32>
      %shift_left3A_1204 = arith.shli %and3A_1201, %shift_left3A_1203 : vector<16xi32>
      %get3A_1205 = arith.constant 128 : index
      %get3A_1206 = tpu.vector_load %arg14[%get3A_1205] {strides = array<i32>} : memref<208xi32, #tpu.memory_space<vmem>>, vector<16xi32>,
      %and3A_1207 = arith.constant 1 : i32
      %and3A_1208 = vector.broadcast %and3A_1207 : i32 to vector<16xi32>
      %and3A_1209 = arith.andi %get3A_1206, %and3A_1208 : vector<16xi32>
      %shift_left3A_1210 = arith.constant 6 : i32
      %shift_left3A_1211 = vector.broadcast %shift_left3A_1210 : i32 to vector<16xi32>
      %shift_left3A_1212 = arith.shli %and3A_1209, %shift_left3A_1211 : vector<16xi32>
      %get3A_1213 = arith.constant 144 : index
      %get3A_1214 = tpu.vector_load %arg14[%get3A_1213] {strides = array<i32>} : memref<208xi32, #tpu.memory_space<vmem>>, vector<16xi32>,
      %and3A_1215 = arith.constant 1 : i32
      %and3A_1216 = vector.broadcast %and3A_1215 : i32 to vector<16xi32>
      %and3A_1217 = arith.andi %get3A_1214, %and3A_1216 : vector<16xi32>
      %shift_left3A_1218 = arith.constant 6 : i32
      %shift_left3A_1219 = vector.broadcast %shift_left3A_1218 : i32 to vector<16xi32>
      %shift_left3A_1220 = arith.shli %and3A_1217, %shift_left3A_1219 : vector<16xi32>
      %get3A_1221 = arith.constant 160 : index
      %get3A_1222 = tpu.vector_load %arg14[%get3A_1221] {strides = array<i32>} : memref<208xi32, #tpu.memory_space<vmem>>, vector<16xi32>,
      %and3A_1223 = arith.constant 1 : i32
      %and3A_1224 = vector.broadcast %and3A_1223 : i32 to vector<16xi32>
      %and3A_1225 = arith.andi %get3A_1222, %and3A_1224 : vector<16xi32>
      %shift_left3A_1226 = arith.constant 6 : i32
      %shift_left3A_1227 = vector.broadcast %shift_left3A_1226 : i32 to vector<16xi32>
      %shift_left3A_1228 = arith.shli %and3A_1225, %shift_left3A_1227 : vector<16xi32>
      %get3A_1229 = arith.constant 176 : index
      %get3A_1230 = tpu.vector_load %arg14[%get3A_1229] {strides = array<i32>} : memref<208xi32, #tpu.memory_space<vmem>>, vector<16xi32>,
      %and3A_1231 = arith.constant 1 : i32
      %and3A_1232 = vector.broadcast %and3A_1231 : i32 to vector<16xi32>
      %and3A_1233 = arith.andi %get3A_1230, %and3A_1232 : vector<16xi32>
      %shift_left3A_1234 = arith.constant 6 : i32
      %shift_left3A_1235 = vector.broadcast %shift_left3A_1234 : i32 to vector<16xi32>
      %shift_left3A_1236 = arith.shli %and3A_1233, %shift_left3A_1235 : vector<16xi32>
      %get3A_1237 = arith.constant 192 : index
      %get3A_1238 = tpu.vector_load %arg14[%get3A_1237] {strides = array<i32>} : memref<208xi32, #tpu.memory_space<vmem>>, vector<16xi32>,
      %and3A_1239 = arith.constant 1 : i32
      %and3A_1240 = vector.broadcast %and3A_1239 : i32 to vector<16xi32>
      %and3A_1241 = arith.andi %get3A_1238, %and3A_1240 : vector<16xi32>
      %shift_left3A_1242 = arith.constant 6 : i32
      %shift_left3A_1243 = vector.broadcast %shift_left3A_1242 : i32 to vector<16xi32>
      %shift_left3A_1244 = arith.shli %and3A_1241, %shift_left3A_1243 : vector<16xi32>
      %scan3A_1245 = arith.constant 0 : i32
      %scan3A_1246 = arith.constant 0 : i32
      %scan3A_1247 = arith.constant 64 : i32
      %scan3A_1248 = arith.addi %scan3A_1246, %scan3A_1247 : i32
      %scan3A_1249 = arith.constant 1 : i32
      scf.for %scan3A_1687 = %scan3A_1246 to %scan3A_1248 step %scan3A_1249  : i32 {
        %broadcast_in_dim3A_1688 = vector.broadcast %scan3A_1687 : i32 to vector<16xi32>
        %add3A_1689 = arith.addi %broadcast_in_dim3A_1688, %iota3A : vector<16xi32>
        %and3A_1690 = arith.constant 63 : i32
        %and3A_1691 = vector.broadcast %and3A_1690 : i32 to vector<16xi32>
        %and3A_1692 = arith.andi %add3A_1689, %and3A_1691 : vector<16xi32>
        %gather3A_1693 = tpu.vector_load_idx %arg26[%and3A_1692] : memref<128xf32, #tpu.memory_space<vmem>>[vector<16xi32>], vector<16xf32>,
        %swap3A_1694 = arith.index_cast %scan3A_1687 : i32 to index
        %swap3A_1695 = arith.constant 0 : index
        %swap3A_1696 = tpu.vector_load %arg34[%swap3A_1694, %swap3A_1695] {strides = array<i32>} : memref<64x16xf32, #tpu.memory_space<vmem>>, vector<16xf32>,
        tpu.vector_store %arg34[%swap3A_1694, %swap3A_1695], %gather3A_1693 {strides = array<i32>} : memref<64x16xf32, #tpu.memory_space<vmem>>, vector<16xf32>,
      }
      %scan3A_1250 = arith.constant 64 : i32
      %broadcast_in_dim3A_1251 = arith.constant 0.000000e+00 : f32
      %broadcast_in_dim3A_1252 = vector.broadcast %broadcast_in_dim3A_1251 : f32 to vector<16xf32>
      %broadcast_in_dim3A_1253 = arith.constant 0.000000e+00 : f32
      %broadcast_in_dim3A_1254 = vector.broadcast %broadcast_in_dim3A_1253 : f32 to vector<16xf32>
      %broadcast_in_dim3A_1255 = arith.constant 0.000000e+00 : f32
      %broadcast_in_dim3A_1256 = vector.broadcast %broadcast_in_dim3A_1255 : f32 to vector<16xf32>
      %broadcast_in_dim3A_1257 = arith.constant 0.000000e+00 : f32
      %broadcast_in_dim3A_1258 = vector.broadcast %broadcast_in_dim3A_1257 : f32 to vector<16xf32>
      %broadcast_in_dim3A_1259 = arith.constant 0.000000e+00 : f32
      %broadcast_in_dim3A_1260 = vector.broadcast %broadcast_in_dim3A_1259 : f32 to vector<16xf32>
      %broadcast_in_dim3A_1261 = arith.constant 0.000000e+00 : f32
      %broadcast_in_dim3A_1262 = vector.broadcast %broadcast_in_dim3A_1261 : f32 to vector<16xf32>
      %broadcast_in_dim3A_1263 = arith.constant 0.000000e+00 : f32
      %broadcast_in_dim3A_1264 = vector.broadcast %broadcast_in_dim3A_1263 : f32 to vector<16xf32>
      %broadcast_in_dim3A_1265 = arith.constant 0.000000e+00 : f32
      %broadcast_in_dim3A_1266 = vector.broadcast %broadcast_in_dim3A_1265 : f32 to vector<16xf32>
      %broadcast_in_dim3A_1267 = arith.constant 0.000000e+00 : f32
      %broadcast_in_dim3A_1268 = vector.broadcast %broadcast_in_dim3A_1267 : f32 to vector<16xf32>
      %broadcast_in_dim3A_1269 = arith.constant 0.000000e+00 : f32
      %broadcast_in_dim3A_1270 = vector.broadcast %broadcast_in_dim3A_1269 : f32 to vector<16xf32>
      %broadcast_in_dim3A_1271 = arith.constant 0.000000e+00 : f32
      %broadcast_in_dim3A_1272 = vector.broadcast %broadcast_in_dim3A_1271 : f32 to vector<16xf32>
      %broadcast_in_dim3A_1273 = arith.constant 0.000000e+00 : f32
      %broadcast_in_dim3A_1274 = vector.broadcast %broadcast_in_dim3A_1273 : f32 to vector<16xf32>
      %broadcast_in_dim3A_1275 = arith.constant 0.000000e+00 : f32
      %broadcast_in_dim3A_1276 = vector.broadcast %broadcast_in_dim3A_1275 : f32 to vector<16xf32>
      %scan3A_1277 = arith.constant 0 : i32
      %scan3A_1278 = arith.constant 64 : i32
      %scan3A_1279 = arith.addi %scan3A_1277, %scan3A_1278 : i32
      %scan3A_1280 = arith.constant 1 : i32
      %scan3A_1281:13 = scf.for %scan3A_1687 = %scan3A_1277 to %scan3A_1279 step %scan3A_1280 iter_args(%scan3A_1688 = %broadcast_in_dim3A_1252, %scan3A_1689 = %broadcast_in_dim3A_1254, %scan3A_1690 = %broadcast_in_dim3A_1256, %scan3A_1691 = %broadcast_in_dim3A_1258, %scan3A_1692 = %broadcast_in_dim3A_1260, %scan3A_1693 = %broadcast_in_dim3A_1262, %scan3A_1694 = %broadcast_in_dim3A_1264, %scan3A_1695 = %broadcast_in_dim3A_1266, %scan3A_1696 = %broadcast_in_dim3A_1268, %scan3A_1697 = %broadcast_in_dim3A_1270, %scan3A_1698 = %broadcast_in_dim3A_1272, %scan3A_1699 = %broadcast_in_dim3A_1274, %scan3A_1700 = %broadcast_in_dim3A_1276) -> (vector<16xf32>, vector<16xf32>, vector<16xf32>, vector<16xf32>, vector<16xf32>, vector<16xf32>, vector<16xf32>, vector<16xf32>, vector<16xf32>, vector<16xf32>, vector<16xf32>, vector<16xf32>, vector<16xf32>)  : i32 {
        %broadcast_in_dim3A_1701 = vector.broadcast %scan3A_1687 : i32 to vector<16xi32>
        %add3A_1702 = arith.addi %broadcast_in_dim3A_1701, %iota3A : vector<16xi32>
        %and3A_1703 = arith.constant 63 : i32
        %and3A_1704 = vector.broadcast %and3A_1703 : i32 to vector<16xi32>
        %and3A_1705 = arith.andi %add3A_1702, %and3A_1704 : vector<16xi32>
        %get3A_1706 = arith.index_cast %scan3A_1687 : i32 to index
        %get3A_1707 = arith.constant 0 : index
        %get3A_1708 = tpu.vector_load %arg34[%get3A_1706, %get3A_1707] {strides = array<i32>} : memref<64x16xf32, #tpu.memory_space<vmem>>, vector<16xf32>,
        %add3A_1709 = arith.addi %shift_left3A_1148, %and3A_1705 : vector<16xi32>
        %gather3A_1710 = tpu.vector_load_idx %arg30[%add3A_1104, %add3A_1709] : memref<208x128xf32, #tpu.memory_space<vmem>>[vector<16xi32>, vector<16xi32>], vector<16xf32>,
        %bitcast3A = vector.bitcast %gather3A_1710 : vector<16xf32> to vector<16xi32>
        %shift_right_logical3A_1711 = arith.constant 16 : i32
        %shift_right_logical3A_1712 = vector.broadcast %shift_right_logical3A_1711 : i32 to vector<16xi32>
        %shift_right_logical3A_1713 = arith.shrui %bitcast3A, %shift_right_logical3A_1712 : vector<16xi32>
        %and3A_1714 = arith.constant 1 : i32
        %and3A_1715 = vector.broadcast %and3A_1714 : i32 to vector<16xi32>
        %and3A_1716 = arith.andi %shift_right_logical3A_1713, %and3A_1715 : vector<16xi32>
        %add3A_1717 = arith.constant 32767 : i32
        %add3A_1718 = vector.broadcast %add3A_1717 : i32 to vector<16xi32>
        %add3A_1719 = arith.addi %bitcast3A, %add3A_1718 : vector<16xi32>
        %add3A_1720 = arith.addi %add3A_1719, %and3A_1716 : vector<16xi32>
        %and3A_1721 = arith.constant -65536 : i32
        %and3A_1722 = vector.broadcast %and3A_1721 : i32 to vector<16xi32>
        %and3A_1723 = arith.andi %add3A_1720, %and3A_1722 : vector<16xi32>
        %bitcast3A_1724 = vector.bitcast %and3A_1723 : vector<16xi32> to vector<16xf32>
        %mul3A_1725 = arith.mulf %bitcast3A_1724, %get3A_1708 : vector<16xf32>
        %add3A_1726 = arith.addf %scan3A_1688, %mul3A_1725 : vector<16xf32>
        %add3A_1727 = arith.addi %shift_left3A_1156, %and3A_1705 : vector<16xi32>
        %gather3A_1728 = tpu.vector_load_idx %arg30[%add3A_1107, %add3A_1727] : memref<208x128xf32, #tpu.memory_space<vmem>>[vector<16xi32>, vector<16xi32>], vector<16xf32>,
        %bitcast3A_1729 = vector.bitcast %gather3A_1728 : vector<16xf32> to vector<16xi32>
        %shift_right_logical3A_1730 = arith.constant 16 : i32
        %shift_right_logical3A_1731 = vector.broadcast %shift_right_logical3A_1730 : i32 to vector<16xi32>
        %shift_right_logical3A_1732 = arith.shrui %bitcast3A_1729, %shift_right_logical3A_1731 : vector<16xi32>
        %and3A_1733 = arith.constant 1 : i32
        %and3A_1734 = vector.broadcast %and3A_1733 : i32 to vector<16xi32>
        %and3A_1735 = arith.andi %shift_right_logical3A_1732, %and3A_1734 : vector<16xi32>
        %add3A_1736 = arith.constant 32767 : i32
        %add3A_1737 = vector.broadcast %add3A_1736 : i32 to vector<16xi32>
        %add3A_1738 = arith.addi %bitcast3A_1729, %add3A_1737 : vector<16xi32>
        %add3A_1739 = arith.addi %add3A_1738, %and3A_1735 : vector<16xi32>
        %and3A_1740 = arith.constant -65536 : i32
        %and3A_1741 = vector.broadcast %and3A_1740 : i32 to vector<16xi32>
        %and3A_1742 = arith.andi %add3A_1739, %and3A_1741 : vector<16xi32>
        %bitcast3A_1743 = vector.bitcast %and3A_1742 : vector<16xi32> to vector<16xf32>
        %mul3A_1744 = arith.mulf %bitcast3A_1743, %get3A_1708 : vector<16xf32>
        %add3A_1745 = arith.addf %scan3A_1689, %mul3A_1744 : vector<16xf32>
        %add3A_1746 = arith.addi %shift_left3A_1164, %and3A_1705 : vector<16xi32>
        %gather3A_1747 = tpu.vector_load_idx %arg30[%add3A_1110, %add3A_1746] : memref<208x128xf32, #tpu.memory_space<vmem>>[vector<16xi32>, vector<16xi32>], vector<16xf32>,
        %bitcast3A_1748 = vector.bitcast %gather3A_1747 : vector<16xf32> to vector<16xi32>
        %shift_right_logical3A_1749 = arith.constant 16 : i32
        %shift_right_logical3A_1750 = vector.broadcast %shift_right_logical3A_1749 : i32 to vector<16xi32>
        %shift_right_logical3A_1751 = arith.shrui %bitcast3A_1748, %shift_right_logical3A_1750 : vector<16xi32>
        %and3A_1752 = arith.constant 1 : i32
        %and3A_1753 = vector.broadcast %and3A_1752 : i32 to vector<16xi32>
        %and3A_1754 = arith.andi %shift_right_logical3A_1751, %and3A_1753 : vector<16xi32>
        %add3A_1755 = arith.constant 32767 : i32
        %add3A_1756 = vector.broadcast %add3A_1755 : i32 to vector<16xi32>
        %add3A_1757 = arith.addi %bitcast3A_1748, %add3A_1756 : vector<16xi32>
        %add3A_1758 = arith.addi %add3A_1757, %and3A_1754 : vector<16xi32>
        %and3A_1759 = arith.constant -65536 : i32
        %and3A_1760 = vector.broadcast %and3A_1759 : i32 to vector<16xi32>
        %and3A_1761 = arith.andi %add3A_1758, %and3A_1760 : vector<16xi32>
        %bitcast3A_1762 = vector.bitcast %and3A_1761 : vector<16xi32> to vector<16xf32>
        %mul3A_1763 = arith.mulf %bitcast3A_1762, %get3A_1708 : vector<16xf32>
        %add3A_1764 = arith.addf %scan3A_1690, %mul3A_1763 : vector<16xf32>
        %add3A_1765 = arith.addi %shift_left3A_1172, %and3A_1705 : vector<16xi32>
        %gather3A_1766 = tpu.vector_load_idx %arg30[%add3A_1113, %add3A_1765] : memref<208x128xf32, #tpu.memory_space<vmem>>[vector<16xi32>, vector<16xi32>], vector<16xf32>,
        %bitcast3A_1767 = vector.bitcast %gather3A_1766 : vector<16xf32> to vector<16xi32>
        %shift_right_logical3A_1768 = arith.constant 16 : i32
        %shift_right_logical3A_1769 = vector.broadcast %shift_right_logical3A_1768 : i32 to vector<16xi32>
        %shift_right_logical3A_1770 = arith.shrui %bitcast3A_1767, %shift_right_logical3A_1769 : vector<16xi32>
        %and3A_1771 = arith.constant 1 : i32
        %and3A_1772 = vector.broadcast %and3A_1771 : i32 to vector<16xi32>
        %and3A_1773 = arith.andi %shift_right_logical3A_1770, %and3A_1772 : vector<16xi32>
        %add3A_1774 = arith.constant 32767 : i32
        %add3A_1775 = vector.broadcast %add3A_1774 : i32 to vector<16xi32>
        %add3A_1776 = arith.addi %bitcast3A_1767, %add3A_1775 : vector<16xi32>
        %add3A_1777 = arith.addi %add3A_1776, %and3A_1773 : vector<16xi32>
        %and3A_1778 = arith.constant -65536 : i32
        %and3A_1779 = vector.broadcast %and3A_1778 : i32 to vector<16xi32>
        %and3A_1780 = arith.andi %add3A_1777, %and3A_1779 : vector<16xi32>
        %bitcast3A_1781 = vector.bitcast %and3A_1780 : vector<16xi32> to vector<16xf32>
        %mul3A_1782 = arith.mulf %bitcast3A_1781, %get3A_1708 : vector<16xf32>
        %add3A_1783 = arith.addf %scan3A_1691, %mul3A_1782 : vector<16xf32>
        %add3A_1784 = arith.addi %shift_left3A_1180, %and3A_1705 : vector<16xi32>
        %gather3A_1785 = tpu.vector_load_idx %arg30[%add3A_1116, %add3A_1784] : memref<208x128xf32, #tpu.memory_space<vmem>>[vector<16xi32>, vector<16xi32>], vector<16xf32>,
        %bitcast3A_1786 = vector.bitcast %gather3A_1785 : vector<16xf32> to vector<16xi32>
        %shift_right_logical3A_1787 = arith.constant 16 : i32
        %shift_right_logical3A_1788 = vector.broadcast %shift_right_logical3A_1787 : i32 to vector<16xi32>
        %shift_right_logical3A_1789 = arith.shrui %bitcast3A_1786, %shift_right_logical3A_1788 : vector<16xi32>
        %and3A_1790 = arith.constant 1 : i32
        %and3A_1791 = vector.broadcast %and3A_1790 : i32 to vector<16xi32>
        %and3A_1792 = arith.andi %shift_right_logical3A_1789, %and3A_1791 : vector<16xi32>
        %add3A_1793 = arith.constant 32767 : i32
        %add3A_1794 = vector.broadcast %add3A_1793 : i32 to vector<16xi32>
        %add3A_1795 = arith.addi %bitcast3A_1786, %add3A_1794 : vector<16xi32>
        %add3A_1796 = arith.addi %add3A_1795, %and3A_1792 : vector<16xi32>
        %and3A_1797 = arith.constant -65536 : i32
        %and3A_1798 = vector.broadcast %and3A_1797 : i32 to vector<16xi32>
        %and3A_1799 = arith.andi %add3A_1796, %and3A_1798 : vector<16xi32>
        %bitcast3A_1800 = vector.bitcast %and3A_1799 : vector<16xi32> to vector<16xf32>
        %mul3A_1801 = arith.mulf %bitcast3A_1800, %get3A_1708 : vector<16xf32>
        %add3A_1802 = arith.addf %scan3A_1692, %mul3A_1801 : vector<16xf32>
        %add3A_1803 = arith.addi %shift_left3A_1188, %and3A_1705 : vector<16xi32>
        %gather3A_1804 = tpu.vector_load_idx %arg30[%add3A_1119, %add3A_1803] : memref<208x128xf32, #tpu.memory_space<vmem>>[vector<16xi32>, vector<16xi32>], vector<16xf32>,
        %bitcast3A_1805 = vector.bitcast %gather3A_1804 : vector<16xf32> to vector<16xi32>
        %shift_right_logical3A_1806 = arith.constant 16 : i32
        %shift_right_logical3A_1807 = vector.broadcast %shift_right_logical3A_1806 : i32 to vector<16xi32>
        %shift_right_logical3A_1808 = arith.shrui %bitcast3A_1805, %shift_right_logical3A_1807 : vector<16xi32>
        %and3A_1809 = arith.constant 1 : i32
        %and3A_1810 = vector.broadcast %and3A_1809 : i32 to vector<16xi32>
        %and3A_1811 = arith.andi %shift_right_logical3A_1808, %and3A_1810 : vector<16xi32>
        %add3A_1812 = arith.constant 32767 : i32
        %add3A_1813 = vector.broadcast %add3A_1812 : i32 to vector<16xi32>
        %add3A_1814 = arith.addi %bitcast3A_1805, %add3A_1813 : vector<16xi32>
        %add3A_1815 = arith.addi %add3A_1814, %and3A_1811 : vector<16xi32>
        %and3A_1816 = arith.constant -65536 : i32
        %and3A_1817 = vector.broadcast %and3A_1816 : i32 to vector<16xi32>
        %and3A_1818 = arith.andi %add3A_1815, %and3A_1817 : vector<16xi32>
        %bitcast3A_1819 = vector.bitcast %and3A_1818 : vector<16xi32> to vector<16xf32>
        %mul3A_1820 = arith.mulf %bitcast3A_1819, %get3A_1708 : vector<16xf32>
        %add3A_1821 = arith.addf %scan3A_1693, %mul3A_1820 : vector<16xf32>
        %add3A_1822 = arith.addi %shift_left3A_1196, %and3A_1705 : vector<16xi32>
        %gather3A_1823 = tpu.vector_load_idx %arg30[%add3A_1122, %add3A_1822] : memref<208x128xf32, #tpu.memory_space<vmem>>[vector<16xi32>, vector<16xi32>], vector<16xf32>,
        %bitcast3A_1824 = vector.bitcast %gather3A_1823 : vector<16xf32> to vector<16xi32>
        %shift_right_logical3A_1825 = arith.constant 16 : i32
        %shift_right_logical3A_1826 = vector.broadcast %shift_right_logical3A_1825 : i32 to vector<16xi32>
        %shift_right_logical3A_1827 = arith.shrui %bitcast3A_1824, %shift_right_logical3A_1826 : vector<16xi32>
        %and3A_1828 = arith.constant 1 : i32
        %and3A_1829 = vector.broadcast %and3A_1828 : i32 to vector<16xi32>
        %and3A_1830 = arith.andi %shift_right_logical3A_1827, %and3A_1829 : vector<16xi32>
        %add3A_1831 = arith.constant 32767 : i32
        %add3A_1832 = vector.broadcast %add3A_1831 : i32 to vector<16xi32>
        %add3A_1833 = arith.addi %bitcast3A_1824, %add3A_1832 : vector<16xi32>
        %add3A_1834 = arith.addi %add3A_1833, %and3A_1830 : vector<16xi32>
        %and3A_1835 = arith.constant -65536 : i32
        %and3A_1836 = vector.broadcast %and3A_1835 : i32 to vector<16xi32>
        %and3A_1837 = arith.andi %add3A_1834, %and3A_1836 : vector<16xi32>
        %bitcast3A_1838 = vector.bitcast %and3A_1837 : vector<16xi32> to vector<16xf32>
        %mul3A_1839 = arith.mulf %bitcast3A_1838, %get3A_1708 : vector<16xf32>
        %add3A_1840 = arith.addf %scan3A_1694, %mul3A_1839 : vector<16xf32>
        %add3A_1841 = arith.addi %shift_left3A_1204, %and3A_1705 : vector<16xi32>
        %gather3A_1842 = tpu.vector_load_idx %arg30[%add3A_1125, %add3A_1841] : memref<208x128xf32, #tpu.memory_space<vmem>>[vector<16xi32>, vector<16xi32>], vector<16xf32>,
        %bitcast3A_1843 = vector.bitcast %gather3A_1842 : vector<16xf32> to vector<16xi32>
        %shift_right_logical3A_1844 = arith.constant 16 : i32
        %shift_right_logical3A_1845 = vector.broadcast %shift_right_logical3A_1844 : i32 to vector<16xi32>
        %shift_right_logical3A_1846 = arith.shrui %bitcast3A_1843, %shift_right_logical3A_1845 : vector<16xi32>
        %and3A_1847 = arith.constant 1 : i32
        %and3A_1848 = vector.broadcast %and3A_1847 : i32 to vector<16xi32>
        %and3A_1849 = arith.andi %shift_right_logical3A_1846, %and3A_1848 : vector<16xi32>
        %add3A_1850 = arith.constant 32767 : i32
        %add3A_1851 = vector.broadcast %add3A_1850 : i32 to vector<16xi32>
        %add3A_1852 = arith.addi %bitcast3A_1843, %add3A_1851 : vector<16xi32>
        %add3A_1853 = arith.addi %add3A_1852, %and3A_1849 : vector<16xi32>
        %and3A_1854 = arith.constant -65536 : i32
        %and3A_1855 = vector.broadcast %and3A_1854 : i32 to vector<16xi32>
        %and3A_1856 = arith.andi %add3A_1853, %and3A_1855 : vector<16xi32>
        %bitcast3A_1857 = vector.bitcast %and3A_1856 : vector<16xi32> to vector<16xf32>
        %mul3A_1858 = arith.mulf %bitcast3A_1857, %get3A_1708 : vector<16xf32>
        %add3A_1859 = arith.addf %scan3A_1695, %mul3A_1858 : vector<16xf32>
        %add3A_1860 = arith.addi %shift_left3A_1212, %and3A_1705 : vector<16xi32>
        %gather3A_1861 = tpu.vector_load_idx %arg30[%add3A_1128, %add3A_1860] : memref<208x128xf32, #tpu.memory_space<vmem>>[vector<16xi32>, vector<16xi32>], vector<16xf32>,
        %bitcast3A_1862 = vector.bitcast %gather3A_1861 : vector<16xf32> to vector<16xi32>
        %shift_right_logical3A_1863 = arith.constant 16 : i32
        %shift_right_logical3A_1864 = vector.broadcast %shift_right_logical3A_1863 : i32 to vector<16xi32>
        %shift_right_logical3A_1865 = arith.shrui %bitcast3A_1862, %shift_right_logical3A_1864 : vector<16xi32>
        %and3A_1866 = arith.constant 1 : i32
        %and3A_1867 = vector.broadcast %and3A_1866 : i32 to vector<16xi32>
        %and3A_1868 = arith.andi %shift_right_logical3A_1865, %and3A_1867 : vector<16xi32>
        %add3A_1869 = arith.constant 32767 : i32
        %add3A_1870 = vector.broadcast %add3A_1869 : i32 to vector<16xi32>
        %add3A_1871 = arith.addi %bitcast3A_1862, %add3A_1870 : vector<16xi32>
        %add3A_1872 = arith.addi %add3A_1871, %and3A_1868 : vector<16xi32>
        %and3A_1873 = arith.constant -65536 : i32
        %and3A_1874 = vector.broadcast %and3A_1873 : i32 to vector<16xi32>
        %and3A_1875 = arith.andi %add3A_1872, %and3A_1874 : vector<16xi32>
        %bitcast3A_1876 = vector.bitcast %and3A_1875 : vector<16xi32> to vector<16xf32>
        %mul3A_1877 = arith.mulf %bitcast3A_1876, %get3A_1708 : vector<16xf32>
        %add3A_1878 = arith.addf %scan3A_1696, %mul3A_1877 : vector<16xf32>
        %add3A_1879 = arith.addi %shift_left3A_1220, %and3A_1705 : vector<16xi32>
        %gather3A_1880 = tpu.vector_load_idx %arg30[%add3A_1131, %add3A_1879] : memref<208x128xf32, #tpu.memory_space<vmem>>[vector<16xi32>, vector<16xi32>], vector<16xf32>,
        %bitcast3A_1881 = vector.bitcast %gather3A_1880 : vector<16xf32> to vector<16xi32>
        %shift_right_logical3A_1882 = arith.constant 16 : i32
        %shift_right_logical3A_1883 = vector.broadcast %shift_right_logical3A_1882 : i32 to vector<16xi32>
        %shift_right_logical3A_1884 = arith.shrui %bitcast3A_1881, %shift_right_logical3A_1883 : vector<16xi32>
        %and3A_1885 = arith.constant 1 : i32
        %and3A_1886 = vector.broadcast %and3A_1885 : i32 to vector<16xi32>
        %and3A_1887 = arith.andi %shift_right_logical3A_1884, %and3A_1886 : vector<16xi32>
        %add3A_1888 = arith.constant 32767 : i32
        %add3A_1889 = vector.broadcast %add3A_1888 : i32 to vector<16xi32>
        %add3A_1890 = arith.addi %bitcast3A_1881, %add3A_1889 : vector<16xi32>
        %add3A_1891 = arith.addi %add3A_1890, %and3A_1887 : vector<16xi32>
        %and3A_1892 = arith.constant -65536 : i32
        %and3A_1893 = vector.broadcast %and3A_1892 : i32 to vector<16xi32>
        %and3A_1894 = arith.andi %add3A_1891, %and3A_1893 : vector<16xi32>
        %bitcast3A_1895 = vector.bitcast %and3A_1894 : vector<16xi32> to vector<16xf32>
        %mul3A_1896 = arith.mulf %bitcast3A_1895, %get3A_1708 : vector<16xf32>
        %add3A_1897 = arith.addf %scan3A_1697, %mul3A_1896 : vector<16xf32>
        %add3A_1898 = arith.addi %shift_left3A_1228, %and3A_1705 : vector<16xi32>
        %gather3A_1899 = tpu.vector_load_idx %arg30[%add3A_1134, %add3A_1898] : memref<208x128xf32, #tpu.memory_space<vmem>>[vector<16xi32>, vector<16xi32>], vector<16xf32>,
        %bitcast3A_1900 = vector.bitcast %gather3A_1899 : vector<16xf32> to vector<16xi32>
        %shift_right_logical3A_1901 = arith.constant 16 : i32
        %shift_right_logical3A_1902 = vector.broadcast %shift_right_logical3A_1901 : i32 to vector<16xi32>
        %shift_right_logical3A_1903 = arith.shrui %bitcast3A_1900, %shift_right_logical3A_1902 : vector<16xi32>
        %and3A_1904 = arith.constant 1 : i32
        %and3A_1905 = vector.broadcast %and3A_1904 : i32 to vector<16xi32>
        %and3A_1906 = arith.andi %shift_right_logical3A_1903, %and3A_1905 : vector<16xi32>
        %add3A_1907 = arith.constant 32767 : i32
        %add3A_1908 = vector.broadcast %add3A_1907 : i32 to vector<16xi32>
        %add3A_1909 = arith.addi %bitcast3A_1900, %add3A_1908 : vector<16xi32>
        %add3A_1910 = arith.addi %add3A_1909, %and3A_1906 : vector<16xi32>
        %and3A_1911 = arith.constant -65536 : i32
        %and3A_1912 = vector.broadcast %and3A_1911 : i32 to vector<16xi32>
        %and3A_1913 = arith.andi %add3A_1910, %and3A_1912 : vector<16xi32>
        %bitcast3A_1914 = vector.bitcast %and3A_1913 : vector<16xi32> to vector<16xf32>
        %mul3A_1915 = arith.mulf %bitcast3A_1914, %get3A_1708 : vector<16xf32>
        %add3A_1916 = arith.addf %scan3A_1698, %mul3A_1915 : vector<16xf32>
        %add3A_1917 = arith.addi %shift_left3A_1236, %and3A_1705 : vector<16xi32>
        %gather3A_1918 = tpu.vector_load_idx %arg30[%add3A_1137, %add3A_1917] : memref<208x128xf32, #tpu.memory_space<vmem>>[vector<16xi32>, vector<16xi32>], vector<16xf32>,
        %bitcast3A_1919 = vector.bitcast %gather3A_1918 : vector<16xf32> to vector<16xi32>
        %shift_right_logical3A_1920 = arith.constant 16 : i32
        %shift_right_logical3A_1921 = vector.broadcast %shift_right_logical3A_1920 : i32 to vector<16xi32>
        %shift_right_logical3A_1922 = arith.shrui %bitcast3A_1919, %shift_right_logical3A_1921 : vector<16xi32>
        %and3A_1923 = arith.constant 1 : i32
        %and3A_1924 = vector.broadcast %and3A_1923 : i32 to vector<16xi32>
        %and3A_1925 = arith.andi %shift_right_logical3A_1922, %and3A_1924 : vector<16xi32>
        %add3A_1926 = arith.constant 32767 : i32
        %add3A_1927 = vector.broadcast %add3A_1926 : i32 to vector<16xi32>
        %add3A_1928 = arith.addi %bitcast3A_1919, %add3A_1927 : vector<16xi32>
        %add3A_1929 = arith.addi %add3A_1928, %and3A_1925 : vector<16xi32>
        %and3A_1930 = arith.constant -65536 : i32
        %and3A_1931 = vector.broadcast %and3A_1930 : i32 to vector<16xi32>
        %and3A_1932 = arith.andi %add3A_1929, %and3A_1931 : vector<16xi32>
        %bitcast3A_1933 = vector.bitcast %and3A_1932 : vector<16xi32> to vector<16xf32>
        %mul3A_1934 = arith.mulf %bitcast3A_1933, %get3A_1708 : vector<16xf32>
        %add3A_1935 = arith.addf %scan3A_1699, %mul3A_1934 : vector<16xf32>
        %add3A_1936 = arith.addi %shift_left3A_1244, %and3A_1705 : vector<16xi32>
        %gather3A_1937 = tpu.vector_load_idx %arg30[%add3A_1140, %add3A_1936] : memref<208x128xf32, #tpu.memory_space<vmem>>[vector<16xi32>, vector<16xi32>], vector<16xf32>,
        %bitcast3A_1938 = vector.bitcast %gather3A_1937 : vector<16xf32> to vector<16xi32>
        %shift_right_logical3A_1939 = arith.constant 16 : i32
        %shift_right_logical3A_1940 = vector.broadcast %shift_right_logical3A_1939 : i32 to vector<16xi32>
        %shift_right_logical3A_1941 = arith.shrui %bitcast3A_1938, %shift_right_logical3A_1940 : vector<16xi32>
        %and3A_1942 = arith.constant 1 : i32
        %and3A_1943 = vector.broadcast %and3A_1942 : i32 to vector<16xi32>
        %and3A_1944 = arith.andi %shift_right_logical3A_1941, %and3A_1943 : vector<16xi32>
        %add3A_1945 = arith.constant 32767 : i32
        %add3A_1946 = vector.broadcast %add3A_1945 : i32 to vector<16xi32>
        %add3A_1947 = arith.addi %bitcast3A_1938, %add3A_1946 : vector<16xi32>
        %add3A_1948 = arith.addi %add3A_1947, %and3A_1944 : vector<16xi32>
        %and3A_1949 = arith.constant -65536 : i32
        %and3A_1950 = vector.broadcast %and3A_1949 : i32 to vector<16xi32>
        %and3A_1951 = arith.andi %add3A_1948, %and3A_1950 : vector<16xi32>
        %bitcast3A_1952 = vector.bitcast %and3A_1951 : vector<16xi32> to vector<16xf32>
        %mul3A_1953 = arith.mulf %bitcast3A_1952, %get3A_1708 : vector<16xf32>
        %add3A_1954 = arith.addf %scan3A_1700, %mul3A_1953 : vector<16xf32>
        scf.yield %add3A_1726, %add3A_1745, %add3A_1764, %add3A_1783, %add3A_1802, %add3A_1821, %add3A_1840, %add3A_1859, %add3A_1878, %add3A_1897, %add3A_1916, %add3A_1935, %add3A_1954 : vector<16xf32>, vector<16xf32>, vector<16xf32>, vector<16xf32>, vector<16xf32>, vector<16xf32>, vector<16xf32>, vector<16xf32>, vector<16xf32>, vector<16xf32>, vector<16xf32>, vector<16xf32>, vector<16xf32>
      }
      %scan3A_1282 = arith.constant 64 : i32
      %get3A_1283 = arith.constant 0 : index
      %get3A_1284 = tpu.vector_load %arg10[%get3A_1283] {strides = array<i32>} : memref<208xi32, #tpu.memory_space<vmem>>, vector<16xi32>,
      %gather3A_1285 = tpu.vector_load_idx %arg22[%get3A_1284] : memref<1000xf32, #tpu.memory_space<vmem>>[vector<16xi32>], vector<16xf32>,
      %add3A_1286 = arith.addf %scan3A_1281#0, %gather3A_1285 : vector<16xf32>
      %swap3A_1287 = arith.constant 0 : index
      %swap3A_1288 = tpu.vector_load %arg32[%swap3A_1287] {strides = array<i32>} : memref<208xf32, #tpu.memory_space<vmem>>, vector<16xf32>,
      tpu.vector_store %arg32[%swap3A_1287], %add3A_1286 {strides = array<i32>} : memref<208xf32, #tpu.memory_space<vmem>>, vector<16xf32>,
      %get3A_1289 = arith.constant 16 : index
      %get3A_1290 = tpu.vector_load %arg10[%get3A_1289] {strides = array<i32>} : memref<208xi32, #tpu.memory_space<vmem>>, vector<16xi32>,
      %gather3A_1291 = tpu.vector_load_idx %arg22[%get3A_1290] : memref<1000xf32, #tpu.memory_space<vmem>>[vector<16xi32>], vector<16xf32>,
      %add3A_1292 = arith.addf %scan3A_1281#1, %gather3A_1291 : vector<16xf32>
      %swap3A_1293 = arith.constant 16 : index
      %swap3A_1294 = tpu.vector_load %arg32[%swap3A_1293] {strides = array<i32>} : memref<208xf32, #tpu.memory_space<vmem>>, vector<16xf32>,
      tpu.vector_store %arg32[%swap3A_1293], %add3A_1292 {strides = array<i32>} : memref<208xf32, #tpu.memory_space<vmem>>, vector<16xf32>,
      %get3A_1295 = arith.constant 32 : index
      %get3A_1296 = tpu.vector_load %arg10[%get3A_1295] {strides = array<i32>} : memref<208xi32, #tpu.memory_space<vmem>>, vector<16xi32>,
      %gather3A_1297 = tpu.vector_load_idx %arg22[%get3A_1296] : memref<1000xf32, #tpu.memory_space<vmem>>[vector<16xi32>], vector<16xf32>,
      %add3A_1298 = arith.addf %scan3A_1281#2, %gather3A_1297 : vector<16xf32>
      %swap3A_1299 = arith.constant 32 : index
      %swap3A_1300 = tpu.vector_load %arg32[%swap3A_1299] {strides = array<i32>} : memref<208xf32, #tpu.memory_space<vmem>>, vector<16xf32>,
      tpu.vector_store %arg32[%swap3A_1299], %add3A_1298 {strides = array<i32>} : memref<208xf32, #tpu.memory_space<vmem>>, vector<16xf32>,
      %get3A_1301 = arith.constant 48 : index
      %get3A_1302 = tpu.vector_load %arg10[%get3A_1301] {strides = array<i32>} : memref<208xi32, #tpu.memory_space<vmem>>, vector<16xi32>,
      %gather3A_1303 = tpu.vector_load_idx %arg22[%get3A_1302] : memref<1000xf32, #tpu.memory_space<vmem>>[vector<16xi32>], vector<16xf32>,
      %add3A_1304 = arith.addf %scan3A_1281#3, %gather3A_1303 : vector<16xf32>
      %swap3A_1305 = arith.constant 48 : index
      %swap3A_1306 = tpu.vector_load %arg32[%swap3A_1305] {strides = array<i32>} : memref<208xf32, #tpu.memory_space<vmem>>, vector<16xf32>,
      tpu.vector_store %arg32[%swap3A_1305], %add3A_1304 {strides = array<i32>} : memref<208xf32, #tpu.memory_space<vmem>>, vector<16xf32>,
      %get3A_1307 = arith.constant 64 : index
      %get3A_1308 = tpu.vector_load %arg10[%get3A_1307] {strides = array<i32>} : memref<208xi32, #tpu.memory_space<vmem>>, vector<16xi32>,
      %gather3A_1309 = tpu.vector_load_idx %arg22[%get3A_1308] : memref<1000xf32, #tpu.memory_space<vmem>>[vector<16xi32>], vector<16xf32>,
      %add3A_1310 = arith.addf %scan3A_1281#4, %gather3A_1309 : vector<16xf32>
      %swap3A_1311 = arith.constant 64 : index
      %swap3A_1312 = tpu.vector_load %arg32[%swap3A_1311] {strides = array<i32>} : memref<208xf32, #tpu.memory_space<vmem>>, vector<16xf32>,
      tpu.vector_store %arg32[%swap3A_1311], %add3A_1310 {strides = array<i32>} : memref<208xf32, #tpu.memory_space<vmem>>, vector<16xf32>,
      %get3A_1313 = arith.constant 80 : index
      %get3A_1314 = tpu.vector_load %arg10[%get3A_1313] {strides = array<i32>} : memref<208xi32, #tpu.memory_space<vmem>>, vector<16xi32>,
      %gather3A_1315 = tpu.vector_load_idx %arg22[%get3A_1314] : memref<1000xf32, #tpu.memory_space<vmem>>[vector<16xi32>], vector<16xf32>,
      %add3A_1316 = arith.addf %scan3A_1281#5, %gather3A_1315 : vector<16xf32>
      %swap3A_1317 = arith.constant 80 : index
      %swap3A_1318 = tpu.vector_load %arg32[%swap3A_1317] {strides = array<i32>} : memref<208xf32, #tpu.memory_space<vmem>>, vector<16xf32>,
      tpu.vector_store %arg32[%swap3A_1317], %add3A_1316 {strides = array<i32>} : memref<208xf32, #tpu.memory_space<vmem>>, vector<16xf32>,
      %get3A_1319 = arith.constant 96 : index
      %get3A_1320 = tpu.vector_load %arg10[%get3A_1319] {strides = array<i32>} : memref<208xi32, #tpu.memory_space<vmem>>, vector<16xi32>,
      %gather3A_1321 = tpu.vector_load_idx %arg22[%get3A_1320] : memref<1000xf32, #tpu.memory_space<vmem>>[vector<16xi32>], vector<16xf32>,
      %add3A_1322 = arith.addf %scan3A_1281#6, %gather3A_1321 : vector<16xf32>
      %swap3A_1323 = arith.constant 96 : index
      %swap3A_1324 = tpu.vector_load %arg32[%swap3A_1323] {strides = array<i32>} : memref<208xf32, #tpu.memory_space<vmem>>, vector<16xf32>,
      tpu.vector_store %arg32[%swap3A_1323], %add3A_1322 {strides = array<i32>} : memref<208xf32, #tpu.memory_space<vmem>>, vector<16xf32>,
      %get3A_1325 = arith.constant 112 : index
      %get3A_1326 = tpu.vector_load %arg10[%get3A_1325] {strides = array<i32>} : memref<208xi32, #tpu.memory_space<vmem>>, vector<16xi32>,
      %gather3A_1327 = tpu.vector_load_idx %arg22[%get3A_1326] : memref<1000xf32, #tpu.memory_space<vmem>>[vector<16xi32>], vector<16xf32>,
      %add3A_1328 = arith.addf %scan3A_1281#7, %gather3A_1327 : vector<16xf32>
      %swap3A_1329 = arith.constant 112 : index
      %swap3A_1330 = tpu.vector_load %arg32[%swap3A_1329] {strides = array<i32>} : memref<208xf32, #tpu.memory_space<vmem>>, vector<16xf32>,
      tpu.vector_store %arg32[%swap3A_1329], %add3A_1328 {strides = array<i32>} : memref<208xf32, #tpu.memory_space<vmem>>, vector<16xf32>,
      %get3A_1331 = arith.constant 128 : index
      %get3A_1332 = tpu.vector_load %arg10[%get3A_1331] {strides = array<i32>} : memref<208xi32, #tpu.memory_space<vmem>>, vector<16xi32>,
      %gather3A_1333 = tpu.vector_load_idx %arg22[%get3A_1332] : memref<1000xf32, #tpu.memory_space<vmem>>[vector<16xi32>], vector<16xf32>,
      %add3A_1334 = arith.addf %scan3A_1281#8, %gather3A_1333 : vector<16xf32>
      %swap3A_1335 = arith.constant 128 : index
      %swap3A_1336 = tpu.vector_load %arg32[%swap3A_1335] {strides = array<i32>} : memref<208xf32, #tpu.memory_space<vmem>>, vector<16xf32>,
      tpu.vector_store %arg32[%swap3A_1335], %add3A_1334 {strides = array<i32>} : memref<208xf32, #tpu.memory_space<vmem>>, vector<16xf32>,
      %get3A_1337 = arith.constant 144 : index
      %get3A_1338 = tpu.vector_load %arg10[%get3A_1337] {strides = array<i32>} : memref<208xi32, #tpu.memory_space<vmem>>, vector<16xi32>,
      %gather3A_1339 = tpu.vector_load_idx %arg22[%get3A_1338] : memref<1000xf32, #tpu.memory_space<vmem>>[vector<16xi32>], vector<16xf32>,
      %add3A_1340 = arith.addf %scan3A_1281#9, %gather3A_1339 : vector<16xf32>
      %swap3A_1341 = arith.constant 144 : index
      %swap3A_1342 = tpu.vector_load %arg32[%swap3A_1341] {strides = array<i32>} : memref<208xf32, #tpu.memory_space<vmem>>, vector<16xf32>,
      tpu.vector_store %arg32[%swap3A_1341], %add3A_1340 {strides = array<i32>} : memref<208xf32, #tpu.memory_space<vmem>>, vector<16xf32>,
      %get3A_1343 = arith.constant 160 : index
      %get3A_1344 = tpu.vector_load %arg10[%get3A_1343] {strides = array<i32>} : memref<208xi32, #tpu.memory_space<vmem>>, vector<16xi32>,
      %gather3A_1345 = tpu.vector_load_idx %arg22[%get3A_1344] : memref<1000xf32, #tpu.memory_space<vmem>>[vector<16xi32>], vector<16xf32>,
      %add3A_1346 = arith.addf %scan3A_1281#10, %gather3A_1345 : vector<16xf32>
      %swap3A_1347 = arith.constant 160 : index
      %swap3A_1348 = tpu.vector_load %arg32[%swap3A_1347] {strides = array<i32>} : memref<208xf32, #tpu.memory_space<vmem>>, vector<16xf32>,
      tpu.vector_store %arg32[%swap3A_1347], %add3A_1346 {strides = array<i32>} : memref<208xf32, #tpu.memory_space<vmem>>, vector<16xf32>,
      %get3A_1349 = arith.constant 176 : index
      %get3A_1350 = tpu.vector_load %arg10[%get3A_1349] {strides = array<i32>} : memref<208xi32, #tpu.memory_space<vmem>>, vector<16xi32>,
      %gather3A_1351 = tpu.vector_load_idx %arg22[%get3A_1350] : memref<1000xf32, #tpu.memory_space<vmem>>[vector<16xi32>], vector<16xf32>,
      %add3A_1352 = arith.addf %scan3A_1281#11, %gather3A_1351 : vector<16xf32>
      %swap3A_1353 = arith.constant 176 : index
      %swap3A_1354 = tpu.vector_load %arg32[%swap3A_1353] {strides = array<i32>} : memref<208xf32, #tpu.memory_space<vmem>>, vector<16xf32>,
      tpu.vector_store %arg32[%swap3A_1353], %add3A_1352 {strides = array<i32>} : memref<208xf32, #tpu.memory_space<vmem>>, vector<16xf32>,
      %get3A_1355 = arith.constant 192 : index
      %get3A_1356 = tpu.vector_load %arg10[%get3A_1355] {strides = array<i32>} : memref<208xi32, #tpu.memory_space<vmem>>, vector<16xi32>,
      %gather3A_1357 = tpu.vector_load_idx %arg22[%get3A_1356] : memref<1000xf32, #tpu.memory_space<vmem>>[vector<16xi32>], vector<16xf32>,
      %add3A_1358 = arith.addf %scan3A_1281#12, %gather3A_1357 : vector<16xf32>
      %swap3A_1359 = arith.constant 192 : index
      %swap3A_1360 = tpu.vector_load %arg32[%swap3A_1359] {strides = array<i32>} : memref<208xf32, #tpu.memory_space<vmem>>, vector<16xf32>,
      tpu.vector_store %arg32[%swap3A_1359], %add3A_1358 {strides = array<i32>} : memref<208xf32, #tpu.memory_space<vmem>>, vector<16xf32>,
      %mul3A_1361 = arith.constant 208 : i32
      %mul3A_1362 = arith.muli %add3A_1101, %mul3A_1361 : i32
      %dma_start3A_1363 = tpu.memref_slice %arg7[%mul3A_1362] : memref<851968xf32, #tpu.memory_space<hbm>> -> memref<208xf32, #tpu.memory_space<hbm>>
      %dma_start3A_1364 = tpu.memref_slice %arg7[%mul3A_1362] : memref<851968xf32, #tpu.memory_space<hbm>> -> memref<208xf32, #tpu.memory_space<hbm>>
      tpu.enqueue_dma source(%arg32 : memref<208xf32, #tpu.memory_space<vmem>>) target(%dma_start3A_1364 : memref<208xf32, #tpu.memory_space<hbm>>) target_semaphore(%arg43 : memref<!tpu.dma_semaphore, #tpu.memory_space<semaphore_mem>>)
      %add3A_1365 = arith.constant 4 : i32
      %add3A_1366 = arith.addi %add3A_1060, %add3A_1365 : i32
      %lt3A_1367 = arith.constant 128 : i32
      %lt3A_1368 = arith.cmpi slt, %add3A_1366, %lt3A_1367 : i32
      %convert_element_type3A_1369 = arith.extui %lt3A_1368 : i1 to i32
      %cond3A_1370 = arith.constant 0 : i32
      %cond3A_1371 = arith.cmpi ne, %convert_element_type3A_1369, %cond3A_1370 : i32
      scf.if %cond3A_1371 {
        %add3A_1687 = arith.addi %mul3A_2, %add3A_1060 : i32
        %add3A_1688 = arith.constant 4 : i32
        %add3A_1689 = arith.addi %add3A_1687, %add3A_1688 : i32
        %mul3A_1690 = arith.constant 200 : i32
        %mul3A_1691 = arith.muli %add3A_1689, %mul3A_1690 : i32
        %dma_start3A_1692 = arith.constant 0 : i32
        %dma_start3A_1693 = tpu.memref_slice %arg10[%dma_start3A_1692] : memref<208xi32, #tpu.memory_space<vmem>> -> memref<200xi32, #tpu.memory_space<vmem>>
        %dma_start3A_1694 = tpu.memref_slice %arg2[%mul3A_1691] : memref<819200xi32, #tpu.memory_space<hbm>> -> memref<200xi32, #tpu.memory_space<hbm>>
        %dma_start3A_1695 = arith.constant 0 : i32
        %dma_start3A_1696 = tpu.memref_slice %arg10[%dma_start3A_1695] : memref<208xi32, #tpu.memory_space<vmem>> -> memref<200xi32, #tpu.memory_space<vmem>>
        %dma_start3A_1697 = tpu.memref_slice %arg2[%mul3A_1691] : memref<819200xi32, #tpu.memory_space<hbm>> -> memref<200xi32, #tpu.memory_space<hbm>>
        tpu.enqueue_dma source(%dma_start3A_1697 : memref<200xi32, #tpu.memory_space<hbm>>) target(%dma_start3A_1696 : memref<200xi32, #tpu.memory_space<vmem>>) target_semaphore(%arg37 : memref<!tpu.dma_semaphore, #tpu.memory_space<semaphore_mem>>)
        %mul3A_1698 = arith.constant 200 : i32
        %mul3A_1699 = arith.muli %add3A_1689, %mul3A_1698 : i32
        %dma_start3A_1700 = arith.constant 0 : i32
        %dma_start3A_1701 = tpu.memref_slice %arg14[%dma_start3A_1700] : memref<208xi32, #tpu.memory_space<vmem>> -> memref<200xi32, #tpu.memory_space<vmem>>
        %dma_start3A_1702 = tpu.memref_slice %arg3[%mul3A_1699] : memref<819200xi32, #tpu.memory_space<hbm>> -> memref<200xi32, #tpu.memory_space<hbm>>
        %dma_start3A_1703 = arith.constant 0 : i32
        %dma_start3A_1704 = tpu.memref_slice %arg14[%dma_start3A_1703] : memref<208xi32, #tpu.memory_space<vmem>> -> memref<200xi32, #tpu.memory_space<vmem>>
        %dma_start3A_1705 = tpu.memref_slice %arg3[%mul3A_1699] : memref<819200xi32, #tpu.memory_space<hbm>> -> memref<200xi32, #tpu.memory_space<hbm>>
        tpu.enqueue_dma source(%dma_start3A_1705 : memref<200xi32, #tpu.memory_space<hbm>>) target(%dma_start3A_1704 : memref<200xi32, #tpu.memory_space<vmem>>) target_semaphore(%arg37 : memref<!tpu.dma_semaphore, #tpu.memory_space<semaphore_mem>>)
      } else {
      }
      %mul3A_1372 = arith.constant 4 : i32
      %mul3A_1373 = arith.muli %mul3A_1372, %scan3A_433 : i32
      %add3A_1374 = arith.constant 3 : i32
      %add3A_1375 = arith.addi %mul3A_1373, %add3A_1374 : i32
      %add3A_1376 = arith.constant 3 : i32
      %add3A_1377 = arith.addi %add3A_1375, %add3A_1376 : i32
      %lt3A_1378 = arith.constant 128 : i32
      %lt3A_1379 = arith.cmpi slt, %add3A_1377, %lt3A_1378 : i32
      %convert_element_type3A_1380 = arith.extui %lt3A_1379 : i1 to i32
      %cond3A_1381 = arith.constant 0 : i32
      %cond3A_1382 = arith.cmpi ne, %convert_element_type3A_1380, %cond3A_1381 : i32
      scf.if %cond3A_1382 {
        %dma_wait3A_1687 = arith.constant 0 : i32
        %dma_wait3A_1688 = tpu.memref_slice %arg10[%dma_wait3A_1687] : memref<208xi32, #tpu.memory_space<vmem>> -> memref<200xi32, #tpu.memory_space<vmem>>
        %dma_wait3A_1689 = arith.constant 0 : i32
        %dma_wait3A_1690 = tpu.memref_slice %arg2[%dma_wait3A_1689] : memref<819200xi32, #tpu.memory_space<hbm>> -> memref<200xi32, #tpu.memory_space<hbm>>
        %dma_wait3A_1691 = arith.constant 0 : i32
        %dma_wait3A_1692 = tpu.memref_slice %arg10[%dma_wait3A_1691] : memref<208xi32, #tpu.memory_space<vmem>> -> memref<200xi32, #tpu.memory_space<vmem>>
        %dma_wait3A_1693 = arith.constant 0 : i32
        %dma_wait3A_1694 = tpu.memref_slice %arg2[%dma_wait3A_1693] : memref<819200xi32, #tpu.memory_space<hbm>> -> memref<200xi32, #tpu.memory_space<hbm>>
        tpu.wait_dma2 semaphore(%arg37 : memref<!tpu.dma_semaphore, #tpu.memory_space<semaphore_mem>>) src(%dma_wait3A_1694 : memref<200xi32, #tpu.memory_space<hbm>>) dst(%dma_wait3A_1692 : memref<200xi32, #tpu.memory_space<vmem>>)
        %dma_wait3A_1695 = arith.constant 0 : i32
        %dma_wait3A_1696 = tpu.memref_slice %arg14[%dma_wait3A_1695] : memref<208xi32, #tpu.memory_space<vmem>> -> memref<200xi32, #tpu.memory_space<vmem>>
        %dma_wait3A_1697 = arith.constant 0 : i32
        %dma_wait3A_1698 = tpu.memref_slice %arg3[%dma_wait3A_1697] : memref<819200xi32, #tpu.memory_space<hbm>> -> memref<200xi32, #tpu.memory_space<hbm>>
        %dma_wait3A_1699 = arith.constant 0 : i32
        %dma_wait3A_1700 = tpu.memref_slice %arg14[%dma_wait3A_1699] : memref<208xi32, #tpu.memory_space<vmem>> -> memref<200xi32, #tpu.memory_space<vmem>>
        %dma_wait3A_1701 = arith.constant 0 : i32
        %dma_wait3A_1702 = tpu.memref_slice %arg3[%dma_wait3A_1701] : memref<819200xi32, #tpu.memory_space<hbm>> -> memref<200xi32, #tpu.memory_space<hbm>>
        tpu.wait_dma2 semaphore(%arg37 : memref<!tpu.dma_semaphore, #tpu.memory_space<semaphore_mem>>) src(%dma_wait3A_1702 : memref<200xi32, #tpu.memory_space<hbm>>) dst(%dma_wait3A_1700 : memref<200xi32, #tpu.memory_space<vmem>>)
        %add3A_1703 = arith.addi %mul3A_2, %add3A_1375 : i32
        %add3A_1704 = arith.constant 3 : i32
        %add3A_1705 = arith.addi %add3A_1703, %add3A_1704 : i32
        %get3A_1706 = arith.constant 0 : index
        %get3A_1707 = tpu.vector_load %arg14[%get3A_1706] {strides = array<i32>} : memref<208xi32, #tpu.memory_space<vmem>>, vector<16xi32>,
        %shift_right_logical3A_1708 = arith.constant 1 : i32
        %shift_right_logical3A_1709 = vector.broadcast %shift_right_logical3A_1708 : i32 to vector<16xi32>
        %shift_right_logical3A_1710 = arith.shrui %get3A_1707, %shift_right_logical3A_1709 : vector<16xi32>
        %swap3A_1711 = arith.constant 0 : index
        %swap3A_1712 = tpu.vector_load %arg18[%swap3A_1711] {strides = array<i32>} : memref<208xi32, #tpu.memory_space<vmem>>, vector<16xi32>,
        tpu.vector_store %arg18[%swap3A_1711], %shift_right_logical3A_1710 {strides = array<i32>} : memref<208xi32, #tpu.memory_space<vmem>>, vector<16xi32>,
        %get3A_1713 = arith.constant 16 : index
        %get3A_1714 = tpu.vector_load %arg14[%get3A_1713] {strides = array<i32>} : memref<208xi32, #tpu.memory_space<vmem>>, vector<16xi32>,
        %shift_right_logical3A_1715 = arith.constant 1 : i32
        %shift_right_logical3A_1716 = vector.broadcast %shift_right_logical3A_1715 : i32 to vector<16xi32>
        %shift_right_logical3A_1717 = arith.shrui %get3A_1714, %shift_right_logical3A_1716 : vector<16xi32>
        %swap3A_1718 = arith.constant 16 : index
        %swap3A_1719 = tpu.vector_load %arg18[%swap3A_1718] {strides = array<i32>} : memref<208xi32, #tpu.memory_space<vmem>>, vector<16xi32>,
        tpu.vector_store %arg18[%swap3A_1718], %shift_right_logical3A_1717 {strides = array<i32>} : memref<208xi32, #tpu.memory_space<vmem>>, vector<16xi32>,
        %get3A_1720 = arith.constant 32 : index
        %get3A_1721 = tpu.vector_load %arg14[%get3A_1720] {strides = array<i32>} : memref<208xi32, #tpu.memory_space<vmem>>, vector<16xi32>,
        %shift_right_logical3A_1722 = arith.constant 1 : i32
        %shift_right_logical3A_1723 = vector.broadcast %shift_right_logical3A_1722 : i32 to vector<16xi32>
        %shift_right_logical3A_1724 = arith.shrui %get3A_1721, %shift_right_logical3A_1723 : vector<16xi32>
        %swap3A_1725 = arith.constant 32 : index
        %swap3A_1726 = tpu.vector_load %arg18[%swap3A_1725] {strides = array<i32>} : memref<208xi32, #tpu.memory_space<vmem>>, vector<16xi32>,
        tpu.vector_store %arg18[%swap3A_1725], %shift_right_logical3A_1724 {strides = array<i32>} : memref<208xi32, #tpu.memory_space<vmem>>, vector<16xi32>,
        %get3A_1727 = arith.constant 48 : index
        %get3A_1728 = tpu.vector_load %arg14[%get3A_1727] {strides = array<i32>} : memref<208xi32, #tpu.memory_space<vmem>>, vector<16xi32>,
        %shift_right_logical3A_1729 = arith.constant 1 : i32
        %shift_right_logical3A_1730 = vector.broadcast %shift_right_logical3A_1729 : i32 to vector<16xi32>
        %shift_right_logical3A_1731 = arith.shrui %get3A_1728, %shift_right_logical3A_1730 : vector<16xi32>
        %swap3A_1732 = arith.constant 48 : index
        %swap3A_1733 = tpu.vector_load %arg18[%swap3A_1732] {strides = array<i32>} : memref<208xi32, #tpu.memory_space<vmem>>, vector<16xi32>,
        tpu.vector_store %arg18[%swap3A_1732], %shift_right_logical3A_1731 {strides = array<i32>} : memref<208xi32, #tpu.memory_space<vmem>>, vector<16xi32>,
        %get3A_1734 = arith.constant 64 : index
        %get3A_1735 = tpu.vector_load %arg14[%get3A_1734] {strides = array<i32>} : memref<208xi32, #tpu.memory_space<vmem>>, vector<16xi32>,
        %shift_right_logical3A_1736 = arith.constant 1 : i32
        %shift_right_logical3A_1737 = vector.broadcast %shift_right_logical3A_1736 : i32 to vector<16xi32>
        %shift_right_logical3A_1738 = arith.shrui %get3A_1735, %shift_right_logical3A_1737 : vector<16xi32>
        %swap3A_1739 = arith.constant 64 : index
        %swap3A_1740 = tpu.vector_load %arg18[%swap3A_1739] {strides = array<i32>} : memref<208xi32, #tpu.memory_space<vmem>>, vector<16xi32>,
        tpu.vector_store %arg18[%swap3A_1739], %shift_right_logical3A_1738 {strides = array<i32>} : memref<208xi32, #tpu.memory_space<vmem>>, vector<16xi32>,
        %get3A_1741 = arith.constant 80 : index
        %get3A_1742 = tpu.vector_load %arg14[%get3A_1741] {strides = array<i32>} : memref<208xi32, #tpu.memory_space<vmem>>, vector<16xi32>,
        %shift_right_logical3A_1743 = arith.constant 1 : i32
        %shift_right_logical3A_1744 = vector.broadcast %shift_right_logical3A_1743 : i32 to vector<16xi32>
        %shift_right_logical3A_1745 = arith.shrui %get3A_1742, %shift_right_logical3A_1744 : vector<16xi32>
        %swap3A_1746 = arith.constant 80 : index
        %swap3A_1747 = tpu.vector_load %arg18[%swap3A_1746] {strides = array<i32>} : memref<208xi32, #tpu.memory_space<vmem>>, vector<16xi32>,
        tpu.vector_store %arg18[%swap3A_1746], %shift_right_logical3A_1745 {strides = array<i32>} : memref<208xi32, #tpu.memory_space<vmem>>, vector<16xi32>,
        %get3A_1748 = arith.constant 96 : index
        %get3A_1749 = tpu.vector_load %arg14[%get3A_1748] {strides = array<i32>} : memref<208xi32, #tpu.memory_space<vmem>>, vector<16xi32>,
        %shift_right_logical3A_1750 = arith.constant 1 : i32
        %shift_right_logical3A_1751 = vector.broadcast %shift_right_logical3A_1750 : i32 to vector<16xi32>
        %shift_right_logical3A_1752 = arith.shrui %get3A_1749, %shift_right_logical3A_1751 : vector<16xi32>
        %swap3A_1753 = arith.constant 96 : index
        %swap3A_1754 = tpu.vector_load %arg18[%swap3A_1753] {strides = array<i32>} : memref<208xi32, #tpu.memory_space<vmem>>, vector<16xi32>,
        tpu.vector_store %arg18[%swap3A_1753], %shift_right_logical3A_1752 {strides = array<i32>} : memref<208xi32, #tpu.memory_space<vmem>>, vector<16xi32>,
        %get3A_1755 = arith.constant 112 : index
        %get3A_1756 = tpu.vector_load %arg14[%get3A_1755] {strides = array<i32>} : memref<208xi32, #tpu.memory_space<vmem>>, vector<16xi32>,
        %shift_right_logical3A_1757 = arith.constant 1 : i32
        %shift_right_logical3A_1758 = vector.broadcast %shift_right_logical3A_1757 : i32 to vector<16xi32>
        %shift_right_logical3A_1759 = arith.shrui %get3A_1756, %shift_right_logical3A_1758 : vector<16xi32>
        %swap3A_1760 = arith.constant 112 : index
        %swap3A_1761 = tpu.vector_load %arg18[%swap3A_1760] {strides = array<i32>} : memref<208xi32, #tpu.memory_space<vmem>>, vector<16xi32>,
        tpu.vector_store %arg18[%swap3A_1760], %shift_right_logical3A_1759 {strides = array<i32>} : memref<208xi32, #tpu.memory_space<vmem>>, vector<16xi32>,
        %get3A_1762 = arith.constant 128 : index
        %get3A_1763 = tpu.vector_load %arg14[%get3A_1762] {strides = array<i32>} : memref<208xi32, #tpu.memory_space<vmem>>, vector<16xi32>,
        %shift_right_logical3A_1764 = arith.constant 1 : i32
        %shift_right_logical3A_1765 = vector.broadcast %shift_right_logical3A_1764 : i32 to vector<16xi32>
        %shift_right_logical3A_1766 = arith.shrui %get3A_1763, %shift_right_logical3A_1765 : vector<16xi32>
        %swap3A_1767 = arith.constant 128 : index
        %swap3A_1768 = tpu.vector_load %arg18[%swap3A_1767] {strides = array<i32>} : memref<208xi32, #tpu.memory_space<vmem>>, vector<16xi32>,
        tpu.vector_store %arg18[%swap3A_1767], %shift_right_logical3A_1766 {strides = array<i32>} : memref<208xi32, #tpu.memory_space<vmem>>, vector<16xi32>,
        %get3A_1769 = arith.constant 144 : index
        %get3A_1770 = tpu.vector_load %arg14[%get3A_1769] {strides = array<i32>} : memref<208xi32, #tpu.memory_space<vmem>>, vector<16xi32>,
        %shift_right_logical3A_1771 = arith.constant 1 : i32
        %shift_right_logical3A_1772 = vector.broadcast %shift_right_logical3A_1771 : i32 to vector<16xi32>
        %shift_right_logical3A_1773 = arith.shrui %get3A_1770, %shift_right_logical3A_1772 : vector<16xi32>
        %swap3A_1774 = arith.constant 144 : index
        %swap3A_1775 = tpu.vector_load %arg18[%swap3A_1774] {strides = array<i32>} : memref<208xi32, #tpu.memory_space<vmem>>, vector<16xi32>,
        tpu.vector_store %arg18[%swap3A_1774], %shift_right_logical3A_1773 {strides = array<i32>} : memref<208xi32, #tpu.memory_space<vmem>>, vector<16xi32>,
        %get3A_1776 = arith.constant 160 : index
        %get3A_1777 = tpu.vector_load %arg14[%get3A_1776] {strides = array<i32>} : memref<208xi32, #tpu.memory_space<vmem>>, vector<16xi32>,
        %shift_right_logical3A_1778 = arith.constant 1 : i32
        %shift_right_logical3A_1779 = vector.broadcast %shift_right_logical3A_1778 : i32 to vector<16xi32>
        %shift_right_logical3A_1780 = arith.shrui %get3A_1777, %shift_right_logical3A_1779 : vector<16xi32>
        %swap3A_1781 = arith.constant 160 : index
        %swap3A_1782 = tpu.vector_load %arg18[%swap3A_1781] {strides = array<i32>} : memref<208xi32, #tpu.memory_space<vmem>>, vector<16xi32>,
        tpu.vector_store %arg18[%swap3A_1781], %shift_right_logical3A_1780 {strides = array<i32>} : memref<208xi32, #tpu.memory_space<vmem>>, vector<16xi32>,
        %get3A_1783 = arith.constant 176 : index
        %get3A_1784 = tpu.vector_load %arg14[%get3A_1783] {strides = array<i32>} : memref<208xi32, #tpu.memory_space<vmem>>, vector<16xi32>,
        %shift_right_logical3A_1785 = arith.constant 1 : i32
        %shift_right_logical3A_1786 = vector.broadcast %shift_right_logical3A_1785 : i32 to vector<16xi32>
        %shift_right_logical3A_1787 = arith.shrui %get3A_1784, %shift_right_logical3A_1786 : vector<16xi32>
        %swap3A_1788 = arith.constant 176 : index
        %swap3A_1789 = tpu.vector_load %arg18[%swap3A_1788] {strides = array<i32>} : memref<208xi32, #tpu.memory_space<vmem>>, vector<16xi32>,
        tpu.vector_store %arg18[%swap3A_1788], %shift_right_logical3A_1787 {strides = array<i32>} : memref<208xi32, #tpu.memory_space<vmem>>, vector<16xi32>,
        %get3A_1790 = arith.constant 192 : index
        %get3A_1791 = tpu.vector_load %arg14[%get3A_1790] {strides = array<i32>} : memref<208xi32, #tpu.memory_space<vmem>>, vector<16xi32>,
        %shift_right_logical3A_1792 = arith.constant 1 : i32
        %shift_right_logical3A_1793 = vector.broadcast %shift_right_logical3A_1792 : i32 to vector<16xi32>
        %shift_right_logical3A_1794 = arith.shrui %get3A_1791, %shift_right_logical3A_1793 : vector<16xi32>
        %swap3A_1795 = arith.constant 192 : index
        %swap3A_1796 = tpu.vector_load %arg18[%swap3A_1795] {strides = array<i32>} : memref<208xi32, #tpu.memory_space<vmem>>, vector<16xi32>,
        tpu.vector_store %arg18[%swap3A_1795], %shift_right_logical3A_1794 {strides = array<i32>} : memref<208xi32, #tpu.memory_space<vmem>>, vector<16xi32>,
        %dma_start3A_1797 = arith.constant 0 : i32
        %dma_start3A_1798 = arith.constant 0 : i32
        %dma_start3A_1799 = tpu.memref_slice %arg30[%dma_start3A_1797, %dma_start3A_1798] : memref<208x128xf32, #tpu.memory_space<vmem>> -> memref<104x128xf32, #tpu.memory_space<vmem>>
        %dma_start3A_1800 = arith.constant 0 : i32
        %dma_start3A_1801 = tpu.memref_slice %arg18[%dma_start3A_1800] : memref<208xi32, #tpu.memory_space<vmem>> -> memref<104xi32, #tpu.memory_space<vmem>>
        %dma_start3A_1802 = arith.constant 0 : i32
        %dma_start3A_1803 = arith.constant 0 : i32
        %dma_start3A_1804 = tpu.memref_slice %arg6[%dma_start3A_1802, %dma_start3A_1803] : memref<500000x128xf32, #tpu.memory_space<hbm>> -> memref<500000x128xf32, #tpu.memory_space<hbm>>
        tpu.enqueue_indirect_dma source(%dma_start3A_1804 : memref<500000x128xf32, #tpu.memory_space<hbm>>) target(%dma_start3A_1799 : memref<104x128xf32, #tpu.memory_space<vmem>>) offsets(%dma_start3A_1801 : memref<104xi32, #tpu.memory_space<vmem>>) semaphore(%arg41 : memref<!tpu.dma_semaphore, #tpu.memory_space<semaphore_mem>>)
        %dma_start3A_1805 = arith.constant 104 : i32
        %dma_start3A_1806 = arith.constant 0 : i32
        %dma_start3A_1807 = tpu.memref_slice %arg30[%dma_start3A_1805, %dma_start3A_1806] : memref<208x128xf32, #tpu.memory_space<vmem>> -> memref<104x128xf32, #tpu.memory_space<vmem>>
        %dma_start3A_1808 = arith.constant 104 : i32
        %dma_start3A_1809 = tpu.memref_slice %arg18[%dma_start3A_1808] : memref<208xi32, #tpu.memory_space<vmem>> -> memref<104xi32, #tpu.memory_space<vmem>>
        %dma_start3A_1810 = arith.constant 0 : i32
        %dma_start3A_1811 = arith.constant 0 : i32
        %dma_start3A_1812 = tpu.memref_slice %arg6[%dma_start3A_1810, %dma_start3A_1811] : memref<500000x128xf32, #tpu.memory_space<hbm>> -> memref<500000x128xf32, #tpu.memory_space<hbm>>
        tpu.enqueue_indirect_dma source(%dma_start3A_1812 : memref<500000x128xf32, #tpu.memory_space<hbm>>) target(%dma_start3A_1807 : memref<104x128xf32, #tpu.memory_space<vmem>>) offsets(%dma_start3A_1809 : memref<104xi32, #tpu.memory_space<vmem>>) semaphore(%arg41 : memref<!tpu.dma_semaphore, #tpu.memory_space<semaphore_mem>>)
        %mul3A_1813 = arith.constant 1000 : i32
        %mul3A_1814 = arith.muli %add3A_1705, %mul3A_1813 : i32
        %dma_start3A_1815 = tpu.memref_slice %arg4[%mul3A_1814] : memref<4096000xf32, #tpu.memory_space<hbm>> -> memref<1000xf32, #tpu.memory_space<hbm>>
        %dma_start3A_1816 = tpu.memref_slice %arg4[%mul3A_1814] : memref<4096000xf32, #tpu.memory_space<hbm>> -> memref<1000xf32, #tpu.memory_space<hbm>>
        tpu.enqueue_dma source(%dma_start3A_1816 : memref<1000xf32, #tpu.memory_space<hbm>>) target(%arg22 : memref<1000xf32, #tpu.memory_space<vmem>>) target_semaphore(%arg41 : memref<!tpu.dma_semaphore, #tpu.memory_space<semaphore_mem>>)
        %mul3A_1817 = arith.constant 64 : i32
        %mul3A_1818 = arith.muli %add3A_1705, %mul3A_1817 : i32
        %dma_start3A_1819 = arith.constant 0 : i32
        %dma_start3A_1820 = tpu.memref_slice %arg26[%dma_start3A_1819] : memref<128xf32, #tpu.memory_space<vmem>> -> memref<64xf32, #tpu.memory_space<vmem>>
        %dma_start3A_1821 = tpu.memref_slice %arg5[%mul3A_1818] : memref<262144xf32, #tpu.memory_space<hbm>> -> memref<64xf32, #tpu.memory_space<hbm>>
        %dma_start3A_1822 = arith.constant 0 : i32
        %dma_start3A_1823 = tpu.memref_slice %arg26[%dma_start3A_1822] : memref<128xf32, #tpu.memory_space<vmem>> -> memref<64xf32, #tpu.memory_space<vmem>>
        %dma_start3A_1824 = tpu.memref_slice %arg5[%mul3A_1818] : memref<262144xf32, #tpu.memory_space<hbm>> -> memref<64xf32, #tpu.memory_space<hbm>>
        tpu.enqueue_dma source(%dma_start3A_1824 : memref<64xf32, #tpu.memory_space<hbm>>) target(%dma_start3A_1823 : memref<64xf32, #tpu.memory_space<vmem>>) target_semaphore(%arg41 : memref<!tpu.dma_semaphore, #tpu.memory_space<semaphore_mem>>)
      } else {
      }
      %dma_wait3A_1383 = arith.constant 0 : i32
      %dma_wait3A_1384 = arith.constant 0 : i32
      %dma_wait3A_1385 = tpu.memref_slice %arg31[%dma_wait3A_1383, %dma_wait3A_1384] : memref<208x128xf32, #tpu.memory_space<vmem>> -> memref<104x128xf32, #tpu.memory_space<vmem>>
      %dma_wait3A_1386 = arith.constant 0 : i32
      %dma_wait3A_1387 = tpu.memref_slice %arg19[%dma_wait3A_1386] : memref<208xi32, #tpu.memory_space<vmem>> -> memref<104xi32, #tpu.memory_space<vmem>>
      %dma_wait3A_1388 = arith.constant 0 : i32
      %dma_wait3A_1389 = arith.constant 0 : i32
      %dma_wait3A_1390 = tpu.memref_slice %arg6[%dma_wait3A_1388, %dma_wait3A_1389] : memref<500000x128xf32, #tpu.memory_space<hbm>> -> memref<500000x128xf32, #tpu.memory_space<hbm>>
      tpu.wait_indirect_dma semaphore(%arg42 : memref<!tpu.dma_semaphore, #tpu.memory_space<semaphore_mem>>) src(%dma_wait3A_1390 : memref<500000x128xf32, #tpu.memory_space<hbm>>) dst(%dma_wait3A_1385 : memref<104x128xf32, #tpu.memory_space<vmem>>)
      %dma_wait3A_1391 = arith.constant 104 : i32
      %dma_wait3A_1392 = arith.constant 0 : i32
      %dma_wait3A_1393 = tpu.memref_slice %arg31[%dma_wait3A_1391, %dma_wait3A_1392] : memref<208x128xf32, #tpu.memory_space<vmem>> -> memref<104x128xf32, #tpu.memory_space<vmem>>
      %dma_wait3A_1394 = arith.constant 104 : i32
      %dma_wait3A_1395 = tpu.memref_slice %arg19[%dma_wait3A_1394] : memref<208xi32, #tpu.memory_space<vmem>> -> memref<104xi32, #tpu.memory_space<vmem>>
      %dma_wait3A_1396 = arith.constant 0 : i32
      %dma_wait3A_1397 = arith.constant 0 : i32
      %dma_wait3A_1398 = tpu.memref_slice %arg6[%dma_wait3A_1396, %dma_wait3A_1397] : memref<500000x128xf32, #tpu.memory_space<hbm>> -> memref<500000x128xf32, #tpu.memory_space<hbm>>
      tpu.wait_indirect_dma semaphore(%arg42 : memref<!tpu.dma_semaphore, #tpu.memory_space<semaphore_mem>>) src(%dma_wait3A_1398 : memref<500000x128xf32, #tpu.memory_space<hbm>>) dst(%dma_wait3A_1393 : memref<104x128xf32, #tpu.memory_space<vmem>>)
      %dma_wait3A_1399 = arith.constant 0 : i32
      %dma_wait3A_1400 = tpu.memref_slice %arg4[%dma_wait3A_1399] : memref<4096000xf32, #tpu.memory_space<hbm>> -> memref<1000xf32, #tpu.memory_space<hbm>>
      %dma_wait3A_1401 = arith.constant 0 : i32
      %dma_wait3A_1402 = tpu.memref_slice %arg4[%dma_wait3A_1401] : memref<4096000xf32, #tpu.memory_space<hbm>> -> memref<1000xf32, #tpu.memory_space<hbm>>
      tpu.wait_dma2 semaphore(%arg42 : memref<!tpu.dma_semaphore, #tpu.memory_space<semaphore_mem>>) src(%dma_wait3A_1402 : memref<1000xf32, #tpu.memory_space<hbm>>) dst(%arg23 : memref<1000xf32, #tpu.memory_space<vmem>>)
      %dma_wait3A_1403 = arith.constant 0 : i32
      %dma_wait3A_1404 = tpu.memref_slice %arg27[%dma_wait3A_1403] : memref<128xf32, #tpu.memory_space<vmem>> -> memref<64xf32, #tpu.memory_space<vmem>>
      %dma_wait3A_1405 = arith.constant 0 : i32
      %dma_wait3A_1406 = tpu.memref_slice %arg5[%dma_wait3A_1405] : memref<262144xf32, #tpu.memory_space<hbm>> -> memref<64xf32, #tpu.memory_space<hbm>>
      %dma_wait3A_1407 = arith.constant 0 : i32
      %dma_wait3A_1408 = tpu.memref_slice %arg27[%dma_wait3A_1407] : memref<128xf32, #tpu.memory_space<vmem>> -> memref<64xf32, #tpu.memory_space<vmem>>
      %dma_wait3A_1409 = arith.constant 0 : i32
      %dma_wait3A_1410 = tpu.memref_slice %arg5[%dma_wait3A_1409] : memref<262144xf32, #tpu.memory_space<hbm>> -> memref<64xf32, #tpu.memory_space<hbm>>
      tpu.wait_dma2 semaphore(%arg42 : memref<!tpu.dma_semaphore, #tpu.memory_space<semaphore_mem>>) src(%dma_wait3A_1410 : memref<64xf32, #tpu.memory_space<hbm>>) dst(%dma_wait3A_1408 : memref<64xf32, #tpu.memory_space<vmem>>)
      %ge3A_1411 = arith.constant 2 : i32
      %ge3A_1412 = arith.cmpi sge, %add3A_1375, %ge3A_1411 : i32
      %convert_element_type3A_1413 = arith.extui %ge3A_1412 : i1 to i32
      %cond3A_1414 = arith.constant 0 : i32
      %cond3A_1415 = arith.cmpi ne, %convert_element_type3A_1413, %cond3A_1414 : i32
      scf.if %cond3A_1415 {
        %dma_wait3A_1687 = arith.constant 0 : i32
        %dma_wait3A_1688 = tpu.memref_slice %arg7[%dma_wait3A_1687] : memref<851968xf32, #tpu.memory_space<hbm>> -> memref<208xf32, #tpu.memory_space<hbm>>
        %dma_wait3A_1689 = arith.constant 0 : i32
        %dma_wait3A_1690 = tpu.memref_slice %arg7[%dma_wait3A_1689] : memref<851968xf32, #tpu.memory_space<hbm>> -> memref<208xf32, #tpu.memory_space<hbm>>
        tpu.wait_dma2 semaphore(%arg44 : memref<!tpu.dma_semaphore, #tpu.memory_space<semaphore_mem>>) src(%arg33 : memref<208xf32, #tpu.memory_space<vmem>>) dst(%dma_wait3A_1690 : memref<208xf32, #tpu.memory_space<hbm>>)
      } else {
      }
      %add3A_1416 = arith.addi %mul3A_2, %add3A_1375 : i32
      %add3A_1417 = arith.constant 0 : i32
      %add3A_1418 = vector.broadcast %add3A_1417 : i32 to vector<16xi32>
      %add3A_1419 = arith.addi %iota3A, %add3A_1418 : vector<16xi32>
      %add3A_1420 = arith.constant 16 : i32
      %add3A_1421 = vector.broadcast %add3A_1420 : i32 to vector<16xi32>
      %add3A_1422 = arith.addi %iota3A, %add3A_1421 : vector<16xi32>
      %add3A_1423 = arith.constant 32 : i32
      %add3A_1424 = vector.broadcast %add3A_1423 : i32 to vector<16xi32>
      %add3A_1425 = arith.addi %iota3A, %add3A_1424 : vector<16xi32>
      %add3A_1426 = arith.constant 48 : i32
      %add3A_1427 = vector.broadcast %add3A_1426 : i32 to vector<16xi32>
      %add3A_1428 = arith.addi %iota3A, %add3A_1427 : vector<16xi32>
      %add3A_1429 = arith.constant 64 : i32
      %add3A_1430 = vector.broadcast %add3A_1429 : i32 to vector<16xi32>
      %add3A_1431 = arith.addi %iota3A, %add3A_1430 : vector<16xi32>
      %add3A_1432 = arith.constant 80 : i32
      %add3A_1433 = vector.broadcast %add3A_1432 : i32 to vector<16xi32>
      %add3A_1434 = arith.addi %iota3A, %add3A_1433 : vector<16xi32>
      %add3A_1435 = arith.constant 96 : i32
      %add3A_1436 = vector.broadcast %add3A_1435 : i32 to vector<16xi32>
      %add3A_1437 = arith.addi %iota3A, %add3A_1436 : vector<16xi32>
      %add3A_1438 = arith.constant 112 : i32
      %add3A_1439 = vector.broadcast %add3A_1438 : i32 to vector<16xi32>
      %add3A_1440 = arith.addi %iota3A, %add3A_1439 : vector<16xi32>
      %add3A_1441 = arith.constant 128 : i32
      %add3A_1442 = vector.broadcast %add3A_1441 : i32 to vector<16xi32>
      %add3A_1443 = arith.addi %iota3A, %add3A_1442 : vector<16xi32>
      %add3A_1444 = arith.constant 144 : i32
      %add3A_1445 = vector.broadcast %add3A_1444 : i32 to vector<16xi32>
      %add3A_1446 = arith.addi %iota3A, %add3A_1445 : vector<16xi32>
      %add3A_1447 = arith.constant 160 : i32
      %add3A_1448 = vector.broadcast %add3A_1447 : i32 to vector<16xi32>
      %add3A_1449 = arith.addi %iota3A, %add3A_1448 : vector<16xi32>
      %add3A_1450 = arith.constant 176 : i32
      %add3A_1451 = vector.broadcast %add3A_1450 : i32 to vector<16xi32>
      %add3A_1452 = arith.addi %iota3A, %add3A_1451 : vector<16xi32>
      %add3A_1453 = arith.constant 192 : i32
      %add3A_1454 = vector.broadcast %add3A_1453 : i32 to vector<16xi32>
      %add3A_1455 = arith.addi %iota3A, %add3A_1454 : vector<16xi32>
      %get3A_1456 = arith.constant 0 : index
      %get3A_1457 = tpu.vector_load %arg15[%get3A_1456] {strides = array<i32>} : memref<208xi32, #tpu.memory_space<vmem>>, vector<16xi32>,
      %and3A_1458 = arith.constant 1 : i32
      %and3A_1459 = vector.broadcast %and3A_1458 : i32 to vector<16xi32>
      %and3A_1460 = arith.andi %get3A_1457, %and3A_1459 : vector<16xi32>
      %shift_left3A_1461 = arith.constant 6 : i32
      %shift_left3A_1462 = vector.broadcast %shift_left3A_1461 : i32 to vector<16xi32>
      %shift_left3A_1463 = arith.shli %and3A_1460, %shift_left3A_1462 : vector<16xi32>
      %get3A_1464 = arith.constant 16 : index
      %get3A_1465 = tpu.vector_load %arg15[%get3A_1464] {strides = array<i32>} : memref<208xi32, #tpu.memory_space<vmem>>, vector<16xi32>,
      %and3A_1466 = arith.constant 1 : i32
      %and3A_1467 = vector.broadcast %and3A_1466 : i32 to vector<16xi32>
      %and3A_1468 = arith.andi %get3A_1465, %and3A_1467 : vector<16xi32>
      %shift_left3A_1469 = arith.constant 6 : i32
      %shift_left3A_1470 = vector.broadcast %shift_left3A_1469 : i32 to vector<16xi32>
      %shift_left3A_1471 = arith.shli %and3A_1468, %shift_left3A_1470 : vector<16xi32>
      %get3A_1472 = arith.constant 32 : index
      %get3A_1473 = tpu.vector_load %arg15[%get3A_1472] {strides = array<i32>} : memref<208xi32, #tpu.memory_space<vmem>>, vector<16xi32>,
      %and3A_1474 = arith.constant 1 : i32
      %and3A_1475 = vector.broadcast %and3A_1474 : i32 to vector<16xi32>
      %and3A_1476 = arith.andi %get3A_1473, %and3A_1475 : vector<16xi32>
      %shift_left3A_1477 = arith.constant 6 : i32
      %shift_left3A_1478 = vector.broadcast %shift_left3A_1477 : i32 to vector<16xi32>
      %shift_left3A_1479 = arith.shli %and3A_1476, %shift_left3A_1478 : vector<16xi32>
      %get3A_1480 = arith.constant 48 : index
      %get3A_1481 = tpu.vector_load %arg15[%get3A_1480] {strides = array<i32>} : memref<208xi32, #tpu.memory_space<vmem>>, vector<16xi32>,
      %and3A_1482 = arith.constant 1 : i32
      %and3A_1483 = vector.broadcast %and3A_1482 : i32 to vector<16xi32>
      %and3A_1484 = arith.andi %get3A_1481, %and3A_1483 : vector<16xi32>
      %shift_left3A_1485 = arith.constant 6 : i32
      %shift_left3A_1486 = vector.broadcast %shift_left3A_1485 : i32 to vector<16xi32>
      %shift_left3A_1487 = arith.shli %and3A_1484, %shift_left3A_1486 : vector<16xi32>
      %get3A_1488 = arith.constant 64 : index
      %get3A_1489 = tpu.vector_load %arg15[%get3A_1488] {strides = array<i32>} : memref<208xi32, #tpu.memory_space<vmem>>, vector<16xi32>,
      %and3A_1490 = arith.constant 1 : i32
      %and3A_1491 = vector.broadcast %and3A_1490 : i32 to vector<16xi32>
      %and3A_1492 = arith.andi %get3A_1489, %and3A_1491 : vector<16xi32>
      %shift_left3A_1493 = arith.constant 6 : i32
      %shift_left3A_1494 = vector.broadcast %shift_left3A_1493 : i32 to vector<16xi32>
      %shift_left3A_1495 = arith.shli %and3A_1492, %shift_left3A_1494 : vector<16xi32>
      %get3A_1496 = arith.constant 80 : index
      %get3A_1497 = tpu.vector_load %arg15[%get3A_1496] {strides = array<i32>} : memref<208xi32, #tpu.memory_space<vmem>>, vector<16xi32>,
      %and3A_1498 = arith.constant 1 : i32
      %and3A_1499 = vector.broadcast %and3A_1498 : i32 to vector<16xi32>
      %and3A_1500 = arith.andi %get3A_1497, %and3A_1499 : vector<16xi32>
      %shift_left3A_1501 = arith.constant 6 : i32
      %shift_left3A_1502 = vector.broadcast %shift_left3A_1501 : i32 to vector<16xi32>
      %shift_left3A_1503 = arith.shli %and3A_1500, %shift_left3A_1502 : vector<16xi32>
      %get3A_1504 = arith.constant 96 : index
      %get3A_1505 = tpu.vector_load %arg15[%get3A_1504] {strides = array<i32>} : memref<208xi32, #tpu.memory_space<vmem>>, vector<16xi32>,
      %and3A_1506 = arith.constant 1 : i32
      %and3A_1507 = vector.broadcast %and3A_1506 : i32 to vector<16xi32>
      %and3A_1508 = arith.andi %get3A_1505, %and3A_1507 : vector<16xi32>
      %shift_left3A_1509 = arith.constant 6 : i32
      %shift_left3A_1510 = vector.broadcast %shift_left3A_1509 : i32 to vector<16xi32>
      %shift_left3A_1511 = arith.shli %and3A_1508, %shift_left3A_1510 : vector<16xi32>
      %get3A_1512 = arith.constant 112 : index
      %get3A_1513 = tpu.vector_load %arg15[%get3A_1512] {strides = array<i32>} : memref<208xi32, #tpu.memory_space<vmem>>, vector<16xi32>,
      %and3A_1514 = arith.constant 1 : i32
      %and3A_1515 = vector.broadcast %and3A_1514 : i32 to vector<16xi32>
      %and3A_1516 = arith.andi %get3A_1513, %and3A_1515 : vector<16xi32>
      %shift_left3A_1517 = arith.constant 6 : i32
      %shift_left3A_1518 = vector.broadcast %shift_left3A_1517 : i32 to vector<16xi32>
      %shift_left3A_1519 = arith.shli %and3A_1516, %shift_left3A_1518 : vector<16xi32>
      %get3A_1520 = arith.constant 128 : index
      %get3A_1521 = tpu.vector_load %arg15[%get3A_1520] {strides = array<i32>} : memref<208xi32, #tpu.memory_space<vmem>>, vector<16xi32>,
      %and3A_1522 = arith.constant 1 : i32
      %and3A_1523 = vector.broadcast %and3A_1522 : i32 to vector<16xi32>
      %and3A_1524 = arith.andi %get3A_1521, %and3A_1523 : vector<16xi32>
      %shift_left3A_1525 = arith.constant 6 : i32
      %shift_left3A_1526 = vector.broadcast %shift_left3A_1525 : i32 to vector<16xi32>
      %shift_left3A_1527 = arith.shli %and3A_1524, %shift_left3A_1526 : vector<16xi32>
      %get3A_1528 = arith.constant 144 : index
      %get3A_1529 = tpu.vector_load %arg15[%get3A_1528] {strides = array<i32>} : memref<208xi32, #tpu.memory_space<vmem>>, vector<16xi32>,
      %and3A_1530 = arith.constant 1 : i32
      %and3A_1531 = vector.broadcast %and3A_1530 : i32 to vector<16xi32>
      %and3A_1532 = arith.andi %get3A_1529, %and3A_1531 : vector<16xi32>
      %shift_left3A_1533 = arith.constant 6 : i32
      %shift_left3A_1534 = vector.broadcast %shift_left3A_1533 : i32 to vector<16xi32>
      %shift_left3A_1535 = arith.shli %and3A_1532, %shift_left3A_1534 : vector<16xi32>
      %get3A_1536 = arith.constant 160 : index
      %get3A_1537 = tpu.vector_load %arg15[%get3A_1536] {strides = array<i32>} : memref<208xi32, #tpu.memory_space<vmem>>, vector<16xi32>,
      %and3A_1538 = arith.constant 1 : i32
      %and3A_1539 = vector.broadcast %and3A_1538 : i32 to vector<16xi32>
      %and3A_1540 = arith.andi %get3A_1537, %and3A_1539 : vector<16xi32>
      %shift_left3A_1541 = arith.constant 6 : i32
      %shift_left3A_1542 = vector.broadcast %shift_left3A_1541 : i32 to vector<16xi32>
      %shift_left3A_1543 = arith.shli %and3A_1540, %shift_left3A_1542 : vector<16xi32>
      %get3A_1544 = arith.constant 176 : index
      %get3A_1545 = tpu.vector_load %arg15[%get3A_1544] {strides = array<i32>} : memref<208xi32, #tpu.memory_space<vmem>>, vector<16xi32>,
      %and3A_1546 = arith.constant 1 : i32
      %and3A_1547 = vector.broadcast %and3A_1546 : i32 to vector<16xi32>
      %and3A_1548 = arith.andi %get3A_1545, %and3A_1547 : vector<16xi32>
      %shift_left3A_1549 = arith.constant 6 : i32
      %shift_left3A_1550 = vector.broadcast %shift_left3A_1549 : i32 to vector<16xi32>
      %shift_left3A_1551 = arith.shli %and3A_1548, %shift_left3A_1550 : vector<16xi32>
      %get3A_1552 = arith.constant 192 : index
      %get3A_1553 = tpu.vector_load %arg15[%get3A_1552] {strides = array<i32>} : memref<208xi32, #tpu.memory_space<vmem>>, vector<16xi32>,
      %and3A_1554 = arith.constant 1 : i32
      %and3A_1555 = vector.broadcast %and3A_1554 : i32 to vector<16xi32>
      %and3A_1556 = arith.andi %get3A_1553, %and3A_1555 : vector<16xi32>
      %shift_left3A_1557 = arith.constant 6 : i32
      %shift_left3A_1558 = vector.broadcast %shift_left3A_1557 : i32 to vector<16xi32>
      %shift_left3A_1559 = arith.shli %and3A_1556, %shift_left3A_1558 : vector<16xi32>
      %scan3A_1560 = arith.constant 0 : i32
      %scan3A_1561 = arith.constant 0 : i32
      %scan3A_1562 = arith.constant 64 : i32
      %scan3A_1563 = arith.addi %scan3A_1561, %scan3A_1562 : i32
      %scan3A_1564 = arith.constant 1 : i32
      scf.for %scan3A_1687 = %scan3A_1561 to %scan3A_1563 step %scan3A_1564  : i32 {
        %broadcast_in_dim3A_1688 = vector.broadcast %scan3A_1687 : i32 to vector<16xi32>
        %add3A_1689 = arith.addi %broadcast_in_dim3A_1688, %iota3A : vector<16xi32>
        %and3A_1690 = arith.constant 63 : i32
        %and3A_1691 = vector.broadcast %and3A_1690 : i32 to vector<16xi32>
        %and3A_1692 = arith.andi %add3A_1689, %and3A_1691 : vector<16xi32>
        %gather3A_1693 = tpu.vector_load_idx %arg27[%and3A_1692] : memref<128xf32, #tpu.memory_space<vmem>>[vector<16xi32>], vector<16xf32>,
        %swap3A_1694 = arith.index_cast %scan3A_1687 : i32 to index
        %swap3A_1695 = arith.constant 0 : index
        %swap3A_1696 = tpu.vector_load %arg34[%swap3A_1694, %swap3A_1695] {strides = array<i32>} : memref<64x16xf32, #tpu.memory_space<vmem>>, vector<16xf32>,
        tpu.vector_store %arg34[%swap3A_1694, %swap3A_1695], %gather3A_1693 {strides = array<i32>} : memref<64x16xf32, #tpu.memory_space<vmem>>, vector<16xf32>,
      }
      %scan3A_1565 = arith.constant 64 : i32
      %broadcast_in_dim3A_1566 = arith.constant 0.000000e+00 : f32
      %broadcast_in_dim3A_1567 = vector.broadcast %broadcast_in_dim3A_1566 : f32 to vector<16xf32>
      %broadcast_in_dim3A_1568 = arith.constant 0.000000e+00 : f32
      %broadcast_in_dim3A_1569 = vector.broadcast %broadcast_in_dim3A_1568 : f32 to vector<16xf32>
      %broadcast_in_dim3A_1570 = arith.constant 0.000000e+00 : f32
      %broadcast_in_dim3A_1571 = vector.broadcast %broadcast_in_dim3A_1570 : f32 to vector<16xf32>
      %broadcast_in_dim3A_1572 = arith.constant 0.000000e+00 : f32
      %broadcast_in_dim3A_1573 = vector.broadcast %broadcast_in_dim3A_1572 : f32 to vector<16xf32>
      %broadcast_in_dim3A_1574 = arith.constant 0.000000e+00 : f32
      %broadcast_in_dim3A_1575 = vector.broadcast %broadcast_in_dim3A_1574 : f32 to vector<16xf32>
      %broadcast_in_dim3A_1576 = arith.constant 0.000000e+00 : f32
      %broadcast_in_dim3A_1577 = vector.broadcast %broadcast_in_dim3A_1576 : f32 to vector<16xf32>
      %broadcast_in_dim3A_1578 = arith.constant 0.000000e+00 : f32
      %broadcast_in_dim3A_1579 = vector.broadcast %broadcast_in_dim3A_1578 : f32 to vector<16xf32>
      %broadcast_in_dim3A_1580 = arith.constant 0.000000e+00 : f32
      %broadcast_in_dim3A_1581 = vector.broadcast %broadcast_in_dim3A_1580 : f32 to vector<16xf32>
      %broadcast_in_dim3A_1582 = arith.constant 0.000000e+00 : f32
      %broadcast_in_dim3A_1583 = vector.broadcast %broadcast_in_dim3A_1582 : f32 to vector<16xf32>
      %broadcast_in_dim3A_1584 = arith.constant 0.000000e+00 : f32
      %broadcast_in_dim3A_1585 = vector.broadcast %broadcast_in_dim3A_1584 : f32 to vector<16xf32>
      %broadcast_in_dim3A_1586 = arith.constant 0.000000e+00 : f32
      %broadcast_in_dim3A_1587 = vector.broadcast %broadcast_in_dim3A_1586 : f32 to vector<16xf32>
      %broadcast_in_dim3A_1588 = arith.constant 0.000000e+00 : f32
      %broadcast_in_dim3A_1589 = vector.broadcast %broadcast_in_dim3A_1588 : f32 to vector<16xf32>
      %broadcast_in_dim3A_1590 = arith.constant 0.000000e+00 : f32
      %broadcast_in_dim3A_1591 = vector.broadcast %broadcast_in_dim3A_1590 : f32 to vector<16xf32>
      %scan3A_1592 = arith.constant 0 : i32
      %scan3A_1593 = arith.constant 64 : i32
      %scan3A_1594 = arith.addi %scan3A_1592, %scan3A_1593 : i32
      %scan3A_1595 = arith.constant 1 : i32
      %scan3A_1596:13 = scf.for %scan3A_1687 = %scan3A_1592 to %scan3A_1594 step %scan3A_1595 iter_args(%scan3A_1688 = %broadcast_in_dim3A_1567, %scan3A_1689 = %broadcast_in_dim3A_1569, %scan3A_1690 = %broadcast_in_dim3A_1571, %scan3A_1691 = %broadcast_in_dim3A_1573, %scan3A_1692 = %broadcast_in_dim3A_1575, %scan3A_1693 = %broadcast_in_dim3A_1577, %scan3A_1694 = %broadcast_in_dim3A_1579, %scan3A_1695 = %broadcast_in_dim3A_1581, %scan3A_1696 = %broadcast_in_dim3A_1583, %scan3A_1697 = %broadcast_in_dim3A_1585, %scan3A_1698 = %broadcast_in_dim3A_1587, %scan3A_1699 = %broadcast_in_dim3A_1589, %scan3A_1700 = %broadcast_in_dim3A_1591) -> (vector<16xf32>, vector<16xf32>, vector<16xf32>, vector<16xf32>, vector<16xf32>, vector<16xf32>, vector<16xf32>, vector<16xf32>, vector<16xf32>, vector<16xf32>, vector<16xf32>, vector<16xf32>, vector<16xf32>)  : i32 {
        %broadcast_in_dim3A_1701 = vector.broadcast %scan3A_1687 : i32 to vector<16xi32>
        %add3A_1702 = arith.addi %broadcast_in_dim3A_1701, %iota3A : vector<16xi32>
        %and3A_1703 = arith.constant 63 : i32
        %and3A_1704 = vector.broadcast %and3A_1703 : i32 to vector<16xi32>
        %and3A_1705 = arith.andi %add3A_1702, %and3A_1704 : vector<16xi32>
        %get3A_1706 = arith.index_cast %scan3A_1687 : i32 to index
        %get3A_1707 = arith.constant 0 : index
        %get3A_1708 = tpu.vector_load %arg34[%get3A_1706, %get3A_1707] {strides = array<i32>} : memref<64x16xf32, #tpu.memory_space<vmem>>, vector<16xf32>,
        %add3A_1709 = arith.addi %shift_left3A_1463, %and3A_1705 : vector<16xi32>
        %gather3A_1710 = tpu.vector_load_idx %arg31[%add3A_1419, %add3A_1709] : memref<208x128xf32, #tpu.memory_space<vmem>>[vector<16xi32>, vector<16xi32>], vector<16xf32>,
        %bitcast3A = vector.bitcast %gather3A_1710 : vector<16xf32> to vector<16xi32>
        %shift_right_logical3A_1711 = arith.constant 16 : i32
        %shift_right_logical3A_1712 = vector.broadcast %shift_right_logical3A_1711 : i32 to vector<16xi32>
        %shift_right_logical3A_1713 = arith.shrui %bitcast3A, %shift_right_logical3A_1712 : vector<16xi32>
        %and3A_1714 = arith.constant 1 : i32
        %and3A_1715 = vector.broadcast %and3A_1714 : i32 to vector<16xi32>
        %and3A_1716 = arith.andi %shift_right_logical3A_1713, %and3A_1715 : vector<16xi32>
        %add3A_1717 = arith.constant 32767 : i32
        %add3A_1718 = vector.broadcast %add3A_1717 : i32 to vector<16xi32>
        %add3A_1719 = arith.addi %bitcast3A, %add3A_1718 : vector<16xi32>
        %add3A_1720 = arith.addi %add3A_1719, %and3A_1716 : vector<16xi32>
        %and3A_1721 = arith.constant -65536 : i32
        %and3A_1722 = vector.broadcast %and3A_1721 : i32 to vector<16xi32>
        %and3A_1723 = arith.andi %add3A_1720, %and3A_1722 : vector<16xi32>
        %bitcast3A_1724 = vector.bitcast %and3A_1723 : vector<16xi32> to vector<16xf32>
        %mul3A_1725 = arith.mulf %bitcast3A_1724, %get3A_1708 : vector<16xf32>
        %add3A_1726 = arith.addf %scan3A_1688, %mul3A_1725 : vector<16xf32>
        %add3A_1727 = arith.addi %shift_left3A_1471, %and3A_1705 : vector<16xi32>
        %gather3A_1728 = tpu.vector_load_idx %arg31[%add3A_1422, %add3A_1727] : memref<208x128xf32, #tpu.memory_space<vmem>>[vector<16xi32>, vector<16xi32>], vector<16xf32>,
        %bitcast3A_1729 = vector.bitcast %gather3A_1728 : vector<16xf32> to vector<16xi32>
        %shift_right_logical3A_1730 = arith.constant 16 : i32
        %shift_right_logical3A_1731 = vector.broadcast %shift_right_logical3A_1730 : i32 to vector<16xi32>
        %shift_right_logical3A_1732 = arith.shrui %bitcast3A_1729, %shift_right_logical3A_1731 : vector<16xi32>
        %and3A_1733 = arith.constant 1 : i32
        %and3A_1734 = vector.broadcast %and3A_1733 : i32 to vector<16xi32>
        %and3A_1735 = arith.andi %shift_right_logical3A_1732, %and3A_1734 : vector<16xi32>
        %add3A_1736 = arith.constant 32767 : i32
        %add3A_1737 = vector.broadcast %add3A_1736 : i32 to vector<16xi32>
        %add3A_1738 = arith.addi %bitcast3A_1729, %add3A_1737 : vector<16xi32>
        %add3A_1739 = arith.addi %add3A_1738, %and3A_1735 : vector<16xi32>
        %and3A_1740 = arith.constant -65536 : i32
        %and3A_1741 = vector.broadcast %and3A_1740 : i32 to vector<16xi32>
        %and3A_1742 = arith.andi %add3A_1739, %and3A_1741 : vector<16xi32>
        %bitcast3A_1743 = vector.bitcast %and3A_1742 : vector<16xi32> to vector<16xf32>
        %mul3A_1744 = arith.mulf %bitcast3A_1743, %get3A_1708 : vector<16xf32>
        %add3A_1745 = arith.addf %scan3A_1689, %mul3A_1744 : vector<16xf32>
        %add3A_1746 = arith.addi %shift_left3A_1479, %and3A_1705 : vector<16xi32>
        %gather3A_1747 = tpu.vector_load_idx %arg31[%add3A_1425, %add3A_1746] : memref<208x128xf32, #tpu.memory_space<vmem>>[vector<16xi32>, vector<16xi32>], vector<16xf32>,
        %bitcast3A_1748 = vector.bitcast %gather3A_1747 : vector<16xf32> to vector<16xi32>
        %shift_right_logical3A_1749 = arith.constant 16 : i32
        %shift_right_logical3A_1750 = vector.broadcast %shift_right_logical3A_1749 : i32 to vector<16xi32>
        %shift_right_logical3A_1751 = arith.shrui %bitcast3A_1748, %shift_right_logical3A_1750 : vector<16xi32>
        %and3A_1752 = arith.constant 1 : i32
        %and3A_1753 = vector.broadcast %and3A_1752 : i32 to vector<16xi32>
        %and3A_1754 = arith.andi %shift_right_logical3A_1751, %and3A_1753 : vector<16xi32>
        %add3A_1755 = arith.constant 32767 : i32
        %add3A_1756 = vector.broadcast %add3A_1755 : i32 to vector<16xi32>
        %add3A_1757 = arith.addi %bitcast3A_1748, %add3A_1756 : vector<16xi32>
        %add3A_1758 = arith.addi %add3A_1757, %and3A_1754 : vector<16xi32>
        %and3A_1759 = arith.constant -65536 : i32
        %and3A_1760 = vector.broadcast %and3A_1759 : i32 to vector<16xi32>
        %and3A_1761 = arith.andi %add3A_1758, %and3A_1760 : vector<16xi32>
        %bitcast3A_1762 = vector.bitcast %and3A_1761 : vector<16xi32> to vector<16xf32>
        %mul3A_1763 = arith.mulf %bitcast3A_1762, %get3A_1708 : vector<16xf32>
        %add3A_1764 = arith.addf %scan3A_1690, %mul3A_1763 : vector<16xf32>
        %add3A_1765 = arith.addi %shift_left3A_1487, %and3A_1705 : vector<16xi32>
        %gather3A_1766 = tpu.vector_load_idx %arg31[%add3A_1428, %add3A_1765] : memref<208x128xf32, #tpu.memory_space<vmem>>[vector<16xi32>, vector<16xi32>], vector<16xf32>,
        %bitcast3A_1767 = vector.bitcast %gather3A_1766 : vector<16xf32> to vector<16xi32>
        %shift_right_logical3A_1768 = arith.constant 16 : i32
        %shift_right_logical3A_1769 = vector.broadcast %shift_right_logical3A_1768 : i32 to vector<16xi32>
        %shift_right_logical3A_1770 = arith.shrui %bitcast3A_1767, %shift_right_logical3A_1769 : vector<16xi32>
        %and3A_1771 = arith.constant 1 : i32
        %and3A_1772 = vector.broadcast %and3A_1771 : i32 to vector<16xi32>
        %and3A_1773 = arith.andi %shift_right_logical3A_1770, %and3A_1772 : vector<16xi32>
        %add3A_1774 = arith.constant 32767 : i32
        %add3A_1775 = vector.broadcast %add3A_1774 : i32 to vector<16xi32>
        %add3A_1776 = arith.addi %bitcast3A_1767, %add3A_1775 : vector<16xi32>
        %add3A_1777 = arith.addi %add3A_1776, %and3A_1773 : vector<16xi32>
        %and3A_1778 = arith.constant -65536 : i32
        %and3A_1779 = vector.broadcast %and3A_1778 : i32 to vector<16xi32>
        %and3A_1780 = arith.andi %add3A_1777, %and3A_1779 : vector<16xi32>
        %bitcast3A_1781 = vector.bitcast %and3A_1780 : vector<16xi32> to vector<16xf32>
        %mul3A_1782 = arith.mulf %bitcast3A_1781, %get3A_1708 : vector<16xf32>
        %add3A_1783 = arith.addf %scan3A_1691, %mul3A_1782 : vector<16xf32>
        %add3A_1784 = arith.addi %shift_left3A_1495, %and3A_1705 : vector<16xi32>
        %gather3A_1785 = tpu.vector_load_idx %arg31[%add3A_1431, %add3A_1784] : memref<208x128xf32, #tpu.memory_space<vmem>>[vector<16xi32>, vector<16xi32>], vector<16xf32>,
        %bitcast3A_1786 = vector.bitcast %gather3A_1785 : vector<16xf32> to vector<16xi32>
        %shift_right_logical3A_1787 = arith.constant 16 : i32
        %shift_right_logical3A_1788 = vector.broadcast %shift_right_logical3A_1787 : i32 to vector<16xi32>
        %shift_right_logical3A_1789 = arith.shrui %bitcast3A_1786, %shift_right_logical3A_1788 : vector<16xi32>
        %and3A_1790 = arith.constant 1 : i32
        %and3A_1791 = vector.broadcast %and3A_1790 : i32 to vector<16xi32>
        %and3A_1792 = arith.andi %shift_right_logical3A_1789, %and3A_1791 : vector<16xi32>
        %add3A_1793 = arith.constant 32767 : i32
        %add3A_1794 = vector.broadcast %add3A_1793 : i32 to vector<16xi32>
        %add3A_1795 = arith.addi %bitcast3A_1786, %add3A_1794 : vector<16xi32>
        %add3A_1796 = arith.addi %add3A_1795, %and3A_1792 : vector<16xi32>
        %and3A_1797 = arith.constant -65536 : i32
        %and3A_1798 = vector.broadcast %and3A_1797 : i32 to vector<16xi32>
        %and3A_1799 = arith.andi %add3A_1796, %and3A_1798 : vector<16xi32>
        %bitcast3A_1800 = vector.bitcast %and3A_1799 : vector<16xi32> to vector<16xf32>
        %mul3A_1801 = arith.mulf %bitcast3A_1800, %get3A_1708 : vector<16xf32>
        %add3A_1802 = arith.addf %scan3A_1692, %mul3A_1801 : vector<16xf32>
        %add3A_1803 = arith.addi %shift_left3A_1503, %and3A_1705 : vector<16xi32>
        %gather3A_1804 = tpu.vector_load_idx %arg31[%add3A_1434, %add3A_1803] : memref<208x128xf32, #tpu.memory_space<vmem>>[vector<16xi32>, vector<16xi32>], vector<16xf32>,
        %bitcast3A_1805 = vector.bitcast %gather3A_1804 : vector<16xf32> to vector<16xi32>
        %shift_right_logical3A_1806 = arith.constant 16 : i32
        %shift_right_logical3A_1807 = vector.broadcast %shift_right_logical3A_1806 : i32 to vector<16xi32>
        %shift_right_logical3A_1808 = arith.shrui %bitcast3A_1805, %shift_right_logical3A_1807 : vector<16xi32>
        %and3A_1809 = arith.constant 1 : i32
        %and3A_1810 = vector.broadcast %and3A_1809 : i32 to vector<16xi32>
        %and3A_1811 = arith.andi %shift_right_logical3A_1808, %and3A_1810 : vector<16xi32>
        %add3A_1812 = arith.constant 32767 : i32
        %add3A_1813 = vector.broadcast %add3A_1812 : i32 to vector<16xi32>
        %add3A_1814 = arith.addi %bitcast3A_1805, %add3A_1813 : vector<16xi32>
        %add3A_1815 = arith.addi %add3A_1814, %and3A_1811 : vector<16xi32>
        %and3A_1816 = arith.constant -65536 : i32
        %and3A_1817 = vector.broadcast %and3A_1816 : i32 to vector<16xi32>
        %and3A_1818 = arith.andi %add3A_1815, %and3A_1817 : vector<16xi32>
        %bitcast3A_1819 = vector.bitcast %and3A_1818 : vector<16xi32> to vector<16xf32>
        %mul3A_1820 = arith.mulf %bitcast3A_1819, %get3A_1708 : vector<16xf32>
        %add3A_1821 = arith.addf %scan3A_1693, %mul3A_1820 : vector<16xf32>
        %add3A_1822 = arith.addi %shift_left3A_1511, %and3A_1705 : vector<16xi32>
        %gather3A_1823 = tpu.vector_load_idx %arg31[%add3A_1437, %add3A_1822] : memref<208x128xf32, #tpu.memory_space<vmem>>[vector<16xi32>, vector<16xi32>], vector<16xf32>,
        %bitcast3A_1824 = vector.bitcast %gather3A_1823 : vector<16xf32> to vector<16xi32>
        %shift_right_logical3A_1825 = arith.constant 16 : i32
        %shift_right_logical3A_1826 = vector.broadcast %shift_right_logical3A_1825 : i32 to vector<16xi32>
        %shift_right_logical3A_1827 = arith.shrui %bitcast3A_1824, %shift_right_logical3A_1826 : vector<16xi32>
        %and3A_1828 = arith.constant 1 : i32
        %and3A_1829 = vector.broadcast %and3A_1828 : i32 to vector<16xi32>
        %and3A_1830 = arith.andi %shift_right_logical3A_1827, %and3A_1829 : vector<16xi32>
        %add3A_1831 = arith.constant 32767 : i32
        %add3A_1832 = vector.broadcast %add3A_1831 : i32 to vector<16xi32>
        %add3A_1833 = arith.addi %bitcast3A_1824, %add3A_1832 : vector<16xi32>
        %add3A_1834 = arith.addi %add3A_1833, %and3A_1830 : vector<16xi32>
        %and3A_1835 = arith.constant -65536 : i32
        %and3A_1836 = vector.broadcast %and3A_1835 : i32 to vector<16xi32>
        %and3A_1837 = arith.andi %add3A_1834, %and3A_1836 : vector<16xi32>
        %bitcast3A_1838 = vector.bitcast %and3A_1837 : vector<16xi32> to vector<16xf32>
        %mul3A_1839 = arith.mulf %bitcast3A_1838, %get3A_1708 : vector<16xf32>
        %add3A_1840 = arith.addf %scan3A_1694, %mul3A_1839 : vector<16xf32>
        %add3A_1841 = arith.addi %shift_left3A_1519, %and3A_1705 : vector<16xi32>
        %gather3A_1842 = tpu.vector_load_idx %arg31[%add3A_1440, %add3A_1841] : memref<208x128xf32, #tpu.memory_space<vmem>>[vector<16xi32>, vector<16xi32>], vector<16xf32>,
        %bitcast3A_1843 = vector.bitcast %gather3A_1842 : vector<16xf32> to vector<16xi32>
        %shift_right_logical3A_1844 = arith.constant 16 : i32
        %shift_right_logical3A_1845 = vector.broadcast %shift_right_logical3A_1844 : i32 to vector<16xi32>
        %shift_right_logical3A_1846 = arith.shrui %bitcast3A_1843, %shift_right_logical3A_1845 : vector<16xi32>
        %and3A_1847 = arith.constant 1 : i32
        %and3A_1848 = vector.broadcast %and3A_1847 : i32 to vector<16xi32>
        %and3A_1849 = arith.andi %shift_right_logical3A_1846, %and3A_1848 : vector<16xi32>
        %add3A_1850 = arith.constant 32767 : i32
        %add3A_1851 = vector.broadcast %add3A_1850 : i32 to vector<16xi32>
        %add3A_1852 = arith.addi %bitcast3A_1843, %add3A_1851 : vector<16xi32>
        %add3A_1853 = arith.addi %add3A_1852, %and3A_1849 : vector<16xi32>
        %and3A_1854 = arith.constant -65536 : i32
        %and3A_1855 = vector.broadcast %and3A_1854 : i32 to vector<16xi32>
        %and3A_1856 = arith.andi %add3A_1853, %and3A_1855 : vector<16xi32>
        %bitcast3A_1857 = vector.bitcast %and3A_1856 : vector<16xi32> to vector<16xf32>
        %mul3A_1858 = arith.mulf %bitcast3A_1857, %get3A_1708 : vector<16xf32>
        %add3A_1859 = arith.addf %scan3A_1695, %mul3A_1858 : vector<16xf32>
        %add3A_1860 = arith.addi %shift_left3A_1527, %and3A_1705 : vector<16xi32>
        %gather3A_1861 = tpu.vector_load_idx %arg31[%add3A_1443, %add3A_1860] : memref<208x128xf32, #tpu.memory_space<vmem>>[vector<16xi32>, vector<16xi32>], vector<16xf32>,
        %bitcast3A_1862 = vector.bitcast %gather3A_1861 : vector<16xf32> to vector<16xi32>
        %shift_right_logical3A_1863 = arith.constant 16 : i32
        %shift_right_logical3A_1864 = vector.broadcast %shift_right_logical3A_1863 : i32 to vector<16xi32>
        %shift_right_logical3A_1865 = arith.shrui %bitcast3A_1862, %shift_right_logical3A_1864 : vector<16xi32>
        %and3A_1866 = arith.constant 1 : i32
        %and3A_1867 = vector.broadcast %and3A_1866 : i32 to vector<16xi32>
        %and3A_1868 = arith.andi %shift_right_logical3A_1865, %and3A_1867 : vector<16xi32>
        %add3A_1869 = arith.constant 32767 : i32
        %add3A_1870 = vector.broadcast %add3A_1869 : i32 to vector<16xi32>
        %add3A_1871 = arith.addi %bitcast3A_1862, %add3A_1870 : vector<16xi32>
        %add3A_1872 = arith.addi %add3A_1871, %and3A_1868 : vector<16xi32>
        %and3A_1873 = arith.constant -65536 : i32
        %and3A_1874 = vector.broadcast %and3A_1873 : i32 to vector<16xi32>
        %and3A_1875 = arith.andi %add3A_1872, %and3A_1874 : vector<16xi32>
        %bitcast3A_1876 = vector.bitcast %and3A_1875 : vector<16xi32> to vector<16xf32>
        %mul3A_1877 = arith.mulf %bitcast3A_1876, %get3A_1708 : vector<16xf32>
        %add3A_1878 = arith.addf %scan3A_1696, %mul3A_1877 : vector<16xf32>
        %add3A_1879 = arith.addi %shift_left3A_1535, %and3A_1705 : vector<16xi32>
        %gather3A_1880 = tpu.vector_load_idx %arg31[%add3A_1446, %add3A_1879] : memref<208x128xf32, #tpu.memory_space<vmem>>[vector<16xi32>, vector<16xi32>], vector<16xf32>,
        %bitcast3A_1881 = vector.bitcast %gather3A_1880 : vector<16xf32> to vector<16xi32>
        %shift_right_logical3A_1882 = arith.constant 16 : i32
        %shift_right_logical3A_1883 = vector.broadcast %shift_right_logical3A_1882 : i32 to vector<16xi32>
        %shift_right_logical3A_1884 = arith.shrui %bitcast3A_1881, %shift_right_logical3A_1883 : vector<16xi32>
        %and3A_1885 = arith.constant 1 : i32
        %and3A_1886 = vector.broadcast %and3A_1885 : i32 to vector<16xi32>
        %and3A_1887 = arith.andi %shift_right_logical3A_1884, %and3A_1886 : vector<16xi32>
        %add3A_1888 = arith.constant 32767 : i32
        %add3A_1889 = vector.broadcast %add3A_1888 : i32 to vector<16xi32>
        %add3A_1890 = arith.addi %bitcast3A_1881, %add3A_1889 : vector<16xi32>
        %add3A_1891 = arith.addi %add3A_1890, %and3A_1887 : vector<16xi32>
        %and3A_1892 = arith.constant -65536 : i32
        %and3A_1893 = vector.broadcast %and3A_1892 : i32 to vector<16xi32>
        %and3A_1894 = arith.andi %add3A_1891, %and3A_1893 : vector<16xi32>
        %bitcast3A_1895 = vector.bitcast %and3A_1894 : vector<16xi32> to vector<16xf32>
        %mul3A_1896 = arith.mulf %bitcast3A_1895, %get3A_1708 : vector<16xf32>
        %add3A_1897 = arith.addf %scan3A_1697, %mul3A_1896 : vector<16xf32>
        %add3A_1898 = arith.addi %shift_left3A_1543, %and3A_1705 : vector<16xi32>
        %gather3A_1899 = tpu.vector_load_idx %arg31[%add3A_1449, %add3A_1898] : memref<208x128xf32, #tpu.memory_space<vmem>>[vector<16xi32>, vector<16xi32>], vector<16xf32>,
        %bitcast3A_1900 = vector.bitcast %gather3A_1899 : vector<16xf32> to vector<16xi32>
        %shift_right_logical3A_1901 = arith.constant 16 : i32
        %shift_right_logical3A_1902 = vector.broadcast %shift_right_logical3A_1901 : i32 to vector<16xi32>
        %shift_right_logical3A_1903 = arith.shrui %bitcast3A_1900, %shift_right_logical3A_1902 : vector<16xi32>
        %and3A_1904 = arith.constant 1 : i32
        %and3A_1905 = vector.broadcast %and3A_1904 : i32 to vector<16xi32>
        %and3A_1906 = arith.andi %shift_right_logical3A_1903, %and3A_1905 : vector<16xi32>
        %add3A_1907 = arith.constant 32767 : i32
        %add3A_1908 = vector.broadcast %add3A_1907 : i32 to vector<16xi32>
        %add3A_1909 = arith.addi %bitcast3A_1900, %add3A_1908 : vector<16xi32>
        %add3A_1910 = arith.addi %add3A_1909, %and3A_1906 : vector<16xi32>
        %and3A_1911 = arith.constant -65536 : i32
        %and3A_1912 = vector.broadcast %and3A_1911 : i32 to vector<16xi32>
        %and3A_1913 = arith.andi %add3A_1910, %and3A_1912 : vector<16xi32>
        %bitcast3A_1914 = vector.bitcast %and3A_1913 : vector<16xi32> to vector<16xf32>
        %mul3A_1915 = arith.mulf %bitcast3A_1914, %get3A_1708 : vector<16xf32>
        %add3A_1916 = arith.addf %scan3A_1698, %mul3A_1915 : vector<16xf32>
        %add3A_1917 = arith.addi %shift_left3A_1551, %and3A_1705 : vector<16xi32>
        %gather3A_1918 = tpu.vector_load_idx %arg31[%add3A_1452, %add3A_1917] : memref<208x128xf32, #tpu.memory_space<vmem>>[vector<16xi32>, vector<16xi32>], vector<16xf32>,
        %bitcast3A_1919 = vector.bitcast %gather3A_1918 : vector<16xf32> to vector<16xi32>
        %shift_right_logical3A_1920 = arith.constant 16 : i32
        %shift_right_logical3A_1921 = vector.broadcast %shift_right_logical3A_1920 : i32 to vector<16xi32>
        %shift_right_logical3A_1922 = arith.shrui %bitcast3A_1919, %shift_right_logical3A_1921 : vector<16xi32>
        %and3A_1923 = arith.constant 1 : i32
        %and3A_1924 = vector.broadcast %and3A_1923 : i32 to vector<16xi32>
        %and3A_1925 = arith.andi %shift_right_logical3A_1922, %and3A_1924 : vector<16xi32>
        %add3A_1926 = arith.constant 32767 : i32
        %add3A_1927 = vector.broadcast %add3A_1926 : i32 to vector<16xi32>
        %add3A_1928 = arith.addi %bitcast3A_1919, %add3A_1927 : vector<16xi32>
        %add3A_1929 = arith.addi %add3A_1928, %and3A_1925 : vector<16xi32>
        %and3A_1930 = arith.constant -65536 : i32
        %and3A_1931 = vector.broadcast %and3A_1930 : i32 to vector<16xi32>
        %and3A_1932 = arith.andi %add3A_1929, %and3A_1931 : vector<16xi32>
        %bitcast3A_1933 = vector.bitcast %and3A_1932 : vector<16xi32> to vector<16xf32>
        %mul3A_1934 = arith.mulf %bitcast3A_1933, %get3A_1708 : vector<16xf32>
        %add3A_1935 = arith.addf %scan3A_1699, %mul3A_1934 : vector<16xf32>
        %add3A_1936 = arith.addi %shift_left3A_1559, %and3A_1705 : vector<16xi32>
        %gather3A_1937 = tpu.vector_load_idx %arg31[%add3A_1455, %add3A_1936] : memref<208x128xf32, #tpu.memory_space<vmem>>[vector<16xi32>, vector<16xi32>], vector<16xf32>,
        %bitcast3A_1938 = vector.bitcast %gather3A_1937 : vector<16xf32> to vector<16xi32>
        %shift_right_logical3A_1939 = arith.constant 16 : i32
        %shift_right_logical3A_1940 = vector.broadcast %shift_right_logical3A_1939 : i32 to vector<16xi32>
        %shift_right_logical3A_1941 = arith.shrui %bitcast3A_1938, %shift_right_logical3A_1940 : vector<16xi32>
        %and3A_1942 = arith.constant 1 : i32
        %and3A_1943 = vector.broadcast %and3A_1942 : i32 to vector<16xi32>
        %and3A_1944 = arith.andi %shift_right_logical3A_1941, %and3A_1943 : vector<16xi32>
        %add3A_1945 = arith.constant 32767 : i32
        %add3A_1946 = vector.broadcast %add3A_1945 : i32 to vector<16xi32>
        %add3A_1947 = arith.addi %bitcast3A_1938, %add3A_1946 : vector<16xi32>
        %add3A_1948 = arith.addi %add3A_1947, %and3A_1944 : vector<16xi32>
        %and3A_1949 = arith.constant -65536 : i32
        %and3A_1950 = vector.broadcast %and3A_1949 : i32 to vector<16xi32>
        %and3A_1951 = arith.andi %add3A_1948, %and3A_1950 : vector<16xi32>
        %bitcast3A_1952 = vector.bitcast %and3A_1951 : vector<16xi32> to vector<16xf32>
        %mul3A_1953 = arith.mulf %bitcast3A_1952, %get3A_1708 : vector<16xf32>
        %add3A_1954 = arith.addf %scan3A_1700, %mul3A_1953 : vector<16xf32>
        scf.yield %add3A_1726, %add3A_1745, %add3A_1764, %add3A_1783, %add3A_1802, %add3A_1821, %add3A_1840, %add3A_1859, %add3A_1878, %add3A_1897, %add3A_1916, %add3A_1935, %add3A_1954 : vector<16xf32>, vector<16xf32>, vector<16xf32>, vector<16xf32>, vector<16xf32>, vector<16xf32>, vector<16xf32>, vector<16xf32>, vector<16xf32>, vector<16xf32>, vector<16xf32>, vector<16xf32>, vector<16xf32>
      }
      %scan3A_1597 = arith.constant 64 : i32
      %get3A_1598 = arith.constant 0 : index
      %get3A_1599 = tpu.vector_load %arg11[%get3A_1598] {strides = array<i32>} : memref<208xi32, #tpu.memory_space<vmem>>, vector<16xi32>,
      %gather3A_1600 = tpu.vector_load_idx %arg23[%get3A_1599] : memref<1000xf32, #tpu.memory_space<vmem>>[vector<16xi32>], vector<16xf32>,
      %add3A_1601 = arith.addf %scan3A_1596#0, %gather3A_1600 : vector<16xf32>
      %swap3A_1602 = arith.constant 0 : index
      %swap3A_1603 = tpu.vector_load %arg33[%swap3A_1602] {strides = array<i32>} : memref<208xf32, #tpu.memory_space<vmem>>, vector<16xf32>,
      tpu.vector_store %arg33[%swap3A_1602], %add3A_1601 {strides = array<i32>} : memref<208xf32, #tpu.memory_space<vmem>>, vector<16xf32>,
      %get3A_1604 = arith.constant 16 : index
      %get3A_1605 = tpu.vector_load %arg11[%get3A_1604] {strides = array<i32>} : memref<208xi32, #tpu.memory_space<vmem>>, vector<16xi32>,
      %gather3A_1606 = tpu.vector_load_idx %arg23[%get3A_1605] : memref<1000xf32, #tpu.memory_space<vmem>>[vector<16xi32>], vector<16xf32>,
      %add3A_1607 = arith.addf %scan3A_1596#1, %gather3A_1606 : vector<16xf32>
      %swap3A_1608 = arith.constant 16 : index
      %swap3A_1609 = tpu.vector_load %arg33[%swap3A_1608] {strides = array<i32>} : memref<208xf32, #tpu.memory_space<vmem>>, vector<16xf32>,
      tpu.vector_store %arg33[%swap3A_1608], %add3A_1607 {strides = array<i32>} : memref<208xf32, #tpu.memory_space<vmem>>, vector<16xf32>,
      %get3A_1610 = arith.constant 32 : index
      %get3A_1611 = tpu.vector_load %arg11[%get3A_1610] {strides = array<i32>} : memref<208xi32, #tpu.memory_space<vmem>>, vector<16xi32>,
      %gather3A_1612 = tpu.vector_load_idx %arg23[%get3A_1611] : memref<1000xf32, #tpu.memory_space<vmem>>[vector<16xi32>], vector<16xf32>,
      %add3A_1613 = arith.addf %scan3A_1596#2, %gather3A_1612 : vector<16xf32>
      %swap3A_1614 = arith.constant 32 : index
      %swap3A_1615 = tpu.vector_load %arg33[%swap3A_1614] {strides = array<i32>} : memref<208xf32, #tpu.memory_space<vmem>>, vector<16xf32>,
      tpu.vector_store %arg33[%swap3A_1614], %add3A_1613 {strides = array<i32>} : memref<208xf32, #tpu.memory_space<vmem>>, vector<16xf32>,
      %get3A_1616 = arith.constant 48 : index
      %get3A_1617 = tpu.vector_load %arg11[%get3A_1616] {strides = array<i32>} : memref<208xi32, #tpu.memory_space<vmem>>, vector<16xi32>,
      %gather3A_1618 = tpu.vector_load_idx %arg23[%get3A_1617] : memref<1000xf32, #tpu.memory_space<vmem>>[vector<16xi32>], vector<16xf32>,
      %add3A_1619 = arith.addf %scan3A_1596#3, %gather3A_1618 : vector<16xf32>
      %swap3A_1620 = arith.constant 48 : index
      %swap3A_1621 = tpu.vector_load %arg33[%swap3A_1620] {strides = array<i32>} : memref<208xf32, #tpu.memory_space<vmem>>, vector<16xf32>,
      tpu.vector_store %arg33[%swap3A_1620], %add3A_1619 {strides = array<i32>} : memref<208xf32, #tpu.memory_space<vmem>>, vector<16xf32>,
      %get3A_1622 = arith.constant 64 : index
      %get3A_1623 = tpu.vector_load %arg11[%get3A_1622] {strides = array<i32>} : memref<208xi32, #tpu.memory_space<vmem>>, vector<16xi32>,
      %gather3A_1624 = tpu.vector_load_idx %arg23[%get3A_1623] : memref<1000xf32, #tpu.memory_space<vmem>>[vector<16xi32>], vector<16xf32>,
      %add3A_1625 = arith.addf %scan3A_1596#4, %gather3A_1624 : vector<16xf32>
      %swap3A_1626 = arith.constant 64 : index
      %swap3A_1627 = tpu.vector_load %arg33[%swap3A_1626] {strides = array<i32>} : memref<208xf32, #tpu.memory_space<vmem>>, vector<16xf32>,
      tpu.vector_store %arg33[%swap3A_1626], %add3A_1625 {strides = array<i32>} : memref<208xf32, #tpu.memory_space<vmem>>, vector<16xf32>,
      %get3A_1628 = arith.constant 80 : index
      %get3A_1629 = tpu.vector_load %arg11[%get3A_1628] {strides = array<i32>} : memref<208xi32, #tpu.memory_space<vmem>>, vector<16xi32>,
      %gather3A_1630 = tpu.vector_load_idx %arg23[%get3A_1629] : memref<1000xf32, #tpu.memory_space<vmem>>[vector<16xi32>], vector<16xf32>,
      %add3A_1631 = arith.addf %scan3A_1596#5, %gather3A_1630 : vector<16xf32>
      %swap3A_1632 = arith.constant 80 : index
      %swap3A_1633 = tpu.vector_load %arg33[%swap3A_1632] {strides = array<i32>} : memref<208xf32, #tpu.memory_space<vmem>>, vector<16xf32>,
      tpu.vector_store %arg33[%swap3A_1632], %add3A_1631 {strides = array<i32>} : memref<208xf32, #tpu.memory_space<vmem>>, vector<16xf32>,
      %get3A_1634 = arith.constant 96 : index
      %get3A_1635 = tpu.vector_load %arg11[%get3A_1634] {strides = array<i32>} : memref<208xi32, #tpu.memory_space<vmem>>, vector<16xi32>,
      %gather3A_1636 = tpu.vector_load_idx %arg23[%get3A_1635] : memref<1000xf32, #tpu.memory_space<vmem>>[vector<16xi32>], vector<16xf32>,
      %add3A_1637 = arith.addf %scan3A_1596#6, %gather3A_1636 : vector<16xf32>
      %swap3A_1638 = arith.constant 96 : index
      %swap3A_1639 = tpu.vector_load %arg33[%swap3A_1638] {strides = array<i32>} : memref<208xf32, #tpu.memory_space<vmem>>, vector<16xf32>,
      tpu.vector_store %arg33[%swap3A_1638], %add3A_1637 {strides = array<i32>} : memref<208xf32, #tpu.memory_space<vmem>>, vector<16xf32>,
      %get3A_1640 = arith.constant 112 : index
      %get3A_1641 = tpu.vector_load %arg11[%get3A_1640] {strides = array<i32>} : memref<208xi32, #tpu.memory_space<vmem>>, vector<16xi32>,
      %gather3A_1642 = tpu.vector_load_idx %arg23[%get3A_1641] : memref<1000xf32, #tpu.memory_space<vmem>>[vector<16xi32>], vector<16xf32>,
      %add3A_1643 = arith.addf %scan3A_1596#7, %gather3A_1642 : vector<16xf32>
      %swap3A_1644 = arith.constant 112 : index
      %swap3A_1645 = tpu.vector_load %arg33[%swap3A_1644] {strides = array<i32>} : memref<208xf32, #tpu.memory_space<vmem>>, vector<16xf32>,
      tpu.vector_store %arg33[%swap3A_1644], %add3A_1643 {strides = array<i32>} : memref<208xf32, #tpu.memory_space<vmem>>, vector<16xf32>,
      %get3A_1646 = arith.constant 128 : index
      %get3A_1647 = tpu.vector_load %arg11[%get3A_1646] {strides = array<i32>} : memref<208xi32, #tpu.memory_space<vmem>>, vector<16xi32>,
      %gather3A_1648 = tpu.vector_load_idx %arg23[%get3A_1647] : memref<1000xf32, #tpu.memory_space<vmem>>[vector<16xi32>], vector<16xf32>,
      %add3A_1649 = arith.addf %scan3A_1596#8, %gather3A_1648 : vector<16xf32>
      %swap3A_1650 = arith.constant 128 : index
      %swap3A_1651 = tpu.vector_load %arg33[%swap3A_1650] {strides = array<i32>} : memref<208xf32, #tpu.memory_space<vmem>>, vector<16xf32>,
      tpu.vector_store %arg33[%swap3A_1650], %add3A_1649 {strides = array<i32>} : memref<208xf32, #tpu.memory_space<vmem>>, vector<16xf32>,
      %get3A_1652 = arith.constant 144 : index
      %get3A_1653 = tpu.vector_load %arg11[%get3A_1652] {strides = array<i32>} : memref<208xi32, #tpu.memory_space<vmem>>, vector<16xi32>,
      %gather3A_1654 = tpu.vector_load_idx %arg23[%get3A_1653] : memref<1000xf32, #tpu.memory_space<vmem>>[vector<16xi32>], vector<16xf32>,
      %add3A_1655 = arith.addf %scan3A_1596#9, %gather3A_1654 : vector<16xf32>
      %swap3A_1656 = arith.constant 144 : index
      %swap3A_1657 = tpu.vector_load %arg33[%swap3A_1656] {strides = array<i32>} : memref<208xf32, #tpu.memory_space<vmem>>, vector<16xf32>,
      tpu.vector_store %arg33[%swap3A_1656], %add3A_1655 {strides = array<i32>} : memref<208xf32, #tpu.memory_space<vmem>>, vector<16xf32>,
      %get3A_1658 = arith.constant 160 : index
      %get3A_1659 = tpu.vector_load %arg11[%get3A_1658] {strides = array<i32>} : memref<208xi32, #tpu.memory_space<vmem>>, vector<16xi32>,
      %gather3A_1660 = tpu.vector_load_idx %arg23[%get3A_1659] : memref<1000xf32, #tpu.memory_space<vmem>>[vector<16xi32>], vector<16xf32>,
      %add3A_1661 = arith.addf %scan3A_1596#10, %gather3A_1660 : vector<16xf32>
      %swap3A_1662 = arith.constant 160 : index
      %swap3A_1663 = tpu.vector_load %arg33[%swap3A_1662] {strides = array<i32>} : memref<208xf32, #tpu.memory_space<vmem>>, vector<16xf32>,
      tpu.vector_store %arg33[%swap3A_1662], %add3A_1661 {strides = array<i32>} : memref<208xf32, #tpu.memory_space<vmem>>, vector<16xf32>,
      %get3A_1664 = arith.constant 176 : index
      %get3A_1665 = tpu.vector_load %arg11[%get3A_1664] {strides = array<i32>} : memref<208xi32, #tpu.memory_space<vmem>>, vector<16xi32>,
      %gather3A_1666 = tpu.vector_load_idx %arg23[%get3A_1665] : memref<1000xf32, #tpu.memory_space<vmem>>[vector<16xi32>], vector<16xf32>,
      %add3A_1667 = arith.addf %scan3A_1596#11, %gather3A_1666 : vector<16xf32>
      %swap3A_1668 = arith.constant 176 : index
      %swap3A_1669 = tpu.vector_load %arg33[%swap3A_1668] {strides = array<i32>} : memref<208xf32, #tpu.memory_space<vmem>>, vector<16xf32>,
      tpu.vector_store %arg33[%swap3A_1668], %add3A_1667 {strides = array<i32>} : memref<208xf32, #tpu.memory_space<vmem>>, vector<16xf32>,
      %get3A_1670 = arith.constant 192 : index
      %get3A_1671 = tpu.vector_load %arg11[%get3A_1670] {strides = array<i32>} : memref<208xi32, #tpu.memory_space<vmem>>, vector<16xi32>,
      %gather3A_1672 = tpu.vector_load_idx %arg23[%get3A_1671] : memref<1000xf32, #tpu.memory_space<vmem>>[vector<16xi32>], vector<16xf32>,
      %add3A_1673 = arith.addf %scan3A_1596#12, %gather3A_1672 : vector<16xf32>
      %swap3A_1674 = arith.constant 192 : index
      %swap3A_1675 = tpu.vector_load %arg33[%swap3A_1674] {strides = array<i32>} : memref<208xf32, #tpu.memory_space<vmem>>, vector<16xf32>,
      tpu.vector_store %arg33[%swap3A_1674], %add3A_1673 {strides = array<i32>} : memref<208xf32, #tpu.memory_space<vmem>>, vector<16xf32>,
      %mul3A_1676 = arith.constant 208 : i32
      %mul3A_1677 = arith.muli %add3A_1416, %mul3A_1676 : i32
      %dma_start3A_1678 = tpu.memref_slice %arg7[%mul3A_1677] : memref<851968xf32, #tpu.memory_space<hbm>> -> memref<208xf32, #tpu.memory_space<hbm>>
      %dma_start3A_1679 = tpu.memref_slice %arg7[%mul3A_1677] : memref<851968xf32, #tpu.memory_space<hbm>> -> memref<208xf32, #tpu.memory_space<hbm>>
      tpu.enqueue_dma source(%arg33 : memref<208xf32, #tpu.memory_space<vmem>>) target(%dma_start3A_1679 : memref<208xf32, #tpu.memory_space<hbm>>) target_semaphore(%arg44 : memref<!tpu.dma_semaphore, #tpu.memory_space<semaphore_mem>>)
      %add3A_1680 = arith.constant 4 : i32
      %add3A_1681 = arith.addi %add3A_1375, %add3A_1680 : i32
      %lt3A_1682 = arith.constant 128 : i32
      %lt3A_1683 = arith.cmpi slt, %add3A_1681, %lt3A_1682 : i32
      %convert_element_type3A_1684 = arith.extui %lt3A_1683 : i1 to i32
      %cond3A_1685 = arith.constant 0 : i32
      %cond3A_1686 = arith.cmpi ne, %convert_element_type3A_1684, %cond3A_1685 : i32
      scf.if %cond3A_1686 {
        %add3A_1687 = arith.addi %mul3A_2, %add3A_1375 : i32
        %add3A_1688 = arith.constant 4 : i32
        %add3A_1689 = arith.addi %add3A_1687, %add3A_1688 : i32
        %mul3A_1690 = arith.constant 200 : i32
        %mul3A_1691 = arith.muli %add3A_1689, %mul3A_1690 : i32
        %dma_start3A_1692 = arith.constant 0 : i32
        %dma_start3A_1693 = tpu.memref_slice %arg11[%dma_start3A_1692] : memref<208xi32, #tpu.memory_space<vmem>> -> memref<200xi32, #tpu.memory_space<vmem>>
        %dma_start3A_1694 = tpu.memref_slice %arg2[%mul3A_1691] : memref<819200xi32, #tpu.memory_space<hbm>> -> memref<200xi32, #tpu.memory_space<hbm>>
        %dma_start3A_1695 = arith.constant 0 : i32
        %dma_start3A_1696 = tpu.memref_slice %arg11[%dma_start3A_1695] : memref<208xi32, #tpu.memory_space<vmem>> -> memref<200xi32, #tpu.memory_space<vmem>>
        %dma_start3A_1697 = tpu.memref_slice %arg2[%mul3A_1691] : memref<819200xi32, #tpu.memory_space<hbm>> -> memref<200xi32, #tpu.memory_space<hbm>>
        tpu.enqueue_dma source(%dma_start3A_1697 : memref<200xi32, #tpu.memory_space<hbm>>) target(%dma_start3A_1696 : memref<200xi32, #tpu.memory_space<vmem>>) target_semaphore(%arg38 : memref<!tpu.dma_semaphore, #tpu.memory_space<semaphore_mem>>)
        %mul3A_1698 = arith.constant 200 : i32
        %mul3A_1699 = arith.muli %add3A_1689, %mul3A_1698 : i32
        %dma_start3A_1700 = arith.constant 0 : i32
        %dma_start3A_1701 = tpu.memref_slice %arg15[%dma_start3A_1700] : memref<208xi32, #tpu.memory_space<vmem>> -> memref<200xi32, #tpu.memory_space<vmem>>
        %dma_start3A_1702 = tpu.memref_slice %arg3[%mul3A_1699] : memref<819200xi32, #tpu.memory_space<hbm>> -> memref<200xi32, #tpu.memory_space<hbm>>
        %dma_start3A_1703 = arith.constant 0 : i32
        %dma_start3A_1704 = tpu.memref_slice %arg15[%dma_start3A_1703] : memref<208xi32, #tpu.memory_space<vmem>> -> memref<200xi32, #tpu.memory_space<vmem>>
        %dma_start3A_1705 = tpu.memref_slice %arg3[%mul3A_1699] : memref<819200xi32, #tpu.memory_space<hbm>> -> memref<200xi32, #tpu.memory_space<hbm>>
        tpu.enqueue_dma source(%dma_start3A_1705 : memref<200xi32, #tpu.memory_space<hbm>>) target(%dma_start3A_1704 : memref<200xi32, #tpu.memory_space<vmem>>) target_semaphore(%arg38 : memref<!tpu.dma_semaphore, #tpu.memory_space<semaphore_mem>>)
      } else {
      }
    }
    %scan3A_425 = arith.constant 32 : i32
    %dma_wait3A = arith.constant 0 : i32
    %dma_wait3A_426 = tpu.memref_slice %arg7[%dma_wait3A] : memref<851968xf32, #tpu.memory_space<hbm>> -> memref<208xf32, #tpu.memory_space<hbm>>
    %dma_wait3A_427 = arith.constant 0 : i32
    %dma_wait3A_428 = tpu.memref_slice %arg7[%dma_wait3A_427] : memref<851968xf32, #tpu.memory_space<hbm>> -> memref<208xf32, #tpu.memory_space<hbm>>
    tpu.wait_dma2 semaphore(%arg43 : memref<!tpu.dma_semaphore, #tpu.memory_space<semaphore_mem>>) src(%arg32 : memref<208xf32, #tpu.memory_space<vmem>>) dst(%dma_wait3A_428 : memref<208xf32, #tpu.memory_space<hbm>>)
    %dma_wait3A_429 = arith.constant 0 : i32
    %dma_wait3A_430 = tpu.memref_slice %arg7[%dma_wait3A_429] : memref<851968xf32, #tpu.memory_space<hbm>> -> memref<208xf32, #tpu.memory_space<hbm>>
    %dma_wait3A_431 = arith.constant 0 : i32
    %dma_wait3A_432 = tpu.memref_slice %arg7[%dma_wait3A_431] : memref<851968xf32, #tpu.memory_space<hbm>> -> memref<208xf32, #tpu.memory_space<hbm>>
    tpu.wait_dma2 semaphore(%arg44 : memref<!tpu.dma_semaphore, #tpu.memory_space<semaphore_mem>>) src(%arg33 : memref<208xf32, #tpu.memory_space<vmem>>) dst(%dma_wait3A_432 : memref<208xf32, #tpu.memory_space<hbm>>)
    return
  }
}

module attributes {stable_mosaic.version = 14 : i64} {
  func.func @_mlp_body(%arg0: i32, %arg1: memref<256x256xf32, #tpu.memory_space<vmem>>, %arg2: memref<256x128xf32, #tpu.memory_space<vmem>>, %arg3: memref<128xf32, #tpu.memory_space<vmem>>, %arg4: memref<128x128xf32, #tpu.memory_space<vmem>>, %arg5: memref<128xf32, #tpu.memory_space<vmem>>, %arg6: memref<64x1000xf32, #tpu.memory_space<vmem>>, %arg7: memref<256x1000xf32, #tpu.memory_space<vmem>>, %arg8: memref<256x64xf32, #tpu.memory_space<vmem>>) attributes {dimension_semantics = [#tpu.dimension_semantics<arbitrary>], iteration_bounds = array<i64: 16>, scalar_prefetch = 0 : i64, scratch_operands = 0 : i64, tpu.core_type = #tpu.core_type<tc>, window_params = [{transform_indices = @transform_0, window_bounds = array<i64: 256, 256>}, {pipeline_mode = #tpu.pipeline_mode<synchronous>, transform_indices = @transform_1, window_bounds = array<i64: 256, 128>}, {pipeline_mode = #tpu.pipeline_mode<synchronous>, transform_indices = @transform_2, window_bounds = array<i64: 128>}, {pipeline_mode = #tpu.pipeline_mode<synchronous>, transform_indices = @transform_3, window_bounds = array<i64: 128, 128>}, {pipeline_mode = #tpu.pipeline_mode<synchronous>, transform_indices = @transform_4, window_bounds = array<i64: 128>}, {pipeline_mode = #tpu.pipeline_mode<synchronous>, transform_indices = @transform_5, window_bounds = array<i64: 64, 1000>}, {transform_indices = @transform_6, window_bounds = array<i64: 256, 1000>}, {transform_indices = @transform_7, window_bounds = array<i64: 256, 64>}]} {
    %get3A = arith.constant 0 : index
    %get3A_0 = arith.constant 0 : index
    %get3A_1 = vector.load %arg1[%get3A, %get3A_0] : memref<256x256xf32, #tpu.memory_space<vmem>>, vector<256x256xf32>
    %get3A_2 = arith.constant 0 : index
    %get3A_3 = arith.constant 0 : index
    %get3A_4 = vector.load %arg2[%get3A_2, %get3A_3] : memref<256x128xf32, #tpu.memory_space<vmem>>, vector<256x128xf32>
    %dot_general3A = arith.constant dense<0.000000e+00> : vector<256x128xf32>
    %dot_general3A_5 = tpu.matmul %get3A_1, %get3A_4, %dot_general3A {dimension_numbers = #tpu.dot_dimension_numbers<[1], [0], [0], [1], [0, 0, 1, 1], [], []>, transpose_lhs_hint = false} : vector<256x256xf32>, vector<256x128xf32>, vector<256x128xf32> -> vector<256x128xf32>
    %get3A_6 = arith.constant 0 : index
    %get3A_7 = vector.load %arg3[%get3A_6] : memref<128xf32, #tpu.memory_space<vmem>>, vector<128xf32>
    %broadcast_in_dim3A = vector.shape_cast %get3A_7 : vector<128xf32> to vector<1x128xf32>
    %add3A = vector.broadcast %broadcast_in_dim3A : vector<1x128xf32> to vector<256x128xf32>
    %add3A_8 = arith.addf %dot_general3A_5, %add3A : vector<256x128xf32>
    %max3A = arith.constant 0.000000e+00 : f32
    %max3A_9 = vector.broadcast %max3A : f32 to vector<256x128xf32>
    %max3A_10 = arith.maximumf %add3A_8, %max3A_9 : vector<256x128xf32>
    %get3A_11 = arith.constant 0 : index
    %get3A_12 = arith.constant 0 : index
    %get3A_13 = vector.load %arg4[%get3A_11, %get3A_12] : memref<128x128xf32, #tpu.memory_space<vmem>>, vector<128x128xf32>
    %dot_general3A_14 = arith.constant dense<0.000000e+00> : vector<256x128xf32>
    %dot_general3A_15 = tpu.matmul %max3A_10, %get3A_13, %dot_general3A_14 {dimension_numbers = #tpu.dot_dimension_numbers<[1], [0], [0], [1], [0, 0, 1, 1], [], []>, transpose_lhs_hint = false} : vector<256x128xf32>, vector<128x128xf32>, vector<256x128xf32> -> vector<256x128xf32>
    %get3A_16 = arith.constant 0 : index
    %get3A_17 = vector.load %arg5[%get3A_16] : memref<128xf32, #tpu.memory_space<vmem>>, vector<128xf32>
    %broadcast_in_dim3A_18 = vector.shape_cast %get3A_17 : vector<128xf32> to vector<1x128xf32>
    %add3A_19 = vector.broadcast %broadcast_in_dim3A_18 : vector<1x128xf32> to vector<256x128xf32>
    %add3A_20 = arith.addf %dot_general3A_15, %add3A_19 : vector<256x128xf32>
    %slice3A = vector.extract_strided_slice %add3A_20 {offsets = [0, 0], sizes = [256, 64], strides = [1, 1]} : vector<256x128xf32> to vector<256x64xf32>
    %convert_element_type3A = arith.truncf %slice3A : vector<256x64xf32> to vector<256x64xbf16>
    %get3A_21 = arith.constant 0 : index
    %get3A_22 = arith.constant 0 : index
    %get3A_23 = vector.load %arg6[%get3A_21, %get3A_22] : memref<64x1000xf32, #tpu.memory_space<vmem>>, vector<64x1000xf32>
    %convert_element_type3A_24 = arith.truncf %get3A_23 : vector<64x1000xf32> to vector<64x1000xbf16>
    %dot_general3A_25 = arith.constant dense<0.000000e+00> : vector<256x1000xf32>
    %dot_general3A_26 = tpu.matmul %convert_element_type3A, %convert_element_type3A_24, %dot_general3A_25 {dimension_numbers = #tpu.dot_dimension_numbers<[1], [0], [0], [1], [0, 0, 1, 1], [], []>, transpose_lhs_hint = false} : vector<256x64xbf16>, vector<64x1000xbf16>, vector<256x1000xf32> -> vector<256x1000xf32>
    %swap3A = arith.constant 0 : index
    %swap3A_27 = arith.constant 0 : index
    %swap3A_28 = vector.load %arg7[%swap3A, %swap3A_27] : memref<256x1000xf32, #tpu.memory_space<vmem>>, vector<256x1000xf32>
    tpu.vector_store %arg7[%swap3A, %swap3A_27], %dot_general3A_26 {strides = array<i32>} : memref<256x1000xf32, #tpu.memory_space<vmem>>, vector<256x1000xf32>,
    %slice3A_29 = vector.extract_strided_slice %add3A_20 {offsets = [0, 64], sizes = [256, 64], strides = [1, 1]} : vector<256x128xf32> to vector<256x64xf32>
    %convert_element_type3A_30 = arith.truncf %slice3A_29 : vector<256x64xf32> to vector<256x64xbf16>
    %convert_element_type3A_31 = arith.extf %convert_element_type3A_30 : vector<256x64xbf16> to vector<256x64xf32>
    %swap3A_32 = arith.constant 0 : index
    %swap3A_33 = arith.constant 0 : index
    %swap3A_34 = vector.load %arg8[%swap3A_32, %swap3A_33] : memref<256x64xf32, #tpu.memory_space<vmem>>, vector<256x64xf32>
    tpu.vector_store %arg8[%swap3A_32, %swap3A_33], %convert_element_type3A_31 {strides = array<i32>} : memref<256x64xf32, #tpu.memory_space<vmem>>, vector<256x64xf32>,
    return
  }
  func.func @transform_0(%arg0: i32) -> (i32, i32) {
    %c0_i32 = arith.constant 0 : i32
    %c0_i32_0 = arith.constant 0 : i32
    return %arg0, %c0_i32 : i32, i32
  }
  func.func @transform_1(%arg0: i32) -> (i32, i32) {
    %c0_i32 = arith.constant 0 : i32
    %c0_i32_0 = arith.constant 0 : i32
    %c0_i32_1 = arith.constant 0 : i32
    return %c0_i32, %c0_i32_0 : i32, i32
  }
  func.func @transform_2(%arg0: i32) -> i32 {
    %c0_i32 = arith.constant 0 : i32
    %c0_i32_0 = arith.constant 0 : i32
    return %c0_i32 : i32
  }
  func.func @transform_3(%arg0: i32) -> (i32, i32) {
    %c0_i32 = arith.constant 0 : i32
    %c0_i32_0 = arith.constant 0 : i32
    %c0_i32_1 = arith.constant 0 : i32
    return %c0_i32, %c0_i32_0 : i32, i32
  }
  func.func @transform_4(%arg0: i32) -> i32 {
    %c0_i32 = arith.constant 0 : i32
    %c0_i32_0 = arith.constant 0 : i32
    return %c0_i32 : i32
  }
  func.func @transform_5(%arg0: i32) -> (i32, i32) {
    %c0_i32 = arith.constant 0 : i32
    %c0_i32_0 = arith.constant 0 : i32
    %c0_i32_1 = arith.constant 0 : i32
    return %c0_i32, %c0_i32_0 : i32, i32
  }
  func.func @transform_6(%arg0: i32) -> (i32, i32) {
    %c0_i32 = arith.constant 0 : i32
    %c0_i32_0 = arith.constant 0 : i32
    return %arg0, %c0_i32 : i32, i32
  }
  func.func @transform_7(%arg0: i32) -> (i32, i32) {
    %c0_i32 = arith.constant 0 : i32
    %c0_i32_0 = arith.constant 0 : i32
    return %arg0, %c0_i32 : i32, i32
  }
}

module attributes {stable_mosaic.version = 14 : i64} {
  func.func @_sample_body(%arg0: i32, %arg1: memref<256x208xf32, #tpu.memory_space<vmem>>, %arg2: memref<256x200xi32, #tpu.memory_space<vmem>>, %arg3: memref<256x200xf32, #tpu.memory_space<vmem>>, %arg4: memref<256x200xi32, #tpu.memory_space<vmem>>, %arg5: memref<256x200xi32, #tpu.memory_space<vmem>>, %arg6: memref<256xf32, #tpu.memory_space<vmem>>, %arg7: memref<256xi32, #tpu.memory_space<vmem>>, %arg8: memref<256xi32, #tpu.memory_space<vmem>>, %arg9: memref<256xf32, #tpu.memory_space<vmem>>) attributes {dimension_semantics = [#tpu.dimension_semantics<arbitrary>], iteration_bounds = array<i64: 16>, scalar_prefetch = 0 : i64, scratch_operands = 0 : i64, tpu.core_type = #tpu.core_type<tc>, window_params = [{transform_indices = @transform_0, window_bounds = array<i64: 256, 208>}, {transform_indices = @transform_1, window_bounds = array<i64: 256, 200>}, {transform_indices = @transform_2, window_bounds = array<i64: 256, 200>}, {transform_indices = @transform_3, window_bounds = array<i64: 256, 200>}, {transform_indices = @transform_4, window_bounds = array<i64: 256, 200>}, {transform_indices = @transform_5, window_bounds = array<i64: 256>}, {transform_indices = @transform_6, window_bounds = array<i64: 256>}, {transform_indices = @transform_7, window_bounds = array<i64: 256>}, {transform_indices = @transform_8, window_bounds = array<i64: 256>}]} {
    %get3A = arith.constant 0 : index
    %get3A_0 = arith.constant 0 : index
    %get3A_1 = vector.load %arg1[%get3A, %get3A_0] : memref<256x208xf32, #tpu.memory_space<vmem>>, vector<256x208xf32>
    %slice3A = vector.extract_strided_slice %get3A_1 {offsets = [0, 0], sizes = [256, 200], strides = [1, 1]} : vector<256x208xf32> to vector<256x200xf32>
    %get3A_2 = arith.constant 0 : index
    %get3A_3 = arith.constant 0 : index
    %get3A_4 = vector.load %arg2[%get3A_2, %get3A_3] : memref<256x200xi32, #tpu.memory_space<vmem>>, vector<256x200xi32>
    %get3A_5 = arith.constant dense<0> : vector<256x200xi32>
    %get3A_6 = arith.cmpi ne, %get3A_4, %get3A_5 : vector<256x200xi32>
    %convert_element_type3A = arith.extui %get3A_6 : vector<256x200xi1> to vector<256x200xi32>
    %convert_element_type3A_7 = arith.sitofp %convert_element_type3A : vector<256x200xi32> to vector<256x200xf32>
    %sub3A = arith.constant 1.000000e+00 : f32
    %sub3A_8 = vector.broadcast %sub3A : f32 to vector<256x200xf32>
    %sub3A_9 = arith.subf %sub3A_8, %convert_element_type3A_7 : vector<256x200xf32>
    %mul3A = arith.constant 1.000000e+09 : f32
    %mul3A_10 = vector.broadcast %mul3A : f32 to vector<256x200xf32>
    %mul3A_11 = arith.mulf %sub3A_9, %mul3A_10 : vector<256x200xf32>
    %sub3A_12 = arith.subf %slice3A, %mul3A_11 : vector<256x200xf32>
    %reduce_max3A = arith.constant dense<0xFF800000> : vector<256xf32>
    %reduce_max3A_13 = vector.multi_reduction <maximumf>, %sub3A_12, %reduce_max3A [1] : vector<256x200xf32> to vector<256xf32>
    %broadcast_in_dim3A = vector.shape_cast %reduce_max3A_13 : vector<256xf32> to vector<256x1xf32>
    %sub3A_14 = vector.broadcast %broadcast_in_dim3A : vector<256x1xf32> to vector<256x200xf32>
    %sub3A_15 = arith.subf %sub3A_12, %sub3A_14 : vector<256x200xf32>
    %exp3A = math.exp %sub3A_15 : vector<256x200xf32>
    %reduce_sum3A = arith.constant dense<0.000000e+00> : vector<256xf32>
    %reduce_sum3A_16 = vector.multi_reduction <add>, %exp3A, %reduce_sum3A [1] : vector<256x200xf32> to vector<256xf32>
    %broadcast_in_dim3A_17 = vector.shape_cast %reduce_sum3A_16 : vector<256xf32> to vector<256x1xf32>
    %div3A = vector.broadcast %broadcast_in_dim3A_17 : vector<256x1xf32> to vector<256x200xf32>
    %div3A_18 = arith.divf %exp3A, %div3A : vector<256x200xf32>
    %add3A = arith.constant 9.99999968E-21 : f32
    %add3A_19 = vector.broadcast %add3A : f32 to vector<256x200xf32>
    %add3A_20 = arith.addf %div3A_18, %add3A_19 : vector<256x200xf32>
    %log3A = math.log %add3A_20 : vector<256x200xf32>
    %mul3A_21 = arith.mulf %div3A_18, %log3A : vector<256x200xf32>
    %reduce_sum3A_22 = arith.constant dense<0.000000e+00> : vector<256xf32>
    %reduce_sum3A_23 = vector.multi_reduction <add>, %mul3A_21, %reduce_sum3A_22 [1] : vector<256x200xf32> to vector<256xf32>
    %neg3A = arith.constant 0.000000e+00 : f32
    %neg3A_24 = vector.broadcast %neg3A : f32 to vector<256xf32>
    %neg3A_25 = arith.subf %neg3A_24, %reduce_sum3A_23 : vector<256xf32>
    %swap3A = arith.constant 0 : index
    %swap3A_26 = vector.load %arg9[%swap3A] : memref<256xf32, #tpu.memory_space<vmem>>, vector<256xf32>
    tpu.vector_store %arg9[%swap3A], %neg3A_25 {strides = array<i32>} : memref<256xf32, #tpu.memory_space<vmem>>, vector<256xf32>,
    %get3A_27 = arith.constant 0 : index
    %get3A_28 = arith.constant 0 : index
    %get3A_29 = vector.load %arg3[%get3A_27, %get3A_28] : memref<256x200xf32, #tpu.memory_space<vmem>>, vector<256x200xf32>
    %add3A_30 = arith.addf %sub3A_12, %get3A_29 : vector<256x200xf32>
    %reduce_max3A_31 = arith.constant dense<0xFF800000> : vector<256xf32>
    %reduce_max3A_32 = vector.multi_reduction <maximumf>, %add3A_30, %reduce_max3A_31 [1] : vector<256x200xf32> to vector<256xf32>
    %broadcast_in_dim3A_33 = vector.shape_cast %reduce_max3A_32 : vector<256xf32> to vector<256x1xf32>
    %iota3A = tpu.iota {dimensions = array<i32: 1>} : vector<256x200xi32>
    %eq3A = vector.broadcast %broadcast_in_dim3A_33 : vector<256x1xf32> to vector<256x200xf32>
    %eq3A_34 = arith.cmpf oeq, %add3A_30, %eq3A : vector<256x200xf32>
    %jit3A = arith.constant 200 : i32
    %broadcast_in_dim3A_35 = vector.broadcast %jit3A : i32 to vector<256x200xi32>
    %select_n3A = arith.select %eq3A_34, %iota3A, %broadcast_in_dim3A_35 : vector<256x200xi1>, vector<256x200xi32>
    %reduce_min3A = arith.constant dense<2147483647> : vector<256xi32>
    %reduce_min3A_36 = vector.multi_reduction <minsi>, %select_n3A, %reduce_min3A [1] : vector<256x200xi32> to vector<256xi32>
    %broadcast_in_dim3A_37 = vector.shape_cast %reduce_min3A_36 : vector<256xi32> to vector<256x1xi32>
    %eq3A_38 = vector.broadcast %broadcast_in_dim3A_37 : vector<256x1xi32> to vector<256x200xi32>
    %eq3A_39 = arith.cmpi eq, %iota3A, %eq3A_38 : vector<256x200xi32>
    %get3A_40 = arith.constant 0 : index
    %get3A_41 = arith.constant 0 : index
    %get3A_42 = vector.load %arg4[%get3A_40, %get3A_41] : memref<256x200xi32, #tpu.memory_space<vmem>>, vector<256x200xi32>
    %jit3A_43 = arith.constant 0 : i32
    %broadcast_in_dim3A_44 = vector.broadcast %jit3A_43 : i32 to vector<256x200xi32>
    %select_n3A_45 = arith.select %eq3A_39, %get3A_42, %broadcast_in_dim3A_44 : vector<256x200xi1>, vector<256x200xi32>
    %reduce_sum3A_46 = arith.constant dense<0> : vector<256xi32>
    %reduce_sum3A_47 = vector.multi_reduction <add>, %select_n3A_45, %reduce_sum3A_46 [1] : vector<256x200xi32> to vector<256xi32>
    %swap3A_48 = arith.constant 0 : index
    %swap3A_49 = vector.load %arg7[%swap3A_48] : memref<256xi32, #tpu.memory_space<vmem>>, vector<256xi32>
    tpu.vector_store %arg7[%swap3A_48], %reduce_sum3A_47 {strides = array<i32>} : memref<256xi32, #tpu.memory_space<vmem>>, vector<256xi32>,
    %get3A_50 = arith.constant 0 : index
    %get3A_51 = arith.constant 0 : index
    %get3A_52 = vector.load %arg5[%get3A_50, %get3A_51] : memref<256x200xi32, #tpu.memory_space<vmem>>, vector<256x200xi32>
    %jit3A_53 = arith.constant 0 : i32
    %broadcast_in_dim3A_54 = vector.broadcast %jit3A_53 : i32 to vector<256x200xi32>
    %select_n3A_55 = arith.select %eq3A_39, %get3A_52, %broadcast_in_dim3A_54 : vector<256x200xi1>, vector<256x200xi32>
    %reduce_sum3A_56 = arith.constant dense<0> : vector<256xi32>
    %reduce_sum3A_57 = vector.multi_reduction <add>, %select_n3A_55, %reduce_sum3A_56 [1] : vector<256x200xi32> to vector<256xi32>
    %swap3A_58 = arith.constant 0 : index
    %swap3A_59 = vector.load %arg8[%swap3A_58] : memref<256xi32, #tpu.memory_space<vmem>>, vector<256xi32>
    tpu.vector_store %arg8[%swap3A_58], %reduce_sum3A_57 {strides = array<i32>} : memref<256xi32, #tpu.memory_space<vmem>>, vector<256xi32>,
    %jit3A_60 = arith.constant 0.000000e+00 : f32
    %broadcast_in_dim3A_61 = vector.broadcast %jit3A_60 : f32 to vector<256x200xf32>
    %select_n3A_62 = arith.select %eq3A_39, %div3A_18, %broadcast_in_dim3A_61 : vector<256x200xi1>, vector<256x200xf32>
    %reduce_sum3A_63 = arith.constant dense<0.000000e+00> : vector<256xf32>
    %reduce_sum3A_64 = vector.multi_reduction <add>, %select_n3A_62, %reduce_sum3A_63 [1] : vector<256x200xf32> to vector<256xf32>
    %swap3A_65 = arith.constant 0 : index
    %swap3A_66 = vector.load %arg6[%swap3A_65] : memref<256xf32, #tpu.memory_space<vmem>>, vector<256xf32>
    tpu.vector_store %arg6[%swap3A_65], %reduce_sum3A_64 {strides = array<i32>} : memref<256xf32, #tpu.memory_space<vmem>>, vector<256xf32>,
    return
  }
  func.func @transform_0(%arg0: i32) -> (i32, i32) {
    %c0_i32 = arith.constant 0 : i32
    %c0_i32_0 = arith.constant 0 : i32
    return %arg0, %c0_i32 : i32, i32
  }
  func.func @transform_1(%arg0: i32) -> (i32, i32) {
    %c0_i32 = arith.constant 0 : i32
    %c0_i32_0 = arith.constant 0 : i32
    return %arg0, %c0_i32 : i32, i32
  }
  func.func @transform_2(%arg0: i32) -> (i32, i32) {
    %c0_i32 = arith.constant 0 : i32
    %c0_i32_0 = arith.constant 0 : i32
    return %arg0, %c0_i32 : i32, i32
  }
  func.func @transform_3(%arg0: i32) -> (i32, i32) {
    %c0_i32 = arith.constant 0 : i32
    %c0_i32_0 = arith.constant 0 : i32
    return %arg0, %c0_i32 : i32, i32
  }
  func.func @transform_4(%arg0: i32) -> (i32, i32) {
    %c0_i32 = arith.constant 0 : i32
    %c0_i32_0 = arith.constant 0 : i32
    return %arg0, %c0_i32 : i32, i32
  }
  func.func @transform_5(%arg0: i32) -> i32 {
    %c0_i32 = arith.constant 0 : i32
    return %arg0 : i32
  }
  func.func @transform_6(%arg0: i32) -> i32 {
    %c0_i32 = arith.constant 0 : i32
    return %arg0 : i32
  }
  func.func @transform_7(%arg0: i32) -> i32 {
    %c0_i32 = arith.constant 0 : i32
    return %arg0 : i32
  }
  func.func @transform_8(%arg0: i32) -> i32 {
    %c0_i32 = arith.constant 0 : i32
    return %arg0 : i32
  }
}

</mosaic_0001>

<sc_bundles>
// kernel: kernel.5.cloned.1.call-start
scs
__scs_entry_jumppad:
0x0: {  	(pc) =	sbr.rel $0x88, $3  }
0x1: {  	(tag) =	ssettag $0x0;
	lr =	simm.s32 $0x1  }
0x2: {  	[smem:$0x3F95] =	sst lr;
	_ =	strace $0xD0000000  }
0x3: {  	_ = 	snop  }
0x4: {  	_ = 	snop  }
0x5: {  	_ = 	snop  }
0x6: {  	_ = 	snop  }
0x7: {  	_ = 	snop  }
__scs_overlays_trampoline_lowered:
0x8: {  	[smem:$0x3FA4] =	sst s0  }
0x9: {  	[smem:$0x3FA5] =	sst s1  }
0xa: {  	[smem:$0x3FA6] =	sst s2  }
0xb: {  	[smem:$0x3FA7] =	sst s3  }
0xc: {  	[smem:$0x3FA8] =	sst s4  }
0xd: {  	[smem:$0x3FA9] =	sst s5  }
0xe: {  	[smem:$0x3FAA] =	sst s6  }
0xf: {  	[smem:$0x3FAB] =	sst s7  }
0x10: {  	[smem:$0x3FAC] =	sst s8  }
0x11: {  	[smem:$0x3FAD] =	sst s9;
	s0 =	simm.s32 @!p0 $0x0  }
0x12: {  	s1 =	sld [smem:$0x3F93];
	s0 =	simm.s32 @p0 $0x1  }
0x13: {  	[smem:$0x3FAE] =	sst s0;
	s0 =	simm.s32 @!p1 $0x0  }
0x14: {  	s2 =	sld [smem:$0x3F92];
	s0 =	simm.s32 @p1 $0x1  }
0x15: {  	[smem:$0x3FAF] =	sst s0;
	s0 =	simm.s32 @!p2 $0x0  }
0x16: {  	s3 =	sld [smem:$0x3FDB];
	s0 =	simm.s32 @p2 $0x1  }
0x17: {  	s4 =	simm.s32 $0x1BF5;
	[smem:$0x3FB1] =	sst s0  }
0x18: {  	s0 =	sld [smem:$0x3F94];
	_ =	swait.ge [sflag:s4], $0x0  }
0x19: {  	s7 =	sld [smem:$0x3F95]  }
0x1a: {  	s8 =	sadd.s32 $0xFFFFE003, lr  }
0x1b: {  	s9 =	sadd.s32 $0xFFFFFEF7, lr;
	s5 =	simm.s32 $0xFFFFFFFF;
	p2 =	slt.u32 s8, $0xFFFFF086  }
0x1c: {  	p1 =	slt.u32 s9, $0xF7A;
	s5 =	simm.s32 @!p2 $0x0  }
0x1d: {  	s5 =	simm.s32 @p1 $0x1;
	p0 =	seq.s32 s7, s2  }
0x1e: {  	s7 =	smul.u32 @!p0 $0xF7A, s2;
	p2 =	seq.s32 @!p0 s5, $0x0  }
0x1f: {  	s9 =	smul.u32 $0xF7A, s1;
	s8 =	simm.s32 @!p0 $0x1BF5;
	p2 =	por !p2, p0  }
0x20: {  	[sflag:s8] =	ssyncset.s32 @!p0 $0xFFFFF086;
	s6 =	sadd.s32 @!p0 s3, s7;
	s7 =	simm.s32 @!p0 $0x108  }
0x21: {  	s3 =	sadd.s32 s3, s9;
	s6 =	sadd.s32 @!p0 $0x88, s6;
	s7 =	simm.s32 @p2 $0x1082  }
0x22: {  	[simem:s7], [sflag:s8] =	dma.local @!p0 [hbm:s6], $0xF7A  }
0x23: {  	s9 =	sor.u32 $0xD0000000, s2;
	s6 =	simm.s32 $0x108;
	_ =	swait.ge @!p0 [sflag:s8], $0x0  }
0x24: {  	s3 =	sadd.s32 $0x88, s3;
	s6 =	simm.s32 @!p1 $0x1082;
	[sflag:s4] =	ssyncset.s32 $0xFFFFF086  }
0x25: {  	[simem:s6], [sflag:s4] =	dma.local [hbm:s3], $0xF7A  }
0x26: {  	[smem:$0x3F95] =	sst s1;
	(tag) =	ssettag s2;
	_ =	strace s9  }
0x27: {  	s1 =	sld [smem:$0x3FA5]  }
0x28: {  	s2 =	sld [smem:$0x3FA6]  }
0x29: {  	s4 =	sld [smem:$0x3FA8]  }
0x2a: {  	p0 =	seq.s32 s5, $0x0;
	s5 =	sld [smem:$0x3FA9]  }
0x2b: {  	s6 =	sld [smem:$0x3FAA]  }
0x2c: {  	s7 =	sld [smem:$0x3FAB]  }
0x2d: {  	s3 =	simm.s32 $0x108;
	s8 =	sld [smem:$0x3FAC]  }
0x2e: {  	s3 =	simm.s32 @!p0 $0x1082;
	s9 =	sld [smem:$0x3FAD]  }
0x2f: {  	lr =	sadd.s32 s0, s3;
	s0 =	sld [smem:$0x3FA4]  }
0x30: {  	s3 =	sld [smem:$0x3FA7]  }
0x31: {  	[smem:$0x3FB0] =	sst s10  }
0x32: {  	s10 =	sld [smem:$0x3FAE];
	_ =	sdelay $0x3  }
0x33: {  	p0 =	seq.s32 s10, $0x1;
	s10 =	sld [smem:$0x3FB0];
	_ =	sdelay $0x3  }
0x34: {  	[smem:$0x3FB0] =	sst s10  }
0x35: {  	s10 =	sld [smem:$0x3FAF];
	_ =	sdelay $0x3  }
0x36: {  	p1 =	seq.s32 s10, $0x1;
	s10 =	sld [smem:$0x3FB0];
	_ =	sdelay $0x3  }
0x37: {  	[smem:$0x3FB0] =	sst s10  }
0x38: {  	s10 =	sld [smem:$0x3FB1]  }
0x39: {  	_ = 	snop;
	(pc) =	sbr.ind lr, $3  }
0x3a: {  	_ = 	snop  }
0x3b: {  	_ = 	snop  }
0x3c: {  	p2 =	seq.s32 s10, $0x1;
	s10 =	sld [smem:$0x3FB0]  }
0x3d: {  	_ =	shalt  }
0x3e: {  	_ =	shalt  }
0x3f: {  	_ =	shalt  }
0x40: {  	_ =	shalt  }
0x41: {  	_ =	shalt  }
0x42: {  	_ =	shalt  }
0x43: {  	_ =	shalt  }
0x44: {  	_ =	shalt  }
0x45: {  	_ =	shalt  }
0x46: {  	_ =	shalt  }
0x47: {  	_ =	shalt  }
0x48: {  	_ =	shalt  }
0x49: {  	_ =	shalt  }
0x4a: {  	_ =	shalt  }
0x4b: {  	_ =	shalt  }
0x4c: {  	_ =	shalt  }
0x4d: {  	_ =	shalt  }
0x4e: {  	_ =	shalt  }
0x4f: {  	_ =	shalt  }
0x50: {  	_ =	shalt  }
0x51: {  	_ =	shalt  }
0x52: {  	_ =	shalt  }
0x53: {  	_ =	shalt  }
0x54: {  	_ =	shalt  }
0x55: {  	_ =	shalt  }
0x56: {  	_ =	shalt  }
0x57: {  	_ =	shalt  }
0x58: {  	_ =	shalt  }
0x59: {  	_ =	shalt  }
0x5a: {  	_ =	shalt  }
0x5b: {  	_ =	shalt  }
0x5c: {  	_ =	shalt  }
0x5d: {  	_ =	shalt  }
0x5e: {  	_ =	shalt  }
0x5f: {  	_ =	shalt  }
0x60: {  	_ =	shalt  }
0x61: {  	_ =	shalt  }
0x62: {  	_ =	shalt  }
0x63: {  	_ =	shalt  }
0x64: {  	_ =	shalt  }
0x65: {  	_ =	shalt  }
0x66: {  	_ =	shalt  }
0x67: {  	_ =	shalt  }
0x68: {  	_ =	shalt  }
0x69: {  	_ =	shalt  }
0x6a: {  	_ =	shalt  }
0x6b: {  	_ =	shalt  }
0x6c: {  	_ =	shalt  }
0x6d: {  	_ =	shalt  }
0x6e: {  	_ =	shalt  }
0x6f: {  	_ =	shalt  }
0x70: {  	_ =	shalt  }
0x71: {  	_ =	shalt  }
0x72: {  	_ =	shalt  }
0x73: {  	_ =	shalt  }
0x74: {  	_ =	shalt  }
0x75: {  	_ =	shalt  }
0x76: {  	_ =	shalt  }
0x77: {  	_ =	shalt  }
0x78: {  	_ =	shalt  }
0x79: {  	_ =	shalt  }
0x7a: {  	_ =	shalt  }
0x7b: {  	_ =	shalt  }
0x7c: {  	_ =	shalt  }
0x7d: {  	_ =	shalt  }
0x7e: {  	_ =	shalt  }
0x7f: {  	_ =	shalt  }
0x80: {  	_ =	shalt  }
0x81: {  	_ =	shalt  }
0x82: {  	_ =	shalt  }
0x83: {  	_ =	shalt  }
0x84: {  	_ =	shalt  }
0x85: {  	_ =	shalt  }
0x86: {  	_ =	shalt  }
0x87: {  	_ =	shalt  }
.Lfunc_end0:
.L_simem_size_0:
called_computation_lowered:
.L_overlay_start_0:
0x88: {  	s2 =	sld [smem:$0x3FD9]  }
0x89: {  	s3 =	sld [smem:$0x3FFE];
	_ =	sdelay $0x1  }
0x8a: {  	s1 =	srdreg.scid  }
0x8b: {  	s0 =	sand.u32 $0x1, s1  }
0x8c: {  	s16 =	sshll.u32 s0, $0xA;
	s2 =	sadd.s32 s3, s2  }
0x8d: {  	s2 =	sadd.s32 s2, s16  }
0x8e: {  	[smem:$0x3FBC] =	sst s2  }
0x8f: {  	_ = 	snop  }
0x90: {  	(tm) =	ssettm $0x1  }
0x91: {  	s17 =	sld [smem:$0x3FFB];
	_ =	sdelay $0x3  }
0x92: {  	_ =	strace s17  }
0x93: {  	s2 =	sld [smem:$0x3FFC];
	_ =	sdelay $0x3  }
0x94: {  	_ =	strace s2  }
0x95: {  	s2 =	sld [smem:$0x3FFD];
	_ =	sdelay $0x3  }
0x96: {  	_ =	strace s2  }
0x97: {  	_ =	strace $0x8FFFFFFF  }
0x98: {  	s18 =	sld [smem:$0x3FDB];
	_ =	sdelay $0x1  }
0x99: {  	s19 =	simm.s32 $_scs_section_size  }
0x9a: {  	s4 =	simm.s32 $_size__tile_overlayer_lowered;
	s5 =	simm.s32 $_tile_overlayer_lowered  }
0x9b: {  	s22 =	simm.s32 $0x1BFF;
	s21 =	sshll.u32 s5, $0x1;
	s2 =	sadd.s32 s19, s18  }
0x9c: {  	s6 =	simm.s32 $0x0;
	s20 =	sshll.u32 s4, $0x1;
	s4 =	sadd.s32 s21, s2  }
0x9d: {  	[timem:s6], [sflag:s22] =	dma.local [hbm:s4], s20  }
0x9e: {  	_ =	swait.ge [sflag:s22], s20  }
0x9f: {  	s3 =	ssub.s32 $0x0, s20;
	[sflag:s22] =	ssyncset.done $0x0  }
0xa0: {  	[sflag:s22] =	ssyncadd.s32 s3;
	_ =	sdelay $0x1  }
0xa1: {  	s23 =	simm.s32 $0x1B8B  }
0xa2: {  	_ =	swait.ge [sflag:s23], $0x1  }
0xa3: {  	[sflag:s23] =	ssyncset.done $0x0  }
0xa4: {  	s25 =	simm.s32 $0x1B8E;
	s24 =	sld [smem:$0x3FFE];
	[sflag:s23] =	ssyncadd.s32 $0xFFFFFFFF  }
0xa5: {  	s26 =	simm.s32 $execute0_lowered;
	[smem:$0x3FD2] =	sst s25  }
0xa6: {  	s4 =	sshll.u32 s26, $0x1;
	_ =	strace $0x80000046;
	[dreg:$0x1] =	wrdreg $0xFFFFFFFF  }
0xa7: {  	s28 =	simm.s32 $_size_execute0_lowered;
	s2 =	sadd.s32 s2, s4;
	[dreg:$0x0] =	wrdreg $0x0  }
0xa8: {  	s4 =	sshll.u32 s28, $0x1;
	[dreg:$0x2] =	wrdreg s2  }
0xa9: {  	[dreg:$0x3] =	wrdreg s4  }
0xaa: {  	[dreg:$0x4] =	wrdreg $0xC0  }
0xab: {  	_ =	task [dreg:s6], $0x5FFFF  }
0xac: {  	[dreg:$0x1] =	wrdreg $0xFFFFFFFF  }
0xad: {  	[dreg:$0x0] =	wrdreg $0x60  }
0xae: {  	[dreg:$0x2] =	wrdreg s24  }
0xaf: {  	[dreg:$0x3] =	wrdreg $0x9  }
0xb0: {  	_ =	task.clear_ibuf [dreg:s6], $0x4FFFF;
	_ =	strace $0x90000046  }
0xb1: {  	s29 =	simm.s32 $0x9;
	_ =	strace $0x80000048  }
0xb2: {  	_ =	swait.ge [sflag:s29], $0x1  }
0xb3: {  	[sflag:s29] =	ssyncadd.s32 $0xFFFFFFFF  }
0xb4: {  	_ =	strace $0x90000048  }
0xb5: {  	_ =	sfence  }
0xb6: {  	s30 =	sld [smem:$0x0];
	_ =	sdelay $0x2  }
0xb7: {  	s31 =	sshll.u32 s1, $0xD;
	s1 =	sshrl.u32 s1, $0x2  }
0xb8: {  	s3 =	sand.u32 $0x4000, s31;
	s1 =	sadd.s32 s1, s30  }
0xb9: {  	s0 =	sor.u32 s3, s0;
	s1 =	sshll.u32 s1, $0x11  }
0xba: {  	s0 =	sor.u32 s1, s0  }
0xbb: {  	s0 =	sadd.s32 $0x8F2B, s0  }
0xbc: {  	[sflag:s0] =	ssyncadd.remote.s32 $0x1  }
0xbd: {  	_ =	sfence.sel $0xFFFF  }
0xbe: {  	[dreg:$0x0] =	wrdreg $0xFFFFFFFF;
	(pc) =	sbr.abs _section_cstart, $3  }
0xbf: {  	[dreg:$0x1] =	wrdreg $0xFFFFFFFF  }
0xc0: {  	_ =	task.clear_ibuf [dreg:s6], $0x2FFFF;
	_ =	strace $0x9FFFFFFF  }
0xc1: {  	(tm) =	ssettm $0x7FFFFFFF  }
tec
execute0_lowered:
.L_overlay_start_1:
0x0: {  	(tag) =	ssettag $0x1  }
0x1: {  	s0 =	rddreg [dreg:$0x0]  }
0x2: {  	s1 =	simm.s32 $0x0;
	s2 =	srdreg.scid;
	s3 =	stileid.u32  }
0x3: {  	s28 =	simm.s32 $0x68;
	s30 =	simm.s32 $0x1E00;
	s29 =	simm.s32 $0x1D00  }
0x4: {  	s31 =	simm.s32 $0x7;
	[smem:$0x7FF] =	sst s1;
	s14 =	sadd.s32 $0x2A200, s0  }
0x5: {  	s15 =	sadd.s32 $0x63200, s0;
	s4 =	sadd.s32 $0x82200, s0;
	s2 =	sand.u32 $0x1, s2  }
0x6: {  	s3 =	sshll.u32 s3, $0x1;
	s5 =	sadd.s32 $0x2200, s0;
	s7 =	sadd.s32 $0x1041600, s0  }
0x7: {  	s8 =	sadd.s32 $0xFF200, s0;
	_ =	strace $0x80000047;
	[dreg:$0x13] =	wrdreg s4  }
0x8: {  	s3 =	sor.u32 s2, s3;
	s25 =	ssub.s32 $0x2, s2;
	[dreg:$0x2] =	wrdreg s14  }
0x9: {  	[dreg:$0x12] =	wrdreg s15;
	s2 =	smul.u32 $0xC80, s3;
	s10 =	sshrl.u32 s25, $0x1  }
0xa: {  	s9 =	sshll.u32 s3, $0x7;
	s11 =	smul.u32 $0x3E80, s3;
	s3 =	sshll.u32 s3, $0xA  }
0xb: {  	s0 =	ssub.s32 s25, s10;
	s26 =	sor.u32 $0x1, s9;
	s3 =	sadd.s32 s5, s3  }
0xc: {  	s6 =	sadd.s32 s14, s2;
	s13 =	sadd.s32 s15, s2;
	s17 =	smul.u32 $0x19, s26  }
0xd: {  	s16 =	sadd.s32 s4, s11;
	s12 =	smul.u32 $0x7D, s26;
	[dreg:$0x6] =	wrdreg s3  }
0xe: {  	s10 =	sshll.u32 s26, $0x3;
	s2 =	sor.u32 $0x4B, s2;
	[dreg:$0x3] =	wrdreg s6  }
0xf: {  	s0 =	smax.u32 s0, $0x1;
	s11 =	simm.s32 $0x4;
	[dreg:$0x4] =	wrdreg s13  }
0x10: {  	[dreg:$0x5] =	wrdreg s16;
	s13 =	sor.u32 $0x2, s9;
	s22 =	sadd.s32 s5, s10  }
0x11: {  	s26 =	sadd.s32 s14, s2;
	s2 =	sadd.s32 s15, s2;
	[dreg:$0x11] =	wrdreg s0  }
0x12: {  	s10 =	simm.s32 $0x1C00;
	s18 =	sadd.s32 s14, s17;
	s19 =	smul.u32 $0x19, s13  }
0x13: {  	s20 =	sadd.s32 s15, s17;
	s21 =	sadd.s32 s4, s12;
	[dreg:$0xa] =	wrdreg s22  }
0x14: {  	s24 =	smul.u32 $0x7D, s13;
	s25 =	sshll.u32 s13, $0x3;
	[dreg:$0xf] =	wrdreg s26  }
0x15: {  	[dreg:$0x10] =	wrdreg s2;
	s2 =	simm.s32 $0xC00;
	s17 =	simm.s32 $0x1000  }
0x16: {  	s22 =	simm.s32 $0xEE00;
	s26 =	simm.s32 $0x1400;
	[dreg:$0x7] =	wrdreg s18  }
0x17: {  	v0 =	vlaneseq.u32;
	s13 =	simm.s32 $0x15600;
	s12 =	simm.s32 $0x8;
	[dreg:$0x8] =	wrdreg s20  }
0x18: {  	v1 =	vmul.u32 $0x80, v0;
	[dreg:$0x9] =	wrdreg s21;
	s18 =	simm.s32 $0x1C80;
	s20 =	simm.s32 $0x1D80  }
.Ltmp0:
0x19: {  	s21 =	simm.s32 $0x5;
	s23 =	sadd.s32 s14, s19;
	(pc) =	sbr.rel .LBB2_1-.Ltmp0, $4  }
0x1a: {  	v2 =	vor.u32 $0x800, v1;
	v5 =	vor.u32 $0x1800, v1;
	v6 =	vor.u32 $0x2000, v1;
	s3 =	sadd.s32 s15, s19;
	s4 =	sadd.s32 s4, s24;
	[dreg:$0xb] =	wrdreg s23  }
0x1b: {  	v7 =	vor.u32 $0x2800, v1;
	v8 =	vor.u32 $0x3000, v1;
	v9 =	vor.u32 $0x3800, v1;
	s14 =	simm.s32 $0x8600;
	s19 =	simm.s32 $0x1800;
	[dreg:$0xc] =	wrdreg s3  }
0x1c: {  	v10 =	vor.u32 $0x4000, v1;
	v11 =	vor.u32 $0x4800, v1;
	[tilespmem:$0x1FFE0] =	vst v2;
	v2 =	vor.u32 $0x1000, v1;
	s24 =	simm.s32 $0x6;
	[dreg:$0xd] =	wrdreg s4;
	s3 =	sadd.s32 s5, s25  }
0x1d: {  	v12 =	vor.u32 $0x5000, v1;
	v13 =	vor.u32 $0x5800, v1;
	v4 =	vmovc v1;
	v14 =	vor.u32 $0x6000, v1;
	[tilespmem:$0x1FFF0] =	vst v2;
	s4 =	smov.u32 s5;
	s5 =	simm.s32 $0x0;
	[dreg:$0xe] =	wrdreg s3  }
.LBB2_26:
0x1e: {  	s0 =	simm.s32 $0x9  }
0x1f: {  	_ =	swait.ge [sflag:s0], $0xD0  }
0x20: {  	[sflag:s0] =	ssyncset.done $0x0  }
0x21: {  	s3 =	simm.s32 $0xA;
	[sflag:s0] =	ssyncadd.s32 $0xFFFFFF30  }
0x22: {  	_ =	swait.ge [sflag:s3], $0xD0  }
0x23: {  	s5 =	rddreg [dreg:$0x14]  }
0x24: {  	s25 =	rddreg [dreg:$0x11];
	s5 =	sadd.s32 $0x1, s5  }
0x25: {  	p0 =	sne.s32 s5, s25  }
.Ltmp1:
0x26: {  	_ = 	snop;
	(pc) =	sbr.rel @!p0 .LBB2_27-.Ltmp1, $3  }
0x27: {  	_ =	sdelay $0x1  }
0x28: {  	[sflag:s3] =	ssyncset.done $0x0  }
0x29: {  	[sflag:s3] =	ssyncadd.s32 $0xFFFFFF30  }
.LBB2_1:
0x2a: {  	v1 =	vimm.s32 $0x0  }
0x2b: {  	[tilespmem:$0xC0] =	vst v1  }
0x2c: {  	[tilespmem:$0x4C0] =	vst v1  }
0x2d: {  	[tilespmem:$0x1C0] =	vst v1  }
0x2e: {  	[tilespmem:$0x5C0] =	vst v1  }
0x2f: {  	[tilespmem:$0x2C0] =	vst v1  }
0x30: {  	[tilespmem:$0x6C0] =	vst v1  }
0x31: {  	[dreg:$0x14] =	wrdreg s5;
	[tilespmem:$0x3C0] =	vst v1  }
0x32: {  	s0 =	rddreg [dreg:$0x3];
	s3 =	simm.s32 $0xB;
	[tilespmem:$0x7C0] =	vst v1  }
0x33: {  	[tilespmem:s1], [sflag:$0xB] =	stream.linear.gather [hbm4b:s0+s1], $0xC8, $0x38;
	[tilespmem:$0x1E000] =	vst v63  }
0x34: {  	_ =	swait.ge [sflag:s3], $0xC8  }
0x35: {  	[sflag:s3] =	ssyncset.done $0x0  }
0x36: {  	s15 =	simm.s32 $0x400;
	s6 =	rddreg [dreg:$0x4];
	[sflag:s3] =	ssyncadd.s32 $0xFFFFFF38  }
0x37: {  	[tilespmem:s15], [sflag:$0xB] =	stream.linear.gather [hbm4b:s6+s1], $0xC8, $0x38;
	[tilespmem:$0x1E000] =	vst v63  }
0x38: {  	_ =	swait.ge [sflag:s3], $0xC8  }
0x39: {  	[sflag:s3] =	ssyncset.done $0x0  }
0x3a: {  	[sflag:s3] =	ssyncadd.s32 $0xFFFFFF38  }
0x3b: {  	v15 =	vld [tilespmem:$0x400]  }
0x3c: {  	v16 =	vld [tilespmem:$0x410]  }
0x3d: {  	v17 =	vld [tilespmem:$0x420]  }
0x3e: {  	v18 =	vld [tilespmem:$0x430]  }
0x3f: {  	v19 =	vld [tilespmem:$0x440]  }
0x40: {  	v20 =	vld [tilespmem:$0x450];
	v15 =	vshrl.u32 v15, $0x1  }
0x41: {  	v33 =	vld [tilespmem:$0x460];
	[tilespmem:$0x800] =	vst v15;
	v15 =	vshrl.u32 v16, $0x1  }
0x42: {  	v34 =	vld [tilespmem:$0x470];
	[tilespmem:$0x810] =	vst v15;
	v15 =	vshrl.u32 v17, $0x1  }
0x43: {  	v35 =	vld [tilespmem:$0x480];
	[tilespmem:$0x820] =	vst v15;
	v15 =	vshrl.u32 v18, $0x1  }
0x44: {  	v36 =	vld [tilespmem:$0x490];
	[tilespmem:$0x830] =	vst v15;
	v15 =	vshrl.u32 v19, $0x1  }
0x45: {  	v37 =	vld [tilespmem:$0x4A0];
	[tilespmem:$0x840] =	vst v15;
	v15 =	vshrl.u32 v20, $0x1  }
0x46: {  	v38 =	vld [tilespmem:$0x4B0];
	[tilespmem:$0x850] =	vst v15;
	v15 =	vshrl.u32 v33, $0x1  }
0x47: {  	v39 =	vld [tilespmem:$0x4C0];
	[tilespmem:$0x860] =	vst v15;
	v15 =	vshrl.u32 v34, $0x1  }
0x48: {  	[tilespmem:$0x870] =	vst v15;
	v15 =	vshrl.u32 v35, $0x1  }
0x49: {  	[tilespmem:$0x880] =	vst v15;
	v15 =	vshrl.u32 v36, $0x1  }
0x4a: {  	[tilespmem:$0x890] =	vst v15;
	v15 =	vshrl.u32 v37, $0x1  }
0x4b: {  	[tilespmem:$0x8A0] =	vst v15;
	v15 =	vshrl.u32 v38, $0x1  }
0x4c: {  	[tilespmem:$0x8B0] =	vst v15;
	v15 =	vshrl.u32 v39, $0x1  }
0x4d: {  	s15 =	simm.s32 $0x800;
	[tilespmem:$0x8C0] =	vst v15  }
0x4e: {  	[tilespmem:s30], [sflag:$0x5] =	stream.indirect.gather [hbm4b:s7+s28], $0x80, s15, s28, $0xb8;
	[tilespmem:$0x1E000] =	vst v63  }
0x4f: {  	s16 =	simm.s32 $0x868;
	s23 =	simm.s32 $0x5200  }
0x50: {  	[tilespmem:s23], [sflag:$0x5] =	stream.indirect.gather [hbm4b:s7+s28], $0x80, s16, s28, $0xb8;
	[tilespmem:$0x1E000] =	vst v63  }
0x51: {  	s25 =	rddreg [dreg:$0x5]  }
0x52: {  	[tilespmem:s2], [sflag:$0x5] =	stream.linear.gather [hbm4b:s25+s1], $0x3E8, $0x38;
	[tilespmem:$0x1E000] =	vst v63  }
0x53: {  	s5 =	rddreg [dreg:$0x6]  }
0x54: {  	[tilespmem:s10], [sflag:$0x5] =	stream.linear.gather [hbm4b:s5+s1], $0x40, $0x38;
	[tilespmem:$0x1E000] =	vst v63  }
0x55: {  	s6 =	rddreg [dreg:$0x7];
	s15 =	simm.s32 $0x100  }
0x56: {  	[tilespmem:s15], [sflag:$0xB] =	stream.linear.gather [hbm4b:s6+s1], $0xC8, $0x38;
	[tilespmem:$0x1E000] =	vst v63  }
0x57: {  	_ =	swait.ge [sflag:s3], $0xC8  }
0x58: {  	[sflag:s3] =	ssyncset.done $0x0  }
0x59: {  	s23 =	simm.s32 $0x500;
	s16 =	rddreg [dreg:$0x8];
	[sflag:s3] =	ssyncadd.s32 $0xFFFFFF38  }
0x5a: {  	[tilespmem:s23], [sflag:$0xB] =	stream.linear.gather [hbm4b:s16+s1], $0xC8, $0x38;
	[tilespmem:$0x1E000] =	vst v63  }
0x5b: {  	_ =	swait.ge [sflag:s3], $0xC8  }
0x5c: {  	[sflag:s3] =	ssyncset.done $0x0  }
0x5d: {  	[sflag:s3] =	ssyncadd.s32 $0xFFFFFF38  }
0x5e: {  	v15 =	vld [tilespmem:$0x500]  }
0x5f: {  	v40 =	vld [tilespmem:$0x510]  }
0x60: {  	v41 =	vld [tilespmem:$0x520]  }
0x61: {  	v42 =	vld [tilespmem:$0x530]  }
0x62: {  	v43 =	vld [tilespmem:$0x540]  }
0x63: {  	v44 =	vld [tilespmem:$0x550];
	v15 =	vshrl.u32 v15, $0x1  }
0x64: {  	v45 =	vld [tilespmem:$0x560];
	[tilespmem:$0x900] =	vst v15;
	v15 =	vshrl.u32 v40, $0x1  }
0x65: {  	v46 =	vld [tilespmem:$0x570];
	[tilespmem:$0x910] =	vst v15;
	v15 =	vshrl.u32 v41, $0x1  }
0x66: {  	v47 =	vld [tilespmem:$0x580];
	[tilespmem:$0x920] =	vst v15;
	v15 =	vshrl.u32 v42, $0x1  }
0x67: {  	v48 =	vld [tilespmem:$0x590];
	[tilespmem:$0x930] =	vst v15;
	v15 =	vshrl.u32 v43, $0x1  }
0x68: {  	v49 =	vld [tilespmem:$0x5A0];
	[tilespmem:$0x940] =	vst v15;
	v15 =	vshrl.u32 v44, $0x1  }
0x69: {  	v50 =	vld [tilespmem:$0x5B0];
	[tilespmem:$0x950] =	vst v15;
	v15 =	vshrl.u32 v45, $0x1  }
0x6a: {  	v51 =	vld [tilespmem:$0x5C0];
	[tilespmem:$0x960] =	vst v15;
	v15 =	vshrl.u32 v46, $0x1  }
0x6b: {  	[tilespmem:$0x970] =	vst v15;
	v15 =	vshrl.u32 v47, $0x1  }
0x6c: {  	[tilespmem:$0x980] =	vst v15;
	v15 =	vshrl.u32 v48, $0x1  }
0x6d: {  	[tilespmem:$0x990] =	vst v15;
	v15 =	vshrl.u32 v49, $0x1  }
0x6e: {  	[tilespmem:$0x9A0] =	vst v15;
	v15 =	vshrl.u32 v50, $0x1  }
0x6f: {  	[tilespmem:$0x9B0] =	vst v15;
	v15 =	vshrl.u32 v51, $0x1  }
0x70: {  	s25 =	simm.s32 $0x900;
	[tilespmem:$0x9C0] =	vst v15  }
0x71: {  	[tilespmem:s14], [sflag:$0x6] =	stream.indirect.gather [hbm4b:s7+s28], $0x80, s25, s28, $0xb8;
	[tilespmem:$0x1E000] =	vst v63  }
0x72: {  	s5 =	simm.s32 $0x968;
	s6 =	simm.s32 $0xBA00  }
0x73: {  	[tilespmem:s6], [sflag:$0x6] =	stream.indirect.gather [hbm4b:s7+s28], $0x80, s5, s28, $0xb8;
	[tilespmem:$0x1E000] =	vst v63  }
0x74: {  	s15 =	rddreg [dreg:$0x9]  }
0x75: {  	[tilespmem:s17], [sflag:$0x6] =	stream.linear.gather [hbm4b:s15+s1], $0x3E8, $0x38;
	[tilespmem:$0x1E000] =	vst v63  }
0x76: {  	s16 =	rddreg [dreg:$0xa]  }
0x77: {  	[tilespmem:s18], [sflag:$0x6] =	stream.linear.gather [hbm4b:s16+s1], $0x40, $0x38;
	[tilespmem:$0x1E000] =	vst v63  }
0x78: {  	s23 =	rddreg [dreg:$0xb];
	s25 =	simm.s32 $0x200  }
0x79: {  	[tilespmem:s25], [sflag:$0xB] =	stream.linear.gather [hbm4b:s23+s1], $0xC8, $0x38;
	[tilespmem:$0x1E000] =	vst v63  }
0x7a: {  	_ =	swait.ge [sflag:s3], $0xC8  }
0x7b: {  	[sflag:s3] =	ssyncset.done $0x0  }
0x7c: {  	s15 =	simm.s32 $0x600;
	s6 =	rddreg [dreg:$0xc];
	[sflag:s3] =	ssyncadd.s32 $0xFFFFFF38  }
0x7d: {  	[tilespmem:s15], [sflag:$0xB] =	stream.linear.gather [hbm4b:s6+s1], $0xC8, $0x38;
	[tilespmem:$0x1E000] =	vst v63  }
0x7e: {  	_ =	swait.ge [sflag:s3], $0xC8  }
0x7f: {  	[sflag:s3] =	ssyncset.done $0x0  }
0x80: {  	[sflag:s3] =	ssyncadd.s32 $0xFFFFFF38  }
0x81: {  	v15 =	vld [tilespmem:$0x600]  }
0x82: {  	v52 =	vld [tilespmem:$0x610]  }
0x83: {  	v53 =	vld [tilespmem:$0x620]  }
0x84: {  	v54 =	vld [tilespmem:$0x630]  }
0x85: {  	v55 =	vld [tilespmem:$0x640]  }
0x86: {  	v56 =	vld [tilespmem:$0x650];
	v15 =	vshrl.u32 v15, $0x1  }
0x87: {  	v57 =	vld [tilespmem:$0x660];
	[tilespmem:$0xA00] =	vst v15;
	v15 =	vshrl.u32 v52, $0x1  }
0x88: {  	v58 =	vld [tilespmem:$0x670];
	[tilespmem:$0xA10] =	vst v15;
	v15 =	vshrl.u32 v53, $0x1  }
0x89: {  	v59 =	vld [tilespmem:$0x680];
	[tilespmem:$0xA20] =	vst v15;
	v15 =	vshrl.u32 v54, $0x1  }
0x8a: {  	v60 =	vld [tilespmem:$0x690];
	[tilespmem:$0xA30] =	vst v15;
	v15 =	vshrl.u32 v55, $0x1  }
0x8b: {  	v61 =	vld [tilespmem:$0x6A0];
	[tilespmem:$0xA40] =	vst v15;
	v15 =	vshrl.u32 v56, $0x1  }
0x8c: {  	v62 =	vld [tilespmem:$0x6B0];
	[tilespmem:$0xA50] =	vst v15;
	v15 =	vshrl.u32 v57, $0x1  }
0x8d: {  	v63 =	vld [tilespmem:$0x6C0];
	[tilespmem:$0xA60] =	vst v15;
	v15 =	vshrl.u32 v58, $0x1  }
0x8e: {  	[tilespmem:$0xA70] =	vst v15;
	v15 =	vshrl.u32 v59, $0x1  }
0x8f: {  	[tilespmem:$0xA80] =	vst v15;
	v15 =	vshrl.u32 v60, $0x1  }
0x90: {  	[tilespmem:$0xA90] =	vst v15;
	v15 =	vshrl.u32 v61, $0x1  }
0x91: {  	[tilespmem:$0xAA0] =	vst v15;
	v15 =	vshrl.u32 v62, $0x1  }
0x92: {  	[tilespmem:$0xAB0] =	vst v15;
	v15 =	vshrl.u32 v63, $0x1  }
0x93: {  	s16 =	simm.s32 $0xA00;
	[tilespmem:$0xAC0] =	vst v15  }
0x94: {  	[tilespmem:s22], [sflag:$0x7] =	stream.indirect.gather [hbm4b:s7+s28], $0x80, s16, s28, $0xb8;
	[tilespmem:$0x1E000] =	vst v63  }
0x95: {  	s23 =	simm.s32 $0xA68;
	s25 =	simm.s32 $0x12200  }
0x96: {  	[tilespmem:s25], [sflag:$0x7] =	stream.indirect.gather [hbm4b:s7+s28], $0x80, s23, s28, $0xb8;
	[tilespmem:$0x1E000] =	vst v63  }
0x97: {  	s5 =	rddreg [dreg:$0xd]  }
0x98: {  	[tilespmem:s26], [sflag:$0x7] =	stream.linear.gather [hbm4b:s5+s1], $0x3E8, $0x38;
	[tilespmem:$0x1E000] =	vst v63  }
0x99: {  	s6 =	rddreg [dreg:$0xe]  }
0x9a: {  	[tilespmem:s29], [sflag:$0x7] =	stream.linear.gather [hbm4b:s6+s1], $0x40, $0x38;
	[tilespmem:$0x1E000] =	vst v63  }
0x9b: {  	s15 =	rddreg [dreg:$0xf];
	s16 =	simm.s32 $0x300  }
0x9c: {  	[tilespmem:s16], [sflag:$0x4] =	stream.linear.gather [hbm4b:s15+s1], $0xC8, $0x38;
	[tilespmem:$0x1E000] =	vst v63  }
0x9d: {  	s23 =	rddreg [dreg:$0x10];
	s25 =	simm.s32 $0x700;
	s16 =	simm.s32 $0x0  }
0x9e: {  	[tilespmem:s25], [sflag:$0x4] =	stream.linear.gather [hbm4b:s23+s1], $0xC8, $0x38;
	[tilespmem:$0x1E000] =	vst v63  }
.LBB2_2:
0x9f: {  	_ =	swait.ge [sflag:s11], $0xC8  }
0xa0: {  	[sflag:s11] =	ssyncset.done $0x0  }
0xa1: {  	[sflag:s11] =	ssyncadd.s32 $0xFFFFFF38  }
0xa2: {  	_ =	swait.ge [sflag:s11], $0xC8  }
0xa3: {  	[sflag:s11] =	ssyncset.done $0x0  }
0xa4: {  	[sflag:s11] =	ssyncadd.s32 $0xFFFFFF38  }
0xa5: {  	v15 =	vld [tilespmem:$0x700]  }
0xa6: {  	v16 =	vld [tilespmem:$0x710]  }
0xa7: {  	v17 =	vld [tilespmem:$0x720]  }
0xa8: {  	v18 =	vld [tilespmem:$0x730]  }
0xa9: {  	v19 =	vld [tilespmem:$0x740]  }
0xaa: {  	v20 =	vld [tilespmem:$0x750];
	v15 =	vshrl.u32 v15, $0x1  }
0xab: {  	[tilespmem:$0xB00] =	vst v15;
	v15 =	vshrl.u32 v16, $0x1;
	v16 =	vld [tilespmem:$0x760]  }
0xac: {  	[tilespmem:$0xB10] =	vst v15;
	v15 =	vshrl.u32 v17, $0x1;
	v17 =	vld [tilespmem:$0x770]  }
0xad: {  	[tilespmem:$0xB20] =	vst v15;
	v15 =	vshrl.u32 v18, $0x1;
	v18 =	vld [tilespmem:$0x780]  }
0xae: {  	[tilespmem:$0xB30] =	vst v15;
	v15 =	vshrl.u32 v19, $0x1;
	v19 =	vld [tilespmem:$0x790]  }
0xaf: {  	[tilespmem:$0xB40] =	vst v15;
	v15 =	vshrl.u32 v20, $0x1;
	v20 =	vld [tilespmem:$0x7A0]  }
0xb0: {  	[tilespmem:$0xB50] =	vst v15;
	v15 =	vshrl.u32 v16, $0x1;
	v16 =	vld [tilespmem:$0x7B0]  }
0xb1: {  	[tilespmem:$0xB60] =	vst v15;
	v15 =	vshrl.u32 v17, $0x1;
	v17 =	vld [tilespmem:$0x7C0]  }
0xb2: {  	[tilespmem:$0xB70] =	vst v15;
	v15 =	vshrl.u32 v18, $0x1  }
0xb3: {  	[tilespmem:$0xB80] =	vst v15;
	v15 =	vshrl.u32 v19, $0x1  }
0xb4: {  	[tilespmem:$0xB90] =	vst v15;
	v15 =	vshrl.u32 v20, $0x1  }
0xb5: {  	s25 =	sshll.u32 s16, $0x2;
	[tilespmem:$0xBA0] =	vst v15;
	v15 =	vshrl.u32 v16, $0x1  }
0xb6: {  	s0 =	sor.u32 s9, s25;
	[tilespmem:$0xBB0] =	vst v15;
	v15 =	vshrl.u32 v17, $0x1  }
0xb7: {  	s5 =	simm.s32 $0xB00;
	s3 =	sor.u32 $0x3, s0;
	[tilespmem:$0xBC0] =	vst v15  }
0xb8: {  	[tilespmem:s13], [sflag:$0x8] =	stream.indirect.gather [hbm4b:s7+s28], $0x80, s5, s28, $0xb8;
	[tilespmem:$0x1E000] =	vst v63  }
0xb9: {  	s23 =	simm.s32 $0xB68;
	s6 =	simm.s32 $0x18A00;
	s15 =	smul.u32 $0x7D, s3  }
0xba: {  	[tilespmem:s6], [sflag:$0x8] =	stream.indirect.gather [hbm4b:s7+s28], $0x80, s23, s28, $0xb8;
	[tilespmem:$0x1E000] =	vst v63  }
0xbb: {  	s3 =	sshll.u32 s3, $0x3;
	s23 =	rddreg [dreg:$0x13]  }
0xbc: {  	s3 =	sand.u32 $0x1FFFFFF8, s3;
	s15 =	sadd.s32 s23, s15  }
0xbd: {  	[tilespmem:s19], [sflag:$0x8] =	stream.linear.gather [hbm4b:s15+s1], $0x3E8, $0x38;
	[tilespmem:$0x1E000] =	vst v63  }
0xbe: {  	s3 =	sadd.s32 s4, s3  }
0xbf: {  	[tilespmem:s20], [sflag:$0x8] =	stream.linear.gather [hbm4b:s3+s1], $0x40, $0x38;
	[tilespmem:$0x1E000] =	vst v63  }
0xc0: {  	_ =	swait.ge [sflag:s21], $0x3400  }
0xc1: {  	[sflag:s21] =	ssyncset.done $0x0  }
0xc2: {  	[sflag:s21] =	ssyncadd.s32 $0xFFFFCC00  }
0xc3: {  	_ =	swait.ge [sflag:s21], $0x3400  }
0xc4: {  	[sflag:s21] =	ssyncset.done $0x0  }
0xc5: {  	[sflag:s21] =	ssyncadd.s32 $0xFFFFCC00  }
0xc6: {  	_ =	swait.ge [sflag:s21], $0x3E8  }
0xc7: {  	[sflag:s21] =	ssyncset.done $0x0  }
0xc8: {  	[sflag:s21] =	ssyncadd.s32 $0xFFFFFC18  }
0xc9: {  	_ =	swait.ge [sflag:s21], $0x40  }
0xca: {  	p1 =	seq.s32 s16, $0x0;
	[sflag:s21] =	ssyncset.done $0x0  }
0xcb: {  	s3 =	simm.s32 @!p1 $0x9;
	[sflag:s21] =	ssyncadd.s32 $0xFFFFFFC0  }
0xcc: {  	_ =	swait.ge @!p1 [sflag:s3], $0xD0  }
0xcd: {  	[sflag:s3] =	ssyncset.done @!p1 $0x0  }
0xce: {  	[sflag:s3] =	ssyncadd.s32 @!p1 $0xFFFFFF30  }
0xcf: {  	v27 =	vld [tilespmem:$0x400]  }
0xd0: {  	s6 =	simm.s32 $0x0;
	v25 =	vld [tilespmem:$0x410]  }
0xd1: {  	v28 =	vadd.s32 s6, v0;
	v26 =	vld [tilespmem:$0x420]  }
0xd2: {  	v28 =	vand.u32 $0x3F, v28;
	v24 =	vld [tilespmem:$0x430]  }
0xd3: {  	v22 =	vld [tilespmem:$0x440]  }
0xd4: {  	v23 =	vld [tilespmem:$0x450]  }
0xd5: {  	v21 =	vld [tilespmem:$0x460]  }
0xd6: {  	s5 =	simm.s32 $0x1;
	v19 =	vld [tilespmem:$0x470]  }
0xd7: {  	v29 =	vadd.s32 s5, v0;
	v28 =	vld.idx.msk [tilespmem:v28+s10+$0x0], $0xffff  }
0xd8: {  	v29 =	vand.u32 $0x3F, v29;
	v20 =	vld [tilespmem:$0x480]  }
0xd9: {  	v17 =	vld [tilespmem:$0x490]  }
0xda: {  	v15 =	vld [tilespmem:$0x4A0]  }
0xdb: {  	s3 =	simm.s32 $0x1C000;
	v16 =	vld [tilespmem:$0x4B0]  }
0xdc: {  	s6 =	simm.s32 $0x2;
	v18 =	vld [tilespmem:$0x4C0];
	[tilespmem:s3+$0x0] =	vst v28  }
0xdd: {  	s23 =	sshllo.u32 s16, $0x2;
	s15 =	simm.s32 $0x3;
	v28 =	vld.idx.msk [tilespmem:v29+s10+$0x0], $0xffff;
	v29 =	vadd.s32 s6, v0  }
.LBB2_3:
0xde: {  	p0 =	seq.s32 s15, $0x3F;
	v29 =	vand.u32 $0x3F, v29;
	_ =	sdelay $0x1  }
.Ltmp2:
0xdf: {  	(pc) =	sbr.rel @!p0 .LBB2_3-.Ltmp2, $4  }
0xe0: {  	s3 =	sadd.s32 $0x80, s3  }
0xe1: {  	[tilespmem:s3+$0x0] =	vst v28  }
0xe2: {  	v28 =	vld.idx.msk [tilespmem:v29+s10+$0x0], $0xffff  }
0xe3: {  	v29 =	vadd.s32 s15, v0;
	s15 =	sadd.s32 $0x1, s15  }
0xe4: {  	v29 =	vand.u32 $0x3F, v29  }
0xe5: {  	v27 =	vshll.u32 v27, $0x6;
	v25 =	vshll.u32 v25, $0x6;
	v24 =	vshll.u32 v24, $0x6  }
0xe6: {  	v22 =	vshll.u32 v22, $0x6;
	v21 =	vshll.u32 v21, $0x6;
	v20 =	vshll.u32 v20, $0x6  }
0xe7: {  	v17 =	vshll.u32 v17, $0x6;
	v15 =	vshll.u32 v15, $0x6;
	v16 =	vshll.u32 v16, $0x6  }
0xe8: {  	v18 =	vshll.u32 v18, $0x6;
	v1 =	vld [tilespmem:$0x1FFE0];
	v27 =	vand.u32 $0x40, v27;
	v25 =	vand.u32 $0x40, v25  }
0xe9: {  	v24 =	vand.u32 $0x40, v24;
	v22 =	vand.u32 $0x40, v22;
	v21 =	vand.u32 $0x40, v21  }
0xea: {  	v20 =	vand.u32 $0x40, v20;
	v17 =	vand.u32 $0x40, v17;
	v15 =	vand.u32 $0x40, v15  }
0xeb: {  	s3 =	sadd.s32 $0x80, s3;
	s5 =	simm.s32 $0x0;
	v16 =	vand.u32 $0x40, v16;
	v18 =	vand.u32 $0x40, v18;
	v34 =	vor.u32 v4, v27  }
0xec: {  	v27 =	vor.u32 v8, v21;
	v21 =	vor.u32 v12, v15;
	v15 =	vadd.s32 s5, v0;
	[tilespmem:s3+$0x0] =	vst v28  }
0xed: {  	v36 =	vor.u32 v14, v18;
	v15 =	vand.u32 $0x3F, v15;
	v28 =	vld.idx.msk [tilespmem:v29+s10+$0x0], $0xffff;
	v31 =	vor.u32 v1, v25  }
0xee: {  	v25 =	vor.u32 v10, v20;
	v20 =	vor.u32 v13, v16;
	v16 =	vor.u32 v15, v36  }
0xef: {  	v33 =	vor.u32 v5, v24;
	v24 =	vor.u32 v11, v17;
	v17 =	vor.u32 v15, v34  }
0xf0: {  	v30 =	vor.u32 v6, v22;
	v18 =	vor.u32 v15, v31  }
0xf1: {  	s3 =	sadd.s32 $0x80, s3;
	v29 =	vor.u32 v15, v30  }
0xf2: {  	v38 =	vor.u32 v15, v27;
	v1 =	vld [tilespmem:$0x1FFF0];
	[tilespmem:s3+$0x0] =	vst v28  }
0xf3: {  	v40 =	vor.u32 v15, v25;
	v35 =	vld.idx.msk [tilespmem:v16+s30+$0x0], $0xffff  }
0xf4: {  	v41 =	vor.u32 v15, v24;
	v17 =	vld.idx.msk [tilespmem:v17+s30+$0x0], $0xffff  }
0xf5: {  	v42 =	vor.u32 v15, v21;
	v18 =	vld.idx.msk [tilespmem:v18+s30+$0x0], $0xffff  }
0xf6: {  	v43 =	vor.u32 v15, v20;
	v29 =	vld.idx.msk [tilespmem:v29+s30+$0x0], $0xffff  }
0xf7: {  	v38 =	vld.idx.msk [tilespmem:v38+s30+$0x0], $0xffff  }
0xf8: {  	v26 =	vshll.u32 v26, $0x6;
	v40 =	vld.idx.msk [tilespmem:v40+s30+$0x0], $0xffff  }
0xf9: {  	v23 =	vshll.u32 v23, $0x6;
	v19 =	vshll.u32 v19, $0x6;
	v26 =	vand.u32 $0x40, v26;
	v41 =	vld.idx.msk [tilespmem:v41+s30+$0x0], $0xffff  }
0xfa: {  	v23 =	vand.u32 $0x40, v23;
	v19 =	vand.u32 $0x40, v19;
	v22 =	vimm.f32 $0.0e+00;
	v42 =	vld.idx.msk [tilespmem:v42+s30+$0x0], $0xffff  }
0xfb: {  	v32 =	vor.u32 v1, v26;
	v28 =	vor.u32 v7, v23;
	v26 =	vor.u32 v9, v19;
	v43 =	vld.idx.msk [tilespmem:v43+s30+$0x0], $0xffff  }
0xfc: {  	v23 =	vor.u32 v15, v33;
	v19 =	vor.u32 v15, v32;
	v37 =	vor.u32 v15, v28  }
0xfd: {  	v39 =	vor.u32 v15, v26;
	v15 =	vshrl.u32 v35, $0x10;
	v44 =	vshrl.u32 v17, $0x10  }
0xfe: {  	v45 =	vshrl.u32 v18, $0x10;
	v47 =	vshrl.u32 v29, $0x10;
	v54 =	vshrl.u32 v38, $0x10  }
0xff: {  	v57 =	vshrl.u32 v40, $0x10;
	v59 =	vshrl.u32 v41, $0x10;
	v60 =	vshrl.u32 v42, $0x10  }
0x100: {  	v62 =	vshrl.u32 v43, $0x10;
	v15 =	vand.u32 $0x1, v15;
	v44 =	vand.u32 $0x1, v44  }
0x101: {  	v50 =	vand.u32 $0x1, v45;
	v52 =	vand.u32 $0x1, v47;
	v55 =	vand.u32 $0x1, v54  }
0x102: {  	s6 =	simm.s32 $0x1;
	v58 =	vand.u32 $0x1, v57;
	v61 =	vand.u32 $0x1, v60;
	v63 =	vand.u32 $0x1, v62  }
0x103: {  	v23 =	vld.idx.msk [tilespmem:v23+s30+$0x0], $0xffff;
	v54 =	vadd.s32 s6, v0;
	v15 =	vadd.s32 v15, v35;
	v17 =	vadd.s32 v44, v17  }
0x104: {  	s15 =	simm.s32 $0x1C000;
	v18 =	vadd.s32 v50, v18;
	v29 =	vadd.s32 v52, v29;
	v35 =	vadd.s32 v55, v38  }
0x105: {  	v16 =	vld [tilespmem:s15+$0x0];
	v38 =	vadd.s32 v58, v40;
	v40 =	vadd.s32 v61, v42;
	v42 =	vadd.s32 v63, v43  }
0x106: {  	v19 =	vld.idx.msk [tilespmem:v19+s30+$0x0], $0xffff;
	v43 =	vimm.f32 $0.0e+00;
	v15 =	vadd.s32 $0x7FFF, v15;
	v17 =	vadd.s32 $0x7FFF, v17  }
0x107: {  	v37 =	vld.idx.msk [tilespmem:v37+s30+$0x0], $0xffff;
	v18 =	vadd.s32 $0x7FFF, v18;
	v29 =	vadd.s32 $0x7FFF, v29;
	v35 =	vadd.s32 $0x7FFF, v35  }
0x108: {  	v39 =	vld.idx.msk [tilespmem:v39+s30+$0x0], $0xffff;
	v38 =	vadd.s32 $0x7FFF, v38;
	v40 =	vadd.s32 $0x7FFF, v40;
	v46 =	vshrl.u32 v23, $0x10  }
0x109: {  	v15 =	vand.u32 $0xFFFF0000, v15;
	v17 =	vand.u32 $0xFFFF0000, v17;
	v52 =	vand.u32 $0xFFFF0000, v18  }
0x10a: {  	v18 =	vadd.s32 $0x7FFF, v42;
	v49 =	vand.u32 $0xFFFF0000, v29;
	v47 =	vand.u32 $0xFFFF0000, v35  }
0x10b: {  	v42 =	vand.u32 $0xFFFF0000, v40;
	v40 =	vimm.f32 $0.0e+00;
	v35 =	vimm.f32 $0.0e+00  }
0x10c: {  	v29 =	vimm.f32 $0.0e+00;
	v51 =	vshrl.u32 v19, $0x10;
	v46 =	vand.u32 $0x1, v46  }
0x10d: {  	v15 =	vmul.f32 v15, v16;
	v53 =	vshrl.u32 v37, $0x10;
	v56 =	vshrl.u32 v39, $0x10  }
0x10e: {  	v45 =	vand.u32 $0x1, v51;
	v23 =	vadd.s32 v46, v23;
	v44 =	vand.u32 $0x1, v53  }
0x10f: {  	v53 =	vmul.f32 v17, v16;
	v17 =	vimm.f32 $0.0e+00;
	v19 =	vadd.s32 v45, v19  }
0x110: {  	v15 =	vadd.f32 v15, v22;
	v37 =	vadd.s32 v44, v37;
	v45 =	vand.u32 $0x1, v56  }
0x111: {  	v44 =	vand.u32 $0x1, v59;
	v23 =	vadd.s32 $0x7FFF, v23;
	v39 =	vadd.s32 v45, v39  }
0x112: {  	v41 =	vadd.s32 v44, v41;
	v19 =	vadd.s32 $0x7FFF, v19;
	v37 =	vadd.s32 $0x7FFF, v37  }
0x113: {  	v50 =	vand.u32 $0xFFFF0000, v23;
	v45 =	vand.u32 $0xFFFF0000, v38;
	v38 =	vimm.f32 $0.0e+00  }
0x114: {  	v23 =	vimm.f32 $0.0e+00;
	v39 =	vadd.s32 $0x7FFF, v39;
	v41 =	vadd.s32 $0x7FFF, v41  }
0x115: {  	v51 =	vand.u32 $0xFFFF0000, v19;
	v48 =	vand.u32 $0xFFFF0000, v37;
	v37 =	vimm.f32 $0.0e+00  }
0x116: {  	v19 =	vimm.f32 $0.0e+00;
	v46 =	vand.u32 $0xFFFF0000, v39;
	v44 =	vand.u32 $0xFFFF0000, v41  }
0x117: {  	s3 =	simm.s32 $0x2;
	v41 =	vand.u32 $0xFFFF0000, v18;
	v39 =	vimm.f32 $0.0e+00;
	v18 =	vimm.f32 $0.0e+00  }
.LBB2_5:
0x118: {  	p0 =	sne.s32 s3, $0x3F;
	v54 =	vand.u32 $0x3F, v54;
	v52 =	vmul.f32 v52, v16;
	v51 =	vmul.f32 v51, v16  }
0x119: {  	v55 =	vor.u32 v54, v34;
	v56 =	vor.u32 v54, v31;
	v57 =	vor.u32 v54, v36  }
0x11a: {  	v58 =	vor.u32 v54, v32;
	v59 =	vor.u32 v54, v33;
	v60 =	vor.u32 v54, v30  }
0x11b: {  	v61 =	vor.u32 v54, v28;
	v62 =	vor.u32 v54, v27;
	v63 =	vor.u32 v54, v26  }
0x11c: {  	v2 =	vor.u32 v54, v25;
	v3 =	vor.u32 v54, v24;
	v1 =	vor.u32 v54, v21  }
0x11d: {  	v50 =	vmul.f32 v50, v16;
	v49 =	vmul.f32 v49, v16;
	v54 =	vor.u32 v54, v20  }
0x11e: {  	v48 =	vmul.f32 v48, v16;
	v47 =	vmul.f32 v47, v16;
	v22 =	vadd.f32 v53, v22;
	v57 =	vld.idx.msk [tilespmem:v57+s30+$0x0], $0xffff  }
0x11f: {  	v46 =	vmul.f32 v46, v16;
	v45 =	vmul.f32 v45, v16;
	v43 =	vadd.f32 v52, v43;
	v53 =	vld.idx.msk [tilespmem:v55+s30+$0x0], $0xffff  }
0x120: {  	v44 =	vmul.f32 v44, v16;
	v42 =	vmul.f32 v42, v16;
	v40 =	vadd.f32 v51, v40;
	v52 =	vld.idx.msk [tilespmem:v56+s30+$0x0], $0xffff  }
0x121: {  	v41 =	vmul.f32 v41, v16;
	v39 =	vadd.f32 v50, v39;
	v38 =	vadd.f32 v49, v38;
	v51 =	vld.idx.msk [tilespmem:v58+s30+$0x0], $0xffff  }
0x122: {  	v37 =	vadd.f32 v48, v37;
	v35 =	vadd.f32 v47, v35;
	v49 =	vld.idx.msk [tilespmem:v59+s30+$0x0], $0xffff  }
0x123: {  	s15 =	sadd.s32 $0x80, s15;
	v29 =	vadd.f32 v46, v29;
	v23 =	vadd.f32 v45, v23;
	v47 =	vld.idx.msk [tilespmem:v60+s30+$0x0], $0xffff  }
0x124: {  	v19 =	vadd.f32 v44, v19;
	v18 =	vadd.f32 v42, v18;
	v45 =	vshrl.u32 v57, $0x10;
	v16 =	vld [tilespmem:s15+$0x0]  }
0x125: {  	v17 =	vadd.f32 v41, v17;
	v42 =	vshrl.u32 v53, $0x10;
	v45 =	vand.u32 $0x1, v45;
	v44 =	vld.idx.msk [tilespmem:v61+s30+$0x0], $0xffff  }
0x126: {  	v41 =	vand.u32 $0x1, v42;
	v42 =	vshrl.u32 v52, $0x10;
	v45 =	vadd.s32 v45, v57;
	v46 =	vld.idx.msk [tilespmem:v62+s30+$0x0], $0xffff  }
0x127: {  	v42 =	vand.u32 $0x1, v42;
	v48 =	vshrl.u32 v51, $0x10;
	v45 =	vadd.s32 $0x7FFF, v45;
	v50 =	vld.idx.msk [tilespmem:v63+s30+$0x0], $0xffff  }
0x128: {  	v48 =	vand.u32 $0x1, v48;
	v55 =	vshrl.u32 v49, $0x10;
	v45 =	vand.u32 $0xFFFF0000, v45;
	v2 =	vld.idx.msk [tilespmem:v2+s30+$0x0], $0xffff  }
0x129: {  	v55 =	vand.u32 $0x1, v55;
	v56 =	vshrl.u32 v47, $0x10;
	v3 =	vld.idx.msk [tilespmem:v3+s30+$0x0], $0xffff;
	v45 =	vmul.f32 v45, v16  }
0x12a: {  	v41 =	vadd.s32 v41, v53;
	v42 =	vadd.s32 v42, v52;
	v52 =	vand.u32 $0x1, v56;
	v1 =	vld.idx.msk [tilespmem:v1+s30+$0x0], $0xffff  }
0x12b: {  	v48 =	vadd.s32 v48, v51;
	v51 =	vshrl.u32 v44, $0x10;
	v53 =	vld.idx.msk [tilespmem:v54+s30+$0x0], $0xffff;
	v15 =	vadd.f32 v45, v15  }
0x12c: {  	v45 =	vadd.s32 v55, v49;
	v49 =	vand.u32 $0x1, v51;
	v51 =	vshrl.u32 v46, $0x10  }
0x12d: {  	v47 =	vadd.s32 v52, v47;
	v51 =	vand.u32 $0x1, v51;
	v52 =	vshrl.u32 v50, $0x10  }
0x12e: {  	v44 =	vadd.s32 v49, v44;
	v49 =	vand.u32 $0x1, v52;
	v52 =	vshrl.u32 v2, $0x10  }
0x12f: {  	v46 =	vadd.s32 v51, v46;
	v51 =	vand.u32 $0x1, v52;
	v52 =	vshrl.u32 v3, $0x10  }
0x130: {  	v49 =	vadd.s32 v49, v50;
	v50 =	vand.u32 $0x1, v52;
	v52 =	vshrl.u32 v1, $0x10  }
0x131: {  	v2 =	vadd.s32 v51, v2;
	v51 =	vand.u32 $0x1, v52;
	v52 =	vshrl.u32 v53, $0x10  }
0x132: {  	v3 =	vadd.s32 v50, v3;
	v1 =	vadd.s32 v51, v1;
	v50 =	vand.u32 $0x1, v52  }
0x133: {  	v41 =	vadd.s32 $0x7FFF, v41;
	v42 =	vadd.s32 $0x7FFF, v42;
	v50 =	vadd.s32 v50, v53  }
0x134: {  	v48 =	vadd.s32 $0x7FFF, v48;
	v47 =	vadd.s32 $0x7FFF, v47;
	v45 =	vadd.s32 $0x7FFF, v45  }
0x135: {  	v44 =	vadd.s32 $0x7FFF, v44;
	v46 =	vadd.s32 $0x7FFF, v46;
	v53 =	vadd.s32 $0x7FFF, v49  }
0x136: {  	v2 =	vadd.s32 $0x7FFF, v2;
	v3 =	vadd.s32 $0x7FFF, v3;
	v1 =	vadd.s32 $0x7FFF, v1  }
.Ltmp3:
0x137: {  	v41 =	vand.u32 $0xFFFF0000, v41;
	v52 =	vand.u32 $0xFFFF0000, v42;
	v55 =	vadd.s32 $0x7FFF, v50;
	(pc) =	sbr.rel @p0 .LBB2_5-.Ltmp3, $4  }
0x138: {  	v51 =	vand.u32 $0xFFFF0000, v48;
	v49 =	vand.u32 $0xFFFF0000, v47;
	v50 =	vand.u32 $0xFFFF0000, v45  }
0x139: {  	v48 =	vand.u32 $0xFFFF0000, v44;
	v47 =	vand.u32 $0xFFFF0000, v46;
	v46 =	vand.u32 $0xFFFF0000, v53  }
0x13a: {  	v44 =	vand.u32 $0xFFFF0000, v3;
	v45 =	vand.u32 $0xFFFF0000, v2;
	v42 =	vand.u32 $0xFFFF0000, v1  }
0x13b: {  	v54 =	vadd.s32 s3, v0;
	s3 =	sadd.s32 $0x1, s3;
	v53 =	vmul.f32 v41, v16;
	v41 =	vand.u32 $0xFFFF0000, v55  }
0x13c: {  	v1 =	vand.u32 $0x3F, v54  }
0x13d: {  	v2 =	vor.u32 v1, v34;
	_ =	sdelay $0x2  }
0x13e: {  	v3 =	vor.u32 v1, v36  }
0x13f: {  	v60 =	vld [tilespmem:$0x0];
	v31 =	vor.u32 v1, v31  }
0x140: {  	v32 =	vor.u32 v1, v32;
	v2 =	vld.idx.msk [tilespmem:v2+s30+$0x0], $0xffff  }
0x141: {  	s3 =	sadd.s32 $0x80, s15;
	v57 =	vld [tilespmem:$0x10];
	v33 =	vor.u32 v1, v33  }
0x142: {  	v61 =	vor.u32 v1, v30;
	v62 =	vor.u32 v1, v27;
	v27 =	vld [tilespmem:s3+$0x0]  }
0x143: {  	v30 =	vld.idx.msk [tilespmem:v3+s30+$0x0], $0xffff  }
0x144: {  	v3 =	vor.u32 v1, v28;
	v28 =	vld.idx.msk [tilespmem:v31+s30+$0x0], $0xffff  }
0x145: {  	v26 =	vor.u32 v1, v26;
	v31 =	vld.idx.msk [tilespmem:v32+s30+$0x0], $0xffff;
	v63 =	vshrl.u32 v2, $0x10  }
0x146: {  	v25 =	vor.u32 v1, v25;
	v32 =	vld.idx.msk [tilespmem:v33+s30+$0x0], $0xffff;
	v54 =	vand.u32 $0x1, v63  }
0x147: {  	v24 =	vor.u32 v1, v24;
	v36 =	vld.idx.msk [tilespmem:v61+s30+$0x0], $0xffff;
	v2 =	vadd.s32 v54, v2  }
0x148: {  	v21 =	vor.u32 v1, v21;
	v59 =	vld.idx.msk [tilespmem:v62+s30+$0x0], $0xffff;
	v2 =	vadd.s32 $0x7FFF, v2  }
0x149: {  	v34 =	vld.idx.msk [tilespmem:v60+s2+$0x0], $0xffff;
	v2 =	vand.u32 $0xFFFF0000, v2  }
0x14a: {  	v58 =	vadd.f32 v53, v22;
	v1 =	vor.u32 v1, v20;
	v26 =	vld.idx.msk [tilespmem:v26+s30+$0x0], $0xffff;
	v2 =	vmul.f32 v2, v27  }
0x14b: {  	v25 =	vld.idx.msk [tilespmem:v25+s30+$0x0], $0xffff  }
0x14c: {  	v24 =	vld.idx.msk [tilespmem:v24+s30+$0x0], $0xffff;
	v2 =	vadd.f32 v2, v58  }
0x14d: {  	v21 =	vld.idx.msk [tilespmem:v21+s30+$0x0], $0xffff;
	v60 =	vshrl.u32 v28, $0x10  }
0x14e: {  	v3 =	vld.idx.msk [tilespmem:v3+s30+$0x0], $0xffff;
	v61 =	vand.u32 $0x1, v60;
	v2 =	vadd.f32 v34, v2  }
0x14f: {  	v20 =	vld.idx.msk [tilespmem:v1+s30+$0x0], $0xffff;
	v1 =	vadd.s32 v61, v28  }
0x150: {  	v63 =	vld [tilespmem:$0x20];
	v1 =	vadd.s32 $0x7FFF, v1;
	[tilespmem:$0x1BE00] =	vst v2;
	v2 =	vmul.f32 v52, v16  }
0x151: {  	v1 =	vand.u32 $0xFFFF0000, v1;
	v62 =	vld.idx.msk [tilespmem:v57+s2+$0x0], $0xffff  }
0x152: {  	v1 =	vmul.f32 v1, v27;
	v2 =	vadd.f32 v2, v43;
	_ =	sdelay $0x1  }
0x153: {  	v1 =	vadd.f32 v1, v2  }
0x154: {  	v2 =	vshrl.u32 v31, $0x10  }
0x155: {  	v2 =	vand.u32 $0x1, v2;
	v1 =	vadd.f32 v62, v1  }
0x156: {  	v2 =	vadd.s32 v2, v31  }
0x157: {  	v52 =	vld [tilespmem:$0x30];
	v2 =	vadd.s32 $0x7FFF, v2;
	[tilespmem:$0x1BE10] =	vst v1;
	v1 =	vmul.f32 v51, v16  }
0x158: {  	v2 =	vand.u32 $0xFFFF0000, v2;
	v51 =	vld.idx.msk [tilespmem:v63+s2+$0x0], $0xffff  }
0x159: {  	v2 =	vmul.f32 v2, v27;
	v1 =	vadd.f32 v1, v40;
	_ =	sdelay $0x1  }
0x15a: {  	v1 =	vadd.f32 v2, v1  }
0x15b: {  	v2 =	vshrl.u32 v32, $0x10  }
0x15c: {  	v2 =	vand.u32 $0x1, v2;
	v1 =	vadd.f32 v51, v1  }
0x15d: {  	v2 =	vadd.s32 v2, v32  }
0x15e: {  	v54 =	vld [tilespmem:$0x40];
	v2 =	vadd.s32 $0x7FFF, v2;
	[tilespmem:$0x1BE20] =	vst v1;
	v1 =	vmul.f32 v50, v16  }
0x15f: {  	v2 =	vand.u32 $0xFFFF0000, v2;
	v53 =	vld.idx.msk [tilespmem:v52+s2+$0x0], $0xffff  }
0x160: {  	v2 =	vmul.f32 v2, v27;
	v1 =	vadd.f32 v1, v39;
	_ =	sdelay $0x1  }
0x161: {  	v1 =	vadd.f32 v2, v1  }
0x162: {  	v2 =	vshrl.u32 v36, $0x10  }
0x163: {  	v2 =	vand.u32 $0x1, v2;
	v1 =	vadd.f32 v53, v1  }
0x164: {  	v2 =	vadd.s32 v2, v36  }
0x165: {  	v56 =	vld [tilespmem:$0x50];
	v2 =	vadd.s32 $0x7FFF, v2;
	[tilespmem:$0x1BE30] =	vst v1;
	v1 =	vmul.f32 v49, v16  }
0x166: {  	v2 =	vand.u32 $0xFFFF0000, v2;
	v55 =	vld.idx.msk [tilespmem:v54+s2+$0x0], $0xffff  }
0x167: {  	v2 =	vmul.f32 v2, v27;
	v1 =	vadd.f32 v1, v38;
	_ =	sdelay $0x1  }
0x168: {  	v1 =	vadd.f32 v2, v1  }
0x169: {  	v2 =	vshrl.u32 v3, $0x10  }
0x16a: {  	v2 =	vand.u32 $0x1, v2;
	v1 =	vadd.f32 v55, v1  }
0x16b: {  	v2 =	vadd.s32 v2, v3  }
0x16c: {  	v57 =	vld [tilespmem:$0x60];
	v2 =	vadd.s32 $0x7FFF, v2;
	[tilespmem:$0x1BE40] =	vst v1;
	v1 =	vmul.f32 v48, v16  }
0x16d: {  	v2 =	vand.u32 $0xFFFF0000, v2;
	v3 =	vld.idx.msk [tilespmem:v56+s2+$0x0], $0xffff  }
0x16e: {  	v2 =	vmul.f32 v2, v27;
	v1 =	vadd.f32 v1, v37;
	_ =	sdelay $0x1  }
0x16f: {  	v1 =	vadd.f32 v2, v1  }
0x170: {  	v2 =	vshrl.u32 v59, $0x10  }
0x171: {  	v2 =	vand.u32 $0x1, v2;
	v1 =	vadd.f32 v3, v1  }
0x172: {  	v2 =	vadd.s32 v2, v59  }
0x173: {  	v58 =	vld [tilespmem:$0x70];
	v2 =	vadd.s32 $0x7FFF, v2;
	[tilespmem:$0x1BE50] =	vst v1;
	v1 =	vmul.f32 v47, v16  }
0x174: {  	v2 =	vand.u32 $0xFFFF0000, v2;
	v3 =	vld.idx.msk [tilespmem:v57+s2+$0x0], $0xffff  }
0x175: {  	v2 =	vmul.f32 v2, v27;
	v1 =	vadd.f32 v1, v35;
	_ =	sdelay $0x1  }
0x176: {  	v1 =	vadd.f32 v2, v1  }
0x177: {  	v2 =	vshrl.u32 v26, $0x10  }
0x178: {  	v2 =	vand.u32 $0x1, v2;
	v1 =	vadd.f32 v3, v1  }
0x179: {  	v2 =	vadd.s32 v2, v26  }
0x17a: {  	v59 =	vld [tilespmem:$0x80];
	v2 =	vadd.s32 $0x7FFF, v2;
	[tilespmem:$0x1BE60] =	vst v1;
	v1 =	vmul.f32 v46, v16  }
0x17b: {  	v2 =	vand.u32 $0xFFFF0000, v2;
	v3 =	vld.idx.msk [tilespmem:v58+s2+$0x0], $0xffff  }
0x17c: {  	v2 =	vmul.f32 v2, v27;
	v1 =	vadd.f32 v1, v29;
	_ =	sdelay $0x1  }
0x17d: {  	v1 =	vadd.f32 v2, v1  }
0x17e: {  	v2 =	vshrl.u32 v25, $0x10  }
0x17f: {  	v2 =	vand.u32 $0x1, v2;
	v1 =	vadd.f32 v3, v1  }
0x180: {  	v2 =	vadd.s32 v2, v25  }
0x181: {  	v60 =	vld [tilespmem:$0x90];
	v2 =	vadd.s32 $0x7FFF, v2;
	[tilespmem:$0x1BE70] =	vst v1;
	v1 =	vmul.f32 v45, v16  }
0x182: {  	v2 =	vand.u32 $0xFFFF0000, v2;
	v3 =	vld.idx.msk [tilespmem:v59+s2+$0x0], $0xffff  }
0x183: {  	v2 =	vmul.f32 v2, v27;
	v1 =	vadd.f32 v1, v23;
	_ =	sdelay $0x1  }
0x184: {  	v1 =	vadd.f32 v2, v1  }
0x185: {  	v2 =	vshrl.u32 v24, $0x10  }
0x186: {  	v2 =	vand.u32 $0x1, v2;
	v1 =	vadd.f32 v3, v1  }
0x187: {  	v2 =	vadd.s32 v2, v24  }
0x188: {  	v61 =	vld [tilespmem:$0xA0];
	v2 =	vadd.s32 $0x7FFF, v2;
	[tilespmem:$0x1BE80] =	vst v1;
	v1 =	vmul.f32 v44, v16  }
0x189: {  	v2 =	vand.u32 $0xFFFF0000, v2;
	v3 =	vld.idx.msk [tilespmem:v60+s2+$0x0], $0xffff  }
0x18a: {  	v2 =	vmul.f32 v2, v27;
	v1 =	vadd.f32 v1, v19;
	_ =	sdelay $0x1  }
0x18b: {  	v1 =	vadd.f32 v2, v1  }
0x18c: {  	v2 =	vshrl.u32 v21, $0x10  }
0x18d: {  	v2 =	vand.u32 $0x1, v2;
	v1 =	vadd.f32 v3, v1  }
0x18e: {  	v2 =	vadd.s32 v2, v21  }
0x18f: {  	v62 =	vld [tilespmem:$0xB0];
	v2 =	vadd.s32 $0x7FFF, v2;
	[tilespmem:$0x1BE90] =	vst v1;
	v1 =	vmul.f32 v42, v16  }
0x190: {  	v2 =	vand.u32 $0xFFFF0000, v2;
	v3 =	vld.idx.msk [tilespmem:v61+s2+$0x0], $0xffff  }
0x191: {  	v2 =	vmul.f32 v2, v27;
	v1 =	vadd.f32 v1, v18;
	_ =	sdelay $0x1  }
0x192: {  	v1 =	vadd.f32 v2, v1  }
0x193: {  	v2 =	vshrl.u32 v20, $0x10  }
0x194: {  	v2 =	vand.u32 $0x1, v2;
	v1 =	vadd.f32 v3, v1  }
0x195: {  	v2 =	vadd.s32 v2, v20  }
0x196: {  	v63 =	vld [tilespmem:$0xC0];
	v2 =	vadd.s32 $0x7FFF, v2;
	[tilespmem:$0x1BEA0] =	vst v1;
	v1 =	vmul.f32 v41, v16  }
0x197: {  	v2 =	vand.u32 $0xFFFF0000, v2;
	v3 =	vld.idx.msk [tilespmem:v62+s2+$0x0], $0xffff  }
0x198: {  	v2 =	vmul.f32 v2, v27;
	v1 =	vadd.f32 v1, v17;
	_ =	sdelay $0x1  }
0x199: {  	v1 =	vadd.f32 v2, v1  }
0x19a: {  	v2 =	vshrl.u32 v30, $0x10  }
0x19b: {  	v2 =	vand.u32 $0x1, v2;
	v1 =	vadd.f32 v3, v1  }
0x19c: {  	v2 =	vadd.s32 v2, v30  }
0x19d: {  	v2 =	vadd.s32 $0x7FFF, v2;
	[tilespmem:$0x1BEB0] =	vst v1  }
0x19e: {  	v1 =	vand.u32 $0xFFFF0000, v2;
	v2 =	vld.idx.msk [tilespmem:v63+s2+$0x0], $0xffff  }
0x19f: {  	v1 =	vmul.f32 v1, v27;
	_ =	sdelay $0x1  }
0x1a0: {  	p0 =	seq.s32 s16, $0x1F;
	v1 =	vadd.f32 v1, v15  }
.Ltmp4:
0x1a1: {  	_ = 	snop;
	(pc) =	sbr.rel @p0 .LBB2_8-.Ltmp4, $3  }
0x1a2: {  	s15 =	smul.u32 $0x1A, s0;
	v1 =	vadd.f32 v2, v1;
	_ =	sdelay $0x1  }
0x1a3: {  	s5 =	simm.s32 $0x1BE00;
	s3 =	sadd.s32 s8, s15;
	s15 =	simm.s32 $0x7D;
	[tilespmem:$0x1BEC0] =	vst v1  }
0x1a4: {  	[hbm4b:s3+s1] =	stream.linear.scatter [tilespmem:s5], [sflag:$0x9], $0xD0, $0x38;
	[tilespmem:$0x1E000] =	vst v63  }
0x1a5: {  	s0 =	smul.u32 $0xC8, s0;
	_ =	sdelay $0x1  }
0x1a6: {  	s0 =	sshrl.u32 s0, $0x3  }
0x1a7: {  	s3 =	rddreg [dreg:$0x2];
	s0 =	sadd.s32 $0x64, s0  }
0x1a8: {  	s5 =	rddreg [dreg:$0x12];
	s3 =	sadd.s32 s3, s0  }
0x1a9: {  	[tilespmem:s1], [sflag:$0x1] =	stream.linear.gather [hbm4b:s3+s1], $0xC8, $0x38;
	[tilespmem:$0x1E000] =	vst v63  }
0x1aa: {  	s6 =	simm.s32 $0x400;
	s15 =	simm.s32 $0x1;
	s0 =	sadd.s32 s5, s0  }
0x1ab: {  	[tilespmem:s6], [sflag:$0x1] =	stream.linear.gather [hbm4b:s0+s1], $0xC8, $0x38;
	[tilespmem:$0x1E000] =	vst v63  }
0x1ac: {  	_ =	swait.ge [sflag:s15], $0xC8  }
0x1ad: {  	[sflag:s15] =	ssyncset.done $0x0  }
0x1ae: {  	[sflag:s15] =	ssyncadd.s32 $0xFFFFFF38  }
0x1af: {  	_ =	swait.ge [sflag:s15], $0xC8  }
0x1b0: {  	[sflag:s15] =	ssyncset.done $0x0  }
0x1b1: {  	[sflag:s15] =	ssyncadd.s32 $0xFFFFFF38  }
0x1b2: {  	v1 =	vld [tilespmem:$0x400]  }
0x1b3: {  	v2 =	vld [tilespmem:$0x410]  }
0x1b4: {  	v3 =	vld [tilespmem:$0x420]  }
0x1b5: {  	v15 =	vld [tilespmem:$0x430]  }
0x1b6: {  	v16 =	vld [tilespmem:$0x440]  }
0x1b7: {  	v17 =	vld [tilespmem:$0x450];
	v1 =	vshrl.u32 v1, $0x1  }
0x1b8: {  	[tilespmem:$0x800] =	vst v1;
	v1 =	vshrl.u32 v2, $0x1;
	v2 =	vld [tilespmem:$0x460]  }
0x1b9: {  	[tilespmem:$0x810] =	vst v1;
	v1 =	vshrl.u32 v3, $0x1;
	v3 =	vld [tilespmem:$0x470]  }
0x1ba: {  	[tilespmem:$0x820] =	vst v1;
	v1 =	vshrl.u32 v15, $0x1;
	v15 =	vld [tilespmem:$0x480]  }
0x1bb: {  	v62 =	vld [tilespmem:$0x490];
	[tilespmem:$0x830] =	vst v1;
	v1 =	vshrl.u32 v16, $0x1  }
0x1bc: {  	v63 =	vld [tilespmem:$0x4A0];
	[tilespmem:$0x840] =	vst v1;
	v1 =	vshrl.u32 v17, $0x1  }
0x1bd: {  	[tilespmem:$0x850] =	vst v1;
	v1 =	vshrl.u32 v2, $0x1;
	v2 =	vld [tilespmem:$0x4B0]  }
0x1be: {  	[tilespmem:$0x860] =	vst v1;
	v1 =	vshrl.u32 v3, $0x1;
	v3 =	vld [tilespmem:$0x4C0]  }
0x1bf: {  	[tilespmem:$0x870] =	vst v1;
	v1 =	vshrl.u32 v15, $0x1  }
0x1c0: {  	[tilespmem:$0x880] =	vst v1;
	v1 =	vshrl.u32 v62, $0x1  }
0x1c1: {  	[tilespmem:$0x890] =	vst v1;
	v1 =	vshrl.u32 v63, $0x1  }
0x1c2: {  	s15 =	sor.u32 $0x1, s25;
	[tilespmem:$0x8A0] =	vst v1;
	v1 =	vshrl.u32 v2, $0x1  }
0x1c3: {  	s3 =	sor.u32 s9, s15;
	[tilespmem:$0x8B0] =	vst v1;
	v1 =	vshrl.u32 v3, $0x1  }
0x1c4: {  	s5 =	simm.s32 $0x800;
	s0 =	sadd.s32 $0x3, s3;
	[tilespmem:$0x8C0] =	vst v1  }
0x1c5: {  	[tilespmem:s30], [sflag:$0x5] =	stream.indirect.gather [hbm4b:s7+s28], $0x80, s5, s28, $0xb8;
	[tilespmem:$0x1E000] =	vst v63  }
0x1c6: {  	s6 =	simm.s32 $0x5200;
	s3 =	smul.u32 $0x7D, s0;
	s5 =	simm.s32 $0x868  }
0x1c7: {  	[tilespmem:s6], [sflag:$0x5] =	stream.indirect.gather [hbm4b:s7+s28], $0x80, s5, s28, $0xb8;
	[tilespmem:$0x1E000] =	vst v63  }
0x1c8: {  	s0 =	sshll.u32 s0, $0x3;
	s6 =	rddreg [dreg:$0x13]  }
0x1c9: {  	s0 =	sand.u32 $0x1FFFFFE0, s0;
	s3 =	sadd.s32 s6, s3  }
0x1ca: {  	[tilespmem:s2], [sflag:$0x5] =	stream.linear.gather [hbm4b:s3+s1], $0x3E8, $0x38;
	[tilespmem:$0x1E000] =	vst v63  }
0x1cb: {  	s0 =	sadd.s32 s4, s0  }
0x1cc: {  	[tilespmem:s10], [sflag:$0x5] =	stream.linear.gather [hbm4b:s0+s1], $0x40, $0x38;
	[tilespmem:$0x1E000] =	vst v63  }
.LBB2_8:
0x1cd: {  	_ =	swait.ge [sflag:s24], $0x3400  }
0x1ce: {  	[sflag:s24] =	ssyncset.done $0x0  }
0x1cf: {  	[sflag:s24] =	ssyncadd.s32 $0xFFFFCC00  }
0x1d0: {  	_ =	swait.ge [sflag:s24], $0x3400  }
0x1d1: {  	[sflag:s24] =	ssyncset.done $0x0  }
0x1d2: {  	[sflag:s24] =	ssyncadd.s32 $0xFFFFCC00  }
0x1d3: {  	_ =	swait.ge [sflag:s24], $0x3E8  }
0x1d4: {  	[sflag:s24] =	ssyncset.done $0x0  }
0x1d5: {  	[sflag:s24] =	ssyncadd.s32 $0xFFFFFC18  }
0x1d6: {  	_ =	swait.ge [sflag:s24], $0x40  }
0x1d7: {  	[sflag:s24] =	ssyncset.done $0x0  }
0x1d8: {  	s0 =	simm.s32 @!p1 $0xA;
	[sflag:s24] =	ssyncadd.s32 $0xFFFFFFC0  }
0x1d9: {  	_ =	swait.ge @!p1 [sflag:s0], $0xD0  }
0x1da: {  	[sflag:s0] =	ssyncset.done @!p1 $0x0  }
0x1db: {  	[sflag:s0] =	ssyncadd.s32 @!p1 $0xFFFFFF30  }
0x1dc: {  	v27 =	vld [tilespmem:$0x500]  }
0x1dd: {  	s3 =	simm.s32 $0x0;
	v25 =	vld [tilespmem:$0x510]  }
0x1de: {  	v1 =	vadd.s32 s3, v0;
	v26 =	vld [tilespmem:$0x520]  }
0x1df: {  	v1 =	vand.u32 $0x3F, v1;
	v24 =	vld [tilespmem:$0x530]  }
0x1e0: {  	v22 =	vld [tilespmem:$0x540]  }
0x1e1: {  	v23 =	vld [tilespmem:$0x550]  }
0x1e2: {  	v21 =	vld [tilespmem:$0x560]  }
0x1e3: {  	s5 =	simm.s32 $0x1;
	v19 =	vld [tilespmem:$0x570]  }
0x1e4: {  	v2 =	vadd.s32 s5, v0;
	v1 =	vld.idx.msk [tilespmem:v1+s18+$0x0], $0xffff  }
0x1e5: {  	v2 =	vand.u32 $0x3F, v2;
	v20 =	vld [tilespmem:$0x580]  }
0x1e6: {  	v18 =	vld [tilespmem:$0x590]  }
0x1e7: {  	v15 =	vld [tilespmem:$0x5A0]  }
0x1e8: {  	s0 =	simm.s32 $0x1C000;
	v16 =	vld [tilespmem:$0x5B0]  }
0x1e9: {  	s6 =	simm.s32 $0x2;
	v17 =	vld [tilespmem:$0x5C0];
	[tilespmem:s0+$0x0] =	vst v1  }
0x1ea: {  	v29 =	vadd.s32 s6, v0;
	s3 =	simm.s32 $0x3;
	v28 =	vld.idx.msk [tilespmem:v2+s18+$0x0], $0xffff  }
.LBB2_9:
0x1eb: {  	p1 =	seq.s32 s3, $0x3F;
	v1 =	vand.u32 $0x3F, v29;
	_ =	sdelay $0x1  }
.Ltmp5:
0x1ec: {  	(pc) =	sbr.rel @!p1 .LBB2_9-.Ltmp5, $4  }
0x1ed: {  	s0 =	sadd.s32 $0x80, s0  }
0x1ee: {  	[tilespmem:s0+$0x0] =	vst v28  }
0x1ef: {  	v28 =	vld.idx.msk [tilespmem:v1+s18+$0x0], $0xffff  }
0x1f0: {  	v29 =	vadd.s32 s3, v0;
	s3 =	sadd.s32 $0x1, s3  }
0x1f1: {  	v1 =	vand.u32 $0x3F, v29;
	_ =	sdelay $0x2  }
0x1f2: {  	s0 =	sadd.s32 $0x80, s0  }
0x1f3: {  	[tilespmem:s0+$0x0] =	vst v28  }
0x1f4: {  	v1 =	vld.idx.msk [tilespmem:v1+s18+$0x0], $0xffff;
	_ =	sdelay $0x3  }
0x1f5: {  	s0 =	sadd.s32 $0x80, s0  }
0x1f6: {  	[tilespmem:s0+$0x0] =	vst v1;
	v1 =	vshll.u32 v27, $0x6  }
0x1f7: {  	v1 =	vand.u32 $0x40, v1  }
0x1f8: {  	v34 =	vor.u32 v4, v1;
	v1 =	vld [tilespmem:$0x1FFE0];
	_ =	sdelay $0x2  }
0x1f9: {  	v2 =	vshll.u32 v25, $0x6  }
0x1fa: {  	v3 =	vshll.u32 v26, $0x6;
	v24 =	vshll.u32 v24, $0x6;
	v2 =	vand.u32 $0x40, v2  }
0x1fb: {  	v22 =	vshll.u32 v22, $0x6;
	v23 =	vshll.u32 v23, $0x6;
	v31 =	vor.u32 v1, v2;
	v1 =	vld [tilespmem:$0x1FFF0]  }
0x1fc: {  	v21 =	vshll.u32 v21, $0x6;
	v19 =	vshll.u32 v19, $0x6;
	v20 =	vshll.u32 v20, $0x6  }
0x1fd: {  	v18 =	vshll.u32 v18, $0x6;
	v15 =	vshll.u32 v15, $0x6;
	v16 =	vshll.u32 v16, $0x6  }
0x1fe: {  	v17 =	vshll.u32 v17, $0x6;
	v3 =	vand.u32 $0x40, v3;
	v24 =	vand.u32 $0x40, v24  }
0x1ff: {  	s3 =	simm.s32 $0x0;
	v22 =	vand.u32 $0x40, v22;
	v23 =	vand.u32 $0x40, v23;
	v21 =	vand.u32 $0x40, v21  }
0x200: {  	v17 =	vand.u32 $0x40, v17;
	v32 =	vor.u32 v1, v3;
	v1 =	vadd.s32 s3, v0  }
0x201: {  	v19 =	vand.u32 $0x40, v19;
	v36 =	vor.u32 v14, v17;
	v1 =	vand.u32 $0x3F, v1  }
0x202: {  	v20 =	vand.u32 $0x40, v20;
	v15 =	vand.u32 $0x40, v15;
	v2 =	vor.u32 v1, v36  }
0x203: {  	v16 =	vand.u32 $0x40, v16;
	v33 =	vor.u32 v5, v24;
	v3 =	vor.u32 v1, v34  }
0x204: {  	v27 =	vor.u32 v8, v21;
	v21 =	vor.u32 v12, v15;
	v15 =	vor.u32 v1, v31  }
0x205: {  	v25 =	vor.u32 v10, v20;
	v20 =	vor.u32 v13, v16;
	v16 =	vor.u32 v1, v32  }
0x206: {  	v18 =	vand.u32 $0x40, v18;
	v30 =	vor.u32 v6, v22;
	v17 =	vor.u32 v1, v33  }
0x207: {  	v24 =	vor.u32 v11, v18;
	v28 =	vor.u32 v7, v23;
	v18 =	vor.u32 v1, v30;
	v2 =	vld.idx.msk [tilespmem:v2+s14+$0x0], $0xffff  }
0x208: {  	v26 =	vor.u32 v9, v19;
	v19 =	vor.u32 v1, v28;
	v3 =	vld.idx.msk [tilespmem:v3+s14+$0x0], $0xffff  }
0x209: {  	v35 =	vor.u32 v1, v26;
	v15 =	vld.idx.msk [tilespmem:v15+s14+$0x0], $0xffff  }
0x20a: {  	v37 =	vor.u32 v1, v25;
	v29 =	vld.idx.msk [tilespmem:v16+s14+$0x0], $0xffff  }
0x20b: {  	v38 =	vor.u32 v1, v24;
	v17 =	vld.idx.msk [tilespmem:v17+s14+$0x0], $0xffff  }
0x20c: {  	v39 =	vor.u32 v1, v21;
	v18 =	vld.idx.msk [tilespmem:v18+s14+$0x0], $0xffff  }
0x20d: {  	v23 =	vor.u32 v1, v27;
	v1 =	vor.u32 v1, v20;
	v19 =	vld.idx.msk [tilespmem:v19+s14+$0x0], $0xffff  }
0x20e: {  	v35 =	vld.idx.msk [tilespmem:v35+s14+$0x0], $0xffff  }
0x20f: {  	v37 =	vld.idx.msk [tilespmem:v37+s14+$0x0], $0xffff  }
0x210: {  	v38 =	vld.idx.msk [tilespmem:v38+s14+$0x0], $0xffff  }
0x211: {  	v39 =	vld.idx.msk [tilespmem:v39+s14+$0x0], $0xffff  }
0x212: {  	v1 =	vld.idx.msk [tilespmem:v1+s14+$0x0], $0xffff  }
0x213: {  	v22 =	vimm.f32 $0.0e+00;
	v40 =	vshrl.u32 v2, $0x10;
	v41 =	vshrl.u32 v3, $0x10  }
0x214: {  	v42 =	vshrl.u32 v15, $0x10;
	v54 =	vshrl.u32 v29, $0x10;
	v43 =	vshrl.u32 v17, $0x10  }
0x215: {  	v44 =	vshrl.u32 v18, $0x10;
	v56 =	vshrl.u32 v19, $0x10;
	v57 =	vshrl.u32 v35, $0x10  }
0x216: {  	v58 =	vshrl.u32 v37, $0x10;
	v59 =	vshrl.u32 v38, $0x10;
	v60 =	vshrl.u32 v39, $0x10  }
0x217: {  	v62 =	vshrl.u32 v1, $0x10;
	v40 =	vand.u32 $0x1, v40;
	v41 =	vand.u32 $0x1, v41  }
0x218: {  	v53 =	vand.u32 $0x1, v42;
	v42 =	vand.u32 $0x1, v54;
	v43 =	vand.u32 $0x1, v43  }
0x219: {  	s6 =	simm.s32 $0x1;
	v55 =	vand.u32 $0x1, v44;
	v61 =	vand.u32 $0x1, v60;
	v63 =	vand.u32 $0x1, v62  }
0x21a: {  	v54 =	vadd.s32 s6, v0;
	v2 =	vadd.s32 v40, v2;
	v3 =	vadd.s32 v41, v3  }
0x21b: {  	v40 =	vadd.s32 v53, v15;
	v29 =	vadd.s32 v42, v29;
	v42 =	vand.u32 $0x1, v56  }
0x21c: {  	v18 =	vadd.s32 v55, v18;
	v41 =	vand.u32 $0x1, v57;
	v1 =	vadd.s32 v63, v1  }
0x21d: {  	v2 =	vadd.s32 $0x7FFF, v2;
	v19 =	vadd.s32 v42, v19;
	v35 =	vadd.s32 v41, v35  }
0x21e: {  	s0 =	simm.s32 $0x1C000;
	v42 =	vand.u32 $0x1, v59;
	v3 =	vadd.s32 $0x7FFF, v3;
	v40 =	vadd.s32 $0x7FFF, v40  }
0x21f: {  	v16 =	vld [tilespmem:s0+$0x0];
	v29 =	vadd.s32 $0x7FFF, v29;
	v18 =	vadd.s32 $0x7FFF, v18;
	v1 =	vadd.s32 $0x7FFF, v1  }
0x220: {  	v2 =	vand.u32 $0xFFFF0000, v2;
	v38 =	vadd.s32 v42, v38;
	v19 =	vadd.s32 $0x7FFF, v19  }
0x221: {  	v35 =	vadd.s32 $0x7FFF, v35;
	v3 =	vand.u32 $0xFFFF0000, v3;
	v52 =	vand.u32 $0xFFFF0000, v40  }
0x222: {  	v23 =	vld.idx.msk [tilespmem:v23+s14+$0x0], $0xffff;
	v51 =	vand.u32 $0xFFFF0000, v29;
	v49 =	vand.u32 $0xFFFF0000, v18;
	v41 =	vand.u32 $0xFFFF0000, v1  }
0x223: {  	v40 =	vimm.f32 $0.0e+00;
	v29 =	vimm.f32 $0.0e+00;
	v18 =	vimm.f32 $0.0e+00  }
0x224: {  	v2 =	vmul.f32 v2, v16;
	v38 =	vadd.s32 $0x7FFF, v38;
	v48 =	vand.u32 $0xFFFF0000, v19  }
0x225: {  	v46 =	vand.u32 $0xFFFF0000, v35;
	v53 =	vmul.f32 v3, v16;
	v35 =	vimm.f32 $0.0e+00  }
0x226: {  	v19 =	vimm.f32 $0.0e+00;
	v44 =	vand.u32 $0xFFFF0000, v38;
	v38 =	vimm.f32 $0.0e+00  }
0x227: {  	v15 =	vadd.f32 v2, v22;
	v2 =	vadd.s32 v43, v17;
	v17 =	vshrl.u32 v23, $0x10  }
0x228: {  	v43 =	vimm.f32 $0.0e+00;
	v17 =	vand.u32 $0x1, v17;
	v2 =	vadd.s32 $0x7FFF, v2  }
0x229: {  	v17 =	vadd.s32 v17, v23;
	v23 =	vand.u32 $0x1, v58;
	v50 =	vand.u32 $0xFFFF0000, v2  }
0x22a: {  	v23 =	vadd.s32 v23, v37;
	v37 =	vadd.s32 v61, v39;
	v17 =	vadd.s32 $0x7FFF, v17  }
0x22b: {  	v39 =	vimm.f32 $0.0e+00;
	v23 =	vadd.s32 $0x7FFF, v23;
	v37 =	vadd.s32 $0x7FFF, v37  }
0x22c: {  	v47 =	vand.u32 $0xFFFF0000, v17;
	v17 =	vimm.f32 $0.0e+00;
	v45 =	vand.u32 $0xFFFF0000, v23  }
0x22d: {  	s3 =	simm.s32 $0x2;
	v42 =	vand.u32 $0xFFFF0000, v37;
	v37 =	vimm.f32 $0.0e+00;
	v23 =	vimm.f32 $0.0e+00  }
.LBB2_11:
0x22e: {  	p1 =	sne.s32 s3, $0x3F;
	v1 =	vand.u32 $0x3F, v54;
	v2 =	vmul.f32 v52, v16;
	v3 =	vmul.f32 v51, v16  }
0x22f: {  	v51 =	vor.u32 v1, v34;
	v52 =	vor.u32 v1, v31;
	v54 =	vor.u32 v1, v36  }
0x230: {  	v55 =	vor.u32 v1, v32;
	v56 =	vor.u32 v1, v33;
	v57 =	vor.u32 v1, v30  }
0x231: {  	v58 =	vor.u32 v1, v28;
	v59 =	vor.u32 v1, v27;
	v60 =	vor.u32 v1, v26  }
0x232: {  	v61 =	vor.u32 v1, v25;
	v62 =	vor.u32 v1, v24;
	v63 =	vor.u32 v1, v21  }
0x233: {  	v50 =	vmul.f32 v50, v16;
	v49 =	vmul.f32 v49, v16;
	v1 =	vor.u32 v1, v20  }
0x234: {  	v48 =	vmul.f32 v48, v16;
	v47 =	vmul.f32 v47, v16;
	v22 =	vadd.f32 v53, v22;
	v54 =	vld.idx.msk [tilespmem:v54+s14+$0x0], $0xffff  }
0x235: {  	v45 =	vmul.f32 v45, v16;
	v43 =	vadd.f32 v2, v43;
	v2 =	vmul.f32 v46, v16;
	v51 =	vld.idx.msk [tilespmem:v51+s14+$0x0], $0xffff  }
0x236: {  	v42 =	vmul.f32 v42, v16;
	v40 =	vadd.f32 v3, v40;
	v3 =	vmul.f32 v44, v16;
	v46 =	vld.idx.msk [tilespmem:v52+s14+$0x0], $0xffff  }
0x237: {  	v41 =	vmul.f32 v41, v16;
	v39 =	vadd.f32 v50, v39;
	v38 =	vadd.f32 v49, v38;
	v44 =	vld.idx.msk [tilespmem:v55+s14+$0x0], $0xffff  }
0x238: {  	v37 =	vadd.f32 v48, v37;
	v35 =	vadd.f32 v47, v35;
	v49 =	vld.idx.msk [tilespmem:v56+s14+$0x0], $0xffff  }
0x239: {  	s0 =	sadd.s32 $0x80, s0;
	v23 =	vadd.f32 v45, v23;
	v29 =	vadd.f32 v2, v29;
	v47 =	vld.idx.msk [tilespmem:v57+s14+$0x0], $0xffff  }
0x23a: {  	v18 =	vadd.f32 v42, v18;
	v19 =	vadd.f32 v3, v19;
	v2 =	vshrl.u32 v54, $0x10;
	v16 =	vld [tilespmem:s0+$0x0]  }
0x23b: {  	v17 =	vadd.f32 v41, v17;
	v3 =	vshrl.u32 v51, $0x10;
	v2 =	vand.u32 $0x1, v2;
	v42 =	vld.idx.msk [tilespmem:v58+s14+$0x0], $0xffff  }
0x23c: {  	v3 =	vand.u32 $0x1, v3;
	v41 =	vshrl.u32 v46, $0x10;
	v2 =	vadd.s32 v2, v54;
	v45 =	vld.idx.msk [tilespmem:v59+s14+$0x0], $0xffff  }
0x23d: {  	v41 =	vand.u32 $0x1, v41;
	v48 =	vshrl.u32 v44, $0x10;
	v2 =	vadd.s32 $0x7FFF, v2;
	v50 =	vld.idx.msk [tilespmem:v60+s14+$0x0], $0xffff  }
0x23e: {  	v48 =	vand.u32 $0x1, v48;
	v52 =	vshrl.u32 v49, $0x10;
	v2 =	vand.u32 $0xFFFF0000, v2;
	v53 =	vld.idx.msk [tilespmem:v61+s14+$0x0], $0xffff  }
0x23f: {  	v52 =	vand.u32 $0x1, v52;
	v54 =	vshrl.u32 v47, $0x10;
	v55 =	vld.idx.msk [tilespmem:v62+s14+$0x0], $0xffff;
	v2 =	vmul.f32 v2, v16  }
0x240: {  	v3 =	vadd.s32 v3, v51;
	v41 =	vadd.s32 v41, v46;
	v46 =	vand.u32 $0x1, v54;
	v51 =	vld.idx.msk [tilespmem:v63+s14+$0x0], $0xffff  }
0x241: {  	v44 =	vadd.s32 v48, v44;
	v48 =	vshrl.u32 v42, $0x10;
	v1 =	vld.idx.msk [tilespmem:v1+s14+$0x0], $0xffff;
	v15 =	vadd.f32 v2, v15  }
0x242: {  	v2 =	vadd.s32 v52, v49;
	v48 =	vand.u32 $0x1, v48;
	v49 =	vshrl.u32 v45, $0x10  }
0x243: {  	v46 =	vadd.s32 v46, v47;
	v47 =	vand.u32 $0x1, v49;
	v49 =	vshrl.u32 v50, $0x10  }
0x244: {  	v42 =	vadd.s32 v48, v42;
	v48 =	vand.u32 $0x1, v49;
	v49 =	vshrl.u32 v53, $0x10  }
0x245: {  	v45 =	vadd.s32 v47, v45;
	v47 =	vand.u32 $0x1, v49;
	v49 =	vshrl.u32 v55, $0x10  }
0x246: {  	v48 =	vadd.s32 v48, v50;
	v49 =	vand.u32 $0x1, v49;
	v50 =	vshrl.u32 v51, $0x10  }
0x247: {  	v47 =	vadd.s32 v47, v53;
	v50 =	vand.u32 $0x1, v50;
	v52 =	vshrl.u32 v1, $0x10  }
0x248: {  	v49 =	vadd.s32 v49, v55;
	v50 =	vadd.s32 v50, v51;
	v51 =	vand.u32 $0x1, v52  }
0x249: {  	v3 =	vadd.s32 $0x7FFF, v3;
	v41 =	vadd.s32 $0x7FFF, v41;
	v1 =	vadd.s32 v51, v1  }
0x24a: {  	v44 =	vadd.s32 $0x7FFF, v44;
	v46 =	vadd.s32 $0x7FFF, v46;
	v2 =	vadd.s32 $0x7FFF, v2  }
0x24b: {  	v42 =	vadd.s32 $0x7FFF, v42;
	v45 =	vadd.s32 $0x7FFF, v45;
	v53 =	vadd.s32 $0x7FFF, v48  }
0x24c: {  	v54 =	vadd.s32 $0x7FFF, v47;
	v55 =	vadd.s32 $0x7FFF, v49;
	v56 =	vadd.s32 $0x7FFF, v50  }
.Ltmp6:
0x24d: {  	v3 =	vand.u32 $0xFFFF0000, v3;
	v52 =	vand.u32 $0xFFFF0000, v41;
	v1 =	vadd.s32 $0x7FFF, v1;
	(pc) =	sbr.rel @p1 .LBB2_11-.Ltmp6, $4  }
0x24e: {  	v49 =	vand.u32 $0xFFFF0000, v46;
	v51 =	vand.u32 $0xFFFF0000, v44;
	v50 =	vand.u32 $0xFFFF0000, v2  }
0x24f: {  	v48 =	vand.u32 $0xFFFF0000, v42;
	v47 =	vand.u32 $0xFFFF0000, v45;
	v46 =	vand.u32 $0xFFFF0000, v53  }
0x250: {  	v45 =	vand.u32 $0xFFFF0000, v54;
	v44 =	vand.u32 $0xFFFF0000, v55;
	v42 =	vand.u32 $0xFFFF0000, v56  }
0x251: {  	v54 =	vadd.s32 s3, v0;
	s3 =	sadd.s32 $0x1, s3;
	v53 =	vmul.f32 v3, v16;
	v41 =	vand.u32 $0xFFFF0000, v1  }
0x252: {  	v1 =	vand.u32 $0x3F, v54  }
0x253: {  	v2 =	vor.u32 v1, v34;
	_ =	sdelay $0x2  }
0x254: {  	v3 =	vor.u32 v1, v36  }
0x255: {  	v60 =	vld [tilespmem:$0x100];
	v31 =	vor.u32 v1, v31  }
0x256: {  	v32 =	vor.u32 v1, v32;
	v2 =	vld.idx.msk [tilespmem:v2+s14+$0x0], $0xffff  }
0x257: {  	s0 =	sadd.s32 $0x80, s0;
	v57 =	vld [tilespmem:$0x110];
	v33 =	vor.u32 v1, v33  }
0x258: {  	v61 =	vor.u32 v1, v30;
	v62 =	vor.u32 v1, v27;
	v27 =	vld [tilespmem:s0+$0x0]  }
0x259: {  	v30 =	vld.idx.msk [tilespmem:v3+s14+$0x0], $0xffff  }
0x25a: {  	v3 =	vor.u32 v1, v28;
	v28 =	vld.idx.msk [tilespmem:v31+s14+$0x0], $0xffff  }
0x25b: {  	v26 =	vor.u32 v1, v26;
	v31 =	vld.idx.msk [tilespmem:v32+s14+$0x0], $0xffff;
	v63 =	vshrl.u32 v2, $0x10  }
0x25c: {  	v25 =	vor.u32 v1, v25;
	v32 =	vld.idx.msk [tilespmem:v33+s14+$0x0], $0xffff;
	v54 =	vand.u32 $0x1, v63  }
0x25d: {  	v24 =	vor.u32 v1, v24;
	v36 =	vld.idx.msk [tilespmem:v61+s14+$0x0], $0xffff;
	v2 =	vadd.s32 v54, v2  }
0x25e: {  	v21 =	vor.u32 v1, v21;
	v59 =	vld.idx.msk [tilespmem:v62+s14+$0x0], $0xffff;
	v2 =	vadd.s32 $0x7FFF, v2  }
0x25f: {  	v34 =	vld.idx.msk [tilespmem:v60+s17+$0x0], $0xffff;
	v2 =	vand.u32 $0xFFFF0000, v2  }
0x260: {  	v58 =	vadd.f32 v53, v22;
	v1 =	vor.u32 v1, v20;
	v26 =	vld.idx.msk [tilespmem:v26+s14+$0x0], $0xffff;
	v2 =	vmul.f32 v2, v27  }
0x261: {  	v25 =	vld.idx.msk [tilespmem:v25+s14+$0x0], $0xffff  }
0x262: {  	v24 =	vld.idx.msk [tilespmem:v24+s14+$0x0], $0xffff;
	v2 =	vadd.f32 v2, v58  }
0x263: {  	v21 =	vld.idx.msk [tilespmem:v21+s14+$0x0], $0xffff;
	v60 =	vshrl.u32 v28, $0x10  }
0x264: {  	v3 =	vld.idx.msk [tilespmem:v3+s14+$0x0], $0xffff;
	v61 =	vand.u32 $0x1, v60;
	v2 =	vadd.f32 v34, v2  }
0x265: {  	v20 =	vld.idx.msk [tilespmem:v1+s14+$0x0], $0xffff;
	v1 =	vadd.s32 v61, v28  }
0x266: {  	v63 =	vld [tilespmem:$0x120];
	v1 =	vadd.s32 $0x7FFF, v1;
	[tilespmem:$0x1BF00] =	vst v2;
	v2 =	vmul.f32 v52, v16  }
0x267: {  	v1 =	vand.u32 $0xFFFF0000, v1;
	v62 =	vld.idx.msk [tilespmem:v57+s17+$0x0], $0xffff  }
0x268: {  	v1 =	vmul.f32 v1, v27;
	v2 =	vadd.f32 v2, v43;
	_ =	sdelay $0x1  }
0x269: {  	v1 =	vadd.f32 v1, v2  }
0x26a: {  	v2 =	vshrl.u32 v31, $0x10  }
0x26b: {  	v2 =	vand.u32 $0x1, v2;
	v1 =	vadd.f32 v62, v1  }
0x26c: {  	v2 =	vadd.s32 v2, v31  }
0x26d: {  	v52 =	vld [tilespmem:$0x130];
	v2 =	vadd.s32 $0x7FFF, v2;
	[tilespmem:$0x1BF10] =	vst v1;
	v1 =	vmul.f32 v51, v16  }
0x26e: {  	v2 =	vand.u32 $0xFFFF0000, v2;
	v51 =	vld.idx.msk [tilespmem:v63+s17+$0x0], $0xffff  }
0x26f: {  	v2 =	vmul.f32 v2, v27;
	v1 =	vadd.f32 v1, v40;
	_ =	sdelay $0x1  }
0x270: {  	v1 =	vadd.f32 v2, v1  }
0x271: {  	v2 =	vshrl.u32 v32, $0x10  }
0x272: {  	v2 =	vand.u32 $0x1, v2;
	v1 =	vadd.f32 v51, v1  }
0x273: {  	v2 =	vadd.s32 v2, v32  }
0x274: {  	v54 =	vld [tilespmem:$0x140];
	v2 =	vadd.s32 $0x7FFF, v2;
	[tilespmem:$0x1BF20] =	vst v1;
	v1 =	vmul.f32 v50, v16  }
0x275: {  	v2 =	vand.u32 $0xFFFF0000, v2;
	v53 =	vld.idx.msk [tilespmem:v52+s17+$0x0], $0xffff  }
0x276: {  	v2 =	vmul.f32 v2, v27;
	v1 =	vadd.f32 v1, v39;
	_ =	sdelay $0x1  }
0x277: {  	v1 =	vadd.f32 v2, v1  }
0x278: {  	v2 =	vshrl.u32 v36, $0x10  }
0x279: {  	v2 =	vand.u32 $0x1, v2;
	v1 =	vadd.f32 v53, v1  }
0x27a: {  	v2 =	vadd.s32 v2, v36  }
0x27b: {  	v56 =	vld [tilespmem:$0x150];
	v2 =	vadd.s32 $0x7FFF, v2;
	[tilespmem:$0x1BF30] =	vst v1;
	v1 =	vmul.f32 v49, v16  }
0x27c: {  	v2 =	vand.u32 $0xFFFF0000, v2;
	v55 =	vld.idx.msk [tilespmem:v54+s17+$0x0], $0xffff  }
0x27d: {  	v2 =	vmul.f32 v2, v27;
	v1 =	vadd.f32 v1, v38;
	_ =	sdelay $0x1  }
0x27e: {  	v1 =	vadd.f32 v2, v1  }
0x27f: {  	v2 =	vshrl.u32 v3, $0x10  }
0x280: {  	v2 =	vand.u32 $0x1, v2;
	v1 =	vadd.f32 v55, v1  }
0x281: {  	v2 =	vadd.s32 v2, v3  }
0x282: {  	v57 =	vld [tilespmem:$0x160];
	v2 =	vadd.s32 $0x7FFF, v2;
	[tilespmem:$0x1BF40] =	vst v1;
	v1 =	vmul.f32 v48, v16  }
0x283: {  	v2 =	vand.u32 $0xFFFF0000, v2;
	v3 =	vld.idx.msk [tilespmem:v56+s17+$0x0], $0xffff  }
0x284: {  	v2 =	vmul.f32 v2, v27;
	v1 =	vadd.f32 v1, v37;
	_ =	sdelay $0x1  }
0x285: {  	v1 =	vadd.f32 v2, v1  }
0x286: {  	v2 =	vshrl.u32 v59, $0x10  }
0x287: {  	v2 =	vand.u32 $0x1, v2;
	v1 =	vadd.f32 v3, v1  }
0x288: {  	v2 =	vadd.s32 v2, v59  }
0x289: {  	v58 =	vld [tilespmem:$0x170];
	v2 =	vadd.s32 $0x7FFF, v2;
	[tilespmem:$0x1BF50] =	vst v1;
	v1 =	vmul.f32 v47, v16  }
0x28a: {  	v2 =	vand.u32 $0xFFFF0000, v2;
	v3 =	vld.idx.msk [tilespmem:v57+s17+$0x0], $0xffff  }
0x28b: {  	v2 =	vmul.f32 v2, v27;
	v1 =	vadd.f32 v1, v35;
	_ =	sdelay $0x1  }
0x28c: {  	v1 =	vadd.f32 v2, v1  }
0x28d: {  	v2 =	vshrl.u32 v26, $0x10  }
0x28e: {  	v2 =	vand.u32 $0x1, v2;
	v1 =	vadd.f32 v3, v1  }
0x28f: {  	v2 =	vadd.s32 v2, v26  }
0x290: {  	v59 =	vld [tilespmem:$0x180];
	v2 =	vadd.s32 $0x7FFF, v2;
	[tilespmem:$0x1BF60] =	vst v1;
	v1 =	vmul.f32 v46, v16  }
0x291: {  	v2 =	vand.u32 $0xFFFF0000, v2;
	v3 =	vld.idx.msk [tilespmem:v58+s17+$0x0], $0xffff  }
0x292: {  	v2 =	vmul.f32 v2, v27;
	v1 =	vadd.f32 v1, v29;
	_ =	sdelay $0x1  }
0x293: {  	v1 =	vadd.f32 v2, v1  }
0x294: {  	v2 =	vshrl.u32 v25, $0x10  }
0x295: {  	v2 =	vand.u32 $0x1, v2;
	v1 =	vadd.f32 v3, v1  }
0x296: {  	v2 =	vadd.s32 v2, v25  }
0x297: {  	v60 =	vld [tilespmem:$0x190];
	v2 =	vadd.s32 $0x7FFF, v2;
	[tilespmem:$0x1BF70] =	vst v1;
	v1 =	vmul.f32 v45, v16  }
0x298: {  	v2 =	vand.u32 $0xFFFF0000, v2;
	v3 =	vld.idx.msk [tilespmem:v59+s17+$0x0], $0xffff  }
0x299: {  	v2 =	vmul.f32 v2, v27;
	v1 =	vadd.f32 v1, v23;
	_ =	sdelay $0x1  }
0x29a: {  	v1 =	vadd.f32 v2, v1  }
0x29b: {  	v2 =	vshrl.u32 v24, $0x10  }
0x29c: {  	v2 =	vand.u32 $0x1, v2;
	v1 =	vadd.f32 v3, v1  }
0x29d: {  	v2 =	vadd.s32 v2, v24  }
0x29e: {  	v61 =	vld [tilespmem:$0x1A0];
	v2 =	vadd.s32 $0x7FFF, v2;
	[tilespmem:$0x1BF80] =	vst v1;
	v1 =	vmul.f32 v44, v16  }
0x29f: {  	v2 =	vand.u32 $0xFFFF0000, v2;
	v3 =	vld.idx.msk [tilespmem:v60+s17+$0x0], $0xffff  }
0x2a0: {  	v2 =	vmul.f32 v2, v27;
	v1 =	vadd.f32 v1, v19;
	_ =	sdelay $0x1  }
0x2a1: {  	v1 =	vadd.f32 v2, v1  }
0x2a2: {  	v2 =	vshrl.u32 v21, $0x10  }
0x2a3: {  	v2 =	vand.u32 $0x1, v2;
	v1 =	vadd.f32 v3, v1  }
0x2a4: {  	v2 =	vadd.s32 v2, v21  }
0x2a5: {  	v62 =	vld [tilespmem:$0x1B0];
	v2 =	vadd.s32 $0x7FFF, v2;
	[tilespmem:$0x1BF90] =	vst v1;
	v1 =	vmul.f32 v42, v16  }
0x2a6: {  	v2 =	vand.u32 $0xFFFF0000, v2;
	v3 =	vld.idx.msk [tilespmem:v61+s17+$0x0], $0xffff  }
0x2a7: {  	v2 =	vmul.f32 v2, v27;
	v1 =	vadd.f32 v1, v18;
	_ =	sdelay $0x1  }
0x2a8: {  	v1 =	vadd.f32 v2, v1  }
0x2a9: {  	v2 =	vshrl.u32 v20, $0x10  }
0x2aa: {  	v2 =	vand.u32 $0x1, v2;
	v1 =	vadd.f32 v3, v1  }
0x2ab: {  	v2 =	vadd.s32 v2, v20  }
0x2ac: {  	v63 =	vld [tilespmem:$0x1C0];
	v2 =	vadd.s32 $0x7FFF, v2;
	[tilespmem:$0x1BFA0] =	vst v1;
	v1 =	vmul.f32 v41, v16  }
0x2ad: {  	v2 =	vand.u32 $0xFFFF0000, v2;
	v3 =	vld.idx.msk [tilespmem:v62+s17+$0x0], $0xffff  }
0x2ae: {  	v2 =	vmul.f32 v2, v27;
	v1 =	vadd.f32 v1, v17;
	_ =	sdelay $0x1  }
0x2af: {  	v1 =	vadd.f32 v2, v1  }
0x2b0: {  	v2 =	vshrl.u32 v30, $0x10  }
0x2b1: {  	v2 =	vand.u32 $0x1, v2;
	v1 =	vadd.f32 v3, v1  }
0x2b2: {  	v2 =	vadd.s32 v2, v30  }
0x2b3: {  	v2 =	vadd.s32 $0x7FFF, v2;
	[tilespmem:$0x1BFB0] =	vst v1  }
0x2b4: {  	v1 =	vand.u32 $0xFFFF0000, v2;
	v2 =	vld.idx.msk [tilespmem:v63+s17+$0x0], $0xffff  }
0x2b5: {  	v1 =	vmul.f32 v1, v27;
	_ =	sdelay $0x1  }
0x2b6: {  	s3 =	sor.u32 s9, s15;
	v1 =	vadd.f32 v1, v15  }
0x2b7: {  	s15 =	smul.u32 $0x1A, s3  }
.Ltmp7:
0x2b8: {  	v1 =	vadd.f32 v2, v1;
	(pc) =	sbr.rel @p0 .LBB2_14-.Ltmp7, $4  }
0x2b9: {  	_ = 	snop  }
0x2ba: {  	s5 =	simm.s32 $0x1BF00;
	s0 =	sadd.s32 s8, s15;
	[tilespmem:$0x1BFC0] =	vst v1  }
0x2bb: {  	[hbm4b:s0+s1] =	stream.linear.scatter [tilespmem:s5], [sflag:$0xA], $0xD0, $0x38;
	[tilespmem:$0x1E000] =	vst v63  }
0x2bc: {  	s0 =	simm.s32 $0x7E  }
0x2bd: {  	s0 =	smul.u32 $0xC8, s3;
	_ =	sdelay $0x1  }
0x2be: {  	s0 =	sshrl.u32 s0, $0x3  }
0x2bf: {  	s5 =	rddreg [dreg:$0x2];
	s0 =	sadd.s32 $0x64, s0  }
0x2c0: {  	s6 =	rddreg [dreg:$0x12];
	s3 =	sadd.s32 s5, s0;
	s5 =	simm.s32 $0x100  }
0x2c1: {  	[tilespmem:s5], [sflag:$0x2] =	stream.linear.gather [hbm4b:s3+s1], $0xC8, $0x38;
	[tilespmem:$0x1E000] =	vst v63  }
0x2c2: {  	s15 =	simm.s32 $0x500;
	s0 =	sadd.s32 s6, s0;
	s5 =	simm.s32 $0x2  }
0x2c3: {  	[tilespmem:s15], [sflag:$0x2] =	stream.linear.gather [hbm4b:s0+s1], $0xC8, $0x38;
	[tilespmem:$0x1E000] =	vst v63  }
0x2c4: {  	_ =	swait.ge [sflag:s5], $0xC8  }
0x2c5: {  	[sflag:s5] =	ssyncset.done $0x0  }
0x2c6: {  	[sflag:s5] =	ssyncadd.s32 $0xFFFFFF38  }
0x2c7: {  	_ =	swait.ge [sflag:s5], $0xC8  }
0x2c8: {  	[sflag:s5] =	ssyncset.done $0x0  }
0x2c9: {  	[sflag:s5] =	ssyncadd.s32 $0xFFFFFF38  }
0x2ca: {  	v1 =	vld [tilespmem:$0x500]  }
0x2cb: {  	v2 =	vld [tilespmem:$0x510]  }
0x2cc: {  	v3 =	vld [tilespmem:$0x520]  }
0x2cd: {  	v15 =	vld [tilespmem:$0x530]  }
0x2ce: {  	v16 =	vld [tilespmem:$0x540]  }
0x2cf: {  	v17 =	vld [tilespmem:$0x550];
	v1 =	vshrl.u32 v1, $0x1  }
0x2d0: {  	[tilespmem:$0x900] =	vst v1;
	v1 =	vshrl.u32 v2, $0x1;
	v2 =	vld [tilespmem:$0x560]  }
0x2d1: {  	[tilespmem:$0x910] =	vst v1;
	v1 =	vshrl.u32 v3, $0x1;
	v3 =	vld [tilespmem:$0x570]  }
0x2d2: {  	[tilespmem:$0x920] =	vst v1;
	v1 =	vshrl.u32 v15, $0x1;
	v15 =	vld [tilespmem:$0x580]  }
0x2d3: {  	v62 =	vld [tilespmem:$0x590];
	[tilespmem:$0x930] =	vst v1;
	v1 =	vshrl.u32 v16, $0x1  }
0x2d4: {  	v63 =	vld [tilespmem:$0x5A0];
	[tilespmem:$0x940] =	vst v1;
	v1 =	vshrl.u32 v17, $0x1  }
0x2d5: {  	[tilespmem:$0x950] =	vst v1;
	v1 =	vshrl.u32 v2, $0x1;
	v2 =	vld [tilespmem:$0x5B0]  }
0x2d6: {  	[tilespmem:$0x960] =	vst v1;
	v1 =	vshrl.u32 v3, $0x1;
	v3 =	vld [tilespmem:$0x5C0]  }
0x2d7: {  	[tilespmem:$0x970] =	vst v1;
	v1 =	vshrl.u32 v15, $0x1  }
0x2d8: {  	[tilespmem:$0x980] =	vst v1;
	v1 =	vshrl.u32 v62, $0x1  }
0x2d9: {  	[tilespmem:$0x990] =	vst v1;
	v1 =	vshrl.u32 v63, $0x1  }
0x2da: {  	s0 =	sor.u32 $0x2, s25;
	[tilespmem:$0x9A0] =	vst v1;
	v1 =	vshrl.u32 v2, $0x1  }
0x2db: {  	s6 =	sor.u32 s9, s0;
	[tilespmem:$0x9B0] =	vst v1;
	v1 =	vshrl.u32 v3, $0x1  }
0x2dc: {  	s15 =	simm.s32 $0x900;
	s3 =	sadd.s32 $0x3, s6;
	[tilespmem:$0x9C0] =	vst v1  }
0x2dd: {  	[tilespmem:s14], [sflag:$0x6] =	stream.indirect.gather [hbm4b:s7+s28], $0x80, s15, s28, $0xb8;
	[tilespmem:$0x1E000] =	vst v63  }
0x2de: {  	s25 =	simm.s32 $0x968;
	s6 =	simm.s32 $0xBA00;
	s15 =	smul.u32 $0x7D, s3  }
0x2df: {  	[tilespmem:s6], [sflag:$0x6] =	stream.indirect.gather [hbm4b:s7+s28], $0x80, s25, s28, $0xb8;
	[tilespmem:$0x1E000] =	vst v63  }
0x2e0: {  	s3 =	sshll.u32 s3, $0x3;
	s25 =	rddreg [dreg:$0x13]  }
0x2e1: {  	s3 =	sand.u32 $0x1FFFFFE8, s3;
	s15 =	sadd.s32 s25, s15  }
0x2e2: {  	[tilespmem:s17], [sflag:$0x6] =	stream.linear.gather [hbm4b:s15+s1], $0x3E8, $0x38;
	[tilespmem:$0x1E000] =	vst v63  }
0x2e3: {  	s3 =	sadd.s32 s4, s3  }
0x2e4: {  	[tilespmem:s18], [sflag:$0x6] =	stream.linear.gather [hbm4b:s3+s1], $0x40, $0x38;
	[tilespmem:$0x1E000] =	vst v63  }
.LBB2_14:
0x2e5: {  	_ =	swait.ge [sflag:s31], $0x3400  }
0x2e6: {  	[sflag:s31] =	ssyncset.done $0x0  }
0x2e7: {  	[sflag:s31] =	ssyncadd.s32 $0xFFFFCC00  }
0x2e8: {  	_ =	swait.ge [sflag:s31], $0x3400  }
0x2e9: {  	[sflag:s31] =	ssyncset.done $0x0  }
0x2ea: {  	[sflag:s31] =	ssyncadd.s32 $0xFFFFCC00  }
0x2eb: {  	_ =	swait.ge [sflag:s31], $0x3E8  }
0x2ec: {  	[sflag:s31] =	ssyncset.done $0x0  }
0x2ed: {  	[sflag:s31] =	ssyncadd.s32 $0xFFFFFC18  }
0x2ee: {  	_ =	swait.ge [sflag:s31], $0x40  }
0x2ef: {  	[sflag:s31] =	ssyncset.done $0x0  }
0x2f0: {  	s3 =	simm.s32 $0x9;
	[sflag:s31] =	ssyncadd.s32 $0xFFFFFFC0  }
0x2f1: {  	_ =	swait.ge [sflag:s3], $0xD0  }
0x2f2: {  	[sflag:s3] =	ssyncset.done $0x0  }
0x2f3: {  	[sflag:s3] =	ssyncadd.s32 $0xFFFFFF30  }
0x2f4: {  	v27 =	vld [tilespmem:$0x600]  }
0x2f5: {  	s15 =	simm.s32 $0x0;
	v25 =	vld [tilespmem:$0x610]  }
0x2f6: {  	v1 =	vadd.s32 s15, v0;
	v26 =	vld [tilespmem:$0x620]  }
0x2f7: {  	v1 =	vand.u32 $0x3F, v1;
	v24 =	vld [tilespmem:$0x630]  }
0x2f8: {  	v22 =	vld [tilespmem:$0x640]  }
0x2f9: {  	v23 =	vld [tilespmem:$0x650]  }
0x2fa: {  	v21 =	vld [tilespmem:$0x660]  }
0x2fb: {  	s6 =	simm.s32 $0x1;
	v19 =	vld [tilespmem:$0x670]  }
0x2fc: {  	v2 =	vadd.s32 s6, v0;
	v1 =	vld.idx.msk [tilespmem:v1+s29+$0x0], $0xffff  }
0x2fd: {  	v2 =	vand.u32 $0x3F, v2;
	v20 =	vld [tilespmem:$0x680]  }
0x2fe: {  	v18 =	vld [tilespmem:$0x690]  }
0x2ff: {  	v15 =	vld [tilespmem:$0x6A0]  }
0x300: {  	s3 =	simm.s32 $0x1C000;
	v16 =	vld [tilespmem:$0x6B0]  }
0x301: {  	s25 =	simm.s32 $0x2;
	v17 =	vld [tilespmem:$0x6C0];
	[tilespmem:s3+$0x0] =	vst v1  }
0x302: {  	v29 =	vadd.s32 s25, v0;
	s15 =	simm.s32 $0x3;
	v28 =	vld.idx.msk [tilespmem:v2+s29+$0x0], $0xffff  }
.LBB2_15:
0x303: {  	p1 =	seq.s32 s15, $0x3F;
	v1 =	vand.u32 $0x3F, v29;
	_ =	sdelay $0x1  }
.Ltmp8:
0x304: {  	(pc) =	sbr.rel @!p1 .LBB2_15-.Ltmp8, $4  }
0x305: {  	s3 =	sadd.s32 $0x80, s3  }
0x306: {  	[tilespmem:s3+$0x0] =	vst v28  }
0x307: {  	v28 =	vld.idx.msk [tilespmem:v1+s29+$0x0], $0xffff  }
0x308: {  	v29 =	vadd.s32 s15, v0;
	s15 =	sadd.s32 $0x1, s15  }
0x309: {  	v1 =	vand.u32 $0x3F, v29;
	_ =	sdelay $0x2  }
0x30a: {  	s3 =	sadd.s32 $0x80, s3  }
0x30b: {  	[tilespmem:s3+$0x0] =	vst v28  }
0x30c: {  	v1 =	vld.idx.msk [tilespmem:v1+s29+$0x0], $0xffff;
	_ =	sdelay $0x3  }
0x30d: {  	s3 =	sadd.s32 $0x80, s3  }
0x30e: {  	[tilespmem:s3+$0x0] =	vst v1;
	v1 =	vshll.u32 v27, $0x6  }
0x30f: {  	v1 =	vand.u32 $0x40, v1  }
0x310: {  	v34 =	vor.u32 v4, v1;
	v1 =	vld [tilespmem:$0x1FFE0];
	_ =	sdelay $0x2  }
0x311: {  	v2 =	vshll.u32 v25, $0x6  }
0x312: {  	v3 =	vshll.u32 v26, $0x6;
	v24 =	vshll.u32 v24, $0x6;
	v2 =	vand.u32 $0x40, v2  }
0x313: {  	v22 =	vshll.u32 v22, $0x6;
	v23 =	vshll.u32 v23, $0x6;
	v31 =	vor.u32 v1, v2;
	v1 =	vld [tilespmem:$0x1FFF0]  }
0x314: {  	v21 =	vshll.u32 v21, $0x6;
	v19 =	vshll.u32 v19, $0x6;
	v20 =	vshll.u32 v20, $0x6  }
0x315: {  	v18 =	vshll.u32 v18, $0x6;
	v15 =	vshll.u32 v15, $0x6;
	v16 =	vshll.u32 v16, $0x6  }
0x316: {  	v17 =	vshll.u32 v17, $0x6;
	v3 =	vand.u32 $0x40, v3;
	v24 =	vand.u32 $0x40, v24  }
0x317: {  	s6 =	simm.s32 $0x0;
	v22 =	vand.u32 $0x40, v22;
	v23 =	vand.u32 $0x40, v23;
	v21 =	vand.u32 $0x40, v21  }
0x318: {  	v17 =	vand.u32 $0x40, v17;
	v32 =	vor.u32 v1, v3;
	v1 =	vadd.s32 s6, v0  }
0x319: {  	v19 =	vand.u32 $0x40, v19;
	v36 =	vor.u32 v14, v17;
	v1 =	vand.u32 $0x3F, v1  }
0x31a: {  	v20 =	vand.u32 $0x40, v20;
	v15 =	vand.u32 $0x40, v15;
	v2 =	vor.u32 v1, v36  }
0x31b: {  	v16 =	vand.u32 $0x40, v16;
	v33 =	vor.u32 v5, v24;
	v3 =	vor.u32 v1, v34  }
0x31c: {  	v27 =	vor.u32 v8, v21;
	v21 =	vor.u32 v12, v15;
	v15 =	vor.u32 v1, v31  }
0x31d: {  	v25 =	vor.u32 v10, v20;
	v20 =	vor.u32 v13, v16;
	v16 =	vor.u32 v1, v32  }
0x31e: {  	v18 =	vand.u32 $0x40, v18;
	v30 =	vor.u32 v6, v22;
	v17 =	vor.u32 v1, v33  }
0x31f: {  	v24 =	vor.u32 v11, v18;
	v28 =	vor.u32 v7, v23;
	v18 =	vor.u32 v1, v30;
	v2 =	vld.idx.msk [tilespmem:v2+s22+$0x0], $0xffff  }
0x320: {  	v26 =	vor.u32 v9, v19;
	v19 =	vor.u32 v1, v28;
	v3 =	vld.idx.msk [tilespmem:v3+s22+$0x0], $0xffff  }
0x321: {  	v35 =	vor.u32 v1, v26;
	v15 =	vld.idx.msk [tilespmem:v15+s22+$0x0], $0xffff  }
0x322: {  	v37 =	vor.u32 v1, v25;
	v29 =	vld.idx.msk [tilespmem:v16+s22+$0x0], $0xffff  }
0x323: {  	v38 =	vor.u32 v1, v24;
	v17 =	vld.idx.msk [tilespmem:v17+s22+$0x0], $0xffff  }
0x324: {  	v39 =	vor.u32 v1, v21;
	v18 =	vld.idx.msk [tilespmem:v18+s22+$0x0], $0xffff  }
0x325: {  	v23 =	vor.u32 v1, v27;
	v1 =	vor.u32 v1, v20;
	v19 =	vld.idx.msk [tilespmem:v19+s22+$0x0], $0xffff  }
0x326: {  	v35 =	vld.idx.msk [tilespmem:v35+s22+$0x0], $0xffff  }
0x327: {  	v37 =	vld.idx.msk [tilespmem:v37+s22+$0x0], $0xffff  }
0x328: {  	v38 =	vld.idx.msk [tilespmem:v38+s22+$0x0], $0xffff  }
0x329: {  	v39 =	vld.idx.msk [tilespmem:v39+s22+$0x0], $0xffff  }
0x32a: {  	v1 =	vld.idx.msk [tilespmem:v1+s22+$0x0], $0xffff  }
0x32b: {  	v22 =	vimm.f32 $0.0e+00;
	v40 =	vshrl.u32 v2, $0x10;
	v41 =	vshrl.u32 v3, $0x10  }
0x32c: {  	v42 =	vshrl.u32 v15, $0x10;
	v54 =	vshrl.u32 v29, $0x10;
	v43 =	vshrl.u32 v17, $0x10  }
0x32d: {  	v44 =	vshrl.u32 v18, $0x10;
	v56 =	vshrl.u32 v19, $0x10;
	v57 =	vshrl.u32 v35, $0x10  }
0x32e: {  	v58 =	vshrl.u32 v37, $0x10;
	v59 =	vshrl.u32 v38, $0x10;
	v60 =	vshrl.u32 v39, $0x10  }
0x32f: {  	v62 =	vshrl.u32 v1, $0x10;
	v40 =	vand.u32 $0x1, v40;
	v41 =	vand.u32 $0x1, v41  }
0x330: {  	v53 =	vand.u32 $0x1, v42;
	v42 =	vand.u32 $0x1, v54;
	v43 =	vand.u32 $0x1, v43  }
0x331: {  	s25 =	simm.s32 $0x1;
	v55 =	vand.u32 $0x1, v44;
	v61 =	vand.u32 $0x1, v60;
	v63 =	vand.u32 $0x1, v62  }
0x332: {  	v54 =	vadd.s32 s25, v0;
	v2 =	vadd.s32 v40, v2;
	v3 =	vadd.s32 v41, v3  }
0x333: {  	v40 =	vadd.s32 v53, v15;
	v29 =	vadd.s32 v42, v29;
	v42 =	vand.u32 $0x1, v56  }
0x334: {  	v18 =	vadd.s32 v55, v18;
	v41 =	vand.u32 $0x1, v57;
	v1 =	vadd.s32 v63, v1  }
0x335: {  	v2 =	vadd.s32 $0x7FFF, v2;
	v19 =	vadd.s32 v42, v19;
	v35 =	vadd.s32 v41, v35  }
0x336: {  	s15 =	simm.s32 $0x1C000;
	v42 =	vand.u32 $0x1, v59;
	v3 =	vadd.s32 $0x7FFF, v3;
	v40 =	vadd.s32 $0x7FFF, v40  }
0x337: {  	v16 =	vld [tilespmem:s15+$0x0];
	v29 =	vadd.s32 $0x7FFF, v29;
	v18 =	vadd.s32 $0x7FFF, v18;
	v1 =	vadd.s32 $0x7FFF, v1  }
0x338: {  	v2 =	vand.u32 $0xFFFF0000, v2;
	v38 =	vadd.s32 v42, v38;
	v19 =	vadd.s32 $0x7FFF, v19  }
0x339: {  	v35 =	vadd.s32 $0x7FFF, v35;
	v3 =	vand.u32 $0xFFFF0000, v3;
	v52 =	vand.u32 $0xFFFF0000, v40  }
0x33a: {  	v23 =	vld.idx.msk [tilespmem:v23+s22+$0x0], $0xffff;
	v51 =	vand.u32 $0xFFFF0000, v29;
	v49 =	vand.u32 $0xFFFF0000, v18;
	v41 =	vand.u32 $0xFFFF0000, v1  }
0x33b: {  	v40 =	vimm.f32 $0.0e+00;
	v29 =	vimm.f32 $0.0e+00;
	v18 =	vimm.f32 $0.0e+00  }
0x33c: {  	v2 =	vmul.f32 v2, v16;
	v38 =	vadd.s32 $0x7FFF, v38;
	v48 =	vand.u32 $0xFFFF0000, v19  }
0x33d: {  	v46 =	vand.u32 $0xFFFF0000, v35;
	v53 =	vmul.f32 v3, v16;
	v35 =	vimm.f32 $0.0e+00  }
0x33e: {  	v19 =	vimm.f32 $0.0e+00;
	v44 =	vand.u32 $0xFFFF0000, v38;
	v38 =	vimm.f32 $0.0e+00  }
0x33f: {  	v15 =	vadd.f32 v2, v22;
	v2 =	vadd.s32 v43, v17;
	v17 =	vshrl.u32 v23, $0x10  }
0x340: {  	v43 =	vimm.f32 $0.0e+00;
	v17 =	vand.u32 $0x1, v17;
	v2 =	vadd.s32 $0x7FFF, v2  }
0x341: {  	v17 =	vadd.s32 v17, v23;
	v23 =	vand.u32 $0x1, v58;
	v50 =	vand.u32 $0xFFFF0000, v2  }
0x342: {  	v23 =	vadd.s32 v23, v37;
	v37 =	vadd.s32 v61, v39;
	v17 =	vadd.s32 $0x7FFF, v17  }
0x343: {  	v39 =	vimm.f32 $0.0e+00;
	v23 =	vadd.s32 $0x7FFF, v23;
	v37 =	vadd.s32 $0x7FFF, v37  }
0x344: {  	v47 =	vand.u32 $0xFFFF0000, v17;
	v17 =	vimm.f32 $0.0e+00;
	v45 =	vand.u32 $0xFFFF0000, v23  }
0x345: {  	s3 =	simm.s32 $0x2;
	v42 =	vand.u32 $0xFFFF0000, v37;
	v37 =	vimm.f32 $0.0e+00;
	v23 =	vimm.f32 $0.0e+00  }
.LBB2_17:
0x346: {  	p1 =	sne.s32 s3, $0x3F;
	v1 =	vand.u32 $0x3F, v54;
	v2 =	vmul.f32 v52, v16;
	v3 =	vmul.f32 v51, v16  }
0x347: {  	v51 =	vor.u32 v1, v34;
	v52 =	vor.u32 v1, v31;
	v54 =	vor.u32 v1, v36  }
0x348: {  	v55 =	vor.u32 v1, v32;
	v56 =	vor.u32 v1, v33;
	v57 =	vor.u32 v1, v30  }
0x349: {  	v58 =	vor.u32 v1, v28;
	v59 =	vor.u32 v1, v27;
	v60 =	vor.u32 v1, v26  }
0x34a: {  	v61 =	vor.u32 v1, v25;
	v62 =	vor.u32 v1, v24;
	v63 =	vor.u32 v1, v21  }
0x34b: {  	v50 =	vmul.f32 v50, v16;
	v49 =	vmul.f32 v49, v16;
	v1 =	vor.u32 v1, v20  }
0x34c: {  	v48 =	vmul.f32 v48, v16;
	v47 =	vmul.f32 v47, v16;
	v22 =	vadd.f32 v53, v22;
	v54 =	vld.idx.msk [tilespmem:v54+s22+$0x0], $0xffff  }
0x34d: {  	v45 =	vmul.f32 v45, v16;
	v43 =	vadd.f32 v2, v43;
	v2 =	vmul.f32 v46, v16;
	v51 =	vld.idx.msk [tilespmem:v51+s22+$0x0], $0xffff  }
0x34e: {  	v42 =	vmul.f32 v42, v16;
	v40 =	vadd.f32 v3, v40;
	v3 =	vmul.f32 v44, v16;
	v46 =	vld.idx.msk [tilespmem:v52+s22+$0x0], $0xffff  }
0x34f: {  	v41 =	vmul.f32 v41, v16;
	v39 =	vadd.f32 v50, v39;
	v38 =	vadd.f32 v49, v38;
	v44 =	vld.idx.msk [tilespmem:v55+s22+$0x0], $0xffff  }
0x350: {  	v37 =	vadd.f32 v48, v37;
	v35 =	vadd.f32 v47, v35;
	v49 =	vld.idx.msk [tilespmem:v56+s22+$0x0], $0xffff  }
0x351: {  	s15 =	sadd.s32 $0x80, s15;
	v23 =	vadd.f32 v45, v23;
	v29 =	vadd.f32 v2, v29;
	v47 =	vld.idx.msk [tilespmem:v57+s22+$0x0], $0xffff  }
0x352: {  	v18 =	vadd.f32 v42, v18;
	v19 =	vadd.f32 v3, v19;
	v2 =	vshrl.u32 v54, $0x10;
	v16 =	vld [tilespmem:s15+$0x0]  }
0x353: {  	v17 =	vadd.f32 v41, v17;
	v3 =	vshrl.u32 v51, $0x10;
	v2 =	vand.u32 $0x1, v2;
	v42 =	vld.idx.msk [tilespmem:v58+s22+$0x0], $0xffff  }
0x354: {  	v3 =	vand.u32 $0x1, v3;
	v41 =	vshrl.u32 v46, $0x10;
	v2 =	vadd.s32 v2, v54;
	v45 =	vld.idx.msk [tilespmem:v59+s22+$0x0], $0xffff  }
0x355: {  	v41 =	vand.u32 $0x1, v41;
	v48 =	vshrl.u32 v44, $0x10;
	v2 =	vadd.s32 $0x7FFF, v2;
	v50 =	vld.idx.msk [tilespmem:v60+s22+$0x0], $0xffff  }
0x356: {  	v48 =	vand.u32 $0x1, v48;
	v52 =	vshrl.u32 v49, $0x10;
	v2 =	vand.u32 $0xFFFF0000, v2;
	v53 =	vld.idx.msk [tilespmem:v61+s22+$0x0], $0xffff  }
0x357: {  	v52 =	vand.u32 $0x1, v52;
	v54 =	vshrl.u32 v47, $0x10;
	v55 =	vld.idx.msk [tilespmem:v62+s22+$0x0], $0xffff;
	v2 =	vmul.f32 v2, v16  }
0x358: {  	v3 =	vadd.s32 v3, v51;
	v41 =	vadd.s32 v41, v46;
	v46 =	vand.u32 $0x1, v54;
	v51 =	vld.idx.msk [tilespmem:v63+s22+$0x0], $0xffff  }
0x359: {  	v44 =	vadd.s32 v48, v44;
	v48 =	vshrl.u32 v42, $0x10;
	v1 =	vld.idx.msk [tilespmem:v1+s22+$0x0], $0xffff;
	v15 =	vadd.f32 v2, v15  }
0x35a: {  	v2 =	vadd.s32 v52, v49;
	v48 =	vand.u32 $0x1, v48;
	v49 =	vshrl.u32 v45, $0x10  }
0x35b: {  	v46 =	vadd.s32 v46, v47;
	v47 =	vand.u32 $0x1, v49;
	v49 =	vshrl.u32 v50, $0x10  }
0x35c: {  	v42 =	vadd.s32 v48, v42;
	v48 =	vand.u32 $0x1, v49;
	v49 =	vshrl.u32 v53, $0x10  }
0x35d: {  	v45 =	vadd.s32 v47, v45;
	v47 =	vand.u32 $0x1, v49;
	v49 =	vshrl.u32 v55, $0x10  }
0x35e: {  	v48 =	vadd.s32 v48, v50;
	v49 =	vand.u32 $0x1, v49;
	v50 =	vshrl.u32 v51, $0x10  }
0x35f: {  	v47 =	vadd.s32 v47, v53;
	v50 =	vand.u32 $0x1, v50;
	v52 =	vshrl.u32 v1, $0x10  }
0x360: {  	v49 =	vadd.s32 v49, v55;
	v50 =	vadd.s32 v50, v51;
	v51 =	vand.u32 $0x1, v52  }
0x361: {  	v3 =	vadd.s32 $0x7FFF, v3;
	v41 =	vadd.s32 $0x7FFF, v41;
	v1 =	vadd.s32 v51, v1  }
0x362: {  	v44 =	vadd.s32 $0x7FFF, v44;
	v46 =	vadd.s32 $0x7FFF, v46;
	v2 =	vadd.s32 $0x7FFF, v2  }
0x363: {  	v42 =	vadd.s32 $0x7FFF, v42;
	v45 =	vadd.s32 $0x7FFF, v45;
	v53 =	vadd.s32 $0x7FFF, v48  }
0x364: {  	v54 =	vadd.s32 $0x7FFF, v47;
	v55 =	vadd.s32 $0x7FFF, v49;
	v56 =	vadd.s32 $0x7FFF, v50  }
.Ltmp9:
0x365: {  	v3 =	vand.u32 $0xFFFF0000, v3;
	v52 =	vand.u32 $0xFFFF0000, v41;
	v1 =	vadd.s32 $0x7FFF, v1;
	(pc) =	sbr.rel @p1 .LBB2_17-.Ltmp9, $4  }
0x366: {  	v49 =	vand.u32 $0xFFFF0000, v46;
	v51 =	vand.u32 $0xFFFF0000, v44;
	v50 =	vand.u32 $0xFFFF0000, v2  }
0x367: {  	v48 =	vand.u32 $0xFFFF0000, v42;
	v47 =	vand.u32 $0xFFFF0000, v45;
	v46 =	vand.u32 $0xFFFF0000, v53  }
0x368: {  	v45 =	vand.u32 $0xFFFF0000, v54;
	v44 =	vand.u32 $0xFFFF0000, v55;
	v42 =	vand.u32 $0xFFFF0000, v56  }
0x369: {  	v54 =	vadd.s32 s3, v0;
	s3 =	sadd.s32 $0x1, s3;
	v53 =	vmul.f32 v3, v16;
	v41 =	vand.u32 $0xFFFF0000, v1  }
0x36a: {  	v1 =	vand.u32 $0x3F, v54  }
0x36b: {  	v2 =	vor.u32 v1, v34;
	_ =	sdelay $0x2  }
0x36c: {  	v3 =	vor.u32 v1, v36  }
0x36d: {  	v60 =	vld [tilespmem:$0x200];
	v31 =	vor.u32 v1, v31  }
0x36e: {  	v32 =	vor.u32 v1, v32;
	v2 =	vld.idx.msk [tilespmem:v2+s22+$0x0], $0xffff  }
0x36f: {  	s3 =	sadd.s32 $0x80, s15;
	v57 =	vld [tilespmem:$0x210];
	v33 =	vor.u32 v1, v33  }
0x370: {  	v61 =	vor.u32 v1, v30;
	v62 =	vor.u32 v1, v27;
	v27 =	vld [tilespmem:s3+$0x0]  }
0x371: {  	v30 =	vld.idx.msk [tilespmem:v3+s22+$0x0], $0xffff  }
0x372: {  	v3 =	vor.u32 v1, v28;
	v28 =	vld.idx.msk [tilespmem:v31+s22+$0x0], $0xffff  }
0x373: {  	v26 =	vor.u32 v1, v26;
	v31 =	vld.idx.msk [tilespmem:v32+s22+$0x0], $0xffff;
	v63 =	vshrl.u32 v2, $0x10  }
0x374: {  	v25 =	vor.u32 v1, v25;
	v32 =	vld.idx.msk [tilespmem:v33+s22+$0x0], $0xffff;
	v54 =	vand.u32 $0x1, v63  }
0x375: {  	v24 =	vor.u32 v1, v24;
	v36 =	vld.idx.msk [tilespmem:v61+s22+$0x0], $0xffff;
	v2 =	vadd.s32 v54, v2  }
0x376: {  	v21 =	vor.u32 v1, v21;
	v59 =	vld.idx.msk [tilespmem:v62+s22+$0x0], $0xffff;
	v2 =	vadd.s32 $0x7FFF, v2  }
0x377: {  	v34 =	vld.idx.msk [tilespmem:v60+s26+$0x0], $0xffff;
	v2 =	vand.u32 $0xFFFF0000, v2  }
0x378: {  	v58 =	vadd.f32 v53, v22;
	v1 =	vor.u32 v1, v20;
	v26 =	vld.idx.msk [tilespmem:v26+s22+$0x0], $0xffff;
	v2 =	vmul.f32 v2, v27  }
0x379: {  	v25 =	vld.idx.msk [tilespmem:v25+s22+$0x0], $0xffff  }
0x37a: {  	v24 =	vld.idx.msk [tilespmem:v24+s22+$0x0], $0xffff;
	v2 =	vadd.f32 v2, v58  }
0x37b: {  	v21 =	vld.idx.msk [tilespmem:v21+s22+$0x0], $0xffff;
	v60 =	vshrl.u32 v28, $0x10  }
0x37c: {  	v3 =	vld.idx.msk [tilespmem:v3+s22+$0x0], $0xffff;
	v61 =	vand.u32 $0x1, v60;
	v2 =	vadd.f32 v34, v2  }
0x37d: {  	v20 =	vld.idx.msk [tilespmem:v1+s22+$0x0], $0xffff;
	v1 =	vadd.s32 v61, v28  }
0x37e: {  	v63 =	vld [tilespmem:$0x220];
	v1 =	vadd.s32 $0x7FFF, v1;
	[tilespmem:$0x1BE00] =	vst v2;
	v2 =	vmul.f32 v52, v16  }
0x37f: {  	v1 =	vand.u32 $0xFFFF0000, v1;
	v62 =	vld.idx.msk [tilespmem:v57+s26+$0x0], $0xffff  }
0x380: {  	v1 =	vmul.f32 v1, v27;
	v2 =	vadd.f32 v2, v43;
	_ =	sdelay $0x1  }
0x381: {  	v1 =	vadd.f32 v1, v2  }
0x382: {  	v2 =	vshrl.u32 v31, $0x10  }
0x383: {  	v2 =	vand.u32 $0x1, v2;
	v1 =	vadd.f32 v62, v1  }
0x384: {  	v2 =	vadd.s32 v2, v31  }
0x385: {  	v52 =	vld [tilespmem:$0x230];
	v2 =	vadd.s32 $0x7FFF, v2;
	[tilespmem:$0x1BE10] =	vst v1;
	v1 =	vmul.f32 v51, v16  }
0x386: {  	v2 =	vand.u32 $0xFFFF0000, v2;
	v51 =	vld.idx.msk [tilespmem:v63+s26+$0x0], $0xffff  }
0x387: {  	v2 =	vmul.f32 v2, v27;
	v1 =	vadd.f32 v1, v40;
	_ =	sdelay $0x1  }
0x388: {  	v1 =	vadd.f32 v2, v1  }
0x389: {  	v2 =	vshrl.u32 v32, $0x10  }
0x38a: {  	v2 =	vand.u32 $0x1, v2;
	v1 =	vadd.f32 v51, v1  }
0x38b: {  	v2 =	vadd.s32 v2, v32  }
0x38c: {  	v54 =	vld [tilespmem:$0x240];
	v2 =	vadd.s32 $0x7FFF, v2;
	[tilespmem:$0x1BE20] =	vst v1;
	v1 =	vmul.f32 v50, v16  }
0x38d: {  	v2 =	vand.u32 $0xFFFF0000, v2;
	v53 =	vld.idx.msk [tilespmem:v52+s26+$0x0], $0xffff  }
0x38e: {  	v2 =	vmul.f32 v2, v27;
	v1 =	vadd.f32 v1, v39;
	_ =	sdelay $0x1  }
0x38f: {  	v1 =	vadd.f32 v2, v1  }
0x390: {  	v2 =	vshrl.u32 v36, $0x10  }
0x391: {  	v2 =	vand.u32 $0x1, v2;
	v1 =	vadd.f32 v53, v1  }
0x392: {  	v2 =	vadd.s32 v2, v36  }
0x393: {  	v56 =	vld [tilespmem:$0x250];
	v2 =	vadd.s32 $0x7FFF, v2;
	[tilespmem:$0x1BE30] =	vst v1;
	v1 =	vmul.f32 v49, v16  }
0x394: {  	v2 =	vand.u32 $0xFFFF0000, v2;
	v55 =	vld.idx.msk [tilespmem:v54+s26+$0x0], $0xffff  }
0x395: {  	v2 =	vmul.f32 v2, v27;
	v1 =	vadd.f32 v1, v38;
	_ =	sdelay $0x1  }
0x396: {  	v1 =	vadd.f32 v2, v1  }
0x397: {  	v2 =	vshrl.u32 v3, $0x10  }
0x398: {  	v2 =	vand.u32 $0x1, v2;
	v1 =	vadd.f32 v55, v1  }
0x399: {  	v2 =	vadd.s32 v2, v3  }
0x39a: {  	v57 =	vld [tilespmem:$0x260];
	v2 =	vadd.s32 $0x7FFF, v2;
	[tilespmem:$0x1BE40] =	vst v1;
	v1 =	vmul.f32 v48, v16  }
0x39b: {  	v2 =	vand.u32 $0xFFFF0000, v2;
	v3 =	vld.idx.msk [tilespmem:v56+s26+$0x0], $0xffff  }
0x39c: {  	v2 =	vmul.f32 v2, v27;
	v1 =	vadd.f32 v1, v37;
	_ =	sdelay $0x1  }
0x39d: {  	v1 =	vadd.f32 v2, v1  }
0x39e: {  	v2 =	vshrl.u32 v59, $0x10  }
0x39f: {  	v2 =	vand.u32 $0x1, v2;
	v1 =	vadd.f32 v3, v1  }
0x3a0: {  	v2 =	vadd.s32 v2, v59  }
0x3a1: {  	v58 =	vld [tilespmem:$0x270];
	v2 =	vadd.s32 $0x7FFF, v2;
	[tilespmem:$0x1BE50] =	vst v1;
	v1 =	vmul.f32 v47, v16  }
0x3a2: {  	v2 =	vand.u32 $0xFFFF0000, v2;
	v3 =	vld.idx.msk [tilespmem:v57+s26+$0x0], $0xffff  }
0x3a3: {  	v2 =	vmul.f32 v2, v27;
	v1 =	vadd.f32 v1, v35;
	_ =	sdelay $0x1  }
0x3a4: {  	v1 =	vadd.f32 v2, v1  }
0x3a5: {  	v2 =	vshrl.u32 v26, $0x10  }
0x3a6: {  	v2 =	vand.u32 $0x1, v2;
	v1 =	vadd.f32 v3, v1  }
0x3a7: {  	v2 =	vadd.s32 v2, v26  }
0x3a8: {  	v59 =	vld [tilespmem:$0x280];
	v2 =	vadd.s32 $0x7FFF, v2;
	[tilespmem:$0x1BE60] =	vst v1;
	v1 =	vmul.f32 v46, v16  }
0x3a9: {  	v2 =	vand.u32 $0xFFFF0000, v2;
	v3 =	vld.idx.msk [tilespmem:v58+s26+$0x0], $0xffff  }
0x3aa: {  	v2 =	vmul.f32 v2, v27;
	v1 =	vadd.f32 v1, v29;
	_ =	sdelay $0x1  }
0x3ab: {  	v1 =	vadd.f32 v2, v1  }
0x3ac: {  	v2 =	vshrl.u32 v25, $0x10  }
0x3ad: {  	v2 =	vand.u32 $0x1, v2;
	v1 =	vadd.f32 v3, v1  }
0x3ae: {  	v2 =	vadd.s32 v2, v25  }
0x3af: {  	v60 =	vld [tilespmem:$0x290];
	v2 =	vadd.s32 $0x7FFF, v2;
	[tilespmem:$0x1BE70] =	vst v1;
	v1 =	vmul.f32 v45, v16  }
0x3b0: {  	v2 =	vand.u32 $0xFFFF0000, v2;
	v3 =	vld.idx.msk [tilespmem:v59+s26+$0x0], $0xffff  }
0x3b1: {  	v2 =	vmul.f32 v2, v27;
	v1 =	vadd.f32 v1, v23;
	_ =	sdelay $0x1  }
0x3b2: {  	v1 =	vadd.f32 v2, v1  }
0x3b3: {  	v2 =	vshrl.u32 v24, $0x10  }
0x3b4: {  	v2 =	vand.u32 $0x1, v2;
	v1 =	vadd.f32 v3, v1  }
0x3b5: {  	v2 =	vadd.s32 v2, v24  }
0x3b6: {  	v61 =	vld [tilespmem:$0x2A0];
	v2 =	vadd.s32 $0x7FFF, v2;
	[tilespmem:$0x1BE80] =	vst v1;
	v1 =	vmul.f32 v44, v16  }
0x3b7: {  	v2 =	vand.u32 $0xFFFF0000, v2;
	v3 =	vld.idx.msk [tilespmem:v60+s26+$0x0], $0xffff  }
0x3b8: {  	v2 =	vmul.f32 v2, v27;
	v1 =	vadd.f32 v1, v19;
	_ =	sdelay $0x1  }
0x3b9: {  	v1 =	vadd.f32 v2, v1  }
0x3ba: {  	v2 =	vshrl.u32 v21, $0x10  }
0x3bb: {  	v2 =	vand.u32 $0x1, v2;
	v1 =	vadd.f32 v3, v1  }
0x3bc: {  	v2 =	vadd.s32 v2, v21  }
0x3bd: {  	v62 =	vld [tilespmem:$0x2B0];
	v2 =	vadd.s32 $0x7FFF, v2;
	[tilespmem:$0x1BE90] =	vst v1;
	v1 =	vmul.f32 v42, v16  }
0x3be: {  	v2 =	vand.u32 $0xFFFF0000, v2;
	v3 =	vld.idx.msk [tilespmem:v61+s26+$0x0], $0xffff  }
0x3bf: {  	v2 =	vmul.f32 v2, v27;
	v1 =	vadd.f32 v1, v18;
	_ =	sdelay $0x1  }
0x3c0: {  	v1 =	vadd.f32 v2, v1  }
0x3c1: {  	v2 =	vshrl.u32 v20, $0x10  }
0x3c2: {  	v2 =	vand.u32 $0x1, v2;
	v1 =	vadd.f32 v3, v1  }
0x3c3: {  	v2 =	vadd.s32 v2, v20  }
0x3c4: {  	v63 =	vld [tilespmem:$0x2C0];
	v2 =	vadd.s32 $0x7FFF, v2;
	[tilespmem:$0x1BEA0] =	vst v1;
	v1 =	vmul.f32 v41, v16  }
0x3c5: {  	v2 =	vand.u32 $0xFFFF0000, v2;
	v3 =	vld.idx.msk [tilespmem:v62+s26+$0x0], $0xffff  }
0x3c6: {  	v2 =	vmul.f32 v2, v27;
	v1 =	vadd.f32 v1, v17;
	_ =	sdelay $0x1  }
0x3c7: {  	v1 =	vadd.f32 v2, v1  }
0x3c8: {  	v2 =	vshrl.u32 v30, $0x10  }
0x3c9: {  	v2 =	vand.u32 $0x1, v2;
	v1 =	vadd.f32 v3, v1  }
0x3ca: {  	v2 =	vadd.s32 v2, v30  }
0x3cb: {  	v2 =	vadd.s32 $0x7FFF, v2;
	[tilespmem:$0x1BEB0] =	vst v1  }
0x3cc: {  	v1 =	vand.u32 $0xFFFF0000, v2;
	v2 =	vld.idx.msk [tilespmem:v63+s26+$0x0], $0xffff  }
0x3cd: {  	v1 =	vmul.f32 v1, v27;
	_ =	sdelay $0x1  }
0x3ce: {  	v1 =	vadd.f32 v1, v15  }
.Ltmp10:
0x3cf: {  	s0 =	sor.u32 s9, s0;
	(pc) =	sbr.rel @p0 .LBB2_20-.Ltmp10, $3  }
0x3d0: {  	s25 =	smul.u32 $0x1A, s0;
	v1 =	vadd.f32 v2, v1;
	_ =	sdelay $0x1  }
0x3d1: {  	s5 =	simm.s32 $0x1BE00;
	s3 =	sadd.s32 s8, s25;
	[tilespmem:$0x1BEC0] =	vst v1  }
0x3d2: {  	[hbm4b:s3+s1] =	stream.linear.scatter [tilespmem:s5], [sflag:$0x9], $0xD0, $0x38;
	[tilespmem:$0x1E000] =	vst v63  }
0x3d3: {  	s0 =	smul.u32 $0xC8, s0;
	_ =	sdelay $0x1  }
0x3d4: {  	s0 =	sshrl.u32 s0, $0x3  }
0x3d5: {  	s3 =	rddreg [dreg:$0x2];
	s0 =	sadd.s32 $0x64, s0  }
0x3d6: {  	s5 =	simm.s32 $0x200;
	s15 =	rddreg [dreg:$0x12];
	s3 =	sadd.s32 s3, s0  }
0x3d7: {  	[tilespmem:s5], [sflag:$0x3] =	stream.linear.gather [hbm4b:s3+s1], $0xC8, $0x38;
	[tilespmem:$0x1E000] =	vst v63  }
0x3d8: {  	s25 =	simm.s32 $0x600;
	s0 =	sadd.s32 s15, s0;
	s3 =	simm.s32 $0x3  }
0x3d9: {  	[tilespmem:s25], [sflag:$0x3] =	stream.linear.gather [hbm4b:s0+s1], $0xC8, $0x38;
	[tilespmem:$0x1E000] =	vst v63  }
0x3da: {  	_ =	swait.ge [sflag:s3], $0xC8  }
0x3db: {  	[sflag:s3] =	ssyncset.done $0x0  }
0x3dc: {  	[sflag:s3] =	ssyncadd.s32 $0xFFFFFF38  }
0x3dd: {  	_ =	swait.ge [sflag:s3], $0xC8  }
0x3de: {  	[sflag:s3] =	ssyncset.done $0x0  }
0x3df: {  	[sflag:s3] =	ssyncadd.s32 $0xFFFFFF38  }
0x3e0: {  	v1 =	vld [tilespmem:$0x600]  }
0x3e1: {  	v2 =	vld [tilespmem:$0x610]  }
0x3e2: {  	v3 =	vld [tilespmem:$0x620]  }
0x3e3: {  	v15 =	vld [tilespmem:$0x630]  }
0x3e4: {  	v16 =	vld [tilespmem:$0x640]  }
0x3e5: {  	v17 =	vld [tilespmem:$0x650];
	v1 =	vshrl.u32 v1, $0x1  }
0x3e6: {  	[tilespmem:$0xA00] =	vst v1;
	v1 =	vshrl.u32 v2, $0x1;
	v2 =	vld [tilespmem:$0x660]  }
0x3e7: {  	[tilespmem:$0xA10] =	vst v1;
	v1 =	vshrl.u32 v3, $0x1;
	v3 =	vld [tilespmem:$0x670]  }
0x3e8: {  	[tilespmem:$0xA20] =	vst v1;
	v1 =	vshrl.u32 v15, $0x1;
	v15 =	vld [tilespmem:$0x680]  }
0x3e9: {  	v62 =	vld [tilespmem:$0x690];
	[tilespmem:$0xA30] =	vst v1;
	v1 =	vshrl.u32 v16, $0x1  }
0x3ea: {  	v63 =	vld [tilespmem:$0x6A0];
	[tilespmem:$0xA40] =	vst v1;
	v1 =	vshrl.u32 v17, $0x1  }
0x3eb: {  	[tilespmem:$0xA50] =	vst v1;
	v1 =	vshrl.u32 v2, $0x1;
	v2 =	vld [tilespmem:$0x6B0]  }
0x3ec: {  	[tilespmem:$0xA60] =	vst v1;
	v1 =	vshrl.u32 v3, $0x1;
	v3 =	vld [tilespmem:$0x6C0]  }
0x3ed: {  	[tilespmem:$0xA70] =	vst v1;
	v1 =	vshrl.u32 v15, $0x1  }
0x3ee: {  	[tilespmem:$0xA80] =	vst v1;
	v1 =	vshrl.u32 v62, $0x1  }
0x3ef: {  	[tilespmem:$0xA90] =	vst v1;
	v1 =	vshrl.u32 v63, $0x1  }
0x3f0: {  	[tilespmem:$0xAA0] =	vst v1;
	v1 =	vshrl.u32 v2, $0x1  }
0x3f1: {  	s6 =	simm.s32 $0xA00;
	s5 =	sor.u32 s9, s23;
	[tilespmem:$0xAB0] =	vst v1;
	v1 =	vshrl.u32 v3, $0x1  }
0x3f2: {  	s15 =	simm.s32 $0xA68;
	s0 =	sadd.s32 $0x3, s5;
	s25 =	rddreg [dreg:$0x13];
	[tilespmem:$0xAC0] =	vst v1  }
0x3f3: {  	[tilespmem:s22], [sflag:$0x7] =	stream.indirect.gather [hbm4b:s7+s28], $0x80, s6, s28, $0xb8;
	[tilespmem:$0x1E000] =	vst v63  }
0x3f4: {  	s3 =	smul.u32 $0x7D, s0;
	s0 =	sshll.u32 s0, $0x3;
	s6 =	simm.s32 $0x12200  }
0x3f5: {  	[tilespmem:s6], [sflag:$0x7] =	stream.indirect.gather [hbm4b:s7+s28], $0x80, s15, s28, $0xb8;
	[tilespmem:$0x1E000] =	vst v63  }
0x3f6: {  	s0 =	sand.u32 $0x1FFFFFF0, s0;
	s3 =	sadd.s32 s25, s3  }
0x3f7: {  	[tilespmem:s26], [sflag:$0x7] =	stream.linear.gather [hbm4b:s3+s1], $0x3E8, $0x38;
	[tilespmem:$0x1E000] =	vst v63  }
0x3f8: {  	s0 =	sadd.s32 s4, s0  }
0x3f9: {  	[tilespmem:s29], [sflag:$0x7] =	stream.linear.gather [hbm4b:s0+s1], $0x40, $0x38;
	[tilespmem:$0x1E000] =	vst v63  }
.LBB2_20:
0x3fa: {  	_ =	swait.ge [sflag:s12], $0x3400  }
0x3fb: {  	[sflag:s12] =	ssyncset.done $0x0  }
0x3fc: {  	[sflag:s12] =	ssyncadd.s32 $0xFFFFCC00  }
0x3fd: {  	_ =	swait.ge [sflag:s12], $0x3400  }
0x3fe: {  	[sflag:s12] =	ssyncset.done $0x0  }
0x3ff: {  	[sflag:s12] =	ssyncadd.s32 $0xFFFFCC00  }
0x400: {  	_ =	swait.ge [sflag:s12], $0x3E8  }
0x401: {  	[sflag:s12] =	ssyncset.done $0x0  }
0x402: {  	[sflag:s12] =	ssyncadd.s32 $0xFFFFFC18  }
0x403: {  	_ =	swait.ge [sflag:s12], $0x40  }
0x404: {  	[sflag:s12] =	ssyncset.done $0x0  }
0x405: {  	s0 =	simm.s32 $0xA;
	[sflag:s12] =	ssyncadd.s32 $0xFFFFFFC0  }
0x406: {  	_ =	swait.ge [sflag:s0], $0xD0  }
0x407: {  	[sflag:s0] =	ssyncset.done $0x0  }
0x408: {  	[sflag:s0] =	ssyncadd.s32 $0xFFFFFF30  }
0x409: {  	v27 =	vld [tilespmem:$0x700]  }
0x40a: {  	s3 =	simm.s32 $0x0;
	v25 =	vld [tilespmem:$0x710]  }
0x40b: {  	v1 =	vadd.s32 s3, v0;
	v26 =	vld [tilespmem:$0x720]  }
0x40c: {  	v1 =	vand.u32 $0x3F, v1;
	v24 =	vld [tilespmem:$0x730]  }
0x40d: {  	v22 =	vld [tilespmem:$0x740]  }
0x40e: {  	v23 =	vld [tilespmem:$0x750]  }
0x40f: {  	v21 =	vld [tilespmem:$0x760]  }
0x410: {  	s15 =	simm.s32 $0x1;
	v19 =	vld [tilespmem:$0x770]  }
0x411: {  	v2 =	vadd.s32 s15, v0;
	v1 =	vld.idx.msk [tilespmem:v1+s20+$0x0], $0xffff  }
0x412: {  	v2 =	vand.u32 $0x3F, v2;
	v20 =	vld [tilespmem:$0x780]  }
0x413: {  	v18 =	vld [tilespmem:$0x790]  }
0x414: {  	v15 =	vld [tilespmem:$0x7A0]  }
0x415: {  	s0 =	simm.s32 $0x1C000;
	v16 =	vld [tilespmem:$0x7B0]  }
0x416: {  	s25 =	simm.s32 $0x2;
	v17 =	vld [tilespmem:$0x7C0];
	[tilespmem:s0+$0x0] =	vst v1  }
0x417: {  	v29 =	vadd.s32 s25, v0;
	s3 =	simm.s32 $0x3;
	v28 =	vld.idx.msk [tilespmem:v2+s20+$0x0], $0xffff  }
.LBB2_21:
0x418: {  	p1 =	seq.s32 s3, $0x3F;
	v1 =	vand.u32 $0x3F, v29;
	_ =	sdelay $0x1  }
.Ltmp11:
0x419: {  	(pc) =	sbr.rel @!p1 .LBB2_21-.Ltmp11, $4  }
0x41a: {  	s0 =	sadd.s32 $0x80, s0  }
0x41b: {  	[tilespmem:s0+$0x0] =	vst v28  }
0x41c: {  	v28 =	vld.idx.msk [tilespmem:v1+s20+$0x0], $0xffff  }
0x41d: {  	v29 =	vadd.s32 s3, v0;
	s3 =	sadd.s32 $0x1, s3  }
0x41e: {  	v1 =	vand.u32 $0x3F, v29;
	_ =	sdelay $0x2  }
0x41f: {  	s0 =	sadd.s32 $0x80, s0  }
0x420: {  	[tilespmem:s0+$0x0] =	vst v28  }
0x421: {  	v1 =	vld.idx.msk [tilespmem:v1+s20+$0x0], $0xffff;
	_ =	sdelay $0x3  }
0x422: {  	s0 =	sadd.s32 $0x80, s0  }
0x423: {  	[tilespmem:s0+$0x0] =	vst v1;
	v1 =	vshll.u32 v27, $0x6  }
0x424: {  	v1 =	vand.u32 $0x40, v1  }
0x425: {  	v34 =	vor.u32 v4, v1;
	v1 =	vld [tilespmem:$0x1FFE0];
	_ =	sdelay $0x2  }
0x426: {  	v2 =	vshll.u32 v25, $0x6  }
0x427: {  	v3 =	vshll.u32 v26, $0x6;
	v24 =	vshll.u32 v24, $0x6;
	v2 =	vand.u32 $0x40, v2  }
0x428: {  	v22 =	vshll.u32 v22, $0x6;
	v23 =	vshll.u32 v23, $0x6;
	v31 =	vor.u32 v1, v2;
	v1 =	vld [tilespmem:$0x1FFF0]  }
0x429: {  	v21 =	vshll.u32 v21, $0x6;
	v19 =	vshll.u32 v19, $0x6;
	v20 =	vshll.u32 v20, $0x6  }
0x42a: {  	v18 =	vshll.u32 v18, $0x6;
	v15 =	vshll.u32 v15, $0x6;
	v16 =	vshll.u32 v16, $0x6  }
0x42b: {  	v17 =	vshll.u32 v17, $0x6;
	v3 =	vand.u32 $0x40, v3;
	v24 =	vand.u32 $0x40, v24  }
0x42c: {  	s3 =	simm.s32 $0x0;
	v22 =	vand.u32 $0x40, v22;
	v23 =	vand.u32 $0x40, v23;
	v21 =	vand.u32 $0x40, v21  }
0x42d: {  	v17 =	vand.u32 $0x40, v17;
	v32 =	vor.u32 v1, v3;
	v1 =	vadd.s32 s3, v0  }
0x42e: {  	v19 =	vand.u32 $0x40, v19;
	v36 =	vor.u32 v14, v17;
	v1 =	vand.u32 $0x3F, v1  }
0x42f: {  	v20 =	vand.u32 $0x40, v20;
	v15 =	vand.u32 $0x40, v15;
	v2 =	vor.u32 v1, v36  }
0x430: {  	v16 =	vand.u32 $0x40, v16;
	v33 =	vor.u32 v5, v24;
	v3 =	vor.u32 v1, v34  }
0x431: {  	v27 =	vor.u32 v8, v21;
	v21 =	vor.u32 v12, v15;
	v15 =	vor.u32 v1, v31  }
0x432: {  	v25 =	vor.u32 v10, v20;
	v20 =	vor.u32 v13, v16;
	v16 =	vor.u32 v1, v32  }
0x433: {  	v18 =	vand.u32 $0x40, v18;
	v30 =	vor.u32 v6, v22;
	v17 =	vor.u32 v1, v33  }
0x434: {  	v24 =	vor.u32 v11, v18;
	v28 =	vor.u32 v7, v23;
	v18 =	vor.u32 v1, v30;
	v2 =	vld.idx.msk [tilespmem:v2+s13+$0x0], $0xffff  }
0x435: {  	v26 =	vor.u32 v9, v19;
	v19 =	vor.u32 v1, v28;
	v3 =	vld.idx.msk [tilespmem:v3+s13+$0x0], $0xffff  }
0x436: {  	v35 =	vor.u32 v1, v26;
	v15 =	vld.idx.msk [tilespmem:v15+s13+$0x0], $0xffff  }
0x437: {  	v37 =	vor.u32 v1, v25;
	v29 =	vld.idx.msk [tilespmem:v16+s13+$0x0], $0xffff  }
0x438: {  	v38 =	vor.u32 v1, v24;
	v17 =	vld.idx.msk [tilespmem:v17+s13+$0x0], $0xffff  }
0x439: {  	v39 =	vor.u32 v1, v21;
	v18 =	vld.idx.msk [tilespmem:v18+s13+$0x0], $0xffff  }
0x43a: {  	v23 =	vor.u32 v1, v27;
	v1 =	vor.u32 v1, v20;
	v19 =	vld.idx.msk [tilespmem:v19+s13+$0x0], $0xffff  }
0x43b: {  	v35 =	vld.idx.msk [tilespmem:v35+s13+$0x0], $0xffff  }
0x43c: {  	v37 =	vld.idx.msk [tilespmem:v37+s13+$0x0], $0xffff  }
0x43d: {  	v38 =	vld.idx.msk [tilespmem:v38+s13+$0x0], $0xffff  }
0x43e: {  	v39 =	vld.idx.msk [tilespmem:v39+s13+$0x0], $0xffff  }
0x43f: {  	v1 =	vld.idx.msk [tilespmem:v1+s13+$0x0], $0xffff  }
0x440: {  	v22 =	vimm.f32 $0.0e+00;
	v40 =	vshrl.u32 v2, $0x10;
	v41 =	vshrl.u32 v3, $0x10  }
0x441: {  	v42 =	vshrl.u32 v15, $0x10;
	v54 =	vshrl.u32 v29, $0x10;
	v43 =	vshrl.u32 v17, $0x10  }
0x442: {  	v44 =	vshrl.u32 v18, $0x10;
	v56 =	vshrl.u32 v19, $0x10;
	v57 =	vshrl.u32 v35, $0x10  }
0x443: {  	v58 =	vshrl.u32 v37, $0x10;
	v59 =	vshrl.u32 v38, $0x10;
	v60 =	vshrl.u32 v39, $0x10  }
0x444: {  	v62 =	vshrl.u32 v1, $0x10;
	v40 =	vand.u32 $0x1, v40;
	v41 =	vand.u32 $0x1, v41  }
0x445: {  	v53 =	vand.u32 $0x1, v42;
	v42 =	vand.u32 $0x1, v54;
	v43 =	vand.u32 $0x1, v43  }
0x446: {  	s25 =	simm.s32 $0x1;
	v55 =	vand.u32 $0x1, v44;
	v61 =	vand.u32 $0x1, v60;
	v63 =	vand.u32 $0x1, v62  }
0x447: {  	v54 =	vadd.s32 s25, v0;
	v2 =	vadd.s32 v40, v2;
	v3 =	vadd.s32 v41, v3  }
0x448: {  	v40 =	vadd.s32 v53, v15;
	v29 =	vadd.s32 v42, v29;
	v42 =	vand.u32 $0x1, v56  }
0x449: {  	v18 =	vadd.s32 v55, v18;
	v41 =	vand.u32 $0x1, v57;
	v1 =	vadd.s32 v63, v1  }
0x44a: {  	v2 =	vadd.s32 $0x7FFF, v2;
	v19 =	vadd.s32 v42, v19;
	v35 =	vadd.s32 v41, v35  }
0x44b: {  	s0 =	simm.s32 $0x1C000;
	v42 =	vand.u32 $0x1, v59;
	v3 =	vadd.s32 $0x7FFF, v3;
	v40 =	vadd.s32 $0x7FFF, v40  }
0x44c: {  	v16 =	vld [tilespmem:s0+$0x0];
	v29 =	vadd.s32 $0x7FFF, v29;
	v18 =	vadd.s32 $0x7FFF, v18;
	v1 =	vadd.s32 $0x7FFF, v1  }
0x44d: {  	v2 =	vand.u32 $0xFFFF0000, v2;
	v38 =	vadd.s32 v42, v38;
	v19 =	vadd.s32 $0x7FFF, v19  }
0x44e: {  	v35 =	vadd.s32 $0x7FFF, v35;
	v3 =	vand.u32 $0xFFFF0000, v3;
	v52 =	vand.u32 $0xFFFF0000, v40  }
0x44f: {  	v23 =	vld.idx.msk [tilespmem:v23+s13+$0x0], $0xffff;
	v51 =	vand.u32 $0xFFFF0000, v29;
	v49 =	vand.u32 $0xFFFF0000, v18;
	v41 =	vand.u32 $0xFFFF0000, v1  }
0x450: {  	v40 =	vimm.f32 $0.0e+00;
	v29 =	vimm.f32 $0.0e+00;
	v18 =	vimm.f32 $0.0e+00  }
0x451: {  	v2 =	vmul.f32 v2, v16;
	v38 =	vadd.s32 $0x7FFF, v38;
	v48 =	vand.u32 $0xFFFF0000, v19  }
0x452: {  	v46 =	vand.u32 $0xFFFF0000, v35;
	v53 =	vmul.f32 v3, v16;
	v35 =	vimm.f32 $0.0e+00  }
0x453: {  	v19 =	vimm.f32 $0.0e+00;
	v44 =	vand.u32 $0xFFFF0000, v38;
	v38 =	vimm.f32 $0.0e+00  }
0x454: {  	v15 =	vadd.f32 v2, v22;
	v2 =	vadd.s32 v43, v17;
	v17 =	vshrl.u32 v23, $0x10  }
0x455: {  	v43 =	vimm.f32 $0.0e+00;
	v17 =	vand.u32 $0x1, v17;
	v2 =	vadd.s32 $0x7FFF, v2  }
0x456: {  	v17 =	vadd.s32 v17, v23;
	v23 =	vand.u32 $0x1, v58;
	v50 =	vand.u32 $0xFFFF0000, v2  }
0x457: {  	v23 =	vadd.s32 v23, v37;
	v37 =	vadd.s32 v61, v39;
	v17 =	vadd.s32 $0x7FFF, v17  }
0x458: {  	v39 =	vimm.f32 $0.0e+00;
	v23 =	vadd.s32 $0x7FFF, v23;
	v37 =	vadd.s32 $0x7FFF, v37  }
0x459: {  	v47 =	vand.u32 $0xFFFF0000, v17;
	v17 =	vimm.f32 $0.0e+00;
	v45 =	vand.u32 $0xFFFF0000, v23  }
0x45a: {  	s3 =	simm.s32 $0x2;
	v42 =	vand.u32 $0xFFFF0000, v37;
	v37 =	vimm.f32 $0.0e+00;
	v23 =	vimm.f32 $0.0e+00  }
.LBB2_23:
0x45b: {  	p1 =	sne.s32 s3, $0x3F;
	v1 =	vand.u32 $0x3F, v54;
	v2 =	vmul.f32 v52, v16;
	v3 =	vmul.f32 v51, v16  }
0x45c: {  	v51 =	vor.u32 v1, v34;
	v52 =	vor.u32 v1, v31;
	v54 =	vor.u32 v1, v36  }
0x45d: {  	v55 =	vor.u32 v1, v32;
	v56 =	vor.u32 v1, v33;
	v57 =	vor.u32 v1, v30  }
0x45e: {  	v58 =	vor.u32 v1, v28;
	v59 =	vor.u32 v1, v27;
	v60 =	vor.u32 v1, v26  }
0x45f: {  	v61 =	vor.u32 v1, v25;
	v62 =	vor.u32 v1, v24;
	v63 =	vor.u32 v1, v21  }
0x460: {  	v50 =	vmul.f32 v50, v16;
	v49 =	vmul.f32 v49, v16;
	v1 =	vor.u32 v1, v20  }
0x461: {  	v48 =	vmul.f32 v48, v16;
	v47 =	vmul.f32 v47, v16;
	v22 =	vadd.f32 v53, v22;
	v54 =	vld.idx.msk [tilespmem:v54+s13+$0x0], $0xffff  }
0x462: {  	v45 =	vmul.f32 v45, v16;
	v43 =	vadd.f32 v2, v43;
	v2 =	vmul.f32 v46, v16;
	v51 =	vld.idx.msk [tilespmem:v51+s13+$0x0], $0xffff  }
0x463: {  	v42 =	vmul.f32 v42, v16;
	v40 =	vadd.f32 v3, v40;
	v3 =	vmul.f32 v44, v16;
	v46 =	vld.idx.msk [tilespmem:v52+s13+$0x0], $0xffff  }
0x464: {  	v41 =	vmul.f32 v41, v16;
	v39 =	vadd.f32 v50, v39;
	v38 =	vadd.f32 v49, v38;
	v44 =	vld.idx.msk [tilespmem:v55+s13+$0x0], $0xffff  }
0x465: {  	v37 =	vadd.f32 v48, v37;
	v35 =	vadd.f32 v47, v35;
	v49 =	vld.idx.msk [tilespmem:v56+s13+$0x0], $0xffff  }
0x466: {  	s0 =	sadd.s32 $0x80, s0;
	v23 =	vadd.f32 v45, v23;
	v29 =	vadd.f32 v2, v29;
	v47 =	vld.idx.msk [tilespmem:v57+s13+$0x0], $0xffff  }
0x467: {  	v18 =	vadd.f32 v42, v18;
	v19 =	vadd.f32 v3, v19;
	v2 =	vshrl.u32 v54, $0x10;
	v16 =	vld [tilespmem:s0+$0x0]  }
0x468: {  	v17 =	vadd.f32 v41, v17;
	v3 =	vshrl.u32 v51, $0x10;
	v2 =	vand.u32 $0x1, v2;
	v42 =	vld.idx.msk [tilespmem:v58+s13+$0x0], $0xffff  }
0x469: {  	v3 =	vand.u32 $0x1, v3;
	v41 =	vshrl.u32 v46, $0x10;
	v2 =	vadd.s32 v2, v54;
	v45 =	vld.idx.msk [tilespmem:v59+s13+$0x0], $0xffff  }
0x46a: {  	v41 =	vand.u32 $0x1, v41;
	v48 =	vshrl.u32 v44, $0x10;
	v2 =	vadd.s32 $0x7FFF, v2;
	v50 =	vld.idx.msk [tilespmem:v60+s13+$0x0], $0xffff  }
0x46b: {  	v48 =	vand.u32 $0x1, v48;
	v52 =	vshrl.u32 v49, $0x10;
	v2 =	vand.u32 $0xFFFF0000, v2;
	v53 =	vld.idx.msk [tilespmem:v61+s13+$0x0], $0xffff  }
0x46c: {  	v52 =	vand.u32 $0x1, v52;
	v54 =	vshrl.u32 v47, $0x10;
	v55 =	vld.idx.msk [tilespmem:v62+s13+$0x0], $0xffff;
	v2 =	vmul.f32 v2, v16  }
0x46d: {  	v3 =	vadd.s32 v3, v51;
	v41 =	vadd.s32 v41, v46;
	v46 =	vand.u32 $0x1, v54;
	v51 =	vld.idx.msk [tilespmem:v63+s13+$0x0], $0xffff  }
0x46e: {  	v44 =	vadd.s32 v48, v44;
	v48 =	vshrl.u32 v42, $0x10;
	v1 =	vld.idx.msk [tilespmem:v1+s13+$0x0], $0xffff;
	v15 =	vadd.f32 v2, v15  }
0x46f: {  	v2 =	vadd.s32 v52, v49;
	v48 =	vand.u32 $0x1, v48;
	v49 =	vshrl.u32 v45, $0x10  }
0x470: {  	v46 =	vadd.s32 v46, v47;
	v47 =	vand.u32 $0x1, v49;
	v49 =	vshrl.u32 v50, $0x10  }
0x471: {  	v42 =	vadd.s32 v48, v42;
	v48 =	vand.u32 $0x1, v49;
	v49 =	vshrl.u32 v53, $0x10  }
0x472: {  	v45 =	vadd.s32 v47, v45;
	v47 =	vand.u32 $0x1, v49;
	v49 =	vshrl.u32 v55, $0x10  }
0x473: {  	v48 =	vadd.s32 v48, v50;
	v49 =	vand.u32 $0x1, v49;
	v50 =	vshrl.u32 v51, $0x10  }
0x474: {  	v47 =	vadd.s32 v47, v53;
	v50 =	vand.u32 $0x1, v50;
	v52 =	vshrl.u32 v1, $0x10  }
0x475: {  	v49 =	vadd.s32 v49, v55;
	v50 =	vadd.s32 v50, v51;
	v51 =	vand.u32 $0x1, v52  }
0x476: {  	v3 =	vadd.s32 $0x7FFF, v3;
	v41 =	vadd.s32 $0x7FFF, v41;
	v1 =	vadd.s32 v51, v1  }
0x477: {  	v44 =	vadd.s32 $0x7FFF, v44;
	v46 =	vadd.s32 $0x7FFF, v46;
	v2 =	vadd.s32 $0x7FFF, v2  }
0x478: {  	v42 =	vadd.s32 $0x7FFF, v42;
	v45 =	vadd.s32 $0x7FFF, v45;
	v53 =	vadd.s32 $0x7FFF, v48  }
0x479: {  	v54 =	vadd.s32 $0x7FFF, v47;
	v55 =	vadd.s32 $0x7FFF, v49;
	v56 =	vadd.s32 $0x7FFF, v50  }
.Ltmp12:
0x47a: {  	v3 =	vand.u32 $0xFFFF0000, v3;
	v52 =	vand.u32 $0xFFFF0000, v41;
	v1 =	vadd.s32 $0x7FFF, v1;
	(pc) =	sbr.rel @p1 .LBB2_23-.Ltmp12, $4  }
0x47b: {  	v49 =	vand.u32 $0xFFFF0000, v46;
	v51 =	vand.u32 $0xFFFF0000, v44;
	v50 =	vand.u32 $0xFFFF0000, v2  }
0x47c: {  	v48 =	vand.u32 $0xFFFF0000, v42;
	v47 =	vand.u32 $0xFFFF0000, v45;
	v46 =	vand.u32 $0xFFFF0000, v53  }
0x47d: {  	v45 =	vand.u32 $0xFFFF0000, v54;
	v44 =	vand.u32 $0xFFFF0000, v55;
	v42 =	vand.u32 $0xFFFF0000, v56  }
0x47e: {  	v54 =	vadd.s32 s3, v0;
	s3 =	sadd.s32 $0x1, s3;
	v53 =	vmul.f32 v3, v16;
	v41 =	vand.u32 $0xFFFF0000, v1  }
0x47f: {  	v1 =	vand.u32 $0x3F, v54  }
0x480: {  	v2 =	vor.u32 v1, v34;
	_ =	sdelay $0x2  }
0x481: {  	v3 =	vor.u32 v1, v36  }
0x482: {  	v60 =	vld [tilespmem:$0x300];
	v31 =	vor.u32 v1, v31  }
0x483: {  	v32 =	vor.u32 v1, v32;
	v2 =	vld.idx.msk [tilespmem:v2+s13+$0x0], $0xffff  }
0x484: {  	s0 =	sadd.s32 $0x80, s0;
	v57 =	vld [tilespmem:$0x310];
	v33 =	vor.u32 v1, v33  }
0x485: {  	v61 =	vor.u32 v1, v30;
	v62 =	vor.u32 v1, v27;
	v27 =	vld [tilespmem:s0+$0x0]  }
0x486: {  	v30 =	vld.idx.msk [tilespmem:v3+s13+$0x0], $0xffff  }
0x487: {  	v3 =	vor.u32 v1, v28;
	v28 =	vld.idx.msk [tilespmem:v31+s13+$0x0], $0xffff  }
0x488: {  	v26 =	vor.u32 v1, v26;
	v31 =	vld.idx.msk [tilespmem:v32+s13+$0x0], $0xffff;
	v63 =	vshrl.u32 v2, $0x10  }
0x489: {  	v25 =	vor.u32 v1, v25;
	v32 =	vld.idx.msk [tilespmem:v33+s13+$0x0], $0xffff;
	v54 =	vand.u32 $0x1, v63  }
0x48a: {  	v24 =	vor.u32 v1, v24;
	v36 =	vld.idx.msk [tilespmem:v61+s13+$0x0], $0xffff;
	v2 =	vadd.s32 v54, v2  }
0x48b: {  	v21 =	vor.u32 v1, v21;
	v59 =	vld.idx.msk [tilespmem:v62+s13+$0x0], $0xffff;
	v2 =	vadd.s32 $0x7FFF, v2  }
0x48c: {  	v34 =	vld.idx.msk [tilespmem:v60+s19+$0x0], $0xffff;
	v2 =	vand.u32 $0xFFFF0000, v2  }
0x48d: {  	v58 =	vadd.f32 v53, v22;
	v1 =	vor.u32 v1, v20;
	v26 =	vld.idx.msk [tilespmem:v26+s13+$0x0], $0xffff;
	v2 =	vmul.f32 v2, v27  }
0x48e: {  	v25 =	vld.idx.msk [tilespmem:v25+s13+$0x0], $0xffff  }
0x48f: {  	v24 =	vld.idx.msk [tilespmem:v24+s13+$0x0], $0xffff;
	v2 =	vadd.f32 v2, v58  }
0x490: {  	v21 =	vld.idx.msk [tilespmem:v21+s13+$0x0], $0xffff;
	v60 =	vshrl.u32 v28, $0x10  }
0x491: {  	v3 =	vld.idx.msk [tilespmem:v3+s13+$0x0], $0xffff;
	v61 =	vand.u32 $0x1, v60;
	v2 =	vadd.f32 v34, v2  }
0x492: {  	v20 =	vld.idx.msk [tilespmem:v1+s13+$0x0], $0xffff;
	v1 =	vadd.s32 v61, v28  }
0x493: {  	v63 =	vld [tilespmem:$0x320];
	v1 =	vadd.s32 $0x7FFF, v1;
	[tilespmem:$0x1BF00] =	vst v2;
	v2 =	vmul.f32 v52, v16  }
0x494: {  	v1 =	vand.u32 $0xFFFF0000, v1;
	v62 =	vld.idx.msk [tilespmem:v57+s19+$0x0], $0xffff  }
0x495: {  	v1 =	vmul.f32 v1, v27;
	v2 =	vadd.f32 v2, v43;
	_ =	sdelay $0x1  }
0x496: {  	v1 =	vadd.f32 v1, v2  }
0x497: {  	v2 =	vshrl.u32 v31, $0x10  }
0x498: {  	v2 =	vand.u32 $0x1, v2;
	v1 =	vadd.f32 v62, v1  }
0x499: {  	v2 =	vadd.s32 v2, v31  }
0x49a: {  	v52 =	vld [tilespmem:$0x330];
	v2 =	vadd.s32 $0x7FFF, v2;
	[tilespmem:$0x1BF10] =	vst v1;
	v1 =	vmul.f32 v51, v16  }
0x49b: {  	v2 =	vand.u32 $0xFFFF0000, v2;
	v51 =	vld.idx.msk [tilespmem:v63+s19+$0x0], $0xffff  }
0x49c: {  	v2 =	vmul.f32 v2, v27;
	v1 =	vadd.f32 v1, v40;
	_ =	sdelay $0x1  }
0x49d: {  	v1 =	vadd.f32 v2, v1  }
0x49e: {  	v2 =	vshrl.u32 v32, $0x10  }
0x49f: {  	v2 =	vand.u32 $0x1, v2;
	v1 =	vadd.f32 v51, v1  }
0x4a0: {  	v2 =	vadd.s32 v2, v32  }
0x4a1: {  	v54 =	vld [tilespmem:$0x340];
	v2 =	vadd.s32 $0x7FFF, v2;
	[tilespmem:$0x1BF20] =	vst v1;
	v1 =	vmul.f32 v50, v16  }
0x4a2: {  	v2 =	vand.u32 $0xFFFF0000, v2;
	v53 =	vld.idx.msk [tilespmem:v52+s19+$0x0], $0xffff  }
0x4a3: {  	v2 =	vmul.f32 v2, v27;
	v1 =	vadd.f32 v1, v39;
	_ =	sdelay $0x1  }
0x4a4: {  	v1 =	vadd.f32 v2, v1  }
0x4a5: {  	v2 =	vshrl.u32 v36, $0x10  }
0x4a6: {  	v2 =	vand.u32 $0x1, v2;
	v1 =	vadd.f32 v53, v1  }
0x4a7: {  	v2 =	vadd.s32 v2, v36  }
0x4a8: {  	v56 =	vld [tilespmem:$0x350];
	v2 =	vadd.s32 $0x7FFF, v2;
	[tilespmem:$0x1BF30] =	vst v1;
	v1 =	vmul.f32 v49, v16  }
0x4a9: {  	v2 =	vand.u32 $0xFFFF0000, v2;
	v55 =	vld.idx.msk [tilespmem:v54+s19+$0x0], $0xffff  }
0x4aa: {  	v2 =	vmul.f32 v2, v27;
	v1 =	vadd.f32 v1, v38;
	_ =	sdelay $0x1  }
0x4ab: {  	v1 =	vadd.f32 v2, v1  }
0x4ac: {  	v2 =	vshrl.u32 v3, $0x10  }
0x4ad: {  	v2 =	vand.u32 $0x1, v2;
	v1 =	vadd.f32 v55, v1  }
0x4ae: {  	v2 =	vadd.s32 v2, v3  }
0x4af: {  	v57 =	vld [tilespmem:$0x360];
	v2 =	vadd.s32 $0x7FFF, v2;
	[tilespmem:$0x1BF40] =	vst v1;
	v1 =	vmul.f32 v48, v16  }
0x4b0: {  	v2 =	vand.u32 $0xFFFF0000, v2;
	v3 =	vld.idx.msk [tilespmem:v56+s19+$0x0], $0xffff  }
0x4b1: {  	v2 =	vmul.f32 v2, v27;
	v1 =	vadd.f32 v1, v37;
	_ =	sdelay $0x1  }
0x4b2: {  	v1 =	vadd.f32 v2, v1  }
0x4b3: {  	v2 =	vshrl.u32 v59, $0x10  }
0x4b4: {  	v2 =	vand.u32 $0x1, v2;
	v1 =	vadd.f32 v3, v1  }
0x4b5: {  	v2 =	vadd.s32 v2, v59  }
0x4b6: {  	v58 =	vld [tilespmem:$0x370];
	v2 =	vadd.s32 $0x7FFF, v2;
	[tilespmem:$0x1BF50] =	vst v1;
	v1 =	vmul.f32 v47, v16  }
0x4b7: {  	v2 =	vand.u32 $0xFFFF0000, v2;
	v3 =	vld.idx.msk [tilespmem:v57+s19+$0x0], $0xffff  }
0x4b8: {  	v2 =	vmul.f32 v2, v27;
	v1 =	vadd.f32 v1, v35;
	_ =	sdelay $0x1  }
0x4b9: {  	v1 =	vadd.f32 v2, v1  }
0x4ba: {  	v2 =	vshrl.u32 v26, $0x10  }
0x4bb: {  	v2 =	vand.u32 $0x1, v2;
	v1 =	vadd.f32 v3, v1  }
0x4bc: {  	v2 =	vadd.s32 v2, v26  }
0x4bd: {  	v59 =	vld [tilespmem:$0x380];
	v2 =	vadd.s32 $0x7FFF, v2;
	[tilespmem:$0x1BF60] =	vst v1;
	v1 =	vmul.f32 v46, v16  }
0x4be: {  	v2 =	vand.u32 $0xFFFF0000, v2;
	v3 =	vld.idx.msk [tilespmem:v58+s19+$0x0], $0xffff  }
0x4bf: {  	v2 =	vmul.f32 v2, v27;
	v1 =	vadd.f32 v1, v29;
	_ =	sdelay $0x1  }
0x4c0: {  	v1 =	vadd.f32 v2, v1  }
0x4c1: {  	v2 =	vshrl.u32 v25, $0x10  }
0x4c2: {  	v2 =	vand.u32 $0x1, v2;
	v1 =	vadd.f32 v3, v1  }
0x4c3: {  	v2 =	vadd.s32 v2, v25  }
0x4c4: {  	v60 =	vld [tilespmem:$0x390];
	v2 =	vadd.s32 $0x7FFF, v2;
	[tilespmem:$0x1BF70] =	vst v1;
	v1 =	vmul.f32 v45, v16  }
0x4c5: {  	v2 =	vand.u32 $0xFFFF0000, v2;
	v3 =	vld.idx.msk [tilespmem:v59+s19+$0x0], $0xffff  }
0x4c6: {  	v2 =	vmul.f32 v2, v27;
	v1 =	vadd.f32 v1, v23;
	_ =	sdelay $0x1  }
0x4c7: {  	v1 =	vadd.f32 v2, v1  }
0x4c8: {  	v2 =	vshrl.u32 v24, $0x10  }
0x4c9: {  	v2 =	vand.u32 $0x1, v2;
	v1 =	vadd.f32 v3, v1  }
0x4ca: {  	v2 =	vadd.s32 v2, v24  }
0x4cb: {  	v61 =	vld [tilespmem:$0x3A0];
	v2 =	vadd.s32 $0x7FFF, v2;
	[tilespmem:$0x1BF80] =	vst v1;
	v1 =	vmul.f32 v44, v16  }
0x4cc: {  	v2 =	vand.u32 $0xFFFF0000, v2;
	v3 =	vld.idx.msk [tilespmem:v60+s19+$0x0], $0xffff  }
0x4cd: {  	v2 =	vmul.f32 v2, v27;
	v1 =	vadd.f32 v1, v19;
	_ =	sdelay $0x1  }
0x4ce: {  	v1 =	vadd.f32 v2, v1  }
0x4cf: {  	v2 =	vshrl.u32 v21, $0x10  }
0x4d0: {  	v2 =	vand.u32 $0x1, v2;
	v1 =	vadd.f32 v3, v1  }
0x4d1: {  	v2 =	vadd.s32 v2, v21  }
0x4d2: {  	v62 =	vld [tilespmem:$0x3B0];
	v2 =	vadd.s32 $0x7FFF, v2;
	[tilespmem:$0x1BF90] =	vst v1;
	v1 =	vmul.f32 v42, v16  }
0x4d3: {  	v2 =	vand.u32 $0xFFFF0000, v2;
	v3 =	vld.idx.msk [tilespmem:v61+s19+$0x0], $0xffff  }
0x4d4: {  	v2 =	vmul.f32 v2, v27;
	v1 =	vadd.f32 v1, v18;
	_ =	sdelay $0x1  }
0x4d5: {  	v1 =	vadd.f32 v2, v1  }
0x4d6: {  	v2 =	vshrl.u32 v20, $0x10  }
0x4d7: {  	v2 =	vand.u32 $0x1, v2;
	v1 =	vadd.f32 v3, v1  }
0x4d8: {  	v2 =	vadd.s32 v2, v20  }
0x4d9: {  	v63 =	vld [tilespmem:$0x3C0];
	v2 =	vadd.s32 $0x7FFF, v2;
	[tilespmem:$0x1BFA0] =	vst v1;
	v1 =	vmul.f32 v41, v16  }
0x4da: {  	v2 =	vand.u32 $0xFFFF0000, v2;
	v3 =	vld.idx.msk [tilespmem:v62+s19+$0x0], $0xffff  }
0x4db: {  	v2 =	vmul.f32 v2, v27;
	v1 =	vadd.f32 v1, v17;
	_ =	sdelay $0x1  }
0x4dc: {  	v1 =	vadd.f32 v2, v1  }
0x4dd: {  	v2 =	vshrl.u32 v30, $0x10  }
0x4de: {  	v2 =	vand.u32 $0x1, v2;
	v1 =	vadd.f32 v3, v1  }
0x4df: {  	v2 =	vadd.s32 v2, v30  }
0x4e0: {  	v2 =	vadd.s32 $0x7FFF, v2;
	[tilespmem:$0x1BFB0] =	vst v1  }
0x4e1: {  	v1 =	vand.u32 $0xFFFF0000, v2;
	v2 =	vld.idx.msk [tilespmem:v63+s19+$0x0], $0xffff  }
0x4e2: {  	v1 =	vmul.f32 v1, v27;
	_ =	sdelay $0x1  }
0x4e3: {  	v1 =	vadd.f32 v1, v15  }
.Ltmp13:
0x4e4: {  	s0 =	sor.u32 s9, s23;
	(pc) =	sbr.rel @p0 .LBB2_26-.Ltmp13, $3  }
0x4e5: {  	s3 =	smul.u32 $0x1A, s0;
	v1 =	vadd.f32 v2, v1;
	_ =	sdelay $0x1  }
0x4e6: {  	s5 =	simm.s32 $0x1BF00;
	s3 =	sadd.s32 s8, s3;
	[tilespmem:$0x1BFC0] =	vst v1  }
0x4e7: {  	[hbm4b:s3+s1] =	stream.linear.scatter [tilespmem:s5], [sflag:$0xA], $0xD0, $0x38;
	[tilespmem:$0x1E000] =	vst v63  }
0x4e8: {  	s0 =	smul.u32 $0xC8, s0;
	_ =	sdelay $0x1  }
0x4e9: {  	s0 =	sshrl.u32 s0, $0x3  }
.Ltmp14:
0x4ea: {  	s3 =	rddreg [dreg:$0x2];
	s0 =	sadd.s32 $0x64, s0;
	(pc) =	sbr.rel .LBB2_2-.Ltmp14, $4  }
0x4eb: {  	s5 =	simm.s32 $0x300;
	s23 =	rddreg [dreg:$0x12];
	s3 =	sadd.s32 s3, s0  }
0x4ec: {  	[tilespmem:s5], [sflag:$0x4] =	stream.linear.gather [hbm4b:s3+s1], $0xC8, $0x38;
	[tilespmem:$0x1E000] =	vst v63  }
0x4ed: {  	s25 =	simm.s32 $0x700;
	s16 =	sadd.s32 $0x1, s16;
	s0 =	sadd.s32 s23, s0  }
0x4ee: {  	[tilespmem:s25], [sflag:$0x4] =	stream.linear.gather [hbm4b:s0+s1], $0xC8, $0x38;
	[tilespmem:$0x1E000] =	vst v63  }
.LBB2_27:
0x4ef: {  	_ =	sfence.sel $0x180000  }
0x4f0: {  	[bflag:$0x0] =	sbarrier.arrive $0xFFFF  }
0x4f1: {  	_ =	strace $0x90000047  }
0x4f2: {  	s0 =	stileid.u32;
	[bflag:$0x2] =	sbarrier.arrive $0xFFFF  }
0x4f3: {  	p0 =	sne.s32 s0, $0x0;
	s0 =	rddreg [dreg:$0x1]  }
0x4f4: {  	s0 =	sadd.s32 @!p0 $0x100000, s0  }
0x4f5: {  	[sflag:s0] =	ssyncadd.tile.s32 @!p0 $0x1;
	_ =	shalt  }
.Lfunc_end2:
_tile_overlayer_lowered:
.L_overlay_start_2:
0x4f6: {  	(tag) =	ssettag $0x2  }
0x4f7: {  	s0 =	rddreg [dreg:$0x0];
	s2 =	stileid.u32  }
0x4f8: {  	s1 =	rddreg [dreg:$0x1];
	p0 =	sne.s32 s2, $0x0  }
0x4f9: {  	s3 =	rddreg [dreg:$0x2];
	[bflag:$0x3] =	sbarrier.arrive $0xFFFF;
	s2 =	simm.s32 @!p0 $0x1C0B  }
0x4fa: {  	[timem:s3], [sflag:s2] =	dma.local @!p0 [hbm:s0], s1  }
0x4fb: {  	s0 =	simm.s32 @!p0 $0xB  }
0x4fc: {  	_ =	swait.ge @!p0 [sflag:s0], s1  }
0x4fd: {  	s1 =	ssub.s32 @!p0 $0x0, s1;
	[sflag:s0] =	ssyncset.done @!p0 $0x0  }
0x4fe: {  	[sflag:s0] =	ssyncadd.s32 @!p0 s1  }
0x4ff: {  	[bflag:$0x3] =	sbarrier.arrive $0xFFFF  }
0x500: {  	_ =	shalt  }

</sc_bundles>
